<compile_context>
chip_gen: v7x
topology: tpu7x:2x2x1
jax: 0.10.2.dev20260603
libtpu: 0.0.44.dev20260713+nightly
codegen_flags: <defaults>
</compile_context>

<pallas_src>
import functools
import jax
import jax.numpy as jnp
from jax import lax
from jax.experimental import pallas as pl
from jax.experimental.pallas import tpu as pltpu
from jax.experimental.pallas import tpu_sc as plsc

NC = 2
NS = 16
NW = NC * NS
LN = 16
G = 128


def _round_up(a, m):
    return ((a + m - 1) // m) * m


def _sc_mesh():
    return plsc.VectorSubcoreMesh(core_axis_name="c", subcore_axis_name="s")


_SC_PARAMS = pltpu.CompilerParams(needs_layout_passes=False)


def _zero_vec(ref, n):
    z = jnp.zeros((LN,), jnp.float32)

    def body(i, _):
        ref[pl.ds(i * LN, LN)] = z
        return 0

    lax.fori_loop(0, n // LN, body, 0)


def _deg_body(NP, EP, CP, dst_hbm, bat_hbm, degacc, cntacc, dst_v, bat_v, deg_v, cnt_v):
    c = lax.axis_index("c")
    s = lax.axis_index("s")
    wid = s * NC + c
    _zero_vec(deg_v, NP)
    _zero_vec(cnt_v, CP)
    ones = jnp.ones((LN,), jnp.float32)

    epw = EP // NW
    pltpu.sync_copy(dst_hbm.at[pl.ds(wid * epw, epw)], dst_v)

    def eb(i, _):
        d16 = dst_v[pl.ds(i * LN, LN)]
        plsc.addupdate_scatter(deg_v, [d16], ones)
        return 0

    lax.fori_loop(0, epw // LN, eb, 0)

    npw = NP // NW
    pltpu.sync_copy(bat_hbm.at[pl.ds(wid * npw, npw)], bat_v)

    def bb(i, _):
        b16 = bat_v[pl.ds(i * LN, LN)]
        plsc.addupdate_scatter(cnt_v, [b16], ones)
        return 0

    lax.fori_loop(0, npw // LN, bb, 0)

    pltpu.sync_copy(deg_v, degacc.at[wid])
    pltpu.sync_copy(cnt_v, cntacc.at[wid])


def _narrow_body(NP, EP, F, src_hbm, dst_hbm, tabs_hbm, pacc, *scratch):
    src_v, dst_v = scratch[0], scratch[1]
    tab_vs = scratch[2:2 + F]
    acc_vs = scratch[2 + F:2 + 2 * F]
    c = lax.axis_index("c")
    s = lax.axis_index("s")
    wid = s * NC + c
    for f in range(F):
        pltpu.sync_copy(tabs_hbm.at[f], tab_vs[f])
        _zero_vec(acc_vs[f], NP)

    epw = EP // NW
    pltpu.sync_copy(src_hbm.at[pl.ds(wid * epw, epw)], src_v)
    pltpu.sync_copy(dst_hbm.at[pl.ds(wid * epw, epw)], dst_v)

    def eb(i, _):
        s16 = src_v[pl.ds(i * LN, LN)]
        d16 = dst_v[pl.ds(i * LN, LN)]
        for f in range(F):
            g = plsc.load_gather(tab_vs[f], [s16])
            plsc.addupdate_scatter(acc_vs[f], [d16], g)
        return 0

    lax.fori_loop(0, epw // LN, eb, 0)
    for f in range(F):
        pltpu.sync_copy(acc_vs[f], pacc.at[wid, f])


_NCH = 4
_NSUB = 4
_SB = 128 // _NSUB
_NRING = 3


def _heavy_body(NP, AR, EP, src_hbm, dst_hbm, *rest):
    tabs = rest[:_NCH]
    zrows = rest[_NCH]
    outs = rest[_NCH + 1:2 * _NCH + 1]
    sc = 2 * _NCH + 1
    acc_sp = rest[sc]
    rows = rest[sc + 1:sc + 1 + _NRING]
    sidx = rest[sc + 1 + _NRING:sc + 1 + 2 * _NRING]
    didx = rest[sc + 1 + 2 * _NRING:sc + 1 + 3 * _NRING]
    ssems = rest[sc + 1 + 3 * _NRING:sc + 1 + 4 * _NRING]
    dsems = rest[sc + 1 + 4 * _NRING:sc + 1 + 5 * _NRING]
    gsems = rest[sc + 1 + 5 * _NRING:]
    c = lax.axis_index("c")
    s = lax.axis_index("s")
    epw = EP // NS
    nb = epw // 128
    nch = AR // 128
    cpt = (nch + NS - 1) // NS

    def fire(b, i):
        base = s * epw + i * 128
        pltpu.async_copy(src_hbm.at[pl.ds(base, 128)], sidx[b], ssems[b])
        pltpu.async_copy(dst_hbm.at[pl.ds(base, 128)], didx[b], dsems[b])

    def fire_gather(tab, b):
        for j in range(_NSUB):
            pltpu.async_copy(
                tab.at[sidx[b].at[pl.ds(j * _SB, _SB)]],
                rows[b].at[pl.ds(j * _SB, _SB)],
                gsems[b * _NSUB + j])

    for step in range(_NCH // NC):
        pltpu.sync_copy(zrows, rows[0])

        def zb(j, _):
            r = s * cpt + j

            @pl.when(r < nch)
            def _():
                pltpu.sync_copy(rows[0], acc_sp.at[pl.ds(r * 128, 128)])
            return 0

        lax.fori_loop(0, cpt, zb, 0)
        plsc.subcore_barrier()
        for cc in range(NC):
            f = NC * step + cc

            @pl.when(c == cc)
            def _():
                @pl.when(s == NS - 1)
                def _():
                    pltpu.sync_copy(rows[0], outs[f].at[pl.ds(AR, NP - AR)])

                for b in range(_NRING):
                    fire(b, b)
                for b in range(_NRING):
                    pltpu.make_async_copy(
                        src_hbm.at[pl.ds(0, 128)], sidx[b], ssems[b]).wait()
                    fire_gather(tabs[f], b)

                def outer(g, _):
                    for b in range(_NRING):
                        i = g * _NRING + b

                        @pl.when(i < nb)
                        def _():
                            pltpu.make_async_copy(
                                dst_hbm.at[pl.ds(0, 128)], didx[b], dsems[b]).wait()
                            for j in range(_NSUB):
                                pltpu.make_async_copy(
                                    tabs[f].at[pl.ds(0, _SB)],
                                    rows[b].at[pl.ds(j * _SB, _SB)],
                                    gsems[b * _NSUB + j]).wait()

                            @pl.when(i + _NRING < nb)
                            def _():
                                pltpu.async_copy(
                                    src_hbm.at[pl.ds(s * epw + (i + _NRING) * 128, 128)],
                                    sidx[b], ssems[b])

                            pltpu.sync_copy(rows[b], acc_sp.at[didx[b]], add=True)

                        @pl.when(i + _NRING < nb)
                        def _():
                            pltpu.async_copy(
                                dst_hbm.at[pl.ds(s * epw + (i + _NRING) * 128, 128)],
                                didx[b], dsems[b])
                            pltpu.make_async_copy(
                                src_hbm.at[pl.ds(0, 128)], sidx[b], ssems[b]).wait()
                            fire_gather(tabs[f], b)
                    return 0

                lax.fori_loop(0, (nb + _NRING - 1) // _NRING, outer, 0)

        plsc.subcore_barrier()
        for cc in range(NC):
            f = NC * step + cc

            @pl.when(c == cc)
            def _():
                def ob(j, _):
                    r = s * cpt + j

                    @pl.when(r < nch)
                    def _():
                        pltpu.sync_copy(acc_sp.at[pl.ds(r * 128, 128)],
                                        outs[f].at[pl.ds(r * 128, 128)])
                    return 0

                lax.fori_loop(0, cpt, ob, 0)

        plsc.subcore_barrier()


def _prep_body(degacc, cntacc, xT, dinv_row, xs, cnt):
    deg = jnp.sum(degacc[...], axis=0) + 1.0
    dr = lax.rsqrt(deg)
    dinv_row[...] = dr
    xs[...] = xT[...] * dr
    cs = jnp.sum(cntacc[...], axis=0, keepdims=True)
    cnt[...] = cs[:, :G]


def _layer1_body(pacc, xs, dinv_row, dinv_col, W1, b1r, W3, Wlr, b3r, *outs):
    houts = outs[:_NCH]
    vrow, cconst = outs[_NCH], outs[_NCH + 1]
    p = jnp.sum(pacc[...], axis=0)
    y1 = (p + xs[...]) * dinv_row[...]
    z = lax.dot_general(y1, W1[...], (((0,), (0,)), ((), ())),
                        preferred_element_type=jnp.float32)
    h1 = jnp.maximum(z + b1r[...], 0.0)
    hs = h1 * dinv_col[...]
    cw = hs.shape[1] // _NCH
    for f in range(_NCH):
        houts[f][...] = hs[:, f * cw:(f + 1) * cw]
    vrow[...] = lax.dot_general(Wlr[...], W3[...], (((1,), (1,)), ((), ())),
                                preferred_element_type=jnp.float32)
    cconst[...] = jnp.sum(b3r[...] * Wlr[...], axis=1, keepdims=True)


def _layer2_body(*args):
    ps = args[:_NCH]
    hs = args[_NCH:2 * _NCH]
    dinv_col, W2, b2r, vrow, ts = args[2 * _NCH:]
    dc = dinv_col[...]
    ys = [(ps[i][...] + hs[i][...]) * dc for i in range(_NCH)]
    y2 = jnp.concatenate(ys, axis=1)
    z = jnp.dot(y2, W2[...], preferred_element_type=jnp.float32)
    h = jnp.maximum(z + b2r[...], 0.0)
    t = jnp.sum(h * vrow[...], axis=1, keepdims=True)
    ts[...] = t * dc


def _final_body(qacc, ts_row, dinv_row, bat_col, cnt, cconst, blr, out):
    q = jnp.sum(qacc[...], axis=0)
    sv = dinv_row[...] * (q + ts_row[...]) + cconst[0, 0]
    iota = lax.broadcasted_iota(jnp.int32, (1, G), 1)
    oh = (bat_col[...] == iota).astype(jnp.float32)
    sums = jnp.dot(sv, oh, preferred_element_type=jnp.float32)
    out[...] = sums / jnp.maximum(cnt[...], 1.0) + blr[...]


def kernel(x, edge_index, batch, W1, b1, W2, b2, W3, b3, Wl, bl):
    N, IND = x.shape
    E = edge_index.shape[1]
    H = W1.shape[1]
    f32 = jnp.float32

    NP = _round_up(N + 1, 2048)
    EP = _round_up(E, 8192)
    CP = G + 32

    pad_src = (jnp.arange(EP - E, dtype=jnp.int32) * 8) % N
    srcp = jnp.concatenate([edge_index[0], pad_src])
    dstp = jnp.concatenate([edge_index[1], jnp.full((EP - E,), N, jnp.int32)])
    batp = jnp.concatenate([batch, jnp.full((NP - N,), G, jnp.int32)])
    xTp = jnp.concatenate([x.astype(f32).T,
                           jnp.zeros((IND, NP - N), f32)], axis=1)

    mesh = _sc_mesh()

    degacc, cntacc = pl.kernel(
        functools.partial(_deg_body, NP, EP, CP),
        out_type=[jax.ShapeDtypeStruct((NW, NP), f32),
                  jax.ShapeDtypeStruct((NW, CP), f32)],
        mesh=mesh,
        compiler_params=_SC_PARAMS,
        scratch_types=[
            pltpu.VMEM((EP // NW,), jnp.int32),
            pltpu.VMEM((NP // NW,), jnp.int32),
            pltpu.VMEM((NP,), f32),
            pltpu.VMEM((CP,), f32),
        ],
    )(dstp, batp)

    dinv_row, xs, cnt = pl.pallas_call(
        _prep_body,
        out_shape=[jax.ShapeDtypeStruct((1, NP), f32),
                   jax.ShapeDtypeStruct((IND, NP), f32),
                   jax.ShapeDtypeStruct((1, G), f32)],
    )(degacc.reshape(NW, 1, NP), cntacc, xTp)

    pacc = pl.kernel(
        functools.partial(_narrow_body, NP, EP, IND),
        out_type=jax.ShapeDtypeStruct((NW, IND, NP), f32),
        mesh=mesh,
        compiler_params=_SC_PARAMS,
        scratch_types=[
            pltpu.VMEM((EP // NW,), jnp.int32),
            pltpu.VMEM((EP // NW,), jnp.int32),
        ] + [pltpu.VMEM((NP,), f32) for _ in range(2 * IND)],
    )(srcp, dstp, xs)

    R = 1024
    RB = NP // R
    CW = H // _NCH
    l1_outs = pl.pallas_call(
        _layer1_body,
        grid=(RB,),
        in_specs=[
            pl.BlockSpec((NW, IND, R), lambda r: (0, 0, r)),
            pl.BlockSpec((IND, R), lambda r: (0, r)),
            pl.BlockSpec((1, R), lambda r: (0, r)),
            pl.BlockSpec((R, 1), lambda r: (r, 0)),
            pl.BlockSpec((IND, H), lambda r: (0, 0)),
            pl.BlockSpec((1, H), lambda r: (0, 0)),
            pl.BlockSpec((H, H), lambda r: (0, 0)),
            pl.BlockSpec((1, H), lambda r: (0, 0)),
            pl.BlockSpec((1, H), lambda r: (0, 0)),
        ],
        out_specs=[pl.BlockSpec((R, CW), lambda r: (r, 0)) for _ in range(_NCH)]
        + [pl.BlockSpec((1, H), lambda r: (0, 0)),
           pl.BlockSpec((1, 1), lambda r: (0, 0))],
        out_shape=[jax.ShapeDtypeStruct((NP, CW), f32) for _ in range(_NCH)]
        + [jax.ShapeDtypeStruct((1, H), f32),
           jax.ShapeDtypeStruct((1, 1), f32)],
    )(pacc, xs, dinv_row, dinv_row.reshape(NP, 1), W1.astype(f32),
      b1.reshape(1, H), W3.astype(f32), Wl.reshape(1, H), b3.reshape(1, H))
    hcs = l1_outs[:_NCH]
    vrow, cconst = l1_outs[_NCH], l1_outs[_NCH + 1]

    zrows = jnp.zeros((128, CW), f32)
    AR = _round_up(N + 1, 128)
    pcs = pl.kernel(
        functools.partial(_heavy_body, NP, AR, EP),
        out_type=[jax.ShapeDtypeStruct((NP, CW), f32) for _ in range(_NCH)],
        mesh=mesh,
        compiler_params=_SC_PARAMS,
        scratch_types=[
            pltpu.VMEM_SHARED((AR, CW), f32),
        ] + [pltpu.VMEM((128, CW), f32) for _ in range(_NRING)]
        + [pltpu.VMEM((128,), jnp.int32) for _ in range(2 * _NRING)]
        + [pltpu.SemaphoreType.DMA for _ in range(2 * _NRING + _NRING * _NSUB)],
    )(srcp, dstp, *hcs, zrows)

    ts = pl.pallas_call(
        _layer2_body,
        grid=(RB,),
        in_specs=[pl.BlockSpec((R, CW), lambda r: (r, 0)) for _ in range(2 * _NCH)]
        + [
            pl.BlockSpec((R, 1), lambda r: (r, 0)),
            pl.BlockSpec((H, H), lambda r: (0, 0)),
            pl.BlockSpec((1, H), lambda r: (0, 0)),
            pl.BlockSpec((1, H), lambda r: (0, 0)),
        ],
        out_specs=pl.BlockSpec((R, 1), lambda r: (r, 0)),
        out_shape=jax.ShapeDtypeStruct((NP, 1), f32),
    )(*pcs, *hcs, dinv_row.reshape(NP, 1),
      W2.astype(f32), b2.reshape(1, H), vrow)

    qacc = pl.kernel(
        functools.partial(_narrow_body, NP, EP, 1),
        out_type=jax.ShapeDtypeStruct((NW, 1, NP), f32),
        mesh=mesh,
        compiler_params=_SC_PARAMS,
        scratch_types=[
            pltpu.VMEM((EP // NW,), jnp.int32),
            pltpu.VMEM((EP // NW,), jnp.int32),
            pltpu.VMEM((NP,), f32),
            pltpu.VMEM((NP,), f32),
        ],
    )(srcp, dstp, ts.reshape(1, NP))

    out = pl.pallas_call(
        _final_body,
        out_shape=jax.ShapeDtypeStruct((1, G), f32),
    )(qacc.reshape(NW, 1, NP), ts.reshape(1, NP), dinv_row, batp.reshape(NP, 1),
      cnt, cconst, bl.reshape(1, 1))

    return out.reshape(G, 1)

# --- scband reference (transcript-rebuilt; emitter-appended) ---
"""Pipeline reference for scband-gcn-85779086835792 (READ-ONLY COPY).

The authoritative reference and input builder live on the scoring server;
editing this copy changes nothing except your own understanding.
"""

import jax, jax.numpy as jnp
import numpy as np

N = 10000
E = 160000
H = 512
G = 128
IN_DIM = 2


def setup_inputs(seed: int = 0) -> dict:
    key = jax.random.key(seed)
    ks = jax.random.split(key, 12)
    x = jax.random.normal(ks[0], (N, IN_DIM), dtype=jnp.float32)
    edge_index = jax.random.randint(ks[1], (2, E), 0, N, dtype=jnp.int32)
    batch = jnp.sort(jax.random.randint(ks[2], (N,), 0, G, dtype=jnp.int32))
    W1 = jax.random.normal(ks[3], (IN_DIM, H), dtype=jnp.float32) * (1.0 / np.sqrt(IN_DIM))
    b1 = jnp.zeros((H,), dtype=jnp.float32)
    W2 = jax.random.normal(ks[4], (H, H), dtype=jnp.float32) * (1.0 / np.sqrt(H))
    b2 = jnp.zeros((H,), dtype=jnp.float32)
    W3 = jax.random.normal(ks[5], (H, H), dtype=jnp.float32) * (1.0 / np.sqrt(H))
    b3 = jnp.zeros((H,), dtype=jnp.float32)
    Wl = jax.random.normal(ks[6], (H, 1), dtype=jnp.float32) * (1.0 / np.sqrt(H))
    bl = jnp.zeros((1,), dtype=jnp.float32)
    return {"x": x, "edge_index": edge_index, "batch": batch,
            "W1": W1, "b1": b1, "W2": W2, "b2": b2, "W3": W3, "b3": b3,
            "Wl": Wl, "bl": bl}


def gcn_conv(x, edge_index, W, b):
    # GCNConv: add self-loops, symmetric normalization D^-1/2 (A+I) D^-1/2 X W + b
    src = edge_index[0]
    dst = edge_index[1]
    loop = jnp.arange(N, dtype=src.dtype)
    src = jnp.concatenate([src, loop])
    dst = jnp.concatenate([dst, loop])
    h = x @ W
    ones = jnp.ones(dst.shape, dtype=h.dtype)
    deg = jax.ops.segment_sum(ones, dst, num_segments=N)
    dinv = jnp.where(deg > 0, deg ** -0.5, 0.0)
    norm = dinv[src] * dinv[dst]
    msgs = h[src] * norm[:, None]
    out = jax.ops.segment_sum(msgs, dst, num_segments=N)
    return out + b


def reference(x, edge_index, batch, W1, b1, W2, b2, W3, b3, Wl, bl):
    h = jax.nn.relu(gcn_conv(x, edge_index, W1, b1))
    h = jax.nn.relu(gcn_conv(h, edge_index, W2, b2))
    h = gcn_conv(h, edge_index, W3, b3)
    # global_mean_pool over batch ids
    sums = jax.ops.segment_sum(h, batch, num_segments=G)
    cnt = jax.ops.segment_sum(jnp.ones((h.shape[0],), dtype=h.dtype), batch, num_segments=G)
    pooled = sums / jnp.clip(cnt, 1.0)[:, None]
    # dropout p=0.1 skipped (eval-mode determinism)
    return pooled @ Wl + bl

if __name__ == "__main__":
    import jax
    _d = setup_inputs()
    print(jax.jit(kernel)(*tuple(_d.values())))

</pallas_src>

<mosaic_0001>
#map = affine_map<(d0, d1) -> (0)>
#map1 = affine_map<(d0, d1) -> (0, 0)>
module attributes {stable_mosaic.version = 14 : i64} {
  func.func @_deg_body(%arg0: i32, %arg1: i32, %arg2: memref<163840xi32, #tpu.memory_space<hbm>>, %arg3: memref<10240xi32, #tpu.memory_space<hbm>>, %arg4: memref<32x10240xf32, #tpu.memory_space<hbm>>, %arg5: memref<32x160xf32, #tpu.memory_space<hbm>>, %arg6: memref<5120xi32, #tpu.memory_space<vmem>>, %arg7: memref<320xi32, #tpu.memory_space<vmem>>, %arg8: memref<10240xf32, #tpu.memory_space<vmem>>, %arg9: memref<160xf32, #tpu.memory_space<vmem>>) attributes {dimension_semantics = [#tpu.dimension_semantics<core_parallel>, #tpu.dimension_semantics<subcore_parallel>], iteration_bounds = array<i64: 2, 16>, scalar_prefetch = 0 : i64, scratch_operands = 4 : i64, tpu.core_type = #tpu.core_type<sc_vector_subcore>, window_params = [{transform_indices = #map}, {transform_indices = #map}, {transform_indices = #map1}, {transform_indices = #map1}]} {
    %mul3A = arith.constant 2 : i32
    %mul3A_0 = arith.muli %arg1, %mul3A : i32
    %add3A = arith.addi %mul3A_0, %arg0 : i32
    %broadcast_in_dim3A = arith.constant 0.000000e+00 : f32
    %broadcast_in_dim3A_1 = vector.broadcast %broadcast_in_dim3A : f32 to vector<16xf32>
    %scan3A = arith.constant 0 : i32
    %scan3A_2 = arith.constant 0 : i32
    %scan3A_3 = arith.constant 640 : i32
    %scan3A_4 = arith.addi %scan3A_2, %scan3A_3 : i32
    %scan3A_5 = arith.constant 1 : i32
    %scan3A_6 = scf.for %scan3A_37 = %scan3A_2 to %scan3A_4 step %scan3A_5 iter_args(%scan3A_38 = %scan3A) -> (i32)  : i32 {
      %mul3A_39 = arith.constant 16 : i32
      %mul3A_40 = arith.muli %scan3A_37, %mul3A_39 : i32
      %swap3A = arith.index_cast %mul3A_40 : i32 to index
      %swap3A_41 = tpu.vector_load %arg8[%swap3A] {strides = array<i32>} : memref<10240xf32, #tpu.memory_space<vmem>>, vector<16xf32>,
      tpu.vector_store %arg8[%swap3A], %broadcast_in_dim3A_1 {strides = array<i32>} : memref<10240xf32, #tpu.memory_space<vmem>>, vector<16xf32>,
      %scan3A_42 = arith.constant 0 : i32
      scf.yield %scan3A_42 : i32
    }
    %scan3A_7 = arith.constant 640 : i32
    %broadcast_in_dim3A_8 = arith.constant 0.000000e+00 : f32
    %broadcast_in_dim3A_9 = vector.broadcast %broadcast_in_dim3A_8 : f32 to vector<16xf32>
    %scan3A_10 = arith.constant 0 : i32
    %scan3A_11 = arith.constant 0 : i32
    %scan3A_12 = arith.constant 10 : i32
    %scan3A_13 = arith.addi %scan3A_11, %scan3A_12 : i32
    %scan3A_14 = arith.constant 1 : i32
    %scan3A_15 = scf.for %scan3A_37 = %scan3A_11 to %scan3A_13 step %scan3A_14 iter_args(%scan3A_38 = %scan3A_10) -> (i32)  : i32 {
      %mul3A_39 = arith.constant 16 : i32
      %mul3A_40 = arith.muli %scan3A_37, %mul3A_39 : i32
      %swap3A = arith.index_cast %mul3A_40 : i32 to index
      %swap3A_41 = tpu.vector_load %arg9[%swap3A] {strides = array<i32>} : memref<160xf32, #tpu.memory_space<vmem>>, vector<16xf32>,
      tpu.vector_store %arg9[%swap3A], %broadcast_in_dim3A_9 {strides = array<i32>} : memref<160xf32, #tpu.memory_space<vmem>>, vector<16xf32>,
      %scan3A_42 = arith.constant 0 : i32
      scf.yield %scan3A_42 : i32
    }
    %scan3A_16 = arith.constant 10 : i32
    %broadcast_in_dim3A_17 = arith.constant 1.000000e+00 : f32
    %broadcast_in_dim3A_18 = vector.broadcast %broadcast_in_dim3A_17 : f32 to vector<16xf32>
    %mul3A_19 = arith.constant 5120 : i32
    %mul3A_20 = arith.muli %add3A, %mul3A_19 : i32
    "tpu.region"() ({
      %run_scoped3A = tpu.sem_alloc : memref<!tpu.dma_semaphore, #tpu.memory_space<semaphore_mem>>
      %dma_start3A = tpu.memref_slice %arg2[%mul3A_20] : memref<163840xi32, #tpu.memory_space<hbm>> -> memref<5120xi32, #tpu.memory_space<hbm>>
      %dma_start3A_37 = tpu.memref_slice %arg2[%mul3A_20] : memref<163840xi32, #tpu.memory_space<hbm>> -> memref<5120xi32, #tpu.memory_space<hbm>>
      tpu.enqueue_dma source(%dma_start3A_37 : memref<5120xi32, #tpu.memory_space<hbm>>) target(%arg6 : memref<5120xi32, #tpu.memory_space<vmem>>) target_semaphore(%run_scoped3A : memref<!tpu.dma_semaphore, #tpu.memory_space<semaphore_mem>>)
      %dma_wait3A = tpu.memref_slice %arg2[%mul3A_20] : memref<163840xi32, #tpu.memory_space<hbm>> -> memref<5120xi32, #tpu.memory_space<hbm>>
      %dma_wait3A_38 = tpu.memref_slice %arg2[%mul3A_20] : memref<163840xi32, #tpu.memory_space<hbm>> -> memref<5120xi32, #tpu.memory_space<hbm>>
      tpu.wait_dma2 semaphore(%run_scoped3A : memref<!tpu.dma_semaphore, #tpu.memory_space<semaphore_mem>>) src(%dma_wait3A_38 : memref<5120xi32, #tpu.memory_space<hbm>>) dst(%arg6 : memref<5120xi32, #tpu.memory_space<vmem>>)
      tpu.yield
    }) : () -> ()
    %scan3A_21 = arith.constant 0 : i32
    %scan3A_22 = arith.constant 0 : i32
    %scan3A_23 = arith.constant 320 : i32
    %scan3A_24 = arith.addi %scan3A_22, %scan3A_23 : i32
    %scan3A_25 = arith.constant 1 : i32
    %scan3A_26 = scf.for %scan3A_37 = %scan3A_22 to %scan3A_24 step %scan3A_25 iter_args(%scan3A_38 = %scan3A_21) -> (i32)  : i32 {
      %mul3A_39 = arith.constant 16 : i32
      %mul3A_40 = arith.muli %scan3A_37, %mul3A_39 : i32
      %get3A = arith.index_cast %mul3A_40 : i32 to index
      %get3A_41 = tpu.vector_load %arg6[%get3A] {strides = array<i32>} : memref<5120xi32, #tpu.memory_space<vmem>>, vector<16xi32>,
      tpu.vector_store_idx %arg8[%get3A_41], %broadcast_in_dim3A_18 {add = true} : memref<10240xf32, #tpu.memory_space<vmem>>[vector<16xi32>], vector<16xf32>,
      %scan3A_42 = arith.constant 0 : i32
      scf.yield %scan3A_42 : i32
    }
    %scan3A_27 = arith.constant 320 : i32
    %mul3A_28 = arith.constant 320 : i32
    %mul3A_29 = arith.muli %add3A, %mul3A_28 : i32
    "tpu.region"() ({
      %run_scoped3A = tpu.sem_alloc : memref<!tpu.dma_semaphore, #tpu.memory_space<semaphore_mem>>
      %dma_start3A = tpu.memref_slice %arg3[%mul3A_29] : memref<10240xi32, #tpu.memory_space<hbm>> -> memref<320xi32, #tpu.memory_space<hbm>>
      %dma_start3A_37 = tpu.memref_slice %arg3[%mul3A_29] : memref<10240xi32, #tpu.memory_space<hbm>> -> memref<320xi32, #tpu.memory_space<hbm>>
      tpu.enqueue_dma source(%dma_start3A_37 : memref<320xi32, #tpu.memory_space<hbm>>) target(%arg7 : memref<320xi32, #tpu.memory_space<vmem>>) target_semaphore(%run_scoped3A : memref<!tpu.dma_semaphore, #tpu.memory_space<semaphore_mem>>)
      %dma_wait3A = tpu.memref_slice %arg3[%mul3A_29] : memref<10240xi32, #tpu.memory_space<hbm>> -> memref<320xi32, #tpu.memory_space<hbm>>
      %dma_wait3A_38 = tpu.memref_slice %arg3[%mul3A_29] : memref<10240xi32, #tpu.memory_space<hbm>> -> memref<320xi32, #tpu.memory_space<hbm>>
      tpu.wait_dma2 semaphore(%run_scoped3A : memref<!tpu.dma_semaphore, #tpu.memory_space<semaphore_mem>>) src(%dma_wait3A_38 : memref<320xi32, #tpu.memory_space<hbm>>) dst(%arg7 : memref<320xi32, #tpu.memory_space<vmem>>)
      tpu.yield
    }) : () -> ()
    %scan3A_30 = arith.constant 0 : i32
    %scan3A_31 = arith.constant 0 : i32
    %scan3A_32 = arith.constant 20 : i32
    %scan3A_33 = arith.addi %scan3A_31, %scan3A_32 : i32
    %scan3A_34 = arith.constant 1 : i32
    %scan3A_35 = scf.for %scan3A_37 = %scan3A_31 to %scan3A_33 step %scan3A_34 iter_args(%scan3A_38 = %scan3A_30) -> (i32)  : i32 {
      %mul3A_39 = arith.constant 16 : i32
      %mul3A_40 = arith.muli %scan3A_37, %mul3A_39 : i32
      %get3A = arith.index_cast %mul3A_40 : i32 to index
      %get3A_41 = tpu.vector_load %arg7[%get3A] {strides = array<i32>} : memref<320xi32, #tpu.memory_space<vmem>>, vector<16xi32>,
      tpu.vector_store_idx %arg9[%get3A_41], %broadcast_in_dim3A_18 {add = true} : memref<160xf32, #tpu.memory_space<vmem>>[vector<16xi32>], vector<16xf32>,
      %scan3A_42 = arith.constant 0 : i32
      scf.yield %scan3A_42 : i32
    }
    %scan3A_36 = arith.constant 20 : i32
    "tpu.region"() ({
      %run_scoped3A = tpu.sem_alloc : memref<!tpu.dma_semaphore, #tpu.memory_space<semaphore_mem>>
      %dma_start3A = arith.constant 0 : i32
      %dma_start3A_37 = tpu.memref_slice %arg4[%add3A, %dma_start3A] : memref<32x10240xf32, #tpu.memory_space<hbm>> -> memref<1x10240xf32, #tpu.memory_space<hbm>>
      %dma_start3A_38 = tpu.memref_squeeze %dma_start3A_37 : memref<1x10240xf32, #tpu.memory_space<hbm>> -> memref<10240xf32, #tpu.memory_space<hbm>>
      %dma_start3A_39 = arith.constant 0 : i32
      %dma_start3A_40 = tpu.memref_slice %arg4[%add3A, %dma_start3A_39] : memref<32x10240xf32, #tpu.memory_space<hbm>> -> memref<1x10240xf32, #tpu.memory_space<hbm>>
      %dma_start3A_41 = tpu.memref_squeeze %dma_start3A_40 : memref<1x10240xf32, #tpu.memory_space<hbm>> -> memref<10240xf32, #tpu.memory_space<hbm>>
      tpu.enqueue_dma source(%arg8 : memref<10240xf32, #tpu.memory_space<vmem>>) target(%dma_start3A_41 : memref<10240xf32, #tpu.memory_space<hbm>>) target_semaphore(%run_scoped3A : memref<!tpu.dma_semaphore, #tpu.memory_space<semaphore_mem>>)
      %dma_wait3A = arith.constant 0 : i32
      %dma_wait3A_42 = tpu.memref_slice %arg4[%add3A, %dma_wait3A] : memref<32x10240xf32, #tpu.memory_space<hbm>> -> memref<1x10240xf32, #tpu.memory_space<hbm>>
      %dma_wait3A_43 = tpu.memref_squeeze %dma_wait3A_42 : memref<1x10240xf32, #tpu.memory_space<hbm>> -> memref<10240xf32, #tpu.memory_space<hbm>>
      %dma_wait3A_44 = arith.constant 0 : i32
      %dma_wait3A_45 = tpu.memref_slice %arg4[%add3A, %dma_wait3A_44] : memref<32x10240xf32, #tpu.memory_space<hbm>> -> memref<1x10240xf32, #tpu.memory_space<hbm>>
      %dma_wait3A_46 = tpu.memref_squeeze %dma_wait3A_45 : memref<1x10240xf32, #tpu.memory_space<hbm>> -> memref<10240xf32, #tpu.memory_space<hbm>>
      tpu.wait_dma2 semaphore(%run_scoped3A : memref<!tpu.dma_semaphore, #tpu.memory_space<semaphore_mem>>) src(%arg8 : memref<10240xf32, #tpu.memory_space<vmem>>) dst(%dma_wait3A_46 : memref<10240xf32, #tpu.memory_space<hbm>>)
      tpu.yield
    }) : () -> ()
    "tpu.region"() ({
      %run_scoped3A = tpu.sem_alloc : memref<!tpu.dma_semaphore, #tpu.memory_space<semaphore_mem>>
      %dma_start3A = arith.constant 0 : i32
      %dma_start3A_37 = tpu.memref_slice %arg5[%add3A, %dma_start3A] : memref<32x160xf32, #tpu.memory_space<hbm>> -> memref<1x160xf32, #tpu.memory_space<hbm>>
      %dma_start3A_38 = tpu.memref_squeeze %dma_start3A_37 : memref<1x160xf32, #tpu.memory_space<hbm>> -> memref<160xf32, #tpu.memory_space<hbm>>
      %dma_start3A_39 = arith.constant 0 : i32
      %dma_start3A_40 = tpu.memref_slice %arg5[%add3A, %dma_start3A_39] : memref<32x160xf32, #tpu.memory_space<hbm>> -> memref<1x160xf32, #tpu.memory_space<hbm>>
      %dma_start3A_41 = tpu.memref_squeeze %dma_start3A_40 : memref<1x160xf32, #tpu.memory_space<hbm>> -> memref<160xf32, #tpu.memory_space<hbm>>
      tpu.enqueue_dma source(%arg9 : memref<160xf32, #tpu.memory_space<vmem>>) target(%dma_start3A_41 : memref<160xf32, #tpu.memory_space<hbm>>) target_semaphore(%run_scoped3A : memref<!tpu.dma_semaphore, #tpu.memory_space<semaphore_mem>>)
      %dma_wait3A = arith.constant 0 : i32
      %dma_wait3A_42 = tpu.memref_slice %arg5[%add3A, %dma_wait3A] : memref<32x160xf32, #tpu.memory_space<hbm>> -> memref<1x160xf32, #tpu.memory_space<hbm>>
      %dma_wait3A_43 = tpu.memref_squeeze %dma_wait3A_42 : memref<1x160xf32, #tpu.memory_space<hbm>> -> memref<160xf32, #tpu.memory_space<hbm>>
      %dma_wait3A_44 = arith.constant 0 : i32
      %dma_wait3A_45 = tpu.memref_slice %arg5[%add3A, %dma_wait3A_44] : memref<32x160xf32, #tpu.memory_space<hbm>> -> memref<1x160xf32, #tpu.memory_space<hbm>>
      %dma_wait3A_46 = tpu.memref_squeeze %dma_wait3A_45 : memref<1x160xf32, #tpu.memory_space<hbm>> -> memref<160xf32, #tpu.memory_space<hbm>>
      tpu.wait_dma2 semaphore(%run_scoped3A : memref<!tpu.dma_semaphore, #tpu.memory_space<semaphore_mem>>) src(%arg9 : memref<160xf32, #tpu.memory_space<vmem>>) dst(%dma_wait3A_46 : memref<160xf32, #tpu.memory_space<hbm>>)
      tpu.yield
    }) : () -> ()
    return
  }
}

#map = affine_map<(d0, d1) -> (0)>
#map1 = affine_map<(d0, d1) -> (0, 0)>
#map2 = affine_map<(d0, d1) -> (0, 0, 0)>
module attributes {stable_mosaic.version = 14 : i64} {
  func.func @_narrow_body(%arg0: i32, %arg1: i32, %arg2: memref<163840xi32, #tpu.memory_space<hbm>>, %arg3: memref<163840xi32, #tpu.memory_space<hbm>>, %arg4: memref<2x10240xf32, #tpu.memory_space<hbm>>, %arg5: memref<32x2x10240xf32, #tpu.memory_space<hbm>>, %arg6: memref<5120xi32, #tpu.memory_space<vmem>>, %arg7: memref<5120xi32, #tpu.memory_space<vmem>>, %arg8: memref<10240xf32, #tpu.memory_space<vmem>>, %arg9: memref<10240xf32, #tpu.memory_space<vmem>>, %arg10: memref<10240xf32, #tpu.memory_space<vmem>>, %arg11: memref<10240xf32, #tpu.memory_space<vmem>>) attributes {dimension_semantics = [#tpu.dimension_semantics<core_parallel>, #tpu.dimension_semantics<subcore_parallel>], iteration_bounds = array<i64: 2, 16>, scalar_prefetch = 0 : i64, scratch_operands = 6 : i64, tpu.core_type = #tpu.core_type<sc_vector_subcore>, window_params = [{transform_indices = #map}, {transform_indices = #map}, {transform_indices = #map1}, {transform_indices = #map2}]} {
    %mul3A = arith.constant 2 : i32
    %mul3A_0 = arith.muli %arg1, %mul3A : i32
    %add3A = arith.addi %mul3A_0, %arg0 : i32
    %run_scoped3A = arith.constant 0 : i32
    "tpu.region"() ({
      %run_scoped3A_31 = tpu.sem_alloc : memref<!tpu.dma_semaphore, #tpu.memory_space<semaphore_mem>>
      %dma_start3A = arith.constant 0 : i32
      %dma_start3A_32 = tpu.memref_slice %arg4[%run_scoped3A, %dma_start3A] : memref<2x10240xf32, #tpu.memory_space<hbm>> -> memref<1x10240xf32, #tpu.memory_space<hbm>>
      %dma_start3A_33 = tpu.memref_squeeze %dma_start3A_32 : memref<1x10240xf32, #tpu.memory_space<hbm>> -> memref<10240xf32, #tpu.memory_space<hbm>>
      %dma_start3A_34 = arith.constant 0 : i32
      %dma_start3A_35 = tpu.memref_slice %arg4[%run_scoped3A, %dma_start3A_34] : memref<2x10240xf32, #tpu.memory_space<hbm>> -> memref<1x10240xf32, #tpu.memory_space<hbm>>
      %dma_start3A_36 = tpu.memref_squeeze %dma_start3A_35 : memref<1x10240xf32, #tpu.memory_space<hbm>> -> memref<10240xf32, #tpu.memory_space<hbm>>
      tpu.enqueue_dma source(%dma_start3A_36 : memref<10240xf32, #tpu.memory_space<hbm>>) target(%arg8 : memref<10240xf32, #tpu.memory_space<vmem>>) target_semaphore(%run_scoped3A_31 : memref<!tpu.dma_semaphore, #tpu.memory_space<semaphore_mem>>)
      %dma_wait3A = arith.constant 0 : i32
      %dma_wait3A_37 = tpu.memref_slice %arg4[%run_scoped3A, %dma_wait3A] : memref<2x10240xf32, #tpu.memory_space<hbm>> -> memref<1x10240xf32, #tpu.memory_space<hbm>>
      %dma_wait3A_38 = tpu.memref_squeeze %dma_wait3A_37 : memref<1x10240xf32, #tpu.memory_space<hbm>> -> memref<10240xf32, #tpu.memory_space<hbm>>
      %dma_wait3A_39 = arith.constant 0 : i32
      %dma_wait3A_40 = tpu.memref_slice %arg4[%run_scoped3A, %dma_wait3A_39] : memref<2x10240xf32, #tpu.memory_space<hbm>> -> memref<1x10240xf32, #tpu.memory_space<hbm>>
      %dma_wait3A_41 = tpu.memref_squeeze %dma_wait3A_40 : memref<1x10240xf32, #tpu.memory_space<hbm>> -> memref<10240xf32, #tpu.memory_space<hbm>>
      tpu.wait_dma2 semaphore(%run_scoped3A_31 : memref<!tpu.dma_semaphore, #tpu.memory_space<semaphore_mem>>) src(%dma_wait3A_41 : memref<10240xf32, #tpu.memory_space<hbm>>) dst(%arg8 : memref<10240xf32, #tpu.memory_space<vmem>>)
      tpu.yield
    }) : () -> ()
    %broadcast_in_dim3A = arith.constant 0.000000e+00 : f32
    %broadcast_in_dim3A_1 = vector.broadcast %broadcast_in_dim3A : f32 to vector<16xf32>
    %scan3A = arith.constant 0 : i32
    %scan3A_2 = arith.constant 0 : i32
    %scan3A_3 = arith.constant 640 : i32
    %scan3A_4 = arith.addi %scan3A_2, %scan3A_3 : i32
    %scan3A_5 = arith.constant 1 : i32
    %scan3A_6 = scf.for %scan3A_31 = %scan3A_2 to %scan3A_4 step %scan3A_5 iter_args(%scan3A_32 = %scan3A) -> (i32)  : i32 {
      %mul3A_33 = arith.constant 16 : i32
      %mul3A_34 = arith.muli %scan3A_31, %mul3A_33 : i32
      %swap3A = arith.index_cast %mul3A_34 : i32 to index
      %swap3A_35 = tpu.vector_load %arg10[%swap3A] {strides = array<i32>} : memref<10240xf32, #tpu.memory_space<vmem>>, vector<16xf32>,
      tpu.vector_store %arg10[%swap3A], %broadcast_in_dim3A_1 {strides = array<i32>} : memref<10240xf32, #tpu.memory_space<vmem>>, vector<16xf32>,
      %scan3A_36 = arith.constant 0 : i32
      scf.yield %scan3A_36 : i32
    }
    %scan3A_7 = arith.constant 640 : i32
    %run_scoped3A_8 = arith.constant 1 : i32
    "tpu.region"() ({
      %run_scoped3A_31 = tpu.sem_alloc : memref<!tpu.dma_semaphore, #tpu.memory_space<semaphore_mem>>
      %dma_start3A = arith.constant 0 : i32
      %dma_start3A_32 = tpu.memref_slice %arg4[%run_scoped3A_8, %dma_start3A] : memref<2x10240xf32, #tpu.memory_space<hbm>> -> memref<1x10240xf32, #tpu.memory_space<hbm>>
      %dma_start3A_33 = tpu.memref_squeeze %dma_start3A_32 : memref<1x10240xf32, #tpu.memory_space<hbm>> -> memref<10240xf32, #tpu.memory_space<hbm>>
      %dma_start3A_34 = arith.constant 0 : i32
      %dma_start3A_35 = tpu.memref_slice %arg4[%run_scoped3A_8, %dma_start3A_34] : memref<2x10240xf32, #tpu.memory_space<hbm>> -> memref<1x10240xf32, #tpu.memory_space<hbm>>
      %dma_start3A_36 = tpu.memref_squeeze %dma_start3A_35 : memref<1x10240xf32, #tpu.memory_space<hbm>> -> memref<10240xf32, #tpu.memory_space<hbm>>
      tpu.enqueue_dma source(%dma_start3A_36 : memref<10240xf32, #tpu.memory_space<hbm>>) target(%arg9 : memref<10240xf32, #tpu.memory_space<vmem>>) target_semaphore(%run_scoped3A_31 : memref<!tpu.dma_semaphore, #tpu.memory_space<semaphore_mem>>)
      %dma_wait3A = arith.constant 0 : i32
      %dma_wait3A_37 = tpu.memref_slice %arg4[%run_scoped3A_8, %dma_wait3A] : memref<2x10240xf32, #tpu.memory_space<hbm>> -> memref<1x10240xf32, #tpu.memory_space<hbm>>
      %dma_wait3A_38 = tpu.memref_squeeze %dma_wait3A_37 : memref<1x10240xf32, #tpu.memory_space<hbm>> -> memref<10240xf32, #tpu.memory_space<hbm>>
      %dma_wait3A_39 = arith.constant 0 : i32
      %dma_wait3A_40 = tpu.memref_slice %arg4[%run_scoped3A_8, %dma_wait3A_39] : memref<2x10240xf32, #tpu.memory_space<hbm>> -> memref<1x10240xf32, #tpu.memory_space<hbm>>
      %dma_wait3A_41 = tpu.memref_squeeze %dma_wait3A_40 : memref<1x10240xf32, #tpu.memory_space<hbm>> -> memref<10240xf32, #tpu.memory_space<hbm>>
      tpu.wait_dma2 semaphore(%run_scoped3A_31 : memref<!tpu.dma_semaphore, #tpu.memory_space<semaphore_mem>>) src(%dma_wait3A_41 : memref<10240xf32, #tpu.memory_space<hbm>>) dst(%arg9 : memref<10240xf32, #tpu.memory_space<vmem>>)
      tpu.yield
    }) : () -> ()
    %broadcast_in_dim3A_9 = arith.constant 0.000000e+00 : f32
    %broadcast_in_dim3A_10 = vector.broadcast %broadcast_in_dim3A_9 : f32 to vector<16xf32>
    %scan3A_11 = arith.constant 0 : i32
    %scan3A_12 = arith.constant 0 : i32
    %scan3A_13 = arith.constant 640 : i32
    %scan3A_14 = arith.addi %scan3A_12, %scan3A_13 : i32
    %scan3A_15 = arith.constant 1 : i32
    %scan3A_16 = scf.for %scan3A_31 = %scan3A_12 to %scan3A_14 step %scan3A_15 iter_args(%scan3A_32 = %scan3A_11) -> (i32)  : i32 {
      %mul3A_33 = arith.constant 16 : i32
      %mul3A_34 = arith.muli %scan3A_31, %mul3A_33 : i32
      %swap3A = arith.index_cast %mul3A_34 : i32 to index
      %swap3A_35 = tpu.vector_load %arg11[%swap3A] {strides = array<i32>} : memref<10240xf32, #tpu.memory_space<vmem>>, vector<16xf32>,
      tpu.vector_store %arg11[%swap3A], %broadcast_in_dim3A_10 {strides = array<i32>} : memref<10240xf32, #tpu.memory_space<vmem>>, vector<16xf32>,
      %scan3A_36 = arith.constant 0 : i32
      scf.yield %scan3A_36 : i32
    }
    %scan3A_17 = arith.constant 640 : i32
    %mul3A_18 = arith.constant 5120 : i32
    %mul3A_19 = arith.muli %add3A, %mul3A_18 : i32
    "tpu.region"() ({
      %run_scoped3A_31 = tpu.sem_alloc : memref<!tpu.dma_semaphore, #tpu.memory_space<semaphore_mem>>
      %dma_start3A = tpu.memref_slice %arg2[%mul3A_19] : memref<163840xi32, #tpu.memory_space<hbm>> -> memref<5120xi32, #tpu.memory_space<hbm>>
      %dma_start3A_32 = tpu.memref_slice %arg2[%mul3A_19] : memref<163840xi32, #tpu.memory_space<hbm>> -> memref<5120xi32, #tpu.memory_space<hbm>>
      tpu.enqueue_dma source(%dma_start3A_32 : memref<5120xi32, #tpu.memory_space<hbm>>) target(%arg6 : memref<5120xi32, #tpu.memory_space<vmem>>) target_semaphore(%run_scoped3A_31 : memref<!tpu.dma_semaphore, #tpu.memory_space<semaphore_mem>>)
      %dma_wait3A = tpu.memref_slice %arg2[%mul3A_19] : memref<163840xi32, #tpu.memory_space<hbm>> -> memref<5120xi32, #tpu.memory_space<hbm>>
      %dma_wait3A_33 = tpu.memref_slice %arg2[%mul3A_19] : memref<163840xi32, #tpu.memory_space<hbm>> -> memref<5120xi32, #tpu.memory_space<hbm>>
      tpu.wait_dma2 semaphore(%run_scoped3A_31 : memref<!tpu.dma_semaphore, #tpu.memory_space<semaphore_mem>>) src(%dma_wait3A_33 : memref<5120xi32, #tpu.memory_space<hbm>>) dst(%arg6 : memref<5120xi32, #tpu.memory_space<vmem>>)
      tpu.yield
    }) : () -> ()
    %mul3A_20 = arith.constant 5120 : i32
    %mul3A_21 = arith.muli %add3A, %mul3A_20 : i32
    "tpu.region"() ({
      %run_scoped3A_31 = tpu.sem_alloc : memref<!tpu.dma_semaphore, #tpu.memory_space<semaphore_mem>>
      %dma_start3A = tpu.memref_slice %arg3[%mul3A_21] : memref<163840xi32, #tpu.memory_space<hbm>> -> memref<5120xi32, #tpu.memory_space<hbm>>
      %dma_start3A_32 = tpu.memref_slice %arg3[%mul3A_21] : memref<163840xi32, #tpu.memory_space<hbm>> -> memref<5120xi32, #tpu.memory_space<hbm>>
      tpu.enqueue_dma source(%dma_start3A_32 : memref<5120xi32, #tpu.memory_space<hbm>>) target(%arg7 : memref<5120xi32, #tpu.memory_space<vmem>>) target_semaphore(%run_scoped3A_31 : memref<!tpu.dma_semaphore, #tpu.memory_space<semaphore_mem>>)
      %dma_wait3A = tpu.memref_slice %arg3[%mul3A_21] : memref<163840xi32, #tpu.memory_space<hbm>> -> memref<5120xi32, #tpu.memory_space<hbm>>
      %dma_wait3A_33 = tpu.memref_slice %arg3[%mul3A_21] : memref<163840xi32, #tpu.memory_space<hbm>> -> memref<5120xi32, #tpu.memory_space<hbm>>
      tpu.wait_dma2 semaphore(%run_scoped3A_31 : memref<!tpu.dma_semaphore, #tpu.memory_space<semaphore_mem>>) src(%dma_wait3A_33 : memref<5120xi32, #tpu.memory_space<hbm>>) dst(%arg7 : memref<5120xi32, #tpu.memory_space<vmem>>)
      tpu.yield
    }) : () -> ()
    %scan3A_22 = arith.constant 0 : i32
    %scan3A_23 = arith.constant 0 : i32
    %scan3A_24 = arith.constant 320 : i32
    %scan3A_25 = arith.addi %scan3A_23, %scan3A_24 : i32
    %scan3A_26 = arith.constant 1 : i32
    %scan3A_27 = scf.for %scan3A_31 = %scan3A_23 to %scan3A_25 step %scan3A_26 iter_args(%scan3A_32 = %scan3A_22) -> (i32)  : i32 {
      %mul3A_33 = arith.constant 16 : i32
      %mul3A_34 = arith.muli %scan3A_31, %mul3A_33 : i32
      %get3A = arith.index_cast %mul3A_34 : i32 to index
      %get3A_35 = tpu.vector_load %arg6[%get3A] {strides = array<i32>} : memref<5120xi32, #tpu.memory_space<vmem>>, vector<16xi32>,
      %mul3A_36 = arith.constant 16 : i32
      %mul3A_37 = arith.muli %scan3A_31, %mul3A_36 : i32
      %get3A_38 = arith.index_cast %mul3A_37 : i32 to index
      %get3A_39 = tpu.vector_load %arg7[%get3A_38] {strides = array<i32>} : memref<5120xi32, #tpu.memory_space<vmem>>, vector<16xi32>,
      %gather3A = tpu.vector_load_idx %arg8[%get3A_35] : memref<10240xf32, #tpu.memory_space<vmem>>[vector<16xi32>], vector<16xf32>,
      tpu.vector_store_idx %arg10[%get3A_39], %gather3A {add = true} : memref<10240xf32, #tpu.memory_space<vmem>>[vector<16xi32>], vector<16xf32>,
      %gather3A_40 = tpu.vector_load_idx %arg9[%get3A_35] : memref<10240xf32, #tpu.memory_space<vmem>>[vector<16xi32>], vector<16xf32>,
      tpu.vector_store_idx %arg11[%get3A_39], %gather3A_40 {add = true} : memref<10240xf32, #tpu.memory_space<vmem>>[vector<16xi32>], vector<16xf32>,
      %scan3A_41 = arith.constant 0 : i32
      scf.yield %scan3A_41 : i32
    }
    %scan3A_28 = arith.constant 320 : i32
    %run_scoped3A_29 = arith.constant 0 : i32
    "tpu.region"() ({
      %run_scoped3A_31 = tpu.sem_alloc : memref<!tpu.dma_semaphore, #tpu.memory_space<semaphore_mem>>
      %dma_start3A = arith.constant 0 : i32
      %dma_start3A_32 = tpu.memref_slice %arg5[%add3A, %run_scoped3A_29, %dma_start3A] : memref<32x2x10240xf32, #tpu.memory_space<hbm>> -> memref<1x1x10240xf32, #tpu.memory_space<hbm>>
      %dma_start3A_33 = tpu.memref_squeeze %dma_start3A_32 : memref<1x1x10240xf32, #tpu.memory_space<hbm>> -> memref<10240xf32, #tpu.memory_space<hbm>>
      %dma_start3A_34 = arith.constant 0 : i32
      %dma_start3A_35 = tpu.memref_slice %arg5[%add3A, %run_scoped3A_29, %dma_start3A_34] : memref<32x2x10240xf32, #tpu.memory_space<hbm>> -> memref<1x1x10240xf32, #tpu.memory_space<hbm>>
      %dma_start3A_36 = tpu.memref_squeeze %dma_start3A_35 : memref<1x1x10240xf32, #tpu.memory_space<hbm>> -> memref<10240xf32, #tpu.memory_space<hbm>>
      tpu.enqueue_dma source(%arg10 : memref<10240xf32, #tpu.memory_space<vmem>>) target(%dma_start3A_36 : memref<10240xf32, #tpu.memory_space<hbm>>) target_semaphore(%run_scoped3A_31 : memref<!tpu.dma_semaphore, #tpu.memory_space<semaphore_mem>>)
      %dma_wait3A = arith.constant 0 : i32
      %dma_wait3A_37 = tpu.memref_slice %arg5[%add3A, %run_scoped3A_29, %dma_wait3A] : memref<32x2x10240xf32, #tpu.memory_space<hbm>> -> memref<1x1x10240xf32, #tpu.memory_space<hbm>>
      %dma_wait3A_38 = tpu.memref_squeeze %dma_wait3A_37 : memref<1x1x10240xf32, #tpu.memory_space<hbm>> -> memref<10240xf32, #tpu.memory_space<hbm>>
      %dma_wait3A_39 = arith.constant 0 : i32
      %dma_wait3A_40 = tpu.memref_slice %arg5[%add3A, %run_scoped3A_29, %dma_wait3A_39] : memref<32x2x10240xf32, #tpu.memory_space<hbm>> -> memref<1x1x10240xf32, #tpu.memory_space<hbm>>
      %dma_wait3A_41 = tpu.memref_squeeze %dma_wait3A_40 : memref<1x1x10240xf32, #tpu.memory_space<hbm>> -> memref<10240xf32, #tpu.memory_space<hbm>>
      tpu.wait_dma2 semaphore(%run_scoped3A_31 : memref<!tpu.dma_semaphore, #tpu.memory_space<semaphore_mem>>) src(%arg10 : memref<10240xf32, #tpu.memory_space<vmem>>) dst(%dma_wait3A_41 : memref<10240xf32, #tpu.memory_space<hbm>>)
      tpu.yield
    }) : () -> ()
    %run_scoped3A_30 = arith.constant 1 : i32
    "tpu.region"() ({
      %run_scoped3A_31 = tpu.sem_alloc : memref<!tpu.dma_semaphore, #tpu.memory_space<semaphore_mem>>
      %dma_start3A = arith.constant 0 : i32
      %dma_start3A_32 = tpu.memref_slice %arg5[%add3A, %run_scoped3A_30, %dma_start3A] : memref<32x2x10240xf32, #tpu.memory_space<hbm>> -> memref<1x1x10240xf32, #tpu.memory_space<hbm>>
      %dma_start3A_33 = tpu.memref_squeeze %dma_start3A_32 : memref<1x1x10240xf32, #tpu.memory_space<hbm>> -> memref<10240xf32, #tpu.memory_space<hbm>>
      %dma_start3A_34 = arith.constant 0 : i32
      %dma_start3A_35 = tpu.memref_slice %arg5[%add3A, %run_scoped3A_30, %dma_start3A_34] : memref<32x2x10240xf32, #tpu.memory_space<hbm>> -> memref<1x1x10240xf32, #tpu.memory_space<hbm>>
      %dma_start3A_36 = tpu.memref_squeeze %dma_start3A_35 : memref<1x1x10240xf32, #tpu.memory_space<hbm>> -> memref<10240xf32, #tpu.memory_space<hbm>>
      tpu.enqueue_dma source(%arg11 : memref<10240xf32, #tpu.memory_space<vmem>>) target(%dma_start3A_36 : memref<10240xf32, #tpu.memory_space<hbm>>) target_semaphore(%run_scoped3A_31 : memref<!tpu.dma_semaphore, #tpu.memory_space<semaphore_mem>>)
      %dma_wait3A = arith.constant 0 : i32
      %dma_wait3A_37 = tpu.memref_slice %arg5[%add3A, %run_scoped3A_30, %dma_wait3A] : memref<32x2x10240xf32, #tpu.memory_space<hbm>> -> memref<1x1x10240xf32, #tpu.memory_space<hbm>>
      %dma_wait3A_38 = tpu.memref_squeeze %dma_wait3A_37 : memref<1x1x10240xf32, #tpu.memory_space<hbm>> -> memref<10240xf32, #tpu.memory_space<hbm>>
      %dma_wait3A_39 = arith.constant 0 : i32
      %dma_wait3A_40 = tpu.memref_slice %arg5[%add3A, %run_scoped3A_30, %dma_wait3A_39] : memref<32x2x10240xf32, #tpu.memory_space<hbm>> -> memref<1x1x10240xf32, #tpu.memory_space<hbm>>
      %dma_wait3A_41 = tpu.memref_squeeze %dma_wait3A_40 : memref<1x1x10240xf32, #tpu.memory_space<hbm>> -> memref<10240xf32, #tpu.memory_space<hbm>>
      tpu.wait_dma2 semaphore(%run_scoped3A_31 : memref<!tpu.dma_semaphore, #tpu.memory_space<semaphore_mem>>) src(%arg11 : memref<10240xf32, #tpu.memory_space<vmem>>) dst(%dma_wait3A_41 : memref<10240xf32, #tpu.memory_space<hbm>>)
      tpu.yield
    }) : () -> ()
    return
  }
}

#map = affine_map<(d0, d1) -> (0)>
#map1 = affine_map<(d0, d1) -> (0, 0)>
#map2 = affine_map<(d0, d1) -> (0, 0, 0)>
module attributes {stable_mosaic.version = 14 : i64} {
  func.func @_narrow_body(%arg0: i32, %arg1: i32, %arg2: memref<163840xi32, #tpu.memory_space<hbm>>, %arg3: memref<163840xi32, #tpu.memory_space<hbm>>, %arg4: memref<1x10240xf32, #tpu.memory_space<hbm>>, %arg5: memref<32x1x10240xf32, #tpu.memory_space<hbm>>, %arg6: memref<5120xi32, #tpu.memory_space<vmem>>, %arg7: memref<5120xi32, #tpu.memory_space<vmem>>, %arg8: memref<10240xf32, #tpu.memory_space<vmem>>, %arg9: memref<10240xf32, #tpu.memory_space<vmem>>) attributes {dimension_semantics = [#tpu.dimension_semantics<core_parallel>, #tpu.dimension_semantics<subcore_parallel>], iteration_bounds = array<i64: 2, 16>, scalar_prefetch = 0 : i64, scratch_operands = 4 : i64, tpu.core_type = #tpu.core_type<sc_vector_subcore>, window_params = [{transform_indices = #map}, {transform_indices = #map}, {transform_indices = #map1}, {transform_indices = #map2}]} {
    %mul3A = arith.constant 2 : i32
    %mul3A_0 = arith.muli %arg1, %mul3A : i32
    %add3A = arith.addi %mul3A_0, %arg0 : i32
    %run_scoped3A = arith.constant 0 : i32
    "tpu.region"() ({
      %run_scoped3A_20 = tpu.sem_alloc : memref<!tpu.dma_semaphore, #tpu.memory_space<semaphore_mem>>
      %dma_start3A = arith.constant 0 : i32
      %dma_start3A_21 = tpu.memref_slice %arg4[%run_scoped3A, %dma_start3A] : memref<1x10240xf32, #tpu.memory_space<hbm>> -> memref<1x10240xf32, #tpu.memory_space<hbm>>
      %dma_start3A_22 = tpu.memref_squeeze %dma_start3A_21 : memref<1x10240xf32, #tpu.memory_space<hbm>> -> memref<10240xf32, #tpu.memory_space<hbm>>
      %dma_start3A_23 = arith.constant 0 : i32
      %dma_start3A_24 = tpu.memref_slice %arg4[%run_scoped3A, %dma_start3A_23] : memref<1x10240xf32, #tpu.memory_space<hbm>> -> memref<1x10240xf32, #tpu.memory_space<hbm>>
      %dma_start3A_25 = tpu.memref_squeeze %dma_start3A_24 : memref<1x10240xf32, #tpu.memory_space<hbm>> -> memref<10240xf32, #tpu.memory_space<hbm>>
      tpu.enqueue_dma source(%dma_start3A_25 : memref<10240xf32, #tpu.memory_space<hbm>>) target(%arg8 : memref<10240xf32, #tpu.memory_space<vmem>>) target_semaphore(%run_scoped3A_20 : memref<!tpu.dma_semaphore, #tpu.memory_space<semaphore_mem>>)
      %dma_wait3A = arith.constant 0 : i32
      %dma_wait3A_26 = tpu.memref_slice %arg4[%run_scoped3A, %dma_wait3A] : memref<1x10240xf32, #tpu.memory_space<hbm>> -> memref<1x10240xf32, #tpu.memory_space<hbm>>
      %dma_wait3A_27 = tpu.memref_squeeze %dma_wait3A_26 : memref<1x10240xf32, #tpu.memory_space<hbm>> -> memref<10240xf32, #tpu.memory_space<hbm>>
      %dma_wait3A_28 = arith.constant 0 : i32
      %dma_wait3A_29 = tpu.memref_slice %arg4[%run_scoped3A, %dma_wait3A_28] : memref<1x10240xf32, #tpu.memory_space<hbm>> -> memref<1x10240xf32, #tpu.memory_space<hbm>>
      %dma_wait3A_30 = tpu.memref_squeeze %dma_wait3A_29 : memref<1x10240xf32, #tpu.memory_space<hbm>> -> memref<10240xf32, #tpu.memory_space<hbm>>
      tpu.wait_dma2 semaphore(%run_scoped3A_20 : memref<!tpu.dma_semaphore, #tpu.memory_space<semaphore_mem>>) src(%dma_wait3A_30 : memref<10240xf32, #tpu.memory_space<hbm>>) dst(%arg8 : memref<10240xf32, #tpu.memory_space<vmem>>)
      tpu.yield
    }) : () -> ()
    %broadcast_in_dim3A = arith.constant 0.000000e+00 : f32
    %broadcast_in_dim3A_1 = vector.broadcast %broadcast_in_dim3A : f32 to vector<16xf32>
    %scan3A = arith.constant 0 : i32
    %scan3A_2 = arith.constant 0 : i32
    %scan3A_3 = arith.constant 640 : i32
    %scan3A_4 = arith.addi %scan3A_2, %scan3A_3 : i32
    %scan3A_5 = arith.constant 1 : i32
    %scan3A_6 = scf.for %scan3A_20 = %scan3A_2 to %scan3A_4 step %scan3A_5 iter_args(%scan3A_21 = %scan3A) -> (i32)  : i32 {
      %mul3A_22 = arith.constant 16 : i32
      %mul3A_23 = arith.muli %scan3A_20, %mul3A_22 : i32
      %swap3A = arith.index_cast %mul3A_23 : i32 to index
      %swap3A_24 = tpu.vector_load %arg9[%swap3A] {strides = array<i32>} : memref<10240xf32, #tpu.memory_space<vmem>>, vector<16xf32>,
      tpu.vector_store %arg9[%swap3A], %broadcast_in_dim3A_1 {strides = array<i32>} : memref<10240xf32, #tpu.memory_space<vmem>>, vector<16xf32>,
      %scan3A_25 = arith.constant 0 : i32
      scf.yield %scan3A_25 : i32
    }
    %scan3A_7 = arith.constant 640 : i32
    %mul3A_8 = arith.constant 5120 : i32
    %mul3A_9 = arith.muli %add3A, %mul3A_8 : i32
    "tpu.region"() ({
      %run_scoped3A_20 = tpu.sem_alloc : memref<!tpu.dma_semaphore, #tpu.memory_space<semaphore_mem>>
      %dma_start3A = tpu.memref_slice %arg2[%mul3A_9] : memref<163840xi32, #tpu.memory_space<hbm>> -> memref<5120xi32, #tpu.memory_space<hbm>>
      %dma_start3A_21 = tpu.memref_slice %arg2[%mul3A_9] : memref<163840xi32, #tpu.memory_space<hbm>> -> memref<5120xi32, #tpu.memory_space<hbm>>
      tpu.enqueue_dma source(%dma_start3A_21 : memref<5120xi32, #tpu.memory_space<hbm>>) target(%arg6 : memref<5120xi32, #tpu.memory_space<vmem>>) target_semaphore(%run_scoped3A_20 : memref<!tpu.dma_semaphore, #tpu.memory_space<semaphore_mem>>)
      %dma_wait3A = tpu.memref_slice %arg2[%mul3A_9] : memref<163840xi32, #tpu.memory_space<hbm>> -> memref<5120xi32, #tpu.memory_space<hbm>>
      %dma_wait3A_22 = tpu.memref_slice %arg2[%mul3A_9] : memref<163840xi32, #tpu.memory_space<hbm>> -> memref<5120xi32, #tpu.memory_space<hbm>>
      tpu.wait_dma2 semaphore(%run_scoped3A_20 : memref<!tpu.dma_semaphore, #tpu.memory_space<semaphore_mem>>) src(%dma_wait3A_22 : memref<5120xi32, #tpu.memory_space<hbm>>) dst(%arg6 : memref<5120xi32, #tpu.memory_space<vmem>>)
      tpu.yield
    }) : () -> ()
    %mul3A_10 = arith.constant 5120 : i32
    %mul3A_11 = arith.muli %add3A, %mul3A_10 : i32
    "tpu.region"() ({
      %run_scoped3A_20 = tpu.sem_alloc : memref<!tpu.dma_semaphore, #tpu.memory_space<semaphore_mem>>
      %dma_start3A = tpu.memref_slice %arg3[%mul3A_11] : memref<163840xi32, #tpu.memory_space<hbm>> -> memref<5120xi32, #tpu.memory_space<hbm>>
      %dma_start3A_21 = tpu.memref_slice %arg3[%mul3A_11] : memref<163840xi32, #tpu.memory_space<hbm>> -> memref<5120xi32, #tpu.memory_space<hbm>>
      tpu.enqueue_dma source(%dma_start3A_21 : memref<5120xi32, #tpu.memory_space<hbm>>) target(%arg7 : memref<5120xi32, #tpu.memory_space<vmem>>) target_semaphore(%run_scoped3A_20 : memref<!tpu.dma_semaphore, #tpu.memory_space<semaphore_mem>>)
      %dma_wait3A = tpu.memref_slice %arg3[%mul3A_11] : memref<163840xi32, #tpu.memory_space<hbm>> -> memref<5120xi32, #tpu.memory_space<hbm>>
      %dma_wait3A_22 = tpu.memref_slice %arg3[%mul3A_11] : memref<163840xi32, #tpu.memory_space<hbm>> -> memref<5120xi32, #tpu.memory_space<hbm>>
      tpu.wait_dma2 semaphore(%run_scoped3A_20 : memref<!tpu.dma_semaphore, #tpu.memory_space<semaphore_mem>>) src(%dma_wait3A_22 : memref<5120xi32, #tpu.memory_space<hbm>>) dst(%arg7 : memref<5120xi32, #tpu.memory_space<vmem>>)
      tpu.yield
    }) : () -> ()
    %scan3A_12 = arith.constant 0 : i32
    %scan3A_13 = arith.constant 0 : i32
    %scan3A_14 = arith.constant 320 : i32
    %scan3A_15 = arith.addi %scan3A_13, %scan3A_14 : i32
    %scan3A_16 = arith.constant 1 : i32
    %scan3A_17 = scf.for %scan3A_20 = %scan3A_13 to %scan3A_15 step %scan3A_16 iter_args(%scan3A_21 = %scan3A_12) -> (i32)  : i32 {
      %mul3A_22 = arith.constant 16 : i32
      %mul3A_23 = arith.muli %scan3A_20, %mul3A_22 : i32
      %get3A = arith.index_cast %mul3A_23 : i32 to index
      %get3A_24 = tpu.vector_load %arg6[%get3A] {strides = array<i32>} : memref<5120xi32, #tpu.memory_space<vmem>>, vector<16xi32>,
      %mul3A_25 = arith.constant 16 : i32
      %mul3A_26 = arith.muli %scan3A_20, %mul3A_25 : i32
      %get3A_27 = arith.index_cast %mul3A_26 : i32 to index
      %get3A_28 = tpu.vector_load %arg7[%get3A_27] {strides = array<i32>} : memref<5120xi32, #tpu.memory_space<vmem>>, vector<16xi32>,
      %gather3A = tpu.vector_load_idx %arg8[%get3A_24] : memref<10240xf32, #tpu.memory_space<vmem>>[vector<16xi32>], vector<16xf32>,
      tpu.vector_store_idx %arg9[%get3A_28], %gather3A {add = true} : memref<10240xf32, #tpu.memory_space<vmem>>[vector<16xi32>], vector<16xf32>,
      %scan3A_29 = arith.constant 0 : i32
      scf.yield %scan3A_29 : i32
    }
    %scan3A_18 = arith.constant 320 : i32
    %run_scoped3A_19 = arith.constant 0 : i32
    "tpu.region"() ({
      %run_scoped3A_20 = tpu.sem_alloc : memref<!tpu.dma_semaphore, #tpu.memory_space<semaphore_mem>>
      %dma_start3A = arith.constant 0 : i32
      %dma_start3A_21 = tpu.memref_slice %arg5[%add3A, %run_scoped3A_19, %dma_start3A] : memref<32x1x10240xf32, #tpu.memory_space<hbm>> -> memref<1x1x10240xf32, #tpu.memory_space<hbm>>
      %dma_start3A_22 = tpu.memref_squeeze %dma_start3A_21 : memref<1x1x10240xf32, #tpu.memory_space<hbm>> -> memref<10240xf32, #tpu.memory_space<hbm>>
      %dma_start3A_23 = arith.constant 0 : i32
      %dma_start3A_24 = tpu.memref_slice %arg5[%add3A, %run_scoped3A_19, %dma_start3A_23] : memref<32x1x10240xf32, #tpu.memory_space<hbm>> -> memref<1x1x10240xf32, #tpu.memory_space<hbm>>
      %dma_start3A_25 = tpu.memref_squeeze %dma_start3A_24 : memref<1x1x10240xf32, #tpu.memory_space<hbm>> -> memref<10240xf32, #tpu.memory_space<hbm>>
      tpu.enqueue_dma source(%arg9 : memref<10240xf32, #tpu.memory_space<vmem>>) target(%dma_start3A_25 : memref<10240xf32, #tpu.memory_space<hbm>>) target_semaphore(%run_scoped3A_20 : memref<!tpu.dma_semaphore, #tpu.memory_space<semaphore_mem>>)
      %dma_wait3A = arith.constant 0 : i32
      %dma_wait3A_26 = tpu.memref_slice %arg5[%add3A, %run_scoped3A_19, %dma_wait3A] : memref<32x1x10240xf32, #tpu.memory_space<hbm>> -> memref<1x1x10240xf32, #tpu.memory_space<hbm>>
      %dma_wait3A_27 = tpu.memref_squeeze %dma_wait3A_26 : memref<1x1x10240xf32, #tpu.memory_space<hbm>> -> memref<10240xf32, #tpu.memory_space<hbm>>
      %dma_wait3A_28 = arith.constant 0 : i32
      %dma_wait3A_29 = tpu.memref_slice %arg5[%add3A, %run_scoped3A_19, %dma_wait3A_28] : memref<32x1x10240xf32, #tpu.memory_space<hbm>> -> memref<1x1x10240xf32, #tpu.memory_space<hbm>>
      %dma_wait3A_30 = tpu.memref_squeeze %dma_wait3A_29 : memref<1x1x10240xf32, #tpu.memory_space<hbm>> -> memref<10240xf32, #tpu.memory_space<hbm>>
      tpu.wait_dma2 semaphore(%run_scoped3A_20 : memref<!tpu.dma_semaphore, #tpu.memory_space<semaphore_mem>>) src(%arg9 : memref<10240xf32, #tpu.memory_space<vmem>>) dst(%dma_wait3A_30 : memref<10240xf32, #tpu.memory_space<hbm>>)
      tpu.yield
    }) : () -> ()
    return
  }
}

#map = affine_map<(d0, d1) -> (0)>
#map1 = affine_map<(d0, d1) -> (0, 0)>
module attributes {stable_mosaic.version = 14 : i64} {
  func.func @_heavy_body(%arg0: i32, %arg1: i32, %arg2: memref<163840xi32, #tpu.memory_space<hbm>>, %arg3: memref<163840xi32, #tpu.memory_space<hbm>>, %arg4: memref<10240x128xf32, #tpu.memory_space<hbm>>, %arg5: memref<10240x128xf32, #tpu.memory_space<hbm>>, %arg6: memref<10240x128xf32, #tpu.memory_space<hbm>>, %arg7: memref<10240x128xf32, #tpu.memory_space<hbm>>, %arg8: memref<128x128xf32, #tpu.memory_space<hbm>>, %arg9: memref<10240x128xf32, #tpu.memory_space<hbm>>, %arg10: memref<10240x128xf32, #tpu.memory_space<hbm>>, %arg11: memref<10240x128xf32, #tpu.memory_space<hbm>>, %arg12: memref<10240x128xf32, #tpu.memory_space<hbm>>, %arg13: memref<10112x128xf32, #tpu.memory_space<vmem_shared>>, %arg14: memref<128x128xf32, #tpu.memory_space<vmem>>, %arg15: memref<128x128xf32, #tpu.memory_space<vmem>>, %arg16: memref<128x128xf32, #tpu.memory_space<vmem>>, %arg17: memref<128xi32, #tpu.memory_space<vmem>>, %arg18: memref<128xi32, #tpu.memory_space<vmem>>, %arg19: memref<128xi32, #tpu.memory_space<vmem>>, %arg20: memref<128xi32, #tpu.memory_space<vmem>>, %arg21: memref<128xi32, #tpu.memory_space<vmem>>, %arg22: memref<128xi32, #tpu.memory_space<vmem>>, %arg23: memref<!tpu.dma_semaphore, #tpu.memory_space<semaphore_mem>>, %arg24: memref<!tpu.dma_semaphore, #tpu.memory_space<semaphore_mem>>, %arg25: memref<!tpu.dma_semaphore, #tpu.memory_space<semaphore_mem>>, %arg26: memref<!tpu.dma_semaphore, #tpu.memory_space<semaphore_mem>>, %arg27: memref<!tpu.dma_semaphore, #tpu.memory_space<semaphore_mem>>, %arg28: memref<!tpu.dma_semaphore, #tpu.memory_space<semaphore_mem>>, %arg29: memref<!tpu.dma_semaphore, #tpu.memory_space<semaphore_mem>>, %arg30: memref<!tpu.dma_semaphore, #tpu.memory_space<semaphore_mem>>, %arg31: memref<!tpu.dma_semaphore, #tpu.memory_space<semaphore_mem>>, %arg32: memref<!tpu.dma_semaphore, #tpu.memory_space<semaphore_mem>>, %arg33: memref<!tpu.dma_semaphore, #tpu.memory_space<semaphore_mem>>, %arg34: memref<!tpu.dma_semaphore, #tpu.memory_space<semaphore_mem>>, %arg35: memref<!tpu.dma_semaphore, #tpu.memory_space<semaphore_mem>>, %arg36: memref<!tpu.dma_semaphore, #tpu.memory_space<semaphore_mem>>, %arg37: memref<!tpu.dma_semaphore, #tpu.memory_space<semaphore_mem>>, %arg38: memref<!tpu.dma_semaphore, #tpu.memory_space<semaphore_mem>>, %arg39: memref<!tpu.dma_semaphore, #tpu.memory_space<semaphore_mem>>, %arg40: memref<!tpu.dma_semaphore, #tpu.memory_space<semaphore_mem>>) attributes {dimension_semantics = [#tpu.dimension_semantics<core_parallel>, #tpu.dimension_semantics<subcore_parallel>], iteration_bounds = array<i64: 2, 16>, scalar_prefetch = 0 : i64, scratch_operands = 28 : i64, tpu.core_type = #tpu.core_type<sc_vector_subcore>, window_params = [{transform_indices = #map}, {transform_indices = #map}, {transform_indices = #map1}, {transform_indices = #map1}, {transform_indices = #map1}, {transform_indices = #map1}, {transform_indices = #map1}, {transform_indices = #map1}, {transform_indices = #map1}, {transform_indices = #map1}, {transform_indices = #map1}]} {
    "tpu.region"() ({
      %run_scoped3A = tpu.sem_alloc : memref<!tpu.dma_semaphore, #tpu.memory_space<semaphore_mem>>
      tpu.enqueue_dma source(%arg8 : memref<128x128xf32, #tpu.memory_space<hbm>>) target(%arg14 : memref<128x128xf32, #tpu.memory_space<vmem>>) target_semaphore(%run_scoped3A : memref<!tpu.dma_semaphore, #tpu.memory_space<semaphore_mem>>)
      tpu.wait_dma2 semaphore(%run_scoped3A : memref<!tpu.dma_semaphore, #tpu.memory_space<semaphore_mem>>) src(%arg8 : memref<128x128xf32, #tpu.memory_space<hbm>>) dst(%arg14 : memref<128x128xf32, #tpu.memory_space<vmem>>)
      tpu.yield
    }) : () -> ()
    %scan3A = arith.constant 0 : i32
    %scan3A_0 = arith.constant 0 : i32
    %scan3A_1 = arith.constant 5 : i32
    %scan3A_2 = arith.addi %scan3A_0, %scan3A_1 : i32
    %scan3A_3 = arith.constant 1 : i32
    %scan3A_4 = scf.for %scan3A_55 = %scan3A_0 to %scan3A_2 step %scan3A_3 iter_args(%scan3A_56 = %scan3A) -> (i32)  : i32 {
      %mul3A = arith.constant 5 : i32
      %mul3A_57 = arith.muli %arg1, %mul3A : i32
      %add3A = arith.addi %mul3A_57, %scan3A_55 : i32
      %lt3A = arith.constant 79 : i32
      %lt3A_58 = arith.cmpi slt, %add3A, %lt3A : i32
      %convert_element_type3A_59 = arith.extui %lt3A_58 : i1 to i32
      %cond3A_60 = arith.constant 0 : i32
      %cond3A_61 = arith.cmpi ne, %convert_element_type3A_59, %cond3A_60 : i32
      scf.if %cond3A_61 {
        %mul3A_63 = arith.constant 128 : i32
        %mul3A_64 = arith.muli %add3A, %mul3A_63 : i32
        "tpu.region"() ({
          %run_scoped3A = tpu.sem_alloc : memref<!tpu.dma_semaphore, #tpu.memory_space<semaphore_mem>>
          %dma_start3A = arith.constant 0 : i32
          %dma_start3A_65 = tpu.memref_slice %arg13[%mul3A_64, %dma_start3A] : memref<10112x128xf32, #tpu.memory_space<vmem_shared>> -> memref<128x128xf32, #tpu.memory_space<vmem_shared>>
          %dma_start3A_66 = arith.constant 0 : i32
          %dma_start3A_67 = tpu.memref_slice %arg13[%mul3A_64, %dma_start3A_66] : memref<10112x128xf32, #tpu.memory_space<vmem_shared>> -> memref<128x128xf32, #tpu.memory_space<vmem_shared>>
          tpu.enqueue_dma source(%arg14 : memref<128x128xf32, #tpu.memory_space<vmem>>) target(%dma_start3A_67 : memref<128x128xf32, #tpu.memory_space<vmem_shared>>) target_semaphore(%run_scoped3A : memref<!tpu.dma_semaphore, #tpu.memory_space<semaphore_mem>>)
          %dma_wait3A = arith.constant 0 : i32
          %dma_wait3A_68 = tpu.memref_slice %arg13[%mul3A_64, %dma_wait3A] : memref<10112x128xf32, #tpu.memory_space<vmem_shared>> -> memref<128x128xf32, #tpu.memory_space<vmem_shared>>
          %dma_wait3A_69 = arith.constant 0 : i32
          %dma_wait3A_70 = tpu.memref_slice %arg13[%mul3A_64, %dma_wait3A_69] : memref<10112x128xf32, #tpu.memory_space<vmem_shared>> -> memref<128x128xf32, #tpu.memory_space<vmem_shared>>
          tpu.wait_dma2 semaphore(%run_scoped3A : memref<!tpu.dma_semaphore, #tpu.memory_space<semaphore_mem>>) src(%arg14 : memref<128x128xf32, #tpu.memory_space<vmem>>) dst(%dma_wait3A_70 : memref<128x128xf32, #tpu.memory_space<vmem_shared>>)
          tpu.yield
        }) : () -> ()
      } else {
      }
      %scan3A_62 = arith.constant 0 : i32
      scf.yield %scan3A_62 : i32
    }
    %scan3A_5 = arith.constant 5 : i32
    %barrier3A = arith.constant 0 : index
    tpu.barrier barrier_id(%barrier3A)
    %eq3A = arith.constant 0 : i32
    %eq3A_6 = arith.cmpi eq, %arg0, %eq3A : i32
    %convert_element_type3A = arith.extui %eq3A_6 : i1 to i32
    %cond3A = arith.constant 0 : i32
    %cond3A_7 = arith.cmpi ne, %convert_element_type3A, %cond3A : i32
    scf.if %cond3A_7 {
      %eq3A_55 = arith.constant 15 : i32
      %eq3A_56 = arith.cmpi eq, %arg1, %eq3A_55 : i32
      %convert_element_type3A_57 = arith.extui %eq3A_56 : i1 to i32
      %cond3A_58 = arith.constant 0 : i32
      %cond3A_59 = arith.cmpi ne, %convert_element_type3A_57, %cond3A_58 : i32
      scf.if %cond3A_59 {
        "tpu.region"() ({
          %run_scoped3A = tpu.sem_alloc : memref<!tpu.dma_semaphore, #tpu.memory_space<semaphore_mem>>
          %dma_start3A_195 = arith.constant 10112 : i32
          %dma_start3A_196 = arith.constant 0 : i32
          %dma_start3A_197 = tpu.memref_slice %arg9[%dma_start3A_195, %dma_start3A_196] : memref<10240x128xf32, #tpu.memory_space<hbm>> -> memref<128x128xf32, #tpu.memory_space<hbm>>
          %dma_start3A_198 = arith.constant 10112 : i32
          %dma_start3A_199 = arith.constant 0 : i32
          %dma_start3A_200 = tpu.memref_slice %arg9[%dma_start3A_198, %dma_start3A_199] : memref<10240x128xf32, #tpu.memory_space<hbm>> -> memref<128x128xf32, #tpu.memory_space<hbm>>
          tpu.enqueue_dma source(%arg14 : memref<128x128xf32, #tpu.memory_space<vmem>>) target(%dma_start3A_200 : memref<128x128xf32, #tpu.memory_space<hbm>>) target_semaphore(%run_scoped3A : memref<!tpu.dma_semaphore, #tpu.memory_space<semaphore_mem>>)
          %dma_wait3A_201 = arith.constant 10112 : i32
          %dma_wait3A_202 = arith.constant 0 : i32
          %dma_wait3A_203 = tpu.memref_slice %arg9[%dma_wait3A_201, %dma_wait3A_202] : memref<10240x128xf32, #tpu.memory_space<hbm>> -> memref<128x128xf32, #tpu.memory_space<hbm>>
          %dma_wait3A_204 = arith.constant 10112 : i32
          %dma_wait3A_205 = arith.constant 0 : i32
          %dma_wait3A_206 = tpu.memref_slice %arg9[%dma_wait3A_204, %dma_wait3A_205] : memref<10240x128xf32, #tpu.memory_space<hbm>> -> memref<128x128xf32, #tpu.memory_space<hbm>>
          tpu.wait_dma2 semaphore(%run_scoped3A : memref<!tpu.dma_semaphore, #tpu.memory_space<semaphore_mem>>) src(%arg14 : memref<128x128xf32, #tpu.memory_space<vmem>>) dst(%dma_wait3A_206 : memref<128x128xf32, #tpu.memory_space<hbm>>)
          tpu.yield
        }) : () -> ()
      } else {
      }
      %mul3A = arith.constant 10240 : i32
      %mul3A_60 = arith.muli %arg1, %mul3A : i32
      %add3A = arith.constant 0 : i32
      %add3A_61 = arith.addi %mul3A_60, %add3A : i32
      %dma_start3A = tpu.memref_slice %arg2[%add3A_61] : memref<163840xi32, #tpu.memory_space<hbm>> -> memref<128xi32, #tpu.memory_space<hbm>>
      %dma_start3A_62 = tpu.memref_slice %arg2[%add3A_61] : memref<163840xi32, #tpu.memory_space<hbm>> -> memref<128xi32, #tpu.memory_space<hbm>>
      tpu.enqueue_dma source(%dma_start3A_62 : memref<128xi32, #tpu.memory_space<hbm>>) target(%arg17 : memref<128xi32, #tpu.memory_space<vmem>>) target_semaphore(%arg23 : memref<!tpu.dma_semaphore, #tpu.memory_space<semaphore_mem>>)
      %dma_start3A_63 = tpu.memref_slice %arg3[%add3A_61] : memref<163840xi32, #tpu.memory_space<hbm>> -> memref<128xi32, #tpu.memory_space<hbm>>
      %dma_start3A_64 = tpu.memref_slice %arg3[%add3A_61] : memref<163840xi32, #tpu.memory_space<hbm>> -> memref<128xi32, #tpu.memory_space<hbm>>
      tpu.enqueue_dma source(%dma_start3A_64 : memref<128xi32, #tpu.memory_space<hbm>>) target(%arg20 : memref<128xi32, #tpu.memory_space<vmem>>) target_semaphore(%arg26 : memref<!tpu.dma_semaphore, #tpu.memory_space<semaphore_mem>>)
      %mul3A_65 = arith.constant 10240 : i32
      %mul3A_66 = arith.muli %arg1, %mul3A_65 : i32
      %add3A_67 = arith.constant 128 : i32
      %add3A_68 = arith.addi %mul3A_66, %add3A_67 : i32
      %dma_start3A_69 = tpu.memref_slice %arg2[%add3A_68] : memref<163840xi32, #tpu.memory_space<hbm>> -> memref<128xi32, #tpu.memory_space<hbm>>
      %dma_start3A_70 = tpu.memref_slice %arg2[%add3A_68] : memref<163840xi32, #tpu.memory_space<hbm>> -> memref<128xi32, #tpu.memory_space<hbm>>
      tpu.enqueue_dma source(%dma_start3A_70 : memref<128xi32, #tpu.memory_space<hbm>>) target(%arg18 : memref<128xi32, #tpu.memory_space<vmem>>) target_semaphore(%arg24 : memref<!tpu.dma_semaphore, #tpu.memory_space<semaphore_mem>>)
      %dma_start3A_71 = tpu.memref_slice %arg3[%add3A_68] : memref<163840xi32, #tpu.memory_space<hbm>> -> memref<128xi32, #tpu.memory_space<hbm>>
      %dma_start3A_72 = tpu.memref_slice %arg3[%add3A_68] : memref<163840xi32, #tpu.memory_space<hbm>> -> memref<128xi32, #tpu.memory_space<hbm>>
      tpu.enqueue_dma source(%dma_start3A_72 : memref<128xi32, #tpu.memory_space<hbm>>) target(%arg21 : memref<128xi32, #tpu.memory_space<vmem>>) target_semaphore(%arg27 : memref<!tpu.dma_semaphore, #tpu.memory_space<semaphore_mem>>)
      %mul3A_73 = arith.constant 10240 : i32
      %mul3A_74 = arith.muli %arg1, %mul3A_73 : i32
      %add3A_75 = arith.constant 256 : i32
      %add3A_76 = arith.addi %mul3A_74, %add3A_75 : i32
      %dma_start3A_77 = tpu.memref_slice %arg2[%add3A_76] : memref<163840xi32, #tpu.memory_space<hbm>> -> memref<128xi32, #tpu.memory_space<hbm>>
      %dma_start3A_78 = tpu.memref_slice %arg2[%add3A_76] : memref<163840xi32, #tpu.memory_space<hbm>> -> memref<128xi32, #tpu.memory_space<hbm>>
      tpu.enqueue_dma source(%dma_start3A_78 : memref<128xi32, #tpu.memory_space<hbm>>) target(%arg19 : memref<128xi32, #tpu.memory_space<vmem>>) target_semaphore(%arg25 : memref<!tpu.dma_semaphore, #tpu.memory_space<semaphore_mem>>)
      %dma_start3A_79 = tpu.memref_slice %arg3[%add3A_76] : memref<163840xi32, #tpu.memory_space<hbm>> -> memref<128xi32, #tpu.memory_space<hbm>>
      %dma_start3A_80 = tpu.memref_slice %arg3[%add3A_76] : memref<163840xi32, #tpu.memory_space<hbm>> -> memref<128xi32, #tpu.memory_space<hbm>>
      tpu.enqueue_dma source(%dma_start3A_80 : memref<128xi32, #tpu.memory_space<hbm>>) target(%arg22 : memref<128xi32, #tpu.memory_space<vmem>>) target_semaphore(%arg28 : memref<!tpu.dma_semaphore, #tpu.memory_space<semaphore_mem>>)
      %dma_wait3A = arith.constant 0 : i32
      %dma_wait3A_81 = tpu.memref_slice %arg2[%dma_wait3A] : memref<163840xi32, #tpu.memory_space<hbm>> -> memref<128xi32, #tpu.memory_space<hbm>>
      %dma_wait3A_82 = arith.constant 0 : i32
      %dma_wait3A_83 = tpu.memref_slice %arg2[%dma_wait3A_82] : memref<163840xi32, #tpu.memory_space<hbm>> -> memref<128xi32, #tpu.memory_space<hbm>>
      tpu.wait_dma2 semaphore(%arg23 : memref<!tpu.dma_semaphore, #tpu.memory_space<semaphore_mem>>) src(%dma_wait3A_83 : memref<128xi32, #tpu.memory_space<hbm>>) dst(%arg17 : memref<128xi32, #tpu.memory_space<vmem>>)
      %dma_start3A_84 = arith.constant 0 : i32
      %dma_start3A_85 = arith.constant 0 : i32
      %dma_start3A_86 = tpu.memref_slice %arg14[%dma_start3A_84, %dma_start3A_85] : memref<128x128xf32, #tpu.memory_space<vmem>> -> memref<32x128xf32, #tpu.memory_space<vmem>>
      %dma_start3A_87 = arith.constant 0 : i32
      %dma_start3A_88 = tpu.memref_slice %arg17[%dma_start3A_87] : memref<128xi32, #tpu.memory_space<vmem>> -> memref<32xi32, #tpu.memory_space<vmem>>
      %dma_start3A_89 = arith.constant 0 : i32
      %dma_start3A_90 = arith.constant 0 : i32
      %dma_start3A_91 = tpu.memref_slice %arg4[%dma_start3A_89, %dma_start3A_90] : memref<10240x128xf32, #tpu.memory_space<hbm>> -> memref<10240x128xf32, #tpu.memory_space<hbm>>
      tpu.enqueue_indirect_dma source(%dma_start3A_91 : memref<10240x128xf32, #tpu.memory_space<hbm>>) target(%dma_start3A_86 : memref<32x128xf32, #tpu.memory_space<vmem>>) offsets(%dma_start3A_88 : memref<32xi32, #tpu.memory_space<vmem>>) semaphore(%arg29 : memref<!tpu.dma_semaphore, #tpu.memory_space<semaphore_mem>>)
      %dma_start3A_92 = arith.constant 32 : i32
      %dma_start3A_93 = arith.constant 0 : i32
      %dma_start3A_94 = tpu.memref_slice %arg14[%dma_start3A_92, %dma_start3A_93] : memref<128x128xf32, #tpu.memory_space<vmem>> -> memref<32x128xf32, #tpu.memory_space<vmem>>
      %dma_start3A_95 = arith.constant 32 : i32
      %dma_start3A_96 = tpu.memref_slice %arg17[%dma_start3A_95] : memref<128xi32, #tpu.memory_space<vmem>> -> memref<32xi32, #tpu.memory_space<vmem>>
      %dma_start3A_97 = arith.constant 0 : i32
      %dma_start3A_98 = arith.constant 0 : i32
      %dma_start3A_99 = tpu.memref_slice %arg4[%dma_start3A_97, %dma_start3A_98] : memref<10240x128xf32, #tpu.memory_space<hbm>> -> memref<10240x128xf32, #tpu.memory_space<hbm>>
      tpu.enqueue_indirect_dma source(%dma_start3A_99 : memref<10240x128xf32, #tpu.memory_space<hbm>>) target(%dma_start3A_94 : memref<32x128xf32, #tpu.memory_space<vmem>>) offsets(%dma_start3A_96 : memref<32xi32, #tpu.memory_space<vmem>>) semaphore(%arg30 : memref<!tpu.dma_semaphore, #tpu.memory_space<semaphore_mem>>)
      %dma_start3A_100 = arith.constant 64 : i32
      %dma_start3A_101 = arith.constant 0 : i32
      %dma_start3A_102 = tpu.memref_slice %arg14[%dma_start3A_100, %dma_start3A_101] : memref<128x128xf32, #tpu.memory_space<vmem>> -> memref<32x128xf32, #tpu.memory_space<vmem>>
      %dma_start3A_103 = arith.constant 64 : i32
      %dma_start3A_104 = tpu.memref_slice %arg17[%dma_start3A_103] : memref<128xi32, #tpu.memory_space<vmem>> -> memref<32xi32, #tpu.memory_space<vmem>>
      %dma_start3A_105 = arith.constant 0 : i32
      %dma_start3A_106 = arith.constant 0 : i32
      %dma_start3A_107 = tpu.memref_slice %arg4[%dma_start3A_105, %dma_start3A_106] : memref<10240x128xf32, #tpu.memory_space<hbm>> -> memref<10240x128xf32, #tpu.memory_space<hbm>>
      tpu.enqueue_indirect_dma source(%dma_start3A_107 : memref<10240x128xf32, #tpu.memory_space<hbm>>) target(%dma_start3A_102 : memref<32x128xf32, #tpu.memory_space<vmem>>) offsets(%dma_start3A_104 : memref<32xi32, #tpu.memory_space<vmem>>) semaphore(%arg31 : memref<!tpu.dma_semaphore, #tpu.memory_space<semaphore_mem>>)
      %dma_start3A_108 = arith.constant 96 : i32
      %dma_start3A_109 = arith.constant 0 : i32
      %dma_start3A_110 = tpu.memref_slice %arg14[%dma_start3A_108, %dma_start3A_109] : memref<128x128xf32, #tpu.memory_space<vmem>> -> memref<32x128xf32, #tpu.memory_space<vmem>>
      %dma_start3A_111 = arith.constant 96 : i32
      %dma_start3A_112 = tpu.memref_slice %arg17[%dma_start3A_111] : memref<128xi32, #tpu.memory_space<vmem>> -> memref<32xi32, #tpu.memory_space<vmem>>
      %dma_start3A_113 = arith.constant 0 : i32
      %dma_start3A_114 = arith.constant 0 : i32
      %dma_start3A_115 = tpu.memref_slice %arg4[%dma_start3A_113, %dma_start3A_114] : memref<10240x128xf32, #tpu.memory_space<hbm>> -> memref<10240x128xf32, #tpu.memory_space<hbm>>
      tpu.enqueue_indirect_dma source(%dma_start3A_115 : memref<10240x128xf32, #tpu.memory_space<hbm>>) target(%dma_start3A_110 : memref<32x128xf32, #tpu.memory_space<vmem>>) offsets(%dma_start3A_112 : memref<32xi32, #tpu.memory_space<vmem>>) semaphore(%arg32 : memref<!tpu.dma_semaphore, #tpu.memory_space<semaphore_mem>>)
      %dma_wait3A_116 = arith.constant 0 : i32
      %dma_wait3A_117 = tpu.memref_slice %arg2[%dma_wait3A_116] : memref<163840xi32, #tpu.memory_space<hbm>> -> memref<128xi32, #tpu.memory_space<hbm>>
      %dma_wait3A_118 = arith.constant 0 : i32
      %dma_wait3A_119 = tpu.memref_slice %arg2[%dma_wait3A_118] : memref<163840xi32, #tpu.memory_space<hbm>> -> memref<128xi32, #tpu.memory_space<hbm>>
      tpu.wait_dma2 semaphore(%arg24 : memref<!tpu.dma_semaphore, #tpu.memory_space<semaphore_mem>>) src(%dma_wait3A_119 : memref<128xi32, #tpu.memory_space<hbm>>) dst(%arg18 : memref<128xi32, #tpu.memory_space<vmem>>)
      %dma_start3A_120 = arith.constant 0 : i32
      %dma_start3A_121 = arith.constant 0 : i32
      %dma_start3A_122 = tpu.memref_slice %arg15[%dma_start3A_120, %dma_start3A_121] : memref<128x128xf32, #tpu.memory_space<vmem>> -> memref<32x128xf32, #tpu.memory_space<vmem>>
      %dma_start3A_123 = arith.constant 0 : i32
      %dma_start3A_124 = tpu.memref_slice %arg18[%dma_start3A_123] : memref<128xi32, #tpu.memory_space<vmem>> -> memref<32xi32, #tpu.memory_space<vmem>>
      %dma_start3A_125 = arith.constant 0 : i32
      %dma_start3A_126 = arith.constant 0 : i32
      %dma_start3A_127 = tpu.memref_slice %arg4[%dma_start3A_125, %dma_start3A_126] : memref<10240x128xf32, #tpu.memory_space<hbm>> -> memref<10240x128xf32, #tpu.memory_space<hbm>>
      tpu.enqueue_indirect_dma source(%dma_start3A_127 : memref<10240x128xf32, #tpu.memory_space<hbm>>) target(%dma_start3A_122 : memref<32x128xf32, #tpu.memory_space<vmem>>) offsets(%dma_start3A_124 : memref<32xi32, #tpu.memory_space<vmem>>) semaphore(%arg33 : memref<!tpu.dma_semaphore, #tpu.memory_space<semaphore_mem>>)
      %dma_start3A_128 = arith.constant 32 : i32
      %dma_start3A_129 = arith.constant 0 : i32
      %dma_start3A_130 = tpu.memref_slice %arg15[%dma_start3A_128, %dma_start3A_129] : memref<128x128xf32, #tpu.memory_space<vmem>> -> memref<32x128xf32, #tpu.memory_space<vmem>>
      %dma_start3A_131 = arith.constant 32 : i32
      %dma_start3A_132 = tpu.memref_slice %arg18[%dma_start3A_131] : memref<128xi32, #tpu.memory_space<vmem>> -> memref<32xi32, #tpu.memory_space<vmem>>
      %dma_start3A_133 = arith.constant 0 : i32
      %dma_start3A_134 = arith.constant 0 : i32
      %dma_start3A_135 = tpu.memref_slice %arg4[%dma_start3A_133, %dma_start3A_134] : memref<10240x128xf32, #tpu.memory_space<hbm>> -> memref<10240x128xf32, #tpu.memory_space<hbm>>
      tpu.enqueue_indirect_dma source(%dma_start3A_135 : memref<10240x128xf32, #tpu.memory_space<hbm>>) target(%dma_start3A_130 : memref<32x128xf32, #tpu.memory_space<vmem>>) offsets(%dma_start3A_132 : memref<32xi32, #tpu.memory_space<vmem>>) semaphore(%arg34 : memref<!tpu.dma_semaphore, #tpu.memory_space<semaphore_mem>>)
      %dma_start3A_136 = arith.constant 64 : i32
      %dma_start3A_137 = arith.constant 0 : i32
      %dma_start3A_138 = tpu.memref_slice %arg15[%dma_start3A_136, %dma_start3A_137] : memref<128x128xf32, #tpu.memory_space<vmem>> -> memref<32x128xf32, #tpu.memory_space<vmem>>
      %dma_start3A_139 = arith.constant 64 : i32
      %dma_start3A_140 = tpu.memref_slice %arg18[%dma_start3A_139] : memref<128xi32, #tpu.memory_space<vmem>> -> memref<32xi32, #tpu.memory_space<vmem>>
      %dma_start3A_141 = arith.constant 0 : i32
      %dma_start3A_142 = arith.constant 0 : i32
      %dma_start3A_143 = tpu.memref_slice %arg4[%dma_start3A_141, %dma_start3A_142] : memref<10240x128xf32, #tpu.memory_space<hbm>> -> memref<10240x128xf32, #tpu.memory_space<hbm>>
      tpu.enqueue_indirect_dma source(%dma_start3A_143 : memref<10240x128xf32, #tpu.memory_space<hbm>>) target(%dma_start3A_138 : memref<32x128xf32, #tpu.memory_space<vmem>>) offsets(%dma_start3A_140 : memref<32xi32, #tpu.memory_space<vmem>>) semaphore(%arg35 : memref<!tpu.dma_semaphore, #tpu.memory_space<semaphore_mem>>)
      %dma_start3A_144 = arith.constant 96 : i32
      %dma_start3A_145 = arith.constant 0 : i32
      %dma_start3A_146 = tpu.memref_slice %arg15[%dma_start3A_144, %dma_start3A_145] : memref<128x128xf32, #tpu.memory_space<vmem>> -> memref<32x128xf32, #tpu.memory_space<vmem>>
      %dma_start3A_147 = arith.constant 96 : i32
      %dma_start3A_148 = tpu.memref_slice %arg18[%dma_start3A_147] : memref<128xi32, #tpu.memory_space<vmem>> -> memref<32xi32, #tpu.memory_space<vmem>>
      %dma_start3A_149 = arith.constant 0 : i32
      %dma_start3A_150 = arith.constant 0 : i32
      %dma_start3A_151 = tpu.memref_slice %arg4[%dma_start3A_149, %dma_start3A_150] : memref<10240x128xf32, #tpu.memory_space<hbm>> -> memref<10240x128xf32, #tpu.memory_space<hbm>>
      tpu.enqueue_indirect_dma source(%dma_start3A_151 : memref<10240x128xf32, #tpu.memory_space<hbm>>) target(%dma_start3A_146 : memref<32x128xf32, #tpu.memory_space<vmem>>) offsets(%dma_start3A_148 : memref<32xi32, #tpu.memory_space<vmem>>) semaphore(%arg36 : memref<!tpu.dma_semaphore, #tpu.memory_space<semaphore_mem>>)
      %dma_wait3A_152 = arith.constant 0 : i32
      %dma_wait3A_153 = tpu.memref_slice %arg2[%dma_wait3A_152] : memref<163840xi32, #tpu.memory_space<hbm>> -> memref<128xi32, #tpu.memory_space<hbm>>
      %dma_wait3A_154 = arith.constant 0 : i32
      %dma_wait3A_155 = tpu.memref_slice %arg2[%dma_wait3A_154] : memref<163840xi32, #tpu.memory_space<hbm>> -> memref<128xi32, #tpu.memory_space<hbm>>
      tpu.wait_dma2 semaphore(%arg25 : memref<!tpu.dma_semaphore, #tpu.memory_space<semaphore_mem>>) src(%dma_wait3A_155 : memref<128xi32, #tpu.memory_space<hbm>>) dst(%arg19 : memref<128xi32, #tpu.memory_space<vmem>>)
      %dma_start3A_156 = arith.constant 0 : i32
      %dma_start3A_157 = arith.constant 0 : i32
      %dma_start3A_158 = tpu.memref_slice %arg16[%dma_start3A_156, %dma_start3A_157] : memref<128x128xf32, #tpu.memory_space<vmem>> -> memref<32x128xf32, #tpu.memory_space<vmem>>
      %dma_start3A_159 = arith.constant 0 : i32
      %dma_start3A_160 = tpu.memref_slice %arg19[%dma_start3A_159] : memref<128xi32, #tpu.memory_space<vmem>> -> memref<32xi32, #tpu.memory_space<vmem>>
      %dma_start3A_161 = arith.constant 0 : i32
      %dma_start3A_162 = arith.constant 0 : i32
      %dma_start3A_163 = tpu.memref_slice %arg4[%dma_start3A_161, %dma_start3A_162] : memref<10240x128xf32, #tpu.memory_space<hbm>> -> memref<10240x128xf32, #tpu.memory_space<hbm>>
      tpu.enqueue_indirect_dma source(%dma_start3A_163 : memref<10240x128xf32, #tpu.memory_space<hbm>>) target(%dma_start3A_158 : memref<32x128xf32, #tpu.memory_space<vmem>>) offsets(%dma_start3A_160 : memref<32xi32, #tpu.memory_space<vmem>>) semaphore(%arg37 : memref<!tpu.dma_semaphore, #tpu.memory_space<semaphore_mem>>)
      %dma_start3A_164 = arith.constant 32 : i32
      %dma_start3A_165 = arith.constant 0 : i32
      %dma_start3A_166 = tpu.memref_slice %arg16[%dma_start3A_164, %dma_start3A_165] : memref<128x128xf32, #tpu.memory_space<vmem>> -> memref<32x128xf32, #tpu.memory_space<vmem>>
      %dma_start3A_167 = arith.constant 32 : i32
      %dma_start3A_168 = tpu.memref_slice %arg19[%dma_start3A_167] : memref<128xi32, #tpu.memory_space<vmem>> -> memref<32xi32, #tpu.memory_space<vmem>>
      %dma_start3A_169 = arith.constant 0 : i32
      %dma_start3A_170 = arith.constant 0 : i32
      %dma_start3A_171 = tpu.memref_slice %arg4[%dma_start3A_169, %dma_start3A_170] : memref<10240x128xf32, #tpu.memory_space<hbm>> -> memref<10240x128xf32, #tpu.memory_space<hbm>>
      tpu.enqueue_indirect_dma source(%dma_start3A_171 : memref<10240x128xf32, #tpu.memory_space<hbm>>) target(%dma_start3A_166 : memref<32x128xf32, #tpu.memory_space<vmem>>) offsets(%dma_start3A_168 : memref<32xi32, #tpu.memory_space<vmem>>) semaphore(%arg38 : memref<!tpu.dma_semaphore, #tpu.memory_space<semaphore_mem>>)
      %dma_start3A_172 = arith.constant 64 : i32
      %dma_start3A_173 = arith.constant 0 : i32
      %dma_start3A_174 = tpu.memref_slice %arg16[%dma_start3A_172, %dma_start3A_173] : memref<128x128xf32, #tpu.memory_space<vmem>> -> memref<32x128xf32, #tpu.memory_space<vmem>>
      %dma_start3A_175 = arith.constant 64 : i32
      %dma_start3A_176 = tpu.memref_slice %arg19[%dma_start3A_175] : memref<128xi32, #tpu.memory_space<vmem>> -> memref<32xi32, #tpu.memory_space<vmem>>
      %dma_start3A_177 = arith.constant 0 : i32
      %dma_start3A_178 = arith.constant 0 : i32
      %dma_start3A_179 = tpu.memref_slice %arg4[%dma_start3A_177, %dma_start3A_178] : memref<10240x128xf32, #tpu.memory_space<hbm>> -> memref<10240x128xf32, #tpu.memory_space<hbm>>
      tpu.enqueue_indirect_dma source(%dma_start3A_179 : memref<10240x128xf32, #tpu.memory_space<hbm>>) target(%dma_start3A_174 : memref<32x128xf32, #tpu.memory_space<vmem>>) offsets(%dma_start3A_176 : memref<32xi32, #tpu.memory_space<vmem>>) semaphore(%arg39 : memref<!tpu.dma_semaphore, #tpu.memory_space<semaphore_mem>>)
      %dma_start3A_180 = arith.constant 96 : i32
      %dma_start3A_181 = arith.constant 0 : i32
      %dma_start3A_182 = tpu.memref_slice %arg16[%dma_start3A_180, %dma_start3A_181] : memref<128x128xf32, #tpu.memory_space<vmem>> -> memref<32x128xf32, #tpu.memory_space<vmem>>
      %dma_start3A_183 = arith.constant 96 : i32
      %dma_start3A_184 = tpu.memref_slice %arg19[%dma_start3A_183] : memref<128xi32, #tpu.memory_space<vmem>> -> memref<32xi32, #tpu.memory_space<vmem>>
      %dma_start3A_185 = arith.constant 0 : i32
      %dma_start3A_186 = arith.constant 0 : i32
      %dma_start3A_187 = tpu.memref_slice %arg4[%dma_start3A_185, %dma_start3A_186] : memref<10240x128xf32, #tpu.memory_space<hbm>> -> memref<10240x128xf32, #tpu.memory_space<hbm>>
      tpu.enqueue_indirect_dma source(%dma_start3A_187 : memref<10240x128xf32, #tpu.memory_space<hbm>>) target(%dma_start3A_182 : memref<32x128xf32, #tpu.memory_space<vmem>>) offsets(%dma_start3A_184 : memref<32xi32, #tpu.memory_space<vmem>>) semaphore(%arg40 : memref<!tpu.dma_semaphore, #tpu.memory_space<semaphore_mem>>)
      %scan3A_188 = arith.constant 0 : i32
      %scan3A_189 = arith.constant 0 : i32
      %scan3A_190 = arith.constant 27 : i32
      %scan3A_191 = arith.addi %scan3A_189, %scan3A_190 : i32
      %scan3A_192 = arith.constant 1 : i32
      %scan3A_193 = scf.for %scan3A_195 = %scan3A_189 to %scan3A_191 step %scan3A_192 iter_args(%scan3A_196 = %scan3A_188) -> (i32)  : i32 {
        %mul3A_197 = arith.constant 3 : i32
        %mul3A_198 = arith.muli %scan3A_195, %mul3A_197 : i32
        %add3A_199 = arith.constant 0 : i32
        %add3A_200 = arith.addi %mul3A_198, %add3A_199 : i32
        %lt3A = arith.constant 80 : i32
        %lt3A_201 = arith.cmpi slt, %add3A_200, %lt3A : i32
        %convert_element_type3A_202 = arith.extui %lt3A_201 : i1 to i32
        %cond3A_203 = arith.constant 0 : i32
        %cond3A_204 = arith.cmpi ne, %convert_element_type3A_202, %cond3A_203 : i32
        scf.if %cond3A_204 {
          %dma_wait3A_245 = arith.constant 0 : i32
          %dma_wait3A_246 = tpu.memref_slice %arg3[%dma_wait3A_245] : memref<163840xi32, #tpu.memory_space<hbm>> -> memref<128xi32, #tpu.memory_space<hbm>>
          %dma_wait3A_247 = arith.constant 0 : i32
          %dma_wait3A_248 = tpu.memref_slice %arg3[%dma_wait3A_247] : memref<163840xi32, #tpu.memory_space<hbm>> -> memref<128xi32, #tpu.memory_space<hbm>>
          tpu.wait_dma2 semaphore(%arg26 : memref<!tpu.dma_semaphore, #tpu.memory_space<semaphore_mem>>) src(%dma_wait3A_248 : memref<128xi32, #tpu.memory_space<hbm>>) dst(%arg20 : memref<128xi32, #tpu.memory_space<vmem>>)
          %dma_wait3A_249 = arith.constant 0 : i32
          %dma_wait3A_250 = arith.constant 0 : i32
          %dma_wait3A_251 = tpu.memref_slice %arg14[%dma_wait3A_249, %dma_wait3A_250] : memref<128x128xf32, #tpu.memory_space<vmem>> -> memref<32x128xf32, #tpu.memory_space<vmem>>
          %dma_wait3A_252 = arith.constant 0 : i32
          %dma_wait3A_253 = arith.constant 0 : i32
          %dma_wait3A_254 = tpu.memref_slice %arg4[%dma_wait3A_252, %dma_wait3A_253] : memref<10240x128xf32, #tpu.memory_space<hbm>> -> memref<32x128xf32, #tpu.memory_space<hbm>>
          %dma_wait3A_255 = arith.constant 0 : i32
          %dma_wait3A_256 = arith.constant 0 : i32
          %dma_wait3A_257 = tpu.memref_slice %arg14[%dma_wait3A_255, %dma_wait3A_256] : memref<128x128xf32, #tpu.memory_space<vmem>> -> memref<32x128xf32, #tpu.memory_space<vmem>>
          %dma_wait3A_258 = arith.constant 0 : i32
          %dma_wait3A_259 = arith.constant 0 : i32
          %dma_wait3A_260 = tpu.memref_slice %arg4[%dma_wait3A_258, %dma_wait3A_259] : memref<10240x128xf32, #tpu.memory_space<hbm>> -> memref<32x128xf32, #tpu.memory_space<hbm>>
          tpu.wait_dma2 semaphore(%arg29 : memref<!tpu.dma_semaphore, #tpu.memory_space<semaphore_mem>>) src(%dma_wait3A_260 : memref<32x128xf32, #tpu.memory_space<hbm>>) dst(%dma_wait3A_257 : memref<32x128xf32, #tpu.memory_space<vmem>>)
          %dma_wait3A_261 = arith.constant 32 : i32
          %dma_wait3A_262 = arith.constant 0 : i32
          %dma_wait3A_263 = tpu.memref_slice %arg14[%dma_wait3A_261, %dma_wait3A_262] : memref<128x128xf32, #tpu.memory_space<vmem>> -> memref<32x128xf32, #tpu.memory_space<vmem>>
          %dma_wait3A_264 = arith.constant 0 : i32
          %dma_wait3A_265 = arith.constant 0 : i32
          %dma_wait3A_266 = tpu.memref_slice %arg4[%dma_wait3A_264, %dma_wait3A_265] : memref<10240x128xf32, #tpu.memory_space<hbm>> -> memref<32x128xf32, #tpu.memory_space<hbm>>
          %dma_wait3A_267 = arith.constant 32 : i32
          %dma_wait3A_268 = arith.constant 0 : i32
          %dma_wait3A_269 = tpu.memref_slice %arg14[%dma_wait3A_267, %dma_wait3A_268] : memref<128x128xf32, #tpu.memory_space<vmem>> -> memref<32x128xf32, #tpu.memory_space<vmem>>
          %dma_wait3A_270 = arith.constant 0 : i32
          %dma_wait3A_271 = arith.constant 0 : i32
          %dma_wait3A_272 = tpu.memref_slice %arg4[%dma_wait3A_270, %dma_wait3A_271] : memref<10240x128xf32, #tpu.memory_space<hbm>> -> memref<32x128xf32, #tpu.memory_space<hbm>>
          tpu.wait_dma2 semaphore(%arg30 : memref<!tpu.dma_semaphore, #tpu.memory_space<semaphore_mem>>) src(%dma_wait3A_272 : memref<32x128xf32, #tpu.memory_space<hbm>>) dst(%dma_wait3A_269 : memref<32x128xf32, #tpu.memory_space<vmem>>)
          %dma_wait3A_273 = arith.constant 64 : i32
          %dma_wait3A_274 = arith.constant 0 : i32
          %dma_wait3A_275 = tpu.memref_slice %arg14[%dma_wait3A_273, %dma_wait3A_274] : memref<128x128xf32, #tpu.memory_space<vmem>> -> memref<32x128xf32, #tpu.memory_space<vmem>>
          %dma_wait3A_276 = arith.constant 0 : i32
          %dma_wait3A_277 = arith.constant 0 : i32
          %dma_wait3A_278 = tpu.memref_slice %arg4[%dma_wait3A_276, %dma_wait3A_277] : memref<10240x128xf32, #tpu.memory_space<hbm>> -> memref<32x128xf32, #tpu.memory_space<hbm>>
          %dma_wait3A_279 = arith.constant 64 : i32
          %dma_wait3A_280 = arith.constant 0 : i32
          %dma_wait3A_281 = tpu.memref_slice %arg14[%dma_wait3A_279, %dma_wait3A_280] : memref<128x128xf32, #tpu.memory_space<vmem>> -> memref<32x128xf32, #tpu.memory_space<vmem>>
          %dma_wait3A_282 = arith.constant 0 : i32
          %dma_wait3A_283 = arith.constant 0 : i32
          %dma_wait3A_284 = tpu.memref_slice %arg4[%dma_wait3A_282, %dma_wait3A_283] : memref<10240x128xf32, #tpu.memory_space<hbm>> -> memref<32x128xf32, #tpu.memory_space<hbm>>
          tpu.wait_dma2 semaphore(%arg31 : memref<!tpu.dma_semaphore, #tpu.memory_space<semaphore_mem>>) src(%dma_wait3A_284 : memref<32x128xf32, #tpu.memory_space<hbm>>) dst(%dma_wait3A_281 : memref<32x128xf32, #tpu.memory_space<vmem>>)
          %dma_wait3A_285 = arith.constant 96 : i32
          %dma_wait3A_286 = arith.constant 0 : i32
          %dma_wait3A_287 = tpu.memref_slice %arg14[%dma_wait3A_285, %dma_wait3A_286] : memref<128x128xf32, #tpu.memory_space<vmem>> -> memref<32x128xf32, #tpu.memory_space<vmem>>
          %dma_wait3A_288 = arith.constant 0 : i32
          %dma_wait3A_289 = arith.constant 0 : i32
          %dma_wait3A_290 = tpu.memref_slice %arg4[%dma_wait3A_288, %dma_wait3A_289] : memref<10240x128xf32, #tpu.memory_space<hbm>> -> memref<32x128xf32, #tpu.memory_space<hbm>>
          %dma_wait3A_291 = arith.constant 96 : i32
          %dma_wait3A_292 = arith.constant 0 : i32
          %dma_wait3A_293 = tpu.memref_slice %arg14[%dma_wait3A_291, %dma_wait3A_292] : memref<128x128xf32, #tpu.memory_space<vmem>> -> memref<32x128xf32, #tpu.memory_space<vmem>>
          %dma_wait3A_294 = arith.constant 0 : i32
          %dma_wait3A_295 = arith.constant 0 : i32
          %dma_wait3A_296 = tpu.memref_slice %arg4[%dma_wait3A_294, %dma_wait3A_295] : memref<10240x128xf32, #tpu.memory_space<hbm>> -> memref<32x128xf32, #tpu.memory_space<hbm>>
          tpu.wait_dma2 semaphore(%arg32 : memref<!tpu.dma_semaphore, #tpu.memory_space<semaphore_mem>>) src(%dma_wait3A_296 : memref<32x128xf32, #tpu.memory_space<hbm>>) dst(%dma_wait3A_293 : memref<32x128xf32, #tpu.memory_space<vmem>>)
          %add3A_297 = arith.constant 3 : i32
          %add3A_298 = arith.addi %add3A_200, %add3A_297 : i32
          %lt3A_299 = arith.constant 80 : i32
          %lt3A_300 = arith.cmpi slt, %add3A_298, %lt3A_299 : i32
          %convert_element_type3A_301 = arith.extui %lt3A_300 : i1 to i32
          %cond3A_302 = arith.constant 0 : i32
          %cond3A_303 = arith.cmpi ne, %convert_element_type3A_301, %cond3A_302 : i32
          scf.if %cond3A_303 {
            %mul3A_304 = arith.constant 10240 : i32
            %mul3A_305 = arith.muli %arg1, %mul3A_304 : i32
            %add3A_306 = arith.constant 3 : i32
            %add3A_307 = arith.addi %add3A_200, %add3A_306 : i32
            %mul3A_308 = arith.constant 128 : i32
            %mul3A_309 = arith.muli %add3A_307, %mul3A_308 : i32
            %add3A_310 = arith.addi %mul3A_305, %mul3A_309 : i32
            %dma_start3A_311 = tpu.memref_slice %arg2[%add3A_310] : memref<163840xi32, #tpu.memory_space<hbm>> -> memref<128xi32, #tpu.memory_space<hbm>>
            %dma_start3A_312 = tpu.memref_slice %arg2[%add3A_310] : memref<163840xi32, #tpu.memory_space<hbm>> -> memref<128xi32, #tpu.memory_space<hbm>>
            tpu.enqueue_dma source(%dma_start3A_312 : memref<128xi32, #tpu.memory_space<hbm>>) target(%arg17 : memref<128xi32, #tpu.memory_space<vmem>>) target_semaphore(%arg23 : memref<!tpu.dma_semaphore, #tpu.memory_space<semaphore_mem>>)
          } else {
          }
          "tpu.region"() ({
            %run_scoped3A = tpu.sem_alloc : memref<!tpu.dma_semaphore, #tpu.memory_space<semaphore_mem>>
            %dma_start3A_304 = arith.constant 0 : i32
            %dma_start3A_305 = arith.constant 0 : i32
            %dma_start3A_306 = tpu.memref_slice %arg13[%dma_start3A_304, %dma_start3A_305] : memref<10112x128xf32, #tpu.memory_space<vmem_shared>> -> memref<10112x128xf32, #tpu.memory_space<vmem_shared>>
            tpu.enqueue_indirect_dma source(%arg14 : memref<128x128xf32, #tpu.memory_space<vmem>>) target(%dma_start3A_306 : memref<10112x128xf32, #tpu.memory_space<vmem_shared>>) offsets(%arg20 : memref<128xi32, #tpu.memory_space<vmem>>) semaphore(%run_scoped3A : memref<!tpu.dma_semaphore, #tpu.memory_space<semaphore_mem>>) {add = true}
            %dma_wait3A_307 = arith.constant 0 : i32
            %dma_wait3A_308 = arith.constant 0 : i32
            %dma_wait3A_309 = tpu.memref_slice %arg13[%dma_wait3A_307, %dma_wait3A_308] : memref<10112x128xf32, #tpu.memory_space<vmem_shared>> -> memref<10112x128xf32, #tpu.memory_space<vmem_shared>>
            tpu.wait_indirect_dma semaphore(%run_scoped3A : memref<!tpu.dma_semaphore, #tpu.memory_space<semaphore_mem>>) src(%arg14 : memref<128x128xf32, #tpu.memory_space<vmem>>) dst(%dma_wait3A_309 : memref<10112x128xf32, #tpu.memory_space<vmem_shared>>)
            tpu.yield
          }) : () -> ()
        } else {
        }
        %add3A_205 = arith.constant 3 : i32
        %add3A_206 = arith.addi %add3A_200, %add3A_205 : i32
        %lt3A_207 = arith.constant 80 : i32
        %lt3A_208 = arith.cmpi slt, %add3A_206, %lt3A_207 : i32
        %convert_element_type3A_209 = arith.extui %lt3A_208 : i1 to i32
        %cond3A_210 = arith.constant 0 : i32
        %cond3A_211 = arith.cmpi ne, %convert_element_type3A_209, %cond3A_210 : i32
        scf.if %cond3A_211 {
          %mul3A_245 = arith.constant 10240 : i32
          %mul3A_246 = arith.muli %arg1, %mul3A_245 : i32
          %add3A_247 = arith.constant 3 : i32
          %add3A_248 = arith.addi %add3A_200, %add3A_247 : i32
          %mul3A_249 = arith.constant 128 : i32
          %mul3A_250 = arith.muli %add3A_248, %mul3A_249 : i32
          %add3A_251 = arith.addi %mul3A_246, %mul3A_250 : i32
          %dma_start3A_252 = tpu.memref_slice %arg3[%add3A_251] : memref<163840xi32, #tpu.memory_space<hbm>> -> memref<128xi32, #tpu.memory_space<hbm>>
          %dma_start3A_253 = tpu.memref_slice %arg3[%add3A_251] : memref<163840xi32, #tpu.memory_space<hbm>> -> memref<128xi32, #tpu.memory_space<hbm>>
          tpu.enqueue_dma source(%dma_start3A_253 : memref<128xi32, #tpu.memory_space<hbm>>) target(%arg20 : memref<128xi32, #tpu.memory_space<vmem>>) target_semaphore(%arg26 : memref<!tpu.dma_semaphore, #tpu.memory_space<semaphore_mem>>)
          %dma_wait3A_254 = arith.constant 0 : i32
          %dma_wait3A_255 = tpu.memref_slice %arg2[%dma_wait3A_254] : memref<163840xi32, #tpu.memory_space<hbm>> -> memref<128xi32, #tpu.memory_space<hbm>>
          %dma_wait3A_256 = arith.constant 0 : i32
          %dma_wait3A_257 = tpu.memref_slice %arg2[%dma_wait3A_256] : memref<163840xi32, #tpu.memory_space<hbm>> -> memref<128xi32, #tpu.memory_space<hbm>>
          tpu.wait_dma2 semaphore(%arg23 : memref<!tpu.dma_semaphore, #tpu.memory_space<semaphore_mem>>) src(%dma_wait3A_257 : memref<128xi32, #tpu.memory_space<hbm>>) dst(%arg17 : memref<128xi32, #tpu.memory_space<vmem>>)
          %dma_start3A_258 = arith.constant 0 : i32
          %dma_start3A_259 = arith.constant 0 : i32
          %dma_start3A_260 = tpu.memref_slice %arg14[%dma_start3A_258, %dma_start3A_259] : memref<128x128xf32, #tpu.memory_space<vmem>> -> memref<32x128xf32, #tpu.memory_space<vmem>>
          %dma_start3A_261 = arith.constant 0 : i32
          %dma_start3A_262 = tpu.memref_slice %arg17[%dma_start3A_261] : memref<128xi32, #tpu.memory_space<vmem>> -> memref<32xi32, #tpu.memory_space<vmem>>
          %dma_start3A_263 = arith.constant 0 : i32
          %dma_start3A_264 = arith.constant 0 : i32
          %dma_start3A_265 = tpu.memref_slice %arg4[%dma_start3A_263, %dma_start3A_264] : memref<10240x128xf32, #tpu.memory_space<hbm>> -> memref<10240x128xf32, #tpu.memory_space<hbm>>
          tpu.enqueue_indirect_dma source(%dma_start3A_265 : memref<10240x128xf32, #tpu.memory_space<hbm>>) target(%dma_start3A_260 : memref<32x128xf32, #tpu.memory_space<vmem>>) offsets(%dma_start3A_262 : memref<32xi32, #tpu.memory_space<vmem>>) semaphore(%arg29 : memref<!tpu.dma_semaphore, #tpu.memory_space<semaphore_mem>>)
          %dma_start3A_266 = arith.constant 32 : i32
          %dma_start3A_267 = arith.constant 0 : i32
          %dma_start3A_268 = tpu.memref_slice %arg14[%dma_start3A_266, %dma_start3A_267] : memref<128x128xf32, #tpu.memory_space<vmem>> -> memref<32x128xf32, #tpu.memory_space<vmem>>
          %dma_start3A_269 = arith.constant 32 : i32
          %dma_start3A_270 = tpu.memref_slice %arg17[%dma_start3A_269] : memref<128xi32, #tpu.memory_space<vmem>> -> memref<32xi32, #tpu.memory_space<vmem>>
          %dma_start3A_271 = arith.constant 0 : i32
          %dma_start3A_272 = arith.constant 0 : i32
          %dma_start3A_273 = tpu.memref_slice %arg4[%dma_start3A_271, %dma_start3A_272] : memref<10240x128xf32, #tpu.memory_space<hbm>> -> memref<10240x128xf32, #tpu.memory_space<hbm>>
          tpu.enqueue_indirect_dma source(%dma_start3A_273 : memref<10240x128xf32, #tpu.memory_space<hbm>>) target(%dma_start3A_268 : memref<32x128xf32, #tpu.memory_space<vmem>>) offsets(%dma_start3A_270 : memref<32xi32, #tpu.memory_space<vmem>>) semaphore(%arg30 : memref<!tpu.dma_semaphore, #tpu.memory_space<semaphore_mem>>)
          %dma_start3A_274 = arith.constant 64 : i32
          %dma_start3A_275 = arith.constant 0 : i32
          %dma_start3A_276 = tpu.memref_slice %arg14[%dma_start3A_274, %dma_start3A_275] : memref<128x128xf32, #tpu.memory_space<vmem>> -> memref<32x128xf32, #tpu.memory_space<vmem>>
          %dma_start3A_277 = arith.constant 64 : i32
          %dma_start3A_278 = tpu.memref_slice %arg17[%dma_start3A_277] : memref<128xi32, #tpu.memory_space<vmem>> -> memref<32xi32, #tpu.memory_space<vmem>>
          %dma_start3A_279 = arith.constant 0 : i32
          %dma_start3A_280 = arith.constant 0 : i32
          %dma_start3A_281 = tpu.memref_slice %arg4[%dma_start3A_279, %dma_start3A_280] : memref<10240x128xf32, #tpu.memory_space<hbm>> -> memref<10240x128xf32, #tpu.memory_space<hbm>>
          tpu.enqueue_indirect_dma source(%dma_start3A_281 : memref<10240x128xf32, #tpu.memory_space<hbm>>) target(%dma_start3A_276 : memref<32x128xf32, #tpu.memory_space<vmem>>) offsets(%dma_start3A_278 : memref<32xi32, #tpu.memory_space<vmem>>) semaphore(%arg31 : memref<!tpu.dma_semaphore, #tpu.memory_space<semaphore_mem>>)
          %dma_start3A_282 = arith.constant 96 : i32
          %dma_start3A_283 = arith.constant 0 : i32
          %dma_start3A_284 = tpu.memref_slice %arg14[%dma_start3A_282, %dma_start3A_283] : memref<128x128xf32, #tpu.memory_space<vmem>> -> memref<32x128xf32, #tpu.memory_space<vmem>>
          %dma_start3A_285 = arith.constant 96 : i32
          %dma_start3A_286 = tpu.memref_slice %arg17[%dma_start3A_285] : memref<128xi32, #tpu.memory_space<vmem>> -> memref<32xi32, #tpu.memory_space<vmem>>
          %dma_start3A_287 = arith.constant 0 : i32
          %dma_start3A_288 = arith.constant 0 : i32
          %dma_start3A_289 = tpu.memref_slice %arg4[%dma_start3A_287, %dma_start3A_288] : memref<10240x128xf32, #tpu.memory_space<hbm>> -> memref<10240x128xf32, #tpu.memory_space<hbm>>
          tpu.enqueue_indirect_dma source(%dma_start3A_289 : memref<10240x128xf32, #tpu.memory_space<hbm>>) target(%dma_start3A_284 : memref<32x128xf32, #tpu.memory_space<vmem>>) offsets(%dma_start3A_286 : memref<32xi32, #tpu.memory_space<vmem>>) semaphore(%arg32 : memref<!tpu.dma_semaphore, #tpu.memory_space<semaphore_mem>>)
        } else {
        }
        %mul3A_212 = arith.constant 3 : i32
        %mul3A_213 = arith.muli %scan3A_195, %mul3A_212 : i32
        %add3A_214 = arith.constant 1 : i32
        %add3A_215 = arith.addi %mul3A_213, %add3A_214 : i32
        %lt3A_216 = arith.constant 80 : i32
        %lt3A_217 = arith.cmpi slt, %add3A_215, %lt3A_216 : i32
        %convert_element_type3A_218 = arith.extui %lt3A_217 : i1 to i32
        %cond3A_219 = arith.constant 0 : i32
        %cond3A_220 = arith.cmpi ne, %convert_element_type3A_218, %cond3A_219 : i32
        scf.if %cond3A_220 {
          %dma_wait3A_245 = arith.constant 0 : i32
          %dma_wait3A_246 = tpu.memref_slice %arg3[%dma_wait3A_245] : memref<163840xi32, #tpu.memory_space<hbm>> -> memref<128xi32, #tpu.memory_space<hbm>>
          %dma_wait3A_247 = arith.constant 0 : i32
          %dma_wait3A_248 = tpu.memref_slice %arg3[%dma_wait3A_247] : memref<163840xi32, #tpu.memory_space<hbm>> -> memref<128xi32, #tpu.memory_space<hbm>>
          tpu.wait_dma2 semaphore(%arg27 : memref<!tpu.dma_semaphore, #tpu.memory_space<semaphore_mem>>) src(%dma_wait3A_248 : memref<128xi32, #tpu.memory_space<hbm>>) dst(%arg21 : memref<128xi32, #tpu.memory_space<vmem>>)
          %dma_wait3A_249 = arith.constant 0 : i32
          %dma_wait3A_250 = arith.constant 0 : i32
          %dma_wait3A_251 = tpu.memref_slice %arg15[%dma_wait3A_249, %dma_wait3A_250] : memref<128x128xf32, #tpu.memory_space<vmem>> -> memref<32x128xf32, #tpu.memory_space<vmem>>
          %dma_wait3A_252 = arith.constant 0 : i32
          %dma_wait3A_253 = arith.constant 0 : i32
          %dma_wait3A_254 = tpu.memref_slice %arg4[%dma_wait3A_252, %dma_wait3A_253] : memref<10240x128xf32, #tpu.memory_space<hbm>> -> memref<32x128xf32, #tpu.memory_space<hbm>>
          %dma_wait3A_255 = arith.constant 0 : i32
          %dma_wait3A_256 = arith.constant 0 : i32
          %dma_wait3A_257 = tpu.memref_slice %arg15[%dma_wait3A_255, %dma_wait3A_256] : memref<128x128xf32, #tpu.memory_space<vmem>> -> memref<32x128xf32, #tpu.memory_space<vmem>>
          %dma_wait3A_258 = arith.constant 0 : i32
          %dma_wait3A_259 = arith.constant 0 : i32
          %dma_wait3A_260 = tpu.memref_slice %arg4[%dma_wait3A_258, %dma_wait3A_259] : memref<10240x128xf32, #tpu.memory_space<hbm>> -> memref<32x128xf32, #tpu.memory_space<hbm>>
          tpu.wait_dma2 semaphore(%arg33 : memref<!tpu.dma_semaphore, #tpu.memory_space<semaphore_mem>>) src(%dma_wait3A_260 : memref<32x128xf32, #tpu.memory_space<hbm>>) dst(%dma_wait3A_257 : memref<32x128xf32, #tpu.memory_space<vmem>>)
          %dma_wait3A_261 = arith.constant 32 : i32
          %dma_wait3A_262 = arith.constant 0 : i32
          %dma_wait3A_263 = tpu.memref_slice %arg15[%dma_wait3A_261, %dma_wait3A_262] : memref<128x128xf32, #tpu.memory_space<vmem>> -> memref<32x128xf32, #tpu.memory_space<vmem>>
          %dma_wait3A_264 = arith.constant 0 : i32
          %dma_wait3A_265 = arith.constant 0 : i32
          %dma_wait3A_266 = tpu.memref_slice %arg4[%dma_wait3A_264, %dma_wait3A_265] : memref<10240x128xf32, #tpu.memory_space<hbm>> -> memref<32x128xf32, #tpu.memory_space<hbm>>
          %dma_wait3A_267 = arith.constant 32 : i32
          %dma_wait3A_268 = arith.constant 0 : i32
          %dma_wait3A_269 = tpu.memref_slice %arg15[%dma_wait3A_267, %dma_wait3A_268] : memref<128x128xf32, #tpu.memory_space<vmem>> -> memref<32x128xf32, #tpu.memory_space<vmem>>
          %dma_wait3A_270 = arith.constant 0 : i32
          %dma_wait3A_271 = arith.constant 0 : i32
          %dma_wait3A_272 = tpu.memref_slice %arg4[%dma_wait3A_270, %dma_wait3A_271] : memref<10240x128xf32, #tpu.memory_space<hbm>> -> memref<32x128xf32, #tpu.memory_space<hbm>>
          tpu.wait_dma2 semaphore(%arg34 : memref<!tpu.dma_semaphore, #tpu.memory_space<semaphore_mem>>) src(%dma_wait3A_272 : memref<32x128xf32, #tpu.memory_space<hbm>>) dst(%dma_wait3A_269 : memref<32x128xf32, #tpu.memory_space<vmem>>)
          %dma_wait3A_273 = arith.constant 64 : i32
          %dma_wait3A_274 = arith.constant 0 : i32
          %dma_wait3A_275 = tpu.memref_slice %arg15[%dma_wait3A_273, %dma_wait3A_274] : memref<128x128xf32, #tpu.memory_space<vmem>> -> memref<32x128xf32, #tpu.memory_space<vmem>>
          %dma_wait3A_276 = arith.constant 0 : i32
          %dma_wait3A_277 = arith.constant 0 : i32
          %dma_wait3A_278 = tpu.memref_slice %arg4[%dma_wait3A_276, %dma_wait3A_277] : memref<10240x128xf32, #tpu.memory_space<hbm>> -> memref<32x128xf32, #tpu.memory_space<hbm>>
          %dma_wait3A_279 = arith.constant 64 : i32
          %dma_wait3A_280 = arith.constant 0 : i32
          %dma_wait3A_281 = tpu.memref_slice %arg15[%dma_wait3A_279, %dma_wait3A_280] : memref<128x128xf32, #tpu.memory_space<vmem>> -> memref<32x128xf32, #tpu.memory_space<vmem>>
          %dma_wait3A_282 = arith.constant 0 : i32
          %dma_wait3A_283 = arith.constant 0 : i32
          %dma_wait3A_284 = tpu.memref_slice %arg4[%dma_wait3A_282, %dma_wait3A_283] : memref<10240x128xf32, #tpu.memory_space<hbm>> -> memref<32x128xf32, #tpu.memory_space<hbm>>
          tpu.wait_dma2 semaphore(%arg35 : memref<!tpu.dma_semaphore, #tpu.memory_space<semaphore_mem>>) src(%dma_wait3A_284 : memref<32x128xf32, #tpu.memory_space<hbm>>) dst(%dma_wait3A_281 : memref<32x128xf32, #tpu.memory_space<vmem>>)
          %dma_wait3A_285 = arith.constant 96 : i32
          %dma_wait3A_286 = arith.constant 0 : i32
          %dma_wait3A_287 = tpu.memref_slice %arg15[%dma_wait3A_285, %dma_wait3A_286] : memref<128x128xf32, #tpu.memory_space<vmem>> -> memref<32x128xf32, #tpu.memory_space<vmem>>
          %dma_wait3A_288 = arith.constant 0 : i32
          %dma_wait3A_289 = arith.constant 0 : i32
          %dma_wait3A_290 = tpu.memref_slice %arg4[%dma_wait3A_288, %dma_wait3A_289] : memref<10240x128xf32, #tpu.memory_space<hbm>> -> memref<32x128xf32, #tpu.memory_space<hbm>>
          %dma_wait3A_291 = arith.constant 96 : i32
          %dma_wait3A_292 = arith.constant 0 : i32
          %dma_wait3A_293 = tpu.memref_slice %arg15[%dma_wait3A_291, %dma_wait3A_292] : memref<128x128xf32, #tpu.memory_space<vmem>> -> memref<32x128xf32, #tpu.memory_space<vmem>>
          %dma_wait3A_294 = arith.constant 0 : i32
          %dma_wait3A_295 = arith.constant 0 : i32
          %dma_wait3A_296 = tpu.memref_slice %arg4[%dma_wait3A_294, %dma_wait3A_295] : memref<10240x128xf32, #tpu.memory_space<hbm>> -> memref<32x128xf32, #tpu.memory_space<hbm>>
          tpu.wait_dma2 semaphore(%arg36 : memref<!tpu.dma_semaphore, #tpu.memory_space<semaphore_mem>>) src(%dma_wait3A_296 : memref<32x128xf32, #tpu.memory_space<hbm>>) dst(%dma_wait3A_293 : memref<32x128xf32, #tpu.memory_space<vmem>>)
          %add3A_297 = arith.constant 3 : i32
          %add3A_298 = arith.addi %add3A_215, %add3A_297 : i32
          %lt3A_299 = arith.constant 80 : i32
          %lt3A_300 = arith.cmpi slt, %add3A_298, %lt3A_299 : i32
          %convert_element_type3A_301 = arith.extui %lt3A_300 : i1 to i32
          %cond3A_302 = arith.constant 0 : i32
          %cond3A_303 = arith.cmpi ne, %convert_element_type3A_301, %cond3A_302 : i32
          scf.if %cond3A_303 {
            %mul3A_304 = arith.constant 10240 : i32
            %mul3A_305 = arith.muli %arg1, %mul3A_304 : i32
            %add3A_306 = arith.constant 3 : i32
            %add3A_307 = arith.addi %add3A_215, %add3A_306 : i32
            %mul3A_308 = arith.constant 128 : i32
            %mul3A_309 = arith.muli %add3A_307, %mul3A_308 : i32
            %add3A_310 = arith.addi %mul3A_305, %mul3A_309 : i32
            %dma_start3A_311 = tpu.memref_slice %arg2[%add3A_310] : memref<163840xi32, #tpu.memory_space<hbm>> -> memref<128xi32, #tpu.memory_space<hbm>>
            %dma_start3A_312 = tpu.memref_slice %arg2[%add3A_310] : memref<163840xi32, #tpu.memory_space<hbm>> -> memref<128xi32, #tpu.memory_space<hbm>>
            tpu.enqueue_dma source(%dma_start3A_312 : memref<128xi32, #tpu.memory_space<hbm>>) target(%arg18 : memref<128xi32, #tpu.memory_space<vmem>>) target_semaphore(%arg24 : memref<!tpu.dma_semaphore, #tpu.memory_space<semaphore_mem>>)
          } else {
          }
          "tpu.region"() ({
            %run_scoped3A = tpu.sem_alloc : memref<!tpu.dma_semaphore, #tpu.memory_space<semaphore_mem>>
            %dma_start3A_304 = arith.constant 0 : i32
            %dma_start3A_305 = arith.constant 0 : i32
            %dma_start3A_306 = tpu.memref_slice %arg13[%dma_start3A_304, %dma_start3A_305] : memref<10112x128xf32, #tpu.memory_space<vmem_shared>> -> memref<10112x128xf32, #tpu.memory_space<vmem_shared>>
            tpu.enqueue_indirect_dma source(%arg15 : memref<128x128xf32, #tpu.memory_space<vmem>>) target(%dma_start3A_306 : memref<10112x128xf32, #tpu.memory_space<vmem_shared>>) offsets(%arg21 : memref<128xi32, #tpu.memory_space<vmem>>) semaphore(%run_scoped3A : memref<!tpu.dma_semaphore, #tpu.memory_space<semaphore_mem>>) {add = true}
            %dma_wait3A_307 = arith.constant 0 : i32
            %dma_wait3A_308 = arith.constant 0 : i32
            %dma_wait3A_309 = tpu.memref_slice %arg13[%dma_wait3A_307, %dma_wait3A_308] : memref<10112x128xf32, #tpu.memory_space<vmem_shared>> -> memref<10112x128xf32, #tpu.memory_space<vmem_shared>>
            tpu.wait_indirect_dma semaphore(%run_scoped3A : memref<!tpu.dma_semaphore, #tpu.memory_space<semaphore_mem>>) src(%arg15 : memref<128x128xf32, #tpu.memory_space<vmem>>) dst(%dma_wait3A_309 : memref<10112x128xf32, #tpu.memory_space<vmem_shared>>)
            tpu.yield
          }) : () -> ()
        } else {
        }
        %add3A_221 = arith.constant 3 : i32
        %add3A_222 = arith.addi %add3A_215, %add3A_221 : i32
        %lt3A_223 = arith.constant 80 : i32
        %lt3A_224 = arith.cmpi slt, %add3A_222, %lt3A_223 : i32
        %convert_element_type3A_225 = arith.extui %lt3A_224 : i1 to i32
        %cond3A_226 = arith.constant 0 : i32
        %cond3A_227 = arith.cmpi ne, %convert_element_type3A_225, %cond3A_226 : i32
        scf.if %cond3A_227 {
          %mul3A_245 = arith.constant 10240 : i32
          %mul3A_246 = arith.muli %arg1, %mul3A_245 : i32
          %add3A_247 = arith.constant 3 : i32
          %add3A_248 = arith.addi %add3A_215, %add3A_247 : i32
          %mul3A_249 = arith.constant 128 : i32
          %mul3A_250 = arith.muli %add3A_248, %mul3A_249 : i32
          %add3A_251 = arith.addi %mul3A_246, %mul3A_250 : i32
          %dma_start3A_252 = tpu.memref_slice %arg3[%add3A_251] : memref<163840xi32, #tpu.memory_space<hbm>> -> memref<128xi32, #tpu.memory_space<hbm>>
          %dma_start3A_253 = tpu.memref_slice %arg3[%add3A_251] : memref<163840xi32, #tpu.memory_space<hbm>> -> memref<128xi32, #tpu.memory_space<hbm>>
          tpu.enqueue_dma source(%dma_start3A_253 : memref<128xi32, #tpu.memory_space<hbm>>) target(%arg21 : memref<128xi32, #tpu.memory_space<vmem>>) target_semaphore(%arg27 : memref<!tpu.dma_semaphore, #tpu.memory_space<semaphore_mem>>)
          %dma_wait3A_254 = arith.constant 0 : i32
          %dma_wait3A_255 = tpu.memref_slice %arg2[%dma_wait3A_254] : memref<163840xi32, #tpu.memory_space<hbm>> -> memref<128xi32, #tpu.memory_space<hbm>>
          %dma_wait3A_256 = arith.constant 0 : i32
          %dma_wait3A_257 = tpu.memref_slice %arg2[%dma_wait3A_256] : memref<163840xi32, #tpu.memory_space<hbm>> -> memref<128xi32, #tpu.memory_space<hbm>>
          tpu.wait_dma2 semaphore(%arg24 : memref<!tpu.dma_semaphore, #tpu.memory_space<semaphore_mem>>) src(%dma_wait3A_257 : memref<128xi32, #tpu.memory_space<hbm>>) dst(%arg18 : memref<128xi32, #tpu.memory_space<vmem>>)
          %dma_start3A_258 = arith.constant 0 : i32
          %dma_start3A_259 = arith.constant 0 : i32
          %dma_start3A_260 = tpu.memref_slice %arg15[%dma_start3A_258, %dma_start3A_259] : memref<128x128xf32, #tpu.memory_space<vmem>> -> memref<32x128xf32, #tpu.memory_space<vmem>>
          %dma_start3A_261 = arith.constant 0 : i32
          %dma_start3A_262 = tpu.memref_slice %arg18[%dma_start3A_261] : memref<128xi32, #tpu.memory_space<vmem>> -> memref<32xi32, #tpu.memory_space<vmem>>
          %dma_start3A_263 = arith.constant 0 : i32
          %dma_start3A_264 = arith.constant 0 : i32
          %dma_start3A_265 = tpu.memref_slice %arg4[%dma_start3A_263, %dma_start3A_264] : memref<10240x128xf32, #tpu.memory_space<hbm>> -> memref<10240x128xf32, #tpu.memory_space<hbm>>
          tpu.enqueue_indirect_dma source(%dma_start3A_265 : memref<10240x128xf32, #tpu.memory_space<hbm>>) target(%dma_start3A_260 : memref<32x128xf32, #tpu.memory_space<vmem>>) offsets(%dma_start3A_262 : memref<32xi32, #tpu.memory_space<vmem>>) semaphore(%arg33 : memref<!tpu.dma_semaphore, #tpu.memory_space<semaphore_mem>>)
          %dma_start3A_266 = arith.constant 32 : i32
          %dma_start3A_267 = arith.constant 0 : i32
          %dma_start3A_268 = tpu.memref_slice %arg15[%dma_start3A_266, %dma_start3A_267] : memref<128x128xf32, #tpu.memory_space<vmem>> -> memref<32x128xf32, #tpu.memory_space<vmem>>
          %dma_start3A_269 = arith.constant 32 : i32
          %dma_start3A_270 = tpu.memref_slice %arg18[%dma_start3A_269] : memref<128xi32, #tpu.memory_space<vmem>> -> memref<32xi32, #tpu.memory_space<vmem>>
          %dma_start3A_271 = arith.constant 0 : i32
          %dma_start3A_272 = arith.constant 0 : i32
          %dma_start3A_273 = tpu.memref_slice %arg4[%dma_start3A_271, %dma_start3A_272] : memref<10240x128xf32, #tpu.memory_space<hbm>> -> memref<10240x128xf32, #tpu.memory_space<hbm>>
          tpu.enqueue_indirect_dma source(%dma_start3A_273 : memref<10240x128xf32, #tpu.memory_space<hbm>>) target(%dma_start3A_268 : memref<32x128xf32, #tpu.memory_space<vmem>>) offsets(%dma_start3A_270 : memref<32xi32, #tpu.memory_space<vmem>>) semaphore(%arg34 : memref<!tpu.dma_semaphore, #tpu.memory_space<semaphore_mem>>)
          %dma_start3A_274 = arith.constant 64 : i32
          %dma_start3A_275 = arith.constant 0 : i32
          %dma_start3A_276 = tpu.memref_slice %arg15[%dma_start3A_274, %dma_start3A_275] : memref<128x128xf32, #tpu.memory_space<vmem>> -> memref<32x128xf32, #tpu.memory_space<vmem>>
          %dma_start3A_277 = arith.constant 64 : i32
          %dma_start3A_278 = tpu.memref_slice %arg18[%dma_start3A_277] : memref<128xi32, #tpu.memory_space<vmem>> -> memref<32xi32, #tpu.memory_space<vmem>>
          %dma_start3A_279 = arith.constant 0 : i32
          %dma_start3A_280 = arith.constant 0 : i32
          %dma_start3A_281 = tpu.memref_slice %arg4[%dma_start3A_279, %dma_start3A_280] : memref<10240x128xf32, #tpu.memory_space<hbm>> -> memref<10240x128xf32, #tpu.memory_space<hbm>>
          tpu.enqueue_indirect_dma source(%dma_start3A_281 : memref<10240x128xf32, #tpu.memory_space<hbm>>) target(%dma_start3A_276 : memref<32x128xf32, #tpu.memory_space<vmem>>) offsets(%dma_start3A_278 : memref<32xi32, #tpu.memory_space<vmem>>) semaphore(%arg35 : memref<!tpu.dma_semaphore, #tpu.memory_space<semaphore_mem>>)
          %dma_start3A_282 = arith.constant 96 : i32
          %dma_start3A_283 = arith.constant 0 : i32
          %dma_start3A_284 = tpu.memref_slice %arg15[%dma_start3A_282, %dma_start3A_283] : memref<128x128xf32, #tpu.memory_space<vmem>> -> memref<32x128xf32, #tpu.memory_space<vmem>>
          %dma_start3A_285 = arith.constant 96 : i32
          %dma_start3A_286 = tpu.memref_slice %arg18[%dma_start3A_285] : memref<128xi32, #tpu.memory_space<vmem>> -> memref<32xi32, #tpu.memory_space<vmem>>
          %dma_start3A_287 = arith.constant 0 : i32
          %dma_start3A_288 = arith.constant 0 : i32
          %dma_start3A_289 = tpu.memref_slice %arg4[%dma_start3A_287, %dma_start3A_288] : memref<10240x128xf32, #tpu.memory_space<hbm>> -> memref<10240x128xf32, #tpu.memory_space<hbm>>
          tpu.enqueue_indirect_dma source(%dma_start3A_289 : memref<10240x128xf32, #tpu.memory_space<hbm>>) target(%dma_start3A_284 : memref<32x128xf32, #tpu.memory_space<vmem>>) offsets(%dma_start3A_286 : memref<32xi32, #tpu.memory_space<vmem>>) semaphore(%arg36 : memref<!tpu.dma_semaphore, #tpu.memory_space<semaphore_mem>>)
        } else {
        }
        %mul3A_228 = arith.constant 3 : i32
        %mul3A_229 = arith.muli %scan3A_195, %mul3A_228 : i32
        %add3A_230 = arith.constant 2 : i32
        %add3A_231 = arith.addi %mul3A_229, %add3A_230 : i32
        %lt3A_232 = arith.constant 80 : i32
        %lt3A_233 = arith.cmpi slt, %add3A_231, %lt3A_232 : i32
        %convert_element_type3A_234 = arith.extui %lt3A_233 : i1 to i32
        %cond3A_235 = arith.constant 0 : i32
        %cond3A_236 = arith.cmpi ne, %convert_element_type3A_234, %cond3A_235 : i32
        scf.if %cond3A_236 {
          %dma_wait3A_245 = arith.constant 0 : i32
          %dma_wait3A_246 = tpu.memref_slice %arg3[%dma_wait3A_245] : memref<163840xi32, #tpu.memory_space<hbm>> -> memref<128xi32, #tpu.memory_space<hbm>>
          %dma_wait3A_247 = arith.constant 0 : i32
          %dma_wait3A_248 = tpu.memref_slice %arg3[%dma_wait3A_247] : memref<163840xi32, #tpu.memory_space<hbm>> -> memref<128xi32, #tpu.memory_space<hbm>>
          tpu.wait_dma2 semaphore(%arg28 : memref<!tpu.dma_semaphore, #tpu.memory_space<semaphore_mem>>) src(%dma_wait3A_248 : memref<128xi32, #tpu.memory_space<hbm>>) dst(%arg22 : memref<128xi32, #tpu.memory_space<vmem>>)
          %dma_wait3A_249 = arith.constant 0 : i32
          %dma_wait3A_250 = arith.constant 0 : i32
          %dma_wait3A_251 = tpu.memref_slice %arg16[%dma_wait3A_249, %dma_wait3A_250] : memref<128x128xf32, #tpu.memory_space<vmem>> -> memref<32x128xf32, #tpu.memory_space<vmem>>
          %dma_wait3A_252 = arith.constant 0 : i32
          %dma_wait3A_253 = arith.constant 0 : i32
          %dma_wait3A_254 = tpu.memref_slice %arg4[%dma_wait3A_252, %dma_wait3A_253] : memref<10240x128xf32, #tpu.memory_space<hbm>> -> memref<32x128xf32, #tpu.memory_space<hbm>>
          %dma_wait3A_255 = arith.constant 0 : i32
          %dma_wait3A_256 = arith.constant 0 : i32
          %dma_wait3A_257 = tpu.memref_slice %arg16[%dma_wait3A_255, %dma_wait3A_256] : memref<128x128xf32, #tpu.memory_space<vmem>> -> memref<32x128xf32, #tpu.memory_space<vmem>>
          %dma_wait3A_258 = arith.constant 0 : i32
          %dma_wait3A_259 = arith.constant 0 : i32
          %dma_wait3A_260 = tpu.memref_slice %arg4[%dma_wait3A_258, %dma_wait3A_259] : memref<10240x128xf32, #tpu.memory_space<hbm>> -> memref<32x128xf32, #tpu.memory_space<hbm>>
          tpu.wait_dma2 semaphore(%arg37 : memref<!tpu.dma_semaphore, #tpu.memory_space<semaphore_mem>>) src(%dma_wait3A_260 : memref<32x128xf32, #tpu.memory_space<hbm>>) dst(%dma_wait3A_257 : memref<32x128xf32, #tpu.memory_space<vmem>>)
          %dma_wait3A_261 = arith.constant 32 : i32
          %dma_wait3A_262 = arith.constant 0 : i32
          %dma_wait3A_263 = tpu.memref_slice %arg16[%dma_wait3A_261, %dma_wait3A_262] : memref<128x128xf32, #tpu.memory_space<vmem>> -> memref<32x128xf32, #tpu.memory_space<vmem>>
          %dma_wait3A_264 = arith.constant 0 : i32
          %dma_wait3A_265 = arith.constant 0 : i32
          %dma_wait3A_266 = tpu.memref_slice %arg4[%dma_wait3A_264, %dma_wait3A_265] : memref<10240x128xf32, #tpu.memory_space<hbm>> -> memref<32x128xf32, #tpu.memory_space<hbm>>
          %dma_wait3A_267 = arith.constant 32 : i32
          %dma_wait3A_268 = arith.constant 0 : i32
          %dma_wait3A_269 = tpu.memref_slice %arg16[%dma_wait3A_267, %dma_wait3A_268] : memref<128x128xf32, #tpu.memory_space<vmem>> -> memref<32x128xf32, #tpu.memory_space<vmem>>
          %dma_wait3A_270 = arith.constant 0 : i32
          %dma_wait3A_271 = arith.constant 0 : i32
          %dma_wait3A_272 = tpu.memref_slice %arg4[%dma_wait3A_270, %dma_wait3A_271] : memref<10240x128xf32, #tpu.memory_space<hbm>> -> memref<32x128xf32, #tpu.memory_space<hbm>>
          tpu.wait_dma2 semaphore(%arg38 : memref<!tpu.dma_semaphore, #tpu.memory_space<semaphore_mem>>) src(%dma_wait3A_272 : memref<32x128xf32, #tpu.memory_space<hbm>>) dst(%dma_wait3A_269 : memref<32x128xf32, #tpu.memory_space<vmem>>)
          %dma_wait3A_273 = arith.constant 64 : i32
          %dma_wait3A_274 = arith.constant 0 : i32
          %dma_wait3A_275 = tpu.memref_slice %arg16[%dma_wait3A_273, %dma_wait3A_274] : memref<128x128xf32, #tpu.memory_space<vmem>> -> memref<32x128xf32, #tpu.memory_space<vmem>>
          %dma_wait3A_276 = arith.constant 0 : i32
          %dma_wait3A_277 = arith.constant 0 : i32
          %dma_wait3A_278 = tpu.memref_slice %arg4[%dma_wait3A_276, %dma_wait3A_277] : memref<10240x128xf32, #tpu.memory_space<hbm>> -> memref<32x128xf32, #tpu.memory_space<hbm>>
          %dma_wait3A_279 = arith.constant 64 : i32
          %dma_wait3A_280 = arith.constant 0 : i32
          %dma_wait3A_281 = tpu.memref_slice %arg16[%dma_wait3A_279, %dma_wait3A_280] : memref<128x128xf32, #tpu.memory_space<vmem>> -> memref<32x128xf32, #tpu.memory_space<vmem>>
          %dma_wait3A_282 = arith.constant 0 : i32
          %dma_wait3A_283 = arith.constant 0 : i32
          %dma_wait3A_284 = tpu.memref_slice %arg4[%dma_wait3A_282, %dma_wait3A_283] : memref<10240x128xf32, #tpu.memory_space<hbm>> -> memref<32x128xf32, #tpu.memory_space<hbm>>
          tpu.wait_dma2 semaphore(%arg39 : memref<!tpu.dma_semaphore, #tpu.memory_space<semaphore_mem>>) src(%dma_wait3A_284 : memref<32x128xf32, #tpu.memory_space<hbm>>) dst(%dma_wait3A_281 : memref<32x128xf32, #tpu.memory_space<vmem>>)
          %dma_wait3A_285 = arith.constant 96 : i32
          %dma_wait3A_286 = arith.constant 0 : i32
          %dma_wait3A_287 = tpu.memref_slice %arg16[%dma_wait3A_285, %dma_wait3A_286] : memref<128x128xf32, #tpu.memory_space<vmem>> -> memref<32x128xf32, #tpu.memory_space<vmem>>
          %dma_wait3A_288 = arith.constant 0 : i32
          %dma_wait3A_289 = arith.constant 0 : i32
          %dma_wait3A_290 = tpu.memref_slice %arg4[%dma_wait3A_288, %dma_wait3A_289] : memref<10240x128xf32, #tpu.memory_space<hbm>> -> memref<32x128xf32, #tpu.memory_space<hbm>>
          %dma_wait3A_291 = arith.constant 96 : i32
          %dma_wait3A_292 = arith.constant 0 : i32
          %dma_wait3A_293 = tpu.memref_slice %arg16[%dma_wait3A_291, %dma_wait3A_292] : memref<128x128xf32, #tpu.memory_space<vmem>> -> memref<32x128xf32, #tpu.memory_space<vmem>>
          %dma_wait3A_294 = arith.constant 0 : i32
          %dma_wait3A_295 = arith.constant 0 : i32
          %dma_wait3A_296 = tpu.memref_slice %arg4[%dma_wait3A_294, %dma_wait3A_295] : memref<10240x128xf32, #tpu.memory_space<hbm>> -> memref<32x128xf32, #tpu.memory_space<hbm>>
          tpu.wait_dma2 semaphore(%arg40 : memref<!tpu.dma_semaphore, #tpu.memory_space<semaphore_mem>>) src(%dma_wait3A_296 : memref<32x128xf32, #tpu.memory_space<hbm>>) dst(%dma_wait3A_293 : memref<32x128xf32, #tpu.memory_space<vmem>>)
          %add3A_297 = arith.constant 3 : i32
          %add3A_298 = arith.addi %add3A_231, %add3A_297 : i32
          %lt3A_299 = arith.constant 80 : i32
          %lt3A_300 = arith.cmpi slt, %add3A_298, %lt3A_299 : i32
          %convert_element_type3A_301 = arith.extui %lt3A_300 : i1 to i32
          %cond3A_302 = arith.constant 0 : i32
          %cond3A_303 = arith.cmpi ne, %convert_element_type3A_301, %cond3A_302 : i32
          scf.if %cond3A_303 {
            %mul3A_304 = arith.constant 10240 : i32
            %mul3A_305 = arith.muli %arg1, %mul3A_304 : i32
            %add3A_306 = arith.constant 3 : i32
            %add3A_307 = arith.addi %add3A_231, %add3A_306 : i32
            %mul3A_308 = arith.constant 128 : i32
            %mul3A_309 = arith.muli %add3A_307, %mul3A_308 : i32
            %add3A_310 = arith.addi %mul3A_305, %mul3A_309 : i32
            %dma_start3A_311 = tpu.memref_slice %arg2[%add3A_310] : memref<163840xi32, #tpu.memory_space<hbm>> -> memref<128xi32, #tpu.memory_space<hbm>>
            %dma_start3A_312 = tpu.memref_slice %arg2[%add3A_310] : memref<163840xi32, #tpu.memory_space<hbm>> -> memref<128xi32, #tpu.memory_space<hbm>>
            tpu.enqueue_dma source(%dma_start3A_312 : memref<128xi32, #tpu.memory_space<hbm>>) target(%arg19 : memref<128xi32, #tpu.memory_space<vmem>>) target_semaphore(%arg25 : memref<!tpu.dma_semaphore, #tpu.memory_space<semaphore_mem>>)
          } else {
          }
          "tpu.region"() ({
            %run_scoped3A = tpu.sem_alloc : memref<!tpu.dma_semaphore, #tpu.memory_space<semaphore_mem>>
            %dma_start3A_304 = arith.constant 0 : i32
            %dma_start3A_305 = arith.constant 0 : i32
            %dma_start3A_306 = tpu.memref_slice %arg13[%dma_start3A_304, %dma_start3A_305] : memref<10112x128xf32, #tpu.memory_space<vmem_shared>> -> memref<10112x128xf32, #tpu.memory_space<vmem_shared>>
            tpu.enqueue_indirect_dma source(%arg16 : memref<128x128xf32, #tpu.memory_space<vmem>>) target(%dma_start3A_306 : memref<10112x128xf32, #tpu.memory_space<vmem_shared>>) offsets(%arg22 : memref<128xi32, #tpu.memory_space<vmem>>) semaphore(%run_scoped3A : memref<!tpu.dma_semaphore, #tpu.memory_space<semaphore_mem>>) {add = true}
            %dma_wait3A_307 = arith.constant 0 : i32
            %dma_wait3A_308 = arith.constant 0 : i32
            %dma_wait3A_309 = tpu.memref_slice %arg13[%dma_wait3A_307, %dma_wait3A_308] : memref<10112x128xf32, #tpu.memory_space<vmem_shared>> -> memref<10112x128xf32, #tpu.memory_space<vmem_shared>>
            tpu.wait_indirect_dma semaphore(%run_scoped3A : memref<!tpu.dma_semaphore, #tpu.memory_space<semaphore_mem>>) src(%arg16 : memref<128x128xf32, #tpu.memory_space<vmem>>) dst(%dma_wait3A_309 : memref<10112x128xf32, #tpu.memory_space<vmem_shared>>)
            tpu.yield
          }) : () -> ()
        } else {
        }
        %add3A_237 = arith.constant 3 : i32
        %add3A_238 = arith.addi %add3A_231, %add3A_237 : i32
        %lt3A_239 = arith.constant 80 : i32
        %lt3A_240 = arith.cmpi slt, %add3A_238, %lt3A_239 : i32
        %convert_element_type3A_241 = arith.extui %lt3A_240 : i1 to i32
        %cond3A_242 = arith.constant 0 : i32
        %cond3A_243 = arith.cmpi ne, %convert_element_type3A_241, %cond3A_242 : i32
        scf.if %cond3A_243 {
          %mul3A_245 = arith.constant 10240 : i32
          %mul3A_246 = arith.muli %arg1, %mul3A_245 : i32
          %add3A_247 = arith.constant 3 : i32
          %add3A_248 = arith.addi %add3A_231, %add3A_247 : i32
          %mul3A_249 = arith.constant 128 : i32
          %mul3A_250 = arith.muli %add3A_248, %mul3A_249 : i32
          %add3A_251 = arith.addi %mul3A_246, %mul3A_250 : i32
          %dma_start3A_252 = tpu.memref_slice %arg3[%add3A_251] : memref<163840xi32, #tpu.memory_space<hbm>> -> memref<128xi32, #tpu.memory_space<hbm>>
          %dma_start3A_253 = tpu.memref_slice %arg3[%add3A_251] : memref<163840xi32, #tpu.memory_space<hbm>> -> memref<128xi32, #tpu.memory_space<hbm>>
          tpu.enqueue_dma source(%dma_start3A_253 : memref<128xi32, #tpu.memory_space<hbm>>) target(%arg22 : memref<128xi32, #tpu.memory_space<vmem>>) target_semaphore(%arg28 : memref<!tpu.dma_semaphore, #tpu.memory_space<semaphore_mem>>)
          %dma_wait3A_254 = arith.constant 0 : i32
          %dma_wait3A_255 = tpu.memref_slice %arg2[%dma_wait3A_254] : memref<163840xi32, #tpu.memory_space<hbm>> -> memref<128xi32, #tpu.memory_space<hbm>>
          %dma_wait3A_256 = arith.constant 0 : i32
          %dma_wait3A_257 = tpu.memref_slice %arg2[%dma_wait3A_256] : memref<163840xi32, #tpu.memory_space<hbm>> -> memref<128xi32, #tpu.memory_space<hbm>>
          tpu.wait_dma2 semaphore(%arg25 : memref<!tpu.dma_semaphore, #tpu.memory_space<semaphore_mem>>) src(%dma_wait3A_257 : memref<128xi32, #tpu.memory_space<hbm>>) dst(%arg19 : memref<128xi32, #tpu.memory_space<vmem>>)
          %dma_start3A_258 = arith.constant 0 : i32
          %dma_start3A_259 = arith.constant 0 : i32
          %dma_start3A_260 = tpu.memref_slice %arg16[%dma_start3A_258, %dma_start3A_259] : memref<128x128xf32, #tpu.memory_space<vmem>> -> memref<32x128xf32, #tpu.memory_space<vmem>>
          %dma_start3A_261 = arith.constant 0 : i32
          %dma_start3A_262 = tpu.memref_slice %arg19[%dma_start3A_261] : memref<128xi32, #tpu.memory_space<vmem>> -> memref<32xi32, #tpu.memory_space<vmem>>
          %dma_start3A_263 = arith.constant 0 : i32
          %dma_start3A_264 = arith.constant 0 : i32
          %dma_start3A_265 = tpu.memref_slice %arg4[%dma_start3A_263, %dma_start3A_264] : memref<10240x128xf32, #tpu.memory_space<hbm>> -> memref<10240x128xf32, #tpu.memory_space<hbm>>
          tpu.enqueue_indirect_dma source(%dma_start3A_265 : memref<10240x128xf32, #tpu.memory_space<hbm>>) target(%dma_start3A_260 : memref<32x128xf32, #tpu.memory_space<vmem>>) offsets(%dma_start3A_262 : memref<32xi32, #tpu.memory_space<vmem>>) semaphore(%arg37 : memref<!tpu.dma_semaphore, #tpu.memory_space<semaphore_mem>>)
          %dma_start3A_266 = arith.constant 32 : i32
          %dma_start3A_267 = arith.constant 0 : i32
          %dma_start3A_268 = tpu.memref_slice %arg16[%dma_start3A_266, %dma_start3A_267] : memref<128x128xf32, #tpu.memory_space<vmem>> -> memref<32x128xf32, #tpu.memory_space<vmem>>
          %dma_start3A_269 = arith.constant 32 : i32
          %dma_start3A_270 = tpu.memref_slice %arg19[%dma_start3A_269] : memref<128xi32, #tpu.memory_space<vmem>> -> memref<32xi32, #tpu.memory_space<vmem>>
          %dma_start3A_271 = arith.constant 0 : i32
          %dma_start3A_272 = arith.constant 0 : i32
          %dma_start3A_273 = tpu.memref_slice %arg4[%dma_start3A_271, %dma_start3A_272] : memref<10240x128xf32, #tpu.memory_space<hbm>> -> memref<10240x128xf32, #tpu.memory_space<hbm>>
          tpu.enqueue_indirect_dma source(%dma_start3A_273 : memref<10240x128xf32, #tpu.memory_space<hbm>>) target(%dma_start3A_268 : memref<32x128xf32, #tpu.memory_space<vmem>>) offsets(%dma_start3A_270 : memref<32xi32, #tpu.memory_space<vmem>>) semaphore(%arg38 : memref<!tpu.dma_semaphore, #tpu.memory_space<semaphore_mem>>)
          %dma_start3A_274 = arith.constant 64 : i32
          %dma_start3A_275 = arith.constant 0 : i32
          %dma_start3A_276 = tpu.memref_slice %arg16[%dma_start3A_274, %dma_start3A_275] : memref<128x128xf32, #tpu.memory_space<vmem>> -> memref<32x128xf32, #tpu.memory_space<vmem>>
          %dma_start3A_277 = arith.constant 64 : i32
          %dma_start3A_278 = tpu.memref_slice %arg19[%dma_start3A_277] : memref<128xi32, #tpu.memory_space<vmem>> -> memref<32xi32, #tpu.memory_space<vmem>>
          %dma_start3A_279 = arith.constant 0 : i32
          %dma_start3A_280 = arith.constant 0 : i32
          %dma_start3A_281 = tpu.memref_slice %arg4[%dma_start3A_279, %dma_start3A_280] : memref<10240x128xf32, #tpu.memory_space<hbm>> -> memref<10240x128xf32, #tpu.memory_space<hbm>>
          tpu.enqueue_indirect_dma source(%dma_start3A_281 : memref<10240x128xf32, #tpu.memory_space<hbm>>) target(%dma_start3A_276 : memref<32x128xf32, #tpu.memory_space<vmem>>) offsets(%dma_start3A_278 : memref<32xi32, #tpu.memory_space<vmem>>) semaphore(%arg39 : memref<!tpu.dma_semaphore, #tpu.memory_space<semaphore_mem>>)
          %dma_start3A_282 = arith.constant 96 : i32
          %dma_start3A_283 = arith.constant 0 : i32
          %dma_start3A_284 = tpu.memref_slice %arg16[%dma_start3A_282, %dma_start3A_283] : memref<128x128xf32, #tpu.memory_space<vmem>> -> memref<32x128xf32, #tpu.memory_space<vmem>>
          %dma_start3A_285 = arith.constant 96 : i32
          %dma_start3A_286 = tpu.memref_slice %arg19[%dma_start3A_285] : memref<128xi32, #tpu.memory_space<vmem>> -> memref<32xi32, #tpu.memory_space<vmem>>
          %dma_start3A_287 = arith.constant 0 : i32
          %dma_start3A_288 = arith.constant 0 : i32
          %dma_start3A_289 = tpu.memref_slice %arg4[%dma_start3A_287, %dma_start3A_288] : memref<10240x128xf32, #tpu.memory_space<hbm>> -> memref<10240x128xf32, #tpu.memory_space<hbm>>
          tpu.enqueue_indirect_dma source(%dma_start3A_289 : memref<10240x128xf32, #tpu.memory_space<hbm>>) target(%dma_start3A_284 : memref<32x128xf32, #tpu.memory_space<vmem>>) offsets(%dma_start3A_286 : memref<32xi32, #tpu.memory_space<vmem>>) semaphore(%arg40 : memref<!tpu.dma_semaphore, #tpu.memory_space<semaphore_mem>>)
        } else {
        }
        %scan3A_244 = arith.constant 0 : i32
        scf.yield %scan3A_244 : i32
      }
      %scan3A_194 = arith.constant 27 : i32
    } else {
    }
    %eq3A_8 = arith.constant 1 : i32
    %eq3A_9 = arith.cmpi eq, %arg0, %eq3A_8 : i32
    %convert_element_type3A_10 = arith.extui %eq3A_9 : i1 to i32
    %cond3A_11 = arith.constant 0 : i32
    %cond3A_12 = arith.cmpi ne, %convert_element_type3A_10, %cond3A_11 : i32
    scf.if %cond3A_12 {
      %eq3A_55 = arith.constant 15 : i32
      %eq3A_56 = arith.cmpi eq, %arg1, %eq3A_55 : i32
      %convert_element_type3A_57 = arith.extui %eq3A_56 : i1 to i32
      %cond3A_58 = arith.constant 0 : i32
      %cond3A_59 = arith.cmpi ne, %convert_element_type3A_57, %cond3A_58 : i32
      scf.if %cond3A_59 {
        "tpu.region"() ({
          %run_scoped3A = tpu.sem_alloc : memref<!tpu.dma_semaphore, #tpu.memory_space<semaphore_mem>>
          %dma_start3A_195 = arith.constant 10112 : i32
          %dma_start3A_196 = arith.constant 0 : i32
          %dma_start3A_197 = tpu.memref_slice %arg10[%dma_start3A_195, %dma_start3A_196] : memref<10240x128xf32, #tpu.memory_space<hbm>> -> memref<128x128xf32, #tpu.memory_space<hbm>>
          %dma_start3A_198 = arith.constant 10112 : i32
          %dma_start3A_199 = arith.constant 0 : i32
          %dma_start3A_200 = tpu.memref_slice %arg10[%dma_start3A_198, %dma_start3A_199] : memref<10240x128xf32, #tpu.memory_space<hbm>> -> memref<128x128xf32, #tpu.memory_space<hbm>>
          tpu.enqueue_dma source(%arg14 : memref<128x128xf32, #tpu.memory_space<vmem>>) target(%dma_start3A_200 : memref<128x128xf32, #tpu.memory_space<hbm>>) target_semaphore(%run_scoped3A : memref<!tpu.dma_semaphore, #tpu.memory_space<semaphore_mem>>)
          %dma_wait3A_201 = arith.constant 10112 : i32
          %dma_wait3A_202 = arith.constant 0 : i32
          %dma_wait3A_203 = tpu.memref_slice %arg10[%dma_wait3A_201, %dma_wait3A_202] : memref<10240x128xf32, #tpu.memory_space<hbm>> -> memref<128x128xf32, #tpu.memory_space<hbm>>
          %dma_wait3A_204 = arith.constant 10112 : i32
          %dma_wait3A_205 = arith.constant 0 : i32
          %dma_wait3A_206 = tpu.memref_slice %arg10[%dma_wait3A_204, %dma_wait3A_205] : memref<10240x128xf32, #tpu.memory_space<hbm>> -> memref<128x128xf32, #tpu.memory_space<hbm>>
          tpu.wait_dma2 semaphore(%run_scoped3A : memref<!tpu.dma_semaphore, #tpu.memory_space<semaphore_mem>>) src(%arg14 : memref<128x128xf32, #tpu.memory_space<vmem>>) dst(%dma_wait3A_206 : memref<128x128xf32, #tpu.memory_space<hbm>>)
          tpu.yield
        }) : () -> ()
      } else {
      }
      %mul3A = arith.constant 10240 : i32
      %mul3A_60 = arith.muli %arg1, %mul3A : i32
      %add3A = arith.constant 0 : i32
      %add3A_61 = arith.addi %mul3A_60, %add3A : i32
      %dma_start3A = tpu.memref_slice %arg2[%add3A_61] : memref<163840xi32, #tpu.memory_space<hbm>> -> memref<128xi32, #tpu.memory_space<hbm>>
      %dma_start3A_62 = tpu.memref_slice %arg2[%add3A_61] : memref<163840xi32, #tpu.memory_space<hbm>> -> memref<128xi32, #tpu.memory_space<hbm>>
      tpu.enqueue_dma source(%dma_start3A_62 : memref<128xi32, #tpu.memory_space<hbm>>) target(%arg17 : memref<128xi32, #tpu.memory_space<vmem>>) target_semaphore(%arg23 : memref<!tpu.dma_semaphore, #tpu.memory_space<semaphore_mem>>)
      %dma_start3A_63 = tpu.memref_slice %arg3[%add3A_61] : memref<163840xi32, #tpu.memory_space<hbm>> -> memref<128xi32, #tpu.memory_space<hbm>>
      %dma_start3A_64 = tpu.memref_slice %arg3[%add3A_61] : memref<163840xi32, #tpu.memory_space<hbm>> -> memref<128xi32, #tpu.memory_space<hbm>>
      tpu.enqueue_dma source(%dma_start3A_64 : memref<128xi32, #tpu.memory_space<hbm>>) target(%arg20 : memref<128xi32, #tpu.memory_space<vmem>>) target_semaphore(%arg26 : memref<!tpu.dma_semaphore, #tpu.memory_space<semaphore_mem>>)
      %mul3A_65 = arith.constant 10240 : i32
      %mul3A_66 = arith.muli %arg1, %mul3A_65 : i32
      %add3A_67 = arith.constant 128 : i32
      %add3A_68 = arith.addi %mul3A_66, %add3A_67 : i32
      %dma_start3A_69 = tpu.memref_slice %arg2[%add3A_68] : memref<163840xi32, #tpu.memory_space<hbm>> -> memref<128xi32, #tpu.memory_space<hbm>>
      %dma_start3A_70 = tpu.memref_slice %arg2[%add3A_68] : memref<163840xi32, #tpu.memory_space<hbm>> -> memref<128xi32, #tpu.memory_space<hbm>>
      tpu.enqueue_dma source(%dma_start3A_70 : memref<128xi32, #tpu.memory_space<hbm>>) target(%arg18 : memref<128xi32, #tpu.memory_space<vmem>>) target_semaphore(%arg24 : memref<!tpu.dma_semaphore, #tpu.memory_space<semaphore_mem>>)
      %dma_start3A_71 = tpu.memref_slice %arg3[%add3A_68] : memref<163840xi32, #tpu.memory_space<hbm>> -> memref<128xi32, #tpu.memory_space<hbm>>
      %dma_start3A_72 = tpu.memref_slice %arg3[%add3A_68] : memref<163840xi32, #tpu.memory_space<hbm>> -> memref<128xi32, #tpu.memory_space<hbm>>
      tpu.enqueue_dma source(%dma_start3A_72 : memref<128xi32, #tpu.memory_space<hbm>>) target(%arg21 : memref<128xi32, #tpu.memory_space<vmem>>) target_semaphore(%arg27 : memref<!tpu.dma_semaphore, #tpu.memory_space<semaphore_mem>>)
      %mul3A_73 = arith.constant 10240 : i32
      %mul3A_74 = arith.muli %arg1, %mul3A_73 : i32
      %add3A_75 = arith.constant 256 : i32
      %add3A_76 = arith.addi %mul3A_74, %add3A_75 : i32
      %dma_start3A_77 = tpu.memref_slice %arg2[%add3A_76] : memref<163840xi32, #tpu.memory_space<hbm>> -> memref<128xi32, #tpu.memory_space<hbm>>
      %dma_start3A_78 = tpu.memref_slice %arg2[%add3A_76] : memref<163840xi32, #tpu.memory_space<hbm>> -> memref<128xi32, #tpu.memory_space<hbm>>
      tpu.enqueue_dma source(%dma_start3A_78 : memref<128xi32, #tpu.memory_space<hbm>>) target(%arg19 : memref<128xi32, #tpu.memory_space<vmem>>) target_semaphore(%arg25 : memref<!tpu.dma_semaphore, #tpu.memory_space<semaphore_mem>>)
      %dma_start3A_79 = tpu.memref_slice %arg3[%add3A_76] : memref<163840xi32, #tpu.memory_space<hbm>> -> memref<128xi32, #tpu.memory_space<hbm>>
      %dma_start3A_80 = tpu.memref_slice %arg3[%add3A_76] : memref<163840xi32, #tpu.memory_space<hbm>> -> memref<128xi32, #tpu.memory_space<hbm>>
      tpu.enqueue_dma source(%dma_start3A_80 : memref<128xi32, #tpu.memory_space<hbm>>) target(%arg22 : memref<128xi32, #tpu.memory_space<vmem>>) target_semaphore(%arg28 : memref<!tpu.dma_semaphore, #tpu.memory_space<semaphore_mem>>)
      %dma_wait3A = arith.constant 0 : i32
      %dma_wait3A_81 = tpu.memref_slice %arg2[%dma_wait3A] : memref<163840xi32, #tpu.memory_space<hbm>> -> memref<128xi32, #tpu.memory_space<hbm>>
      %dma_wait3A_82 = arith.constant 0 : i32
      %dma_wait3A_83 = tpu.memref_slice %arg2[%dma_wait3A_82] : memref<163840xi32, #tpu.memory_space<hbm>> -> memref<128xi32, #tpu.memory_space<hbm>>
      tpu.wait_dma2 semaphore(%arg23 : memref<!tpu.dma_semaphore, #tpu.memory_space<semaphore_mem>>) src(%dma_wait3A_83 : memref<128xi32, #tpu.memory_space<hbm>>) dst(%arg17 : memref<128xi32, #tpu.memory_space<vmem>>)
      %dma_start3A_84 = arith.constant 0 : i32
      %dma_start3A_85 = arith.constant 0 : i32
      %dma_start3A_86 = tpu.memref_slice %arg14[%dma_start3A_84, %dma_start3A_85] : memref<128x128xf32, #tpu.memory_space<vmem>> -> memref<32x128xf32, #tpu.memory_space<vmem>>
      %dma_start3A_87 = arith.constant 0 : i32
      %dma_start3A_88 = tpu.memref_slice %arg17[%dma_start3A_87] : memref<128xi32, #tpu.memory_space<vmem>> -> memref<32xi32, #tpu.memory_space<vmem>>
      %dma_start3A_89 = arith.constant 0 : i32
      %dma_start3A_90 = arith.constant 0 : i32
      %dma_start3A_91 = tpu.memref_slice %arg5[%dma_start3A_89, %dma_start3A_90] : memref<10240x128xf32, #tpu.memory_space<hbm>> -> memref<10240x128xf32, #tpu.memory_space<hbm>>
      tpu.enqueue_indirect_dma source(%dma_start3A_91 : memref<10240x128xf32, #tpu.memory_space<hbm>>) target(%dma_start3A_86 : memref<32x128xf32, #tpu.memory_space<vmem>>) offsets(%dma_start3A_88 : memref<32xi32, #tpu.memory_space<vmem>>) semaphore(%arg29 : memref<!tpu.dma_semaphore, #tpu.memory_space<semaphore_mem>>)
      %dma_start3A_92 = arith.constant 32 : i32
      %dma_start3A_93 = arith.constant 0 : i32
      %dma_start3A_94 = tpu.memref_slice %arg14[%dma_start3A_92, %dma_start3A_93] : memref<128x128xf32, #tpu.memory_space<vmem>> -> memref<32x128xf32, #tpu.memory_space<vmem>>
      %dma_start3A_95 = arith.constant 32 : i32
      %dma_start3A_96 = tpu.memref_slice %arg17[%dma_start3A_95] : memref<128xi32, #tpu.memory_space<vmem>> -> memref<32xi32, #tpu.memory_space<vmem>>
      %dma_start3A_97 = arith.constant 0 : i32
      %dma_start3A_98 = arith.constant 0 : i32
      %dma_start3A_99 = tpu.memref_slice %arg5[%dma_start3A_97, %dma_start3A_98] : memref<10240x128xf32, #tpu.memory_space<hbm>> -> memref<10240x128xf32, #tpu.memory_space<hbm>>
      tpu.enqueue_indirect_dma source(%dma_start3A_99 : memref<10240x128xf32, #tpu.memory_space<hbm>>) target(%dma_start3A_94 : memref<32x128xf32, #tpu.memory_space<vmem>>) offsets(%dma_start3A_96 : memref<32xi32, #tpu.memory_space<vmem>>) semaphore(%arg30 : memref<!tpu.dma_semaphore, #tpu.memory_space<semaphore_mem>>)
      %dma_start3A_100 = arith.constant 64 : i32
      %dma_start3A_101 = arith.constant 0 : i32
      %dma_start3A_102 = tpu.memref_slice %arg14[%dma_start3A_100, %dma_start3A_101] : memref<128x128xf32, #tpu.memory_space<vmem>> -> memref<32x128xf32, #tpu.memory_space<vmem>>
      %dma_start3A_103 = arith.constant 64 : i32
      %dma_start3A_104 = tpu.memref_slice %arg17[%dma_start3A_103] : memref<128xi32, #tpu.memory_space<vmem>> -> memref<32xi32, #tpu.memory_space<vmem>>
      %dma_start3A_105 = arith.constant 0 : i32
      %dma_start3A_106 = arith.constant 0 : i32
      %dma_start3A_107 = tpu.memref_slice %arg5[%dma_start3A_105, %dma_start3A_106] : memref<10240x128xf32, #tpu.memory_space<hbm>> -> memref<10240x128xf32, #tpu.memory_space<hbm>>
      tpu.enqueue_indirect_dma source(%dma_start3A_107 : memref<10240x128xf32, #tpu.memory_space<hbm>>) target(%dma_start3A_102 : memref<32x128xf32, #tpu.memory_space<vmem>>) offsets(%dma_start3A_104 : memref<32xi32, #tpu.memory_space<vmem>>) semaphore(%arg31 : memref<!tpu.dma_semaphore, #tpu.memory_space<semaphore_mem>>)
      %dma_start3A_108 = arith.constant 96 : i32
      %dma_start3A_109 = arith.constant 0 : i32
      %dma_start3A_110 = tpu.memref_slice %arg14[%dma_start3A_108, %dma_start3A_109] : memref<128x128xf32, #tpu.memory_space<vmem>> -> memref<32x128xf32, #tpu.memory_space<vmem>>
      %dma_start3A_111 = arith.constant 96 : i32
      %dma_start3A_112 = tpu.memref_slice %arg17[%dma_start3A_111] : memref<128xi32, #tpu.memory_space<vmem>> -> memref<32xi32, #tpu.memory_space<vmem>>
      %dma_start3A_113 = arith.constant 0 : i32
      %dma_start3A_114 = arith.constant 0 : i32
      %dma_start3A_115 = tpu.memref_slice %arg5[%dma_start3A_113, %dma_start3A_114] : memref<10240x128xf32, #tpu.memory_space<hbm>> -> memref<10240x128xf32, #tpu.memory_space<hbm>>
      tpu.enqueue_indirect_dma source(%dma_start3A_115 : memref<10240x128xf32, #tpu.memory_space<hbm>>) target(%dma_start3A_110 : memref<32x128xf32, #tpu.memory_space<vmem>>) offsets(%dma_start3A_112 : memref<32xi32, #tpu.memory_space<vmem>>) semaphore(%arg32 : memref<!tpu.dma_semaphore, #tpu.memory_space<semaphore_mem>>)
      %dma_wait3A_116 = arith.constant 0 : i32
      %dma_wait3A_117 = tpu.memref_slice %arg2[%dma_wait3A_116] : memref<163840xi32, #tpu.memory_space<hbm>> -> memref<128xi32, #tpu.memory_space<hbm>>
      %dma_wait3A_118 = arith.constant 0 : i32
      %dma_wait3A_119 = tpu.memref_slice %arg2[%dma_wait3A_118] : memref<163840xi32, #tpu.memory_space<hbm>> -> memref<128xi32, #tpu.memory_space<hbm>>
      tpu.wait_dma2 semaphore(%arg24 : memref<!tpu.dma_semaphore, #tpu.memory_space<semaphore_mem>>) src(%dma_wait3A_119 : memref<128xi32, #tpu.memory_space<hbm>>) dst(%arg18 : memref<128xi32, #tpu.memory_space<vmem>>)
      %dma_start3A_120 = arith.constant 0 : i32
      %dma_start3A_121 = arith.constant 0 : i32
      %dma_start3A_122 = tpu.memref_slice %arg15[%dma_start3A_120, %dma_start3A_121] : memref<128x128xf32, #tpu.memory_space<vmem>> -> memref<32x128xf32, #tpu.memory_space<vmem>>
      %dma_start3A_123 = arith.constant 0 : i32
      %dma_start3A_124 = tpu.memref_slice %arg18[%dma_start3A_123] : memref<128xi32, #tpu.memory_space<vmem>> -> memref<32xi32, #tpu.memory_space<vmem>>
      %dma_start3A_125 = arith.constant 0 : i32
      %dma_start3A_126 = arith.constant 0 : i32
      %dma_start3A_127 = tpu.memref_slice %arg5[%dma_start3A_125, %dma_start3A_126] : memref<10240x128xf32, #tpu.memory_space<hbm>> -> memref<10240x128xf32, #tpu.memory_space<hbm>>
      tpu.enqueue_indirect_dma source(%dma_start3A_127 : memref<10240x128xf32, #tpu.memory_space<hbm>>) target(%dma_start3A_122 : memref<32x128xf32, #tpu.memory_space<vmem>>) offsets(%dma_start3A_124 : memref<32xi32, #tpu.memory_space<vmem>>) semaphore(%arg33 : memref<!tpu.dma_semaphore, #tpu.memory_space<semaphore_mem>>)
      %dma_start3A_128 = arith.constant 32 : i32
      %dma_start3A_129 = arith.constant 0 : i32
      %dma_start3A_130 = tpu.memref_slice %arg15[%dma_start3A_128, %dma_start3A_129] : memref<128x128xf32, #tpu.memory_space<vmem>> -> memref<32x128xf32, #tpu.memory_space<vmem>>
      %dma_start3A_131 = arith.constant 32 : i32
      %dma_start3A_132 = tpu.memref_slice %arg18[%dma_start3A_131] : memref<128xi32, #tpu.memory_space<vmem>> -> memref<32xi32, #tpu.memory_space<vmem>>
      %dma_start3A_133 = arith.constant 0 : i32
      %dma_start3A_134 = arith.constant 0 : i32
      %dma_start3A_135 = tpu.memref_slice %arg5[%dma_start3A_133, %dma_start3A_134] : memref<10240x128xf32, #tpu.memory_space<hbm>> -> memref<10240x128xf32, #tpu.memory_space<hbm>>
      tpu.enqueue_indirect_dma source(%dma_start3A_135 : memref<10240x128xf32, #tpu.memory_space<hbm>>) target(%dma_start3A_130 : memref<32x128xf32, #tpu.memory_space<vmem>>) offsets(%dma_start3A_132 : memref<32xi32, #tpu.memory_space<vmem>>) semaphore(%arg34 : memref<!tpu.dma_semaphore, #tpu.memory_space<semaphore_mem>>)
      %dma_start3A_136 = arith.constant 64 : i32
      %dma_start3A_137 = arith.constant 0 : i32
      %dma_start3A_138 = tpu.memref_slice %arg15[%dma_start3A_136, %dma_start3A_137] : memref<128x128xf32, #tpu.memory_space<vmem>> -> memref<32x128xf32, #tpu.memory_space<vmem>>
      %dma_start3A_139 = arith.constant 64 : i32
      %dma_start3A_140 = tpu.memref_slice %arg18[%dma_start3A_139] : memref<128xi32, #tpu.memory_space<vmem>> -> memref<32xi32, #tpu.memory_space<vmem>>
      %dma_start3A_141 = arith.constant 0 : i32
      %dma_start3A_142 = arith.constant 0 : i32
      %dma_start3A_143 = tpu.memref_slice %arg5[%dma_start3A_141, %dma_start3A_142] : memref<10240x128xf32, #tpu.memory_space<hbm>> -> memref<10240x128xf32, #tpu.memory_space<hbm>>
      tpu.enqueue_indirect_dma source(%dma_start3A_143 : memref<10240x128xf32, #tpu.memory_space<hbm>>) target(%dma_start3A_138 : memref<32x128xf32, #tpu.memory_space<vmem>>) offsets(%dma_start3A_140 : memref<32xi32, #tpu.memory_space<vmem>>) semaphore(%arg35 : memref<!tpu.dma_semaphore, #tpu.memory_space<semaphore_mem>>)
      %dma_start3A_144 = arith.constant 96 : i32
      %dma_start3A_145 = arith.constant 0 : i32
      %dma_start3A_146 = tpu.memref_slice %arg15[%dma_start3A_144, %dma_start3A_145] : memref<128x128xf32, #tpu.memory_space<vmem>> -> memref<32x128xf32, #tpu.memory_space<vmem>>
      %dma_start3A_147 = arith.constant 96 : i32
      %dma_start3A_148 = tpu.memref_slice %arg18[%dma_start3A_147] : memref<128xi32, #tpu.memory_space<vmem>> -> memref<32xi32, #tpu.memory_space<vmem>>
      %dma_start3A_149 = arith.constant 0 : i32
      %dma_start3A_150 = arith.constant 0 : i32
      %dma_start3A_151 = tpu.memref_slice %arg5[%dma_start3A_149, %dma_start3A_150] : memref<10240x128xf32, #tpu.memory_space<hbm>> -> memref<10240x128xf32, #tpu.memory_space<hbm>>
      tpu.enqueue_indirect_dma source(%dma_start3A_151 : memref<10240x128xf32, #tpu.memory_space<hbm>>) target(%dma_start3A_146 : memref<32x128xf32, #tpu.memory_space<vmem>>) offsets(%dma_start3A_148 : memref<32xi32, #tpu.memory_space<vmem>>) semaphore(%arg36 : memref<!tpu.dma_semaphore, #tpu.memory_space<semaphore_mem>>)
      %dma_wait3A_152 = arith.constant 0 : i32
      %dma_wait3A_153 = tpu.memref_slice %arg2[%dma_wait3A_152] : memref<163840xi32, #tpu.memory_space<hbm>> -> memref<128xi32, #tpu.memory_space<hbm>>
      %dma_wait3A_154 = arith.constant 0 : i32
      %dma_wait3A_155 = tpu.memref_slice %arg2[%dma_wait3A_154] : memref<163840xi32, #tpu.memory_space<hbm>> -> memref<128xi32, #tpu.memory_space<hbm>>
      tpu.wait_dma2 semaphore(%arg25 : memref<!tpu.dma_semaphore, #tpu.memory_space<semaphore_mem>>) src(%dma_wait3A_155 : memref<128xi32, #tpu.memory_space<hbm>>) dst(%arg19 : memref<128xi32, #tpu.memory_space<vmem>>)
      %dma_start3A_156 = arith.constant 0 : i32
      %dma_start3A_157 = arith.constant 0 : i32
      %dma_start3A_158 = tpu.memref_slice %arg16[%dma_start3A_156, %dma_start3A_157] : memref<128x128xf32, #tpu.memory_space<vmem>> -> memref<32x128xf32, #tpu.memory_space<vmem>>
      %dma_start3A_159 = arith.constant 0 : i32
      %dma_start3A_160 = tpu.memref_slice %arg19[%dma_start3A_159] : memref<128xi32, #tpu.memory_space<vmem>> -> memref<32xi32, #tpu.memory_space<vmem>>
      %dma_start3A_161 = arith.constant 0 : i32
      %dma_start3A_162 = arith.constant 0 : i32
      %dma_start3A_163 = tpu.memref_slice %arg5[%dma_start3A_161, %dma_start3A_162] : memref<10240x128xf32, #tpu.memory_space<hbm>> -> memref<10240x128xf32, #tpu.memory_space<hbm>>
      tpu.enqueue_indirect_dma source(%dma_start3A_163 : memref<10240x128xf32, #tpu.memory_space<hbm>>) target(%dma_start3A_158 : memref<32x128xf32, #tpu.memory_space<vmem>>) offsets(%dma_start3A_160 : memref<32xi32, #tpu.memory_space<vmem>>) semaphore(%arg37 : memref<!tpu.dma_semaphore, #tpu.memory_space<semaphore_mem>>)
      %dma_start3A_164 = arith.constant 32 : i32
      %dma_start3A_165 = arith.constant 0 : i32
      %dma_start3A_166 = tpu.memref_slice %arg16[%dma_start3A_164, %dma_start3A_165] : memref<128x128xf32, #tpu.memory_space<vmem>> -> memref<32x128xf32, #tpu.memory_space<vmem>>
      %dma_start3A_167 = arith.constant 32 : i32
      %dma_start3A_168 = tpu.memref_slice %arg19[%dma_start3A_167] : memref<128xi32, #tpu.memory_space<vmem>> -> memref<32xi32, #tpu.memory_space<vmem>>
      %dma_start3A_169 = arith.constant 0 : i32
      %dma_start3A_170 = arith.constant 0 : i32
      %dma_start3A_171 = tpu.memref_slice %arg5[%dma_start3A_169, %dma_start3A_170] : memref<10240x128xf32, #tpu.memory_space<hbm>> -> memref<10240x128xf32, #tpu.memory_space<hbm>>
      tpu.enqueue_indirect_dma source(%dma_start3A_171 : memref<10240x128xf32, #tpu.memory_space<hbm>>) target(%dma_start3A_166 : memref<32x128xf32, #tpu.memory_space<vmem>>) offsets(%dma_start3A_168 : memref<32xi32, #tpu.memory_space<vmem>>) semaphore(%arg38 : memref<!tpu.dma_semaphore, #tpu.memory_space<semaphore_mem>>)
      %dma_start3A_172 = arith.constant 64 : i32
      %dma_start3A_173 = arith.constant 0 : i32
      %dma_start3A_174 = tpu.memref_slice %arg16[%dma_start3A_172, %dma_start3A_173] : memref<128x128xf32, #tpu.memory_space<vmem>> -> memref<32x128xf32, #tpu.memory_space<vmem>>
      %dma_start3A_175 = arith.constant 64 : i32
      %dma_start3A_176 = tpu.memref_slice %arg19[%dma_start3A_175] : memref<128xi32, #tpu.memory_space<vmem>> -> memref<32xi32, #tpu.memory_space<vmem>>
      %dma_start3A_177 = arith.constant 0 : i32
      %dma_start3A_178 = arith.constant 0 : i32
      %dma_start3A_179 = tpu.memref_slice %arg5[%dma_start3A_177, %dma_start3A_178] : memref<10240x128xf32, #tpu.memory_space<hbm>> -> memref<10240x128xf32, #tpu.memory_space<hbm>>
      tpu.enqueue_indirect_dma source(%dma_start3A_179 : memref<10240x128xf32, #tpu.memory_space<hbm>>) target(%dma_start3A_174 : memref<32x128xf32, #tpu.memory_space<vmem>>) offsets(%dma_start3A_176 : memref<32xi32, #tpu.memory_space<vmem>>) semaphore(%arg39 : memref<!tpu.dma_semaphore, #tpu.memory_space<semaphore_mem>>)
      %dma_start3A_180 = arith.constant 96 : i32
      %dma_start3A_181 = arith.constant 0 : i32
      %dma_start3A_182 = tpu.memref_slice %arg16[%dma_start3A_180, %dma_start3A_181] : memref<128x128xf32, #tpu.memory_space<vmem>> -> memref<32x128xf32, #tpu.memory_space<vmem>>
      %dma_start3A_183 = arith.constant 96 : i32
      %dma_start3A_184 = tpu.memref_slice %arg19[%dma_start3A_183] : memref<128xi32, #tpu.memory_space<vmem>> -> memref<32xi32, #tpu.memory_space<vmem>>
      %dma_start3A_185 = arith.constant 0 : i32
      %dma_start3A_186 = arith.constant 0 : i32
      %dma_start3A_187 = tpu.memref_slice %arg5[%dma_start3A_185, %dma_start3A_186] : memref<10240x128xf32, #tpu.memory_space<hbm>> -> memref<10240x128xf32, #tpu.memory_space<hbm>>
      tpu.enqueue_indirect_dma source(%dma_start3A_187 : memref<10240x128xf32, #tpu.memory_space<hbm>>) target(%dma_start3A_182 : memref<32x128xf32, #tpu.memory_space<vmem>>) offsets(%dma_start3A_184 : memref<32xi32, #tpu.memory_space<vmem>>) semaphore(%arg40 : memref<!tpu.dma_semaphore, #tpu.memory_space<semaphore_mem>>)
      %scan3A_188 = arith.constant 0 : i32
      %scan3A_189 = arith.constant 0 : i32
      %scan3A_190 = arith.constant 27 : i32
      %scan3A_191 = arith.addi %scan3A_189, %scan3A_190 : i32
      %scan3A_192 = arith.constant 1 : i32
      %scan3A_193 = scf.for %scan3A_195 = %scan3A_189 to %scan3A_191 step %scan3A_192 iter_args(%scan3A_196 = %scan3A_188) -> (i32)  : i32 {
        %mul3A_197 = arith.constant 3 : i32
        %mul3A_198 = arith.muli %scan3A_195, %mul3A_197 : i32
        %add3A_199 = arith.constant 0 : i32
        %add3A_200 = arith.addi %mul3A_198, %add3A_199 : i32
        %lt3A = arith.constant 80 : i32
        %lt3A_201 = arith.cmpi slt, %add3A_200, %lt3A : i32
        %convert_element_type3A_202 = arith.extui %lt3A_201 : i1 to i32
        %cond3A_203 = arith.constant 0 : i32
        %cond3A_204 = arith.cmpi ne, %convert_element_type3A_202, %cond3A_203 : i32
        scf.if %cond3A_204 {
          %dma_wait3A_245 = arith.constant 0 : i32
          %dma_wait3A_246 = tpu.memref_slice %arg3[%dma_wait3A_245] : memref<163840xi32, #tpu.memory_space<hbm>> -> memref<128xi32, #tpu.memory_space<hbm>>
          %dma_wait3A_247 = arith.constant 0 : i32
          %dma_wait3A_248 = tpu.memref_slice %arg3[%dma_wait3A_247] : memref<163840xi32, #tpu.memory_space<hbm>> -> memref<128xi32, #tpu.memory_space<hbm>>
          tpu.wait_dma2 semaphore(%arg26 : memref<!tpu.dma_semaphore, #tpu.memory_space<semaphore_mem>>) src(%dma_wait3A_248 : memref<128xi32, #tpu.memory_space<hbm>>) dst(%arg20 : memref<128xi32, #tpu.memory_space<vmem>>)
          %dma_wait3A_249 = arith.constant 0 : i32
          %dma_wait3A_250 = arith.constant 0 : i32
          %dma_wait3A_251 = tpu.memref_slice %arg14[%dma_wait3A_249, %dma_wait3A_250] : memref<128x128xf32, #tpu.memory_space<vmem>> -> memref<32x128xf32, #tpu.memory_space<vmem>>
          %dma_wait3A_252 = arith.constant 0 : i32
          %dma_wait3A_253 = arith.constant 0 : i32
          %dma_wait3A_254 = tpu.memref_slice %arg5[%dma_wait3A_252, %dma_wait3A_253] : memref<10240x128xf32, #tpu.memory_space<hbm>> -> memref<32x128xf32, #tpu.memory_space<hbm>>
          %dma_wait3A_255 = arith.constant 0 : i32
          %dma_wait3A_256 = arith.constant 0 : i32
          %dma_wait3A_257 = tpu.memref_slice %arg14[%dma_wait3A_255, %dma_wait3A_256] : memref<128x128xf32, #tpu.memory_space<vmem>> -> memref<32x128xf32, #tpu.memory_space<vmem>>
          %dma_wait3A_258 = arith.constant 0 : i32
          %dma_wait3A_259 = arith.constant 0 : i32
          %dma_wait3A_260 = tpu.memref_slice %arg5[%dma_wait3A_258, %dma_wait3A_259] : memref<10240x128xf32, #tpu.memory_space<hbm>> -> memref<32x128xf32, #tpu.memory_space<hbm>>
          tpu.wait_dma2 semaphore(%arg29 : memref<!tpu.dma_semaphore, #tpu.memory_space<semaphore_mem>>) src(%dma_wait3A_260 : memref<32x128xf32, #tpu.memory_space<hbm>>) dst(%dma_wait3A_257 : memref<32x128xf32, #tpu.memory_space<vmem>>)
          %dma_wait3A_261 = arith.constant 32 : i32
          %dma_wait3A_262 = arith.constant 0 : i32
          %dma_wait3A_263 = tpu.memref_slice %arg14[%dma_wait3A_261, %dma_wait3A_262] : memref<128x128xf32, #tpu.memory_space<vmem>> -> memref<32x128xf32, #tpu.memory_space<vmem>>
          %dma_wait3A_264 = arith.constant 0 : i32
          %dma_wait3A_265 = arith.constant 0 : i32
          %dma_wait3A_266 = tpu.memref_slice %arg5[%dma_wait3A_264, %dma_wait3A_265] : memref<10240x128xf32, #tpu.memory_space<hbm>> -> memref<32x128xf32, #tpu.memory_space<hbm>>
          %dma_wait3A_267 = arith.constant 32 : i32
          %dma_wait3A_268 = arith.constant 0 : i32
          %dma_wait3A_269 = tpu.memref_slice %arg14[%dma_wait3A_267, %dma_wait3A_268] : memref<128x128xf32, #tpu.memory_space<vmem>> -> memref<32x128xf32, #tpu.memory_space<vmem>>
          %dma_wait3A_270 = arith.constant 0 : i32
          %dma_wait3A_271 = arith.constant 0 : i32
          %dma_wait3A_272 = tpu.memref_slice %arg5[%dma_wait3A_270, %dma_wait3A_271] : memref<10240x128xf32, #tpu.memory_space<hbm>> -> memref<32x128xf32, #tpu.memory_space<hbm>>
          tpu.wait_dma2 semaphore(%arg30 : memref<!tpu.dma_semaphore, #tpu.memory_space<semaphore_mem>>) src(%dma_wait3A_272 : memref<32x128xf32, #tpu.memory_space<hbm>>) dst(%dma_wait3A_269 : memref<32x128xf32, #tpu.memory_space<vmem>>)
          %dma_wait3A_273 = arith.constant 64 : i32
          %dma_wait3A_274 = arith.constant 0 : i32
          %dma_wait3A_275 = tpu.memref_slice %arg14[%dma_wait3A_273, %dma_wait3A_274] : memref<128x128xf32, #tpu.memory_space<vmem>> -> memref<32x128xf32, #tpu.memory_space<vmem>>
          %dma_wait3A_276 = arith.constant 0 : i32
          %dma_wait3A_277 = arith.constant 0 : i32
          %dma_wait3A_278 = tpu.memref_slice %arg5[%dma_wait3A_276, %dma_wait3A_277] : memref<10240x128xf32, #tpu.memory_space<hbm>> -> memref<32x128xf32, #tpu.memory_space<hbm>>
          %dma_wait3A_279 = arith.constant 64 : i32
          %dma_wait3A_280 = arith.constant 0 : i32
          %dma_wait3A_281 = tpu.memref_slice %arg14[%dma_wait3A_279, %dma_wait3A_280] : memref<128x128xf32, #tpu.memory_space<vmem>> -> memref<32x128xf32, #tpu.memory_space<vmem>>
          %dma_wait3A_282 = arith.constant 0 : i32
          %dma_wait3A_283 = arith.constant 0 : i32
          %dma_wait3A_284 = tpu.memref_slice %arg5[%dma_wait3A_282, %dma_wait3A_283] : memref<10240x128xf32, #tpu.memory_space<hbm>> -> memref<32x128xf32, #tpu.memory_space<hbm>>
          tpu.wait_dma2 semaphore(%arg31 : memref<!tpu.dma_semaphore, #tpu.memory_space<semaphore_mem>>) src(%dma_wait3A_284 : memref<32x128xf32, #tpu.memory_space<hbm>>) dst(%dma_wait3A_281 : memref<32x128xf32, #tpu.memory_space<vmem>>)
          %dma_wait3A_285 = arith.constant 96 : i32
          %dma_wait3A_286 = arith.constant 0 : i32
          %dma_wait3A_287 = tpu.memref_slice %arg14[%dma_wait3A_285, %dma_wait3A_286] : memref<128x128xf32, #tpu.memory_space<vmem>> -> memref<32x128xf32, #tpu.memory_space<vmem>>
          %dma_wait3A_288 = arith.constant 0 : i32
          %dma_wait3A_289 = arith.constant 0 : i32
          %dma_wait3A_290 = tpu.memref_slice %arg5[%dma_wait3A_288, %dma_wait3A_289] : memref<10240x128xf32, #tpu.memory_space<hbm>> -> memref<32x128xf32, #tpu.memory_space<hbm>>
          %dma_wait3A_291 = arith.constant 96 : i32
          %dma_wait3A_292 = arith.constant 0 : i32
          %dma_wait3A_293 = tpu.memref_slice %arg14[%dma_wait3A_291, %dma_wait3A_292] : memref<128x128xf32, #tpu.memory_space<vmem>> -> memref<32x128xf32, #tpu.memory_space<vmem>>
          %dma_wait3A_294 = arith.constant 0 : i32
          %dma_wait3A_295 = arith.constant 0 : i32
          %dma_wait3A_296 = tpu.memref_slice %arg5[%dma_wait3A_294, %dma_wait3A_295] : memref<10240x128xf32, #tpu.memory_space<hbm>> -> memref<32x128xf32, #tpu.memory_space<hbm>>
          tpu.wait_dma2 semaphore(%arg32 : memref<!tpu.dma_semaphore, #tpu.memory_space<semaphore_mem>>) src(%dma_wait3A_296 : memref<32x128xf32, #tpu.memory_space<hbm>>) dst(%dma_wait3A_293 : memref<32x128xf32, #tpu.memory_space<vmem>>)
          %add3A_297 = arith.constant 3 : i32
          %add3A_298 = arith.addi %add3A_200, %add3A_297 : i32
          %lt3A_299 = arith.constant 80 : i32
          %lt3A_300 = arith.cmpi slt, %add3A_298, %lt3A_299 : i32
          %convert_element_type3A_301 = arith.extui %lt3A_300 : i1 to i32
          %cond3A_302 = arith.constant 0 : i32
          %cond3A_303 = arith.cmpi ne, %convert_element_type3A_301, %cond3A_302 : i32
          scf.if %cond3A_303 {
            %mul3A_304 = arith.constant 10240 : i32
            %mul3A_305 = arith.muli %arg1, %mul3A_304 : i32
            %add3A_306 = arith.constant 3 : i32
            %add3A_307 = arith.addi %add3A_200, %add3A_306 : i32
            %mul3A_308 = arith.constant 128 : i32
            %mul3A_309 = arith.muli %add3A_307, %mul3A_308 : i32
            %add3A_310 = arith.addi %mul3A_305, %mul3A_309 : i32
            %dma_start3A_311 = tpu.memref_slice %arg2[%add3A_310] : memref<163840xi32, #tpu.memory_space<hbm>> -> memref<128xi32, #tpu.memory_space<hbm>>
            %dma_start3A_312 = tpu.memref_slice %arg2[%add3A_310] : memref<163840xi32, #tpu.memory_space<hbm>> -> memref<128xi32, #tpu.memory_space<hbm>>
            tpu.enqueue_dma source(%dma_start3A_312 : memref<128xi32, #tpu.memory_space<hbm>>) target(%arg17 : memref<128xi32, #tpu.memory_space<vmem>>) target_semaphore(%arg23 : memref<!tpu.dma_semaphore, #tpu.memory_space<semaphore_mem>>)
          } else {
          }
          "tpu.region"() ({
            %run_scoped3A = tpu.sem_alloc : memref<!tpu.dma_semaphore, #tpu.memory_space<semaphore_mem>>
            %dma_start3A_304 = arith.constant 0 : i32
            %dma_start3A_305 = arith.constant 0 : i32
            %dma_start3A_306 = tpu.memref_slice %arg13[%dma_start3A_304, %dma_start3A_305] : memref<10112x128xf32, #tpu.memory_space<vmem_shared>> -> memref<10112x128xf32, #tpu.memory_space<vmem_shared>>
            tpu.enqueue_indirect_dma source(%arg14 : memref<128x128xf32, #tpu.memory_space<vmem>>) target(%dma_start3A_306 : memref<10112x128xf32, #tpu.memory_space<vmem_shared>>) offsets(%arg20 : memref<128xi32, #tpu.memory_space<vmem>>) semaphore(%run_scoped3A : memref<!tpu.dma_semaphore, #tpu.memory_space<semaphore_mem>>) {add = true}
            %dma_wait3A_307 = arith.constant 0 : i32
            %dma_wait3A_308 = arith.constant 0 : i32
            %dma_wait3A_309 = tpu.memref_slice %arg13[%dma_wait3A_307, %dma_wait3A_308] : memref<10112x128xf32, #tpu.memory_space<vmem_shared>> -> memref<10112x128xf32, #tpu.memory_space<vmem_shared>>
            tpu.wait_indirect_dma semaphore(%run_scoped3A : memref<!tpu.dma_semaphore, #tpu.memory_space<semaphore_mem>>) src(%arg14 : memref<128x128xf32, #tpu.memory_space<vmem>>) dst(%dma_wait3A_309 : memref<10112x128xf32, #tpu.memory_space<vmem_shared>>)
            tpu.yield
          }) : () -> ()
        } else {
        }
        %add3A_205 = arith.constant 3 : i32
        %add3A_206 = arith.addi %add3A_200, %add3A_205 : i32
        %lt3A_207 = arith.constant 80 : i32
        %lt3A_208 = arith.cmpi slt, %add3A_206, %lt3A_207 : i32
        %convert_element_type3A_209 = arith.extui %lt3A_208 : i1 to i32
        %cond3A_210 = arith.constant 0 : i32
        %cond3A_211 = arith.cmpi ne, %convert_element_type3A_209, %cond3A_210 : i32
        scf.if %cond3A_211 {
          %mul3A_245 = arith.constant 10240 : i32
          %mul3A_246 = arith.muli %arg1, %mul3A_245 : i32
          %add3A_247 = arith.constant 3 : i32
          %add3A_248 = arith.addi %add3A_200, %add3A_247 : i32
          %mul3A_249 = arith.constant 128 : i32
          %mul3A_250 = arith.muli %add3A_248, %mul3A_249 : i32
          %add3A_251 = arith.addi %mul3A_246, %mul3A_250 : i32
          %dma_start3A_252 = tpu.memref_slice %arg3[%add3A_251] : memref<163840xi32, #tpu.memory_space<hbm>> -> memref<128xi32, #tpu.memory_space<hbm>>
          %dma_start3A_253 = tpu.memref_slice %arg3[%add3A_251] : memref<163840xi32, #tpu.memory_space<hbm>> -> memref<128xi32, #tpu.memory_space<hbm>>
          tpu.enqueue_dma source(%dma_start3A_253 : memref<128xi32, #tpu.memory_space<hbm>>) target(%arg20 : memref<128xi32, #tpu.memory_space<vmem>>) target_semaphore(%arg26 : memref<!tpu.dma_semaphore, #tpu.memory_space<semaphore_mem>>)
          %dma_wait3A_254 = arith.constant 0 : i32
          %dma_wait3A_255 = tpu.memref_slice %arg2[%dma_wait3A_254] : memref<163840xi32, #tpu.memory_space<hbm>> -> memref<128xi32, #tpu.memory_space<hbm>>
          %dma_wait3A_256 = arith.constant 0 : i32
          %dma_wait3A_257 = tpu.memref_slice %arg2[%dma_wait3A_256] : memref<163840xi32, #tpu.memory_space<hbm>> -> memref<128xi32, #tpu.memory_space<hbm>>
          tpu.wait_dma2 semaphore(%arg23 : memref<!tpu.dma_semaphore, #tpu.memory_space<semaphore_mem>>) src(%dma_wait3A_257 : memref<128xi32, #tpu.memory_space<hbm>>) dst(%arg17 : memref<128xi32, #tpu.memory_space<vmem>>)
          %dma_start3A_258 = arith.constant 0 : i32
          %dma_start3A_259 = arith.constant 0 : i32
          %dma_start3A_260 = tpu.memref_slice %arg14[%dma_start3A_258, %dma_start3A_259] : memref<128x128xf32, #tpu.memory_space<vmem>> -> memref<32x128xf32, #tpu.memory_space<vmem>>
          %dma_start3A_261 = arith.constant 0 : i32
          %dma_start3A_262 = tpu.memref_slice %arg17[%dma_start3A_261] : memref<128xi32, #tpu.memory_space<vmem>> -> memref<32xi32, #tpu.memory_space<vmem>>
          %dma_start3A_263 = arith.constant 0 : i32
          %dma_start3A_264 = arith.constant 0 : i32
          %dma_start3A_265 = tpu.memref_slice %arg5[%dma_start3A_263, %dma_start3A_264] : memref<10240x128xf32, #tpu.memory_space<hbm>> -> memref<10240x128xf32, #tpu.memory_space<hbm>>
          tpu.enqueue_indirect_dma source(%dma_start3A_265 : memref<10240x128xf32, #tpu.memory_space<hbm>>) target(%dma_start3A_260 : memref<32x128xf32, #tpu.memory_space<vmem>>) offsets(%dma_start3A_262 : memref<32xi32, #tpu.memory_space<vmem>>) semaphore(%arg29 : memref<!tpu.dma_semaphore, #tpu.memory_space<semaphore_mem>>)
          %dma_start3A_266 = arith.constant 32 : i32
          %dma_start3A_267 = arith.constant 0 : i32
          %dma_start3A_268 = tpu.memref_slice %arg14[%dma_start3A_266, %dma_start3A_267] : memref<128x128xf32, #tpu.memory_space<vmem>> -> memref<32x128xf32, #tpu.memory_space<vmem>>
          %dma_start3A_269 = arith.constant 32 : i32
          %dma_start3A_270 = tpu.memref_slice %arg17[%dma_start3A_269] : memref<128xi32, #tpu.memory_space<vmem>> -> memref<32xi32, #tpu.memory_space<vmem>>
          %dma_start3A_271 = arith.constant 0 : i32
          %dma_start3A_272 = arith.constant 0 : i32
          %dma_start3A_273 = tpu.memref_slice %arg5[%dma_start3A_271, %dma_start3A_272] : memref<10240x128xf32, #tpu.memory_space<hbm>> -> memref<10240x128xf32, #tpu.memory_space<hbm>>
          tpu.enqueue_indirect_dma source(%dma_start3A_273 : memref<10240x128xf32, #tpu.memory_space<hbm>>) target(%dma_start3A_268 : memref<32x128xf32, #tpu.memory_space<vmem>>) offsets(%dma_start3A_270 : memref<32xi32, #tpu.memory_space<vmem>>) semaphore(%arg30 : memref<!tpu.dma_semaphore, #tpu.memory_space<semaphore_mem>>)
          %dma_start3A_274 = arith.constant 64 : i32
          %dma_start3A_275 = arith.constant 0 : i32
          %dma_start3A_276 = tpu.memref_slice %arg14[%dma_start3A_274, %dma_start3A_275] : memref<128x128xf32, #tpu.memory_space<vmem>> -> memref<32x128xf32, #tpu.memory_space<vmem>>
          %dma_start3A_277 = arith.constant 64 : i32
          %dma_start3A_278 = tpu.memref_slice %arg17[%dma_start3A_277] : memref<128xi32, #tpu.memory_space<vmem>> -> memref<32xi32, #tpu.memory_space<vmem>>
          %dma_start3A_279 = arith.constant 0 : i32
          %dma_start3A_280 = arith.constant 0 : i32
          %dma_start3A_281 = tpu.memref_slice %arg5[%dma_start3A_279, %dma_start3A_280] : memref<10240x128xf32, #tpu.memory_space<hbm>> -> memref<10240x128xf32, #tpu.memory_space<hbm>>
          tpu.enqueue_indirect_dma source(%dma_start3A_281 : memref<10240x128xf32, #tpu.memory_space<hbm>>) target(%dma_start3A_276 : memref<32x128xf32, #tpu.memory_space<vmem>>) offsets(%dma_start3A_278 : memref<32xi32, #tpu.memory_space<vmem>>) semaphore(%arg31 : memref<!tpu.dma_semaphore, #tpu.memory_space<semaphore_mem>>)
          %dma_start3A_282 = arith.constant 96 : i32
          %dma_start3A_283 = arith.constant 0 : i32
          %dma_start3A_284 = tpu.memref_slice %arg14[%dma_start3A_282, %dma_start3A_283] : memref<128x128xf32, #tpu.memory_space<vmem>> -> memref<32x128xf32, #tpu.memory_space<vmem>>
          %dma_start3A_285 = arith.constant 96 : i32
          %dma_start3A_286 = tpu.memref_slice %arg17[%dma_start3A_285] : memref<128xi32, #tpu.memory_space<vmem>> -> memref<32xi32, #tpu.memory_space<vmem>>
          %dma_start3A_287 = arith.constant 0 : i32
          %dma_start3A_288 = arith.constant 0 : i32
          %dma_start3A_289 = tpu.memref_slice %arg5[%dma_start3A_287, %dma_start3A_288] : memref<10240x128xf32, #tpu.memory_space<hbm>> -> memref<10240x128xf32, #tpu.memory_space<hbm>>
          tpu.enqueue_indirect_dma source(%dma_start3A_289 : memref<10240x128xf32, #tpu.memory_space<hbm>>) target(%dma_start3A_284 : memref<32x128xf32, #tpu.memory_space<vmem>>) offsets(%dma_start3A_286 : memref<32xi32, #tpu.memory_space<vmem>>) semaphore(%arg32 : memref<!tpu.dma_semaphore, #tpu.memory_space<semaphore_mem>>)
        } else {
        }
        %mul3A_212 = arith.constant 3 : i32
        %mul3A_213 = arith.muli %scan3A_195, %mul3A_212 : i32
        %add3A_214 = arith.constant 1 : i32
        %add3A_215 = arith.addi %mul3A_213, %add3A_214 : i32
        %lt3A_216 = arith.constant 80 : i32
        %lt3A_217 = arith.cmpi slt, %add3A_215, %lt3A_216 : i32
        %convert_element_type3A_218 = arith.extui %lt3A_217 : i1 to i32
        %cond3A_219 = arith.constant 0 : i32
        %cond3A_220 = arith.cmpi ne, %convert_element_type3A_218, %cond3A_219 : i32
        scf.if %cond3A_220 {
          %dma_wait3A_245 = arith.constant 0 : i32
          %dma_wait3A_246 = tpu.memref_slice %arg3[%dma_wait3A_245] : memref<163840xi32, #tpu.memory_space<hbm>> -> memref<128xi32, #tpu.memory_space<hbm>>
          %dma_wait3A_247 = arith.constant 0 : i32
          %dma_wait3A_248 = tpu.memref_slice %arg3[%dma_wait3A_247] : memref<163840xi32, #tpu.memory_space<hbm>> -> memref<128xi32, #tpu.memory_space<hbm>>
          tpu.wait_dma2 semaphore(%arg27 : memref<!tpu.dma_semaphore, #tpu.memory_space<semaphore_mem>>) src(%dma_wait3A_248 : memref<128xi32, #tpu.memory_space<hbm>>) dst(%arg21 : memref<128xi32, #tpu.memory_space<vmem>>)
          %dma_wait3A_249 = arith.constant 0 : i32
          %dma_wait3A_250 = arith.constant 0 : i32
          %dma_wait3A_251 = tpu.memref_slice %arg15[%dma_wait3A_249, %dma_wait3A_250] : memref<128x128xf32, #tpu.memory_space<vmem>> -> memref<32x128xf32, #tpu.memory_space<vmem>>
          %dma_wait3A_252 = arith.constant 0 : i32
          %dma_wait3A_253 = arith.constant 0 : i32
          %dma_wait3A_254 = tpu.memref_slice %arg5[%dma_wait3A_252, %dma_wait3A_253] : memref<10240x128xf32, #tpu.memory_space<hbm>> -> memref<32x128xf32, #tpu.memory_space<hbm>>
          %dma_wait3A_255 = arith.constant 0 : i32
          %dma_wait3A_256 = arith.constant 0 : i32
          %dma_wait3A_257 = tpu.memref_slice %arg15[%dma_wait3A_255, %dma_wait3A_256] : memref<128x128xf32, #tpu.memory_space<vmem>> -> memref<32x128xf32, #tpu.memory_space<vmem>>
          %dma_wait3A_258 = arith.constant 0 : i32
          %dma_wait3A_259 = arith.constant 0 : i32
          %dma_wait3A_260 = tpu.memref_slice %arg5[%dma_wait3A_258, %dma_wait3A_259] : memref<10240x128xf32, #tpu.memory_space<hbm>> -> memref<32x128xf32, #tpu.memory_space<hbm>>
          tpu.wait_dma2 semaphore(%arg33 : memref<!tpu.dma_semaphore, #tpu.memory_space<semaphore_mem>>) src(%dma_wait3A_260 : memref<32x128xf32, #tpu.memory_space<hbm>>) dst(%dma_wait3A_257 : memref<32x128xf32, #tpu.memory_space<vmem>>)
          %dma_wait3A_261 = arith.constant 32 : i32
          %dma_wait3A_262 = arith.constant 0 : i32
          %dma_wait3A_263 = tpu.memref_slice %arg15[%dma_wait3A_261, %dma_wait3A_262] : memref<128x128xf32, #tpu.memory_space<vmem>> -> memref<32x128xf32, #tpu.memory_space<vmem>>
          %dma_wait3A_264 = arith.constant 0 : i32
          %dma_wait3A_265 = arith.constant 0 : i32
          %dma_wait3A_266 = tpu.memref_slice %arg5[%dma_wait3A_264, %dma_wait3A_265] : memref<10240x128xf32, #tpu.memory_space<hbm>> -> memref<32x128xf32, #tpu.memory_space<hbm>>
          %dma_wait3A_267 = arith.constant 32 : i32
          %dma_wait3A_268 = arith.constant 0 : i32
          %dma_wait3A_269 = tpu.memref_slice %arg15[%dma_wait3A_267, %dma_wait3A_268] : memref<128x128xf32, #tpu.memory_space<vmem>> -> memref<32x128xf32, #tpu.memory_space<vmem>>
          %dma_wait3A_270 = arith.constant 0 : i32
          %dma_wait3A_271 = arith.constant 0 : i32
          %dma_wait3A_272 = tpu.memref_slice %arg5[%dma_wait3A_270, %dma_wait3A_271] : memref<10240x128xf32, #tpu.memory_space<hbm>> -> memref<32x128xf32, #tpu.memory_space<hbm>>
          tpu.wait_dma2 semaphore(%arg34 : memref<!tpu.dma_semaphore, #tpu.memory_space<semaphore_mem>>) src(%dma_wait3A_272 : memref<32x128xf32, #tpu.memory_space<hbm>>) dst(%dma_wait3A_269 : memref<32x128xf32, #tpu.memory_space<vmem>>)
          %dma_wait3A_273 = arith.constant 64 : i32
          %dma_wait3A_274 = arith.constant 0 : i32
          %dma_wait3A_275 = tpu.memref_slice %arg15[%dma_wait3A_273, %dma_wait3A_274] : memref<128x128xf32, #tpu.memory_space<vmem>> -> memref<32x128xf32, #tpu.memory_space<vmem>>
          %dma_wait3A_276 = arith.constant 0 : i32
          %dma_wait3A_277 = arith.constant 0 : i32
          %dma_wait3A_278 = tpu.memref_slice %arg5[%dma_wait3A_276, %dma_wait3A_277] : memref<10240x128xf32, #tpu.memory_space<hbm>> -> memref<32x128xf32, #tpu.memory_space<hbm>>
          %dma_wait3A_279 = arith.constant 64 : i32
          %dma_wait3A_280 = arith.constant 0 : i32
          %dma_wait3A_281 = tpu.memref_slice %arg15[%dma_wait3A_279, %dma_wait3A_280] : memref<128x128xf32, #tpu.memory_space<vmem>> -> memref<32x128xf32, #tpu.memory_space<vmem>>
          %dma_wait3A_282 = arith.constant 0 : i32
          %dma_wait3A_283 = arith.constant 0 : i32
          %dma_wait3A_284 = tpu.memref_slice %arg5[%dma_wait3A_282, %dma_wait3A_283] : memref<10240x128xf32, #tpu.memory_space<hbm>> -> memref<32x128xf32, #tpu.memory_space<hbm>>
          tpu.wait_dma2 semaphore(%arg35 : memref<!tpu.dma_semaphore, #tpu.memory_space<semaphore_mem>>) src(%dma_wait3A_284 : memref<32x128xf32, #tpu.memory_space<hbm>>) dst(%dma_wait3A_281 : memref<32x128xf32, #tpu.memory_space<vmem>>)
          %dma_wait3A_285 = arith.constant 96 : i32
          %dma_wait3A_286 = arith.constant 0 : i32
          %dma_wait3A_287 = tpu.memref_slice %arg15[%dma_wait3A_285, %dma_wait3A_286] : memref<128x128xf32, #tpu.memory_space<vmem>> -> memref<32x128xf32, #tpu.memory_space<vmem>>
          %dma_wait3A_288 = arith.constant 0 : i32
          %dma_wait3A_289 = arith.constant 0 : i32
          %dma_wait3A_290 = tpu.memref_slice %arg5[%dma_wait3A_288, %dma_wait3A_289] : memref<10240x128xf32, #tpu.memory_space<hbm>> -> memref<32x128xf32, #tpu.memory_space<hbm>>
          %dma_wait3A_291 = arith.constant 96 : i32
          %dma_wait3A_292 = arith.constant 0 : i32
          %dma_wait3A_293 = tpu.memref_slice %arg15[%dma_wait3A_291, %dma_wait3A_292] : memref<128x128xf32, #tpu.memory_space<vmem>> -> memref<32x128xf32, #tpu.memory_space<vmem>>
          %dma_wait3A_294 = arith.constant 0 : i32
          %dma_wait3A_295 = arith.constant 0 : i32
          %dma_wait3A_296 = tpu.memref_slice %arg5[%dma_wait3A_294, %dma_wait3A_295] : memref<10240x128xf32, #tpu.memory_space<hbm>> -> memref<32x128xf32, #tpu.memory_space<hbm>>
          tpu.wait_dma2 semaphore(%arg36 : memref<!tpu.dma_semaphore, #tpu.memory_space<semaphore_mem>>) src(%dma_wait3A_296 : memref<32x128xf32, #tpu.memory_space<hbm>>) dst(%dma_wait3A_293 : memref<32x128xf32, #tpu.memory_space<vmem>>)
          %add3A_297 = arith.constant 3 : i32
          %add3A_298 = arith.addi %add3A_215, %add3A_297 : i32
          %lt3A_299 = arith.constant 80 : i32
          %lt3A_300 = arith.cmpi slt, %add3A_298, %lt3A_299 : i32
          %convert_element_type3A_301 = arith.extui %lt3A_300 : i1 to i32
          %cond3A_302 = arith.constant 0 : i32
          %cond3A_303 = arith.cmpi ne, %convert_element_type3A_301, %cond3A_302 : i32
          scf.if %cond3A_303 {
            %mul3A_304 = arith.constant 10240 : i32
            %mul3A_305 = arith.muli %arg1, %mul3A_304 : i32
            %add3A_306 = arith.constant 3 : i32
            %add3A_307 = arith.addi %add3A_215, %add3A_306 : i32
            %mul3A_308 = arith.constant 128 : i32
            %mul3A_309 = arith.muli %add3A_307, %mul3A_308 : i32
            %add3A_310 = arith.addi %mul3A_305, %mul3A_309 : i32
            %dma_start3A_311 = tpu.memref_slice %arg2[%add3A_310] : memref<163840xi32, #tpu.memory_space<hbm>> -> memref<128xi32, #tpu.memory_space<hbm>>
            %dma_start3A_312 = tpu.memref_slice %arg2[%add3A_310] : memref<163840xi32, #tpu.memory_space<hbm>> -> memref<128xi32, #tpu.memory_space<hbm>>
            tpu.enqueue_dma source(%dma_start3A_312 : memref<128xi32, #tpu.memory_space<hbm>>) target(%arg18 : memref<128xi32, #tpu.memory_space<vmem>>) target_semaphore(%arg24 : memref<!tpu.dma_semaphore, #tpu.memory_space<semaphore_mem>>)
          } else {
          }
          "tpu.region"() ({
            %run_scoped3A = tpu.sem_alloc : memref<!tpu.dma_semaphore, #tpu.memory_space<semaphore_mem>>
            %dma_start3A_304 = arith.constant 0 : i32
            %dma_start3A_305 = arith.constant 0 : i32
            %dma_start3A_306 = tpu.memref_slice %arg13[%dma_start3A_304, %dma_start3A_305] : memref<10112x128xf32, #tpu.memory_space<vmem_shared>> -> memref<10112x128xf32, #tpu.memory_space<vmem_shared>>
            tpu.enqueue_indirect_dma source(%arg15 : memref<128x128xf32, #tpu.memory_space<vmem>>) target(%dma_start3A_306 : memref<10112x128xf32, #tpu.memory_space<vmem_shared>>) offsets(%arg21 : memref<128xi32, #tpu.memory_space<vmem>>) semaphore(%run_scoped3A : memref<!tpu.dma_semaphore, #tpu.memory_space<semaphore_mem>>) {add = true}
            %dma_wait3A_307 = arith.constant 0 : i32
            %dma_wait3A_308 = arith.constant 0 : i32
            %dma_wait3A_309 = tpu.memref_slice %arg13[%dma_wait3A_307, %dma_wait3A_308] : memref<10112x128xf32, #tpu.memory_space<vmem_shared>> -> memref<10112x128xf32, #tpu.memory_space<vmem_shared>>
            tpu.wait_indirect_dma semaphore(%run_scoped3A : memref<!tpu.dma_semaphore, #tpu.memory_space<semaphore_mem>>) src(%arg15 : memref<128x128xf32, #tpu.memory_space<vmem>>) dst(%dma_wait3A_309 : memref<10112x128xf32, #tpu.memory_space<vmem_shared>>)
            tpu.yield
          }) : () -> ()
        } else {
        }
        %add3A_221 = arith.constant 3 : i32
        %add3A_222 = arith.addi %add3A_215, %add3A_221 : i32
        %lt3A_223 = arith.constant 80 : i32
        %lt3A_224 = arith.cmpi slt, %add3A_222, %lt3A_223 : i32
        %convert_element_type3A_225 = arith.extui %lt3A_224 : i1 to i32
        %cond3A_226 = arith.constant 0 : i32
        %cond3A_227 = arith.cmpi ne, %convert_element_type3A_225, %cond3A_226 : i32
        scf.if %cond3A_227 {
          %mul3A_245 = arith.constant 10240 : i32
          %mul3A_246 = arith.muli %arg1, %mul3A_245 : i32
          %add3A_247 = arith.constant 3 : i32
          %add3A_248 = arith.addi %add3A_215, %add3A_247 : i32
          %mul3A_249 = arith.constant 128 : i32
          %mul3A_250 = arith.muli %add3A_248, %mul3A_249 : i32
          %add3A_251 = arith.addi %mul3A_246, %mul3A_250 : i32
          %dma_start3A_252 = tpu.memref_slice %arg3[%add3A_251] : memref<163840xi32, #tpu.memory_space<hbm>> -> memref<128xi32, #tpu.memory_space<hbm>>
          %dma_start3A_253 = tpu.memref_slice %arg3[%add3A_251] : memref<163840xi32, #tpu.memory_space<hbm>> -> memref<128xi32, #tpu.memory_space<hbm>>
          tpu.enqueue_dma source(%dma_start3A_253 : memref<128xi32, #tpu.memory_space<hbm>>) target(%arg21 : memref<128xi32, #tpu.memory_space<vmem>>) target_semaphore(%arg27 : memref<!tpu.dma_semaphore, #tpu.memory_space<semaphore_mem>>)
          %dma_wait3A_254 = arith.constant 0 : i32
          %dma_wait3A_255 = tpu.memref_slice %arg2[%dma_wait3A_254] : memref<163840xi32, #tpu.memory_space<hbm>> -> memref<128xi32, #tpu.memory_space<hbm>>
          %dma_wait3A_256 = arith.constant 0 : i32
          %dma_wait3A_257 = tpu.memref_slice %arg2[%dma_wait3A_256] : memref<163840xi32, #tpu.memory_space<hbm>> -> memref<128xi32, #tpu.memory_space<hbm>>
          tpu.wait_dma2 semaphore(%arg24 : memref<!tpu.dma_semaphore, #tpu.memory_space<semaphore_mem>>) src(%dma_wait3A_257 : memref<128xi32, #tpu.memory_space<hbm>>) dst(%arg18 : memref<128xi32, #tpu.memory_space<vmem>>)
          %dma_start3A_258 = arith.constant 0 : i32
          %dma_start3A_259 = arith.constant 0 : i32
          %dma_start3A_260 = tpu.memref_slice %arg15[%dma_start3A_258, %dma_start3A_259] : memref<128x128xf32, #tpu.memory_space<vmem>> -> memref<32x128xf32, #tpu.memory_space<vmem>>
          %dma_start3A_261 = arith.constant 0 : i32
          %dma_start3A_262 = tpu.memref_slice %arg18[%dma_start3A_261] : memref<128xi32, #tpu.memory_space<vmem>> -> memref<32xi32, #tpu.memory_space<vmem>>
          %dma_start3A_263 = arith.constant 0 : i32
          %dma_start3A_264 = arith.constant 0 : i32
          %dma_start3A_265 = tpu.memref_slice %arg5[%dma_start3A_263, %dma_start3A_264] : memref<10240x128xf32, #tpu.memory_space<hbm>> -> memref<10240x128xf32, #tpu.memory_space<hbm>>
          tpu.enqueue_indirect_dma source(%dma_start3A_265 : memref<10240x128xf32, #tpu.memory_space<hbm>>) target(%dma_start3A_260 : memref<32x128xf32, #tpu.memory_space<vmem>>) offsets(%dma_start3A_262 : memref<32xi32, #tpu.memory_space<vmem>>) semaphore(%arg33 : memref<!tpu.dma_semaphore, #tpu.memory_space<semaphore_mem>>)
          %dma_start3A_266 = arith.constant 32 : i32
          %dma_start3A_267 = arith.constant 0 : i32
          %dma_start3A_268 = tpu.memref_slice %arg15[%dma_start3A_266, %dma_start3A_267] : memref<128x128xf32, #tpu.memory_space<vmem>> -> memref<32x128xf32, #tpu.memory_space<vmem>>
          %dma_start3A_269 = arith.constant 32 : i32
          %dma_start3A_270 = tpu.memref_slice %arg18[%dma_start3A_269] : memref<128xi32, #tpu.memory_space<vmem>> -> memref<32xi32, #tpu.memory_space<vmem>>
          %dma_start3A_271 = arith.constant 0 : i32
          %dma_start3A_272 = arith.constant 0 : i32
          %dma_start3A_273 = tpu.memref_slice %arg5[%dma_start3A_271, %dma_start3A_272] : memref<10240x128xf32, #tpu.memory_space<hbm>> -> memref<10240x128xf32, #tpu.memory_space<hbm>>
          tpu.enqueue_indirect_dma source(%dma_start3A_273 : memref<10240x128xf32, #tpu.memory_space<hbm>>) target(%dma_start3A_268 : memref<32x128xf32, #tpu.memory_space<vmem>>) offsets(%dma_start3A_270 : memref<32xi32, #tpu.memory_space<vmem>>) semaphore(%arg34 : memref<!tpu.dma_semaphore, #tpu.memory_space<semaphore_mem>>)
          %dma_start3A_274 = arith.constant 64 : i32
          %dma_start3A_275 = arith.constant 0 : i32
          %dma_start3A_276 = tpu.memref_slice %arg15[%dma_start3A_274, %dma_start3A_275] : memref<128x128xf32, #tpu.memory_space<vmem>> -> memref<32x128xf32, #tpu.memory_space<vmem>>
          %dma_start3A_277 = arith.constant 64 : i32
          %dma_start3A_278 = tpu.memref_slice %arg18[%dma_start3A_277] : memref<128xi32, #tpu.memory_space<vmem>> -> memref<32xi32, #tpu.memory_space<vmem>>
          %dma_start3A_279 = arith.constant 0 : i32
          %dma_start3A_280 = arith.constant 0 : i32
          %dma_start3A_281 = tpu.memref_slice %arg5[%dma_start3A_279, %dma_start3A_280] : memref<10240x128xf32, #tpu.memory_space<hbm>> -> memref<10240x128xf32, #tpu.memory_space<hbm>>
          tpu.enqueue_indirect_dma source(%dma_start3A_281 : memref<10240x128xf32, #tpu.memory_space<hbm>>) target(%dma_start3A_276 : memref<32x128xf32, #tpu.memory_space<vmem>>) offsets(%dma_start3A_278 : memref<32xi32, #tpu.memory_space<vmem>>) semaphore(%arg35 : memref<!tpu.dma_semaphore, #tpu.memory_space<semaphore_mem>>)
          %dma_start3A_282 = arith.constant 96 : i32
          %dma_start3A_283 = arith.constant 0 : i32
          %dma_start3A_284 = tpu.memref_slice %arg15[%dma_start3A_282, %dma_start3A_283] : memref<128x128xf32, #tpu.memory_space<vmem>> -> memref<32x128xf32, #tpu.memory_space<vmem>>
          %dma_start3A_285 = arith.constant 96 : i32
          %dma_start3A_286 = tpu.memref_slice %arg18[%dma_start3A_285] : memref<128xi32, #tpu.memory_space<vmem>> -> memref<32xi32, #tpu.memory_space<vmem>>
          %dma_start3A_287 = arith.constant 0 : i32
          %dma_start3A_288 = arith.constant 0 : i32
          %dma_start3A_289 = tpu.memref_slice %arg5[%dma_start3A_287, %dma_start3A_288] : memref<10240x128xf32, #tpu.memory_space<hbm>> -> memref<10240x128xf32, #tpu.memory_space<hbm>>
          tpu.enqueue_indirect_dma source(%dma_start3A_289 : memref<10240x128xf32, #tpu.memory_space<hbm>>) target(%dma_start3A_284 : memref<32x128xf32, #tpu.memory_space<vmem>>) offsets(%dma_start3A_286 : memref<32xi32, #tpu.memory_space<vmem>>) semaphore(%arg36 : memref<!tpu.dma_semaphore, #tpu.memory_space<semaphore_mem>>)
        } else {
        }
        %mul3A_228 = arith.constant 3 : i32
        %mul3A_229 = arith.muli %scan3A_195, %mul3A_228 : i32
        %add3A_230 = arith.constant 2 : i32
        %add3A_231 = arith.addi %mul3A_229, %add3A_230 : i32
        %lt3A_232 = arith.constant 80 : i32
        %lt3A_233 = arith.cmpi slt, %add3A_231, %lt3A_232 : i32
        %convert_element_type3A_234 = arith.extui %lt3A_233 : i1 to i32
        %cond3A_235 = arith.constant 0 : i32
        %cond3A_236 = arith.cmpi ne, %convert_element_type3A_234, %cond3A_235 : i32
        scf.if %cond3A_236 {
          %dma_wait3A_245 = arith.constant 0 : i32
          %dma_wait3A_246 = tpu.memref_slice %arg3[%dma_wait3A_245] : memref<163840xi32, #tpu.memory_space<hbm>> -> memref<128xi32, #tpu.memory_space<hbm>>
          %dma_wait3A_247 = arith.constant 0 : i32
          %dma_wait3A_248 = tpu.memref_slice %arg3[%dma_wait3A_247] : memref<163840xi32, #tpu.memory_space<hbm>> -> memref<128xi32, #tpu.memory_space<hbm>>
          tpu.wait_dma2 semaphore(%arg28 : memref<!tpu.dma_semaphore, #tpu.memory_space<semaphore_mem>>) src(%dma_wait3A_248 : memref<128xi32, #tpu.memory_space<hbm>>) dst(%arg22 : memref<128xi32, #tpu.memory_space<vmem>>)
          %dma_wait3A_249 = arith.constant 0 : i32
          %dma_wait3A_250 = arith.constant 0 : i32
          %dma_wait3A_251 = tpu.memref_slice %arg16[%dma_wait3A_249, %dma_wait3A_250] : memref<128x128xf32, #tpu.memory_space<vmem>> -> memref<32x128xf32, #tpu.memory_space<vmem>>
          %dma_wait3A_252 = arith.constant 0 : i32
          %dma_wait3A_253 = arith.constant 0 : i32
          %dma_wait3A_254 = tpu.memref_slice %arg5[%dma_wait3A_252, %dma_wait3A_253] : memref<10240x128xf32, #tpu.memory_space<hbm>> -> memref<32x128xf32, #tpu.memory_space<hbm>>
          %dma_wait3A_255 = arith.constant 0 : i32
          %dma_wait3A_256 = arith.constant 0 : i32
          %dma_wait3A_257 = tpu.memref_slice %arg16[%dma_wait3A_255, %dma_wait3A_256] : memref<128x128xf32, #tpu.memory_space<vmem>> -> memref<32x128xf32, #tpu.memory_space<vmem>>
          %dma_wait3A_258 = arith.constant 0 : i32
          %dma_wait3A_259 = arith.constant 0 : i32
          %dma_wait3A_260 = tpu.memref_slice %arg5[%dma_wait3A_258, %dma_wait3A_259] : memref<10240x128xf32, #tpu.memory_space<hbm>> -> memref<32x128xf32, #tpu.memory_space<hbm>>
          tpu.wait_dma2 semaphore(%arg37 : memref<!tpu.dma_semaphore, #tpu.memory_space<semaphore_mem>>) src(%dma_wait3A_260 : memref<32x128xf32, #tpu.memory_space<hbm>>) dst(%dma_wait3A_257 : memref<32x128xf32, #tpu.memory_space<vmem>>)
          %dma_wait3A_261 = arith.constant 32 : i32
          %dma_wait3A_262 = arith.constant 0 : i32
          %dma_wait3A_263 = tpu.memref_slice %arg16[%dma_wait3A_261, %dma_wait3A_262] : memref<128x128xf32, #tpu.memory_space<vmem>> -> memref<32x128xf32, #tpu.memory_space<vmem>>
          %dma_wait3A_264 = arith.constant 0 : i32
          %dma_wait3A_265 = arith.constant 0 : i32
          %dma_wait3A_266 = tpu.memref_slice %arg5[%dma_wait3A_264, %dma_wait3A_265] : memref<10240x128xf32, #tpu.memory_space<hbm>> -> memref<32x128xf32, #tpu.memory_space<hbm>>
          %dma_wait3A_267 = arith.constant 32 : i32
          %dma_wait3A_268 = arith.constant 0 : i32
          %dma_wait3A_269 = tpu.memref_slice %arg16[%dma_wait3A_267, %dma_wait3A_268] : memref<128x128xf32, #tpu.memory_space<vmem>> -> memref<32x128xf32, #tpu.memory_space<vmem>>
          %dma_wait3A_270 = arith.constant 0 : i32
          %dma_wait3A_271 = arith.constant 0 : i32
          %dma_wait3A_272 = tpu.memref_slice %arg5[%dma_wait3A_270, %dma_wait3A_271] : memref<10240x128xf32, #tpu.memory_space<hbm>> -> memref<32x128xf32, #tpu.memory_space<hbm>>
          tpu.wait_dma2 semaphore(%arg38 : memref<!tpu.dma_semaphore, #tpu.memory_space<semaphore_mem>>) src(%dma_wait3A_272 : memref<32x128xf32, #tpu.memory_space<hbm>>) dst(%dma_wait3A_269 : memref<32x128xf32, #tpu.memory_space<vmem>>)
          %dma_wait3A_273 = arith.constant 64 : i32
          %dma_wait3A_274 = arith.constant 0 : i32
          %dma_wait3A_275 = tpu.memref_slice %arg16[%dma_wait3A_273, %dma_wait3A_274] : memref<128x128xf32, #tpu.memory_space<vmem>> -> memref<32x128xf32, #tpu.memory_space<vmem>>
          %dma_wait3A_276 = arith.constant 0 : i32
          %dma_wait3A_277 = arith.constant 0 : i32
          %dma_wait3A_278 = tpu.memref_slice %arg5[%dma_wait3A_276, %dma_wait3A_277] : memref<10240x128xf32, #tpu.memory_space<hbm>> -> memref<32x128xf32, #tpu.memory_space<hbm>>
          %dma_wait3A_279 = arith.constant 64 : i32
          %dma_wait3A_280 = arith.constant 0 : i32
          %dma_wait3A_281 = tpu.memref_slice %arg16[%dma_wait3A_279, %dma_wait3A_280] : memref<128x128xf32, #tpu.memory_space<vmem>> -> memref<32x128xf32, #tpu.memory_space<vmem>>
          %dma_wait3A_282 = arith.constant 0 : i32
          %dma_wait3A_283 = arith.constant 0 : i32
          %dma_wait3A_284 = tpu.memref_slice %arg5[%dma_wait3A_282, %dma_wait3A_283] : memref<10240x128xf32, #tpu.memory_space<hbm>> -> memref<32x128xf32, #tpu.memory_space<hbm>>
          tpu.wait_dma2 semaphore(%arg39 : memref<!tpu.dma_semaphore, #tpu.memory_space<semaphore_mem>>) src(%dma_wait3A_284 : memref<32x128xf32, #tpu.memory_space<hbm>>) dst(%dma_wait3A_281 : memref<32x128xf32, #tpu.memory_space<vmem>>)
          %dma_wait3A_285 = arith.constant 96 : i32
          %dma_wait3A_286 = arith.constant 0 : i32
          %dma_wait3A_287 = tpu.memref_slice %arg16[%dma_wait3A_285, %dma_wait3A_286] : memref<128x128xf32, #tpu.memory_space<vmem>> -> memref<32x128xf32, #tpu.memory_space<vmem>>
          %dma_wait3A_288 = arith.constant 0 : i32
          %dma_wait3A_289 = arith.constant 0 : i32
          %dma_wait3A_290 = tpu.memref_slice %arg5[%dma_wait3A_288, %dma_wait3A_289] : memref<10240x128xf32, #tpu.memory_space<hbm>> -> memref<32x128xf32, #tpu.memory_space<hbm>>
          %dma_wait3A_291 = arith.constant 96 : i32
          %dma_wait3A_292 = arith.constant 0 : i32
          %dma_wait3A_293 = tpu.memref_slice %arg16[%dma_wait3A_291, %dma_wait3A_292] : memref<128x128xf32, #tpu.memory_space<vmem>> -> memref<32x128xf32, #tpu.memory_space<vmem>>
          %dma_wait3A_294 = arith.constant 0 : i32
          %dma_wait3A_295 = arith.constant 0 : i32
          %dma_wait3A_296 = tpu.memref_slice %arg5[%dma_wait3A_294, %dma_wait3A_295] : memref<10240x128xf32, #tpu.memory_space<hbm>> -> memref<32x128xf32, #tpu.memory_space<hbm>>
          tpu.wait_dma2 semaphore(%arg40 : memref<!tpu.dma_semaphore, #tpu.memory_space<semaphore_mem>>) src(%dma_wait3A_296 : memref<32x128xf32, #tpu.memory_space<hbm>>) dst(%dma_wait3A_293 : memref<32x128xf32, #tpu.memory_space<vmem>>)
          %add3A_297 = arith.constant 3 : i32
          %add3A_298 = arith.addi %add3A_231, %add3A_297 : i32
          %lt3A_299 = arith.constant 80 : i32
          %lt3A_300 = arith.cmpi slt, %add3A_298, %lt3A_299 : i32
          %convert_element_type3A_301 = arith.extui %lt3A_300 : i1 to i32
          %cond3A_302 = arith.constant 0 : i32
          %cond3A_303 = arith.cmpi ne, %convert_element_type3A_301, %cond3A_302 : i32
          scf.if %cond3A_303 {
            %mul3A_304 = arith.constant 10240 : i32
            %mul3A_305 = arith.muli %arg1, %mul3A_304 : i32
            %add3A_306 = arith.constant 3 : i32
            %add3A_307 = arith.addi %add3A_231, %add3A_306 : i32
            %mul3A_308 = arith.constant 128 : i32
            %mul3A_309 = arith.muli %add3A_307, %mul3A_308 : i32
            %add3A_310 = arith.addi %mul3A_305, %mul3A_309 : i32
            %dma_start3A_311 = tpu.memref_slice %arg2[%add3A_310] : memref<163840xi32, #tpu.memory_space<hbm>> -> memref<128xi32, #tpu.memory_space<hbm>>
            %dma_start3A_312 = tpu.memref_slice %arg2[%add3A_310] : memref<163840xi32, #tpu.memory_space<hbm>> -> memref<128xi32, #tpu.memory_space<hbm>>
            tpu.enqueue_dma source(%dma_start3A_312 : memref<128xi32, #tpu.memory_space<hbm>>) target(%arg19 : memref<128xi32, #tpu.memory_space<vmem>>) target_semaphore(%arg25 : memref<!tpu.dma_semaphore, #tpu.memory_space<semaphore_mem>>)
          } else {
          }
          "tpu.region"() ({
            %run_scoped3A = tpu.sem_alloc : memref<!tpu.dma_semaphore, #tpu.memory_space<semaphore_mem>>
            %dma_start3A_304 = arith.constant 0 : i32
            %dma_start3A_305 = arith.constant 0 : i32
            %dma_start3A_306 = tpu.memref_slice %arg13[%dma_start3A_304, %dma_start3A_305] : memref<10112x128xf32, #tpu.memory_space<vmem_shared>> -> memref<10112x128xf32, #tpu.memory_space<vmem_shared>>
            tpu.enqueue_indirect_dma source(%arg16 : memref<128x128xf32, #tpu.memory_space<vmem>>) target(%dma_start3A_306 : memref<10112x128xf32, #tpu.memory_space<vmem_shared>>) offsets(%arg22 : memref<128xi32, #tpu.memory_space<vmem>>) semaphore(%run_scoped3A : memref<!tpu.dma_semaphore, #tpu.memory_space<semaphore_mem>>) {add = true}
            %dma_wait3A_307 = arith.constant 0 : i32
            %dma_wait3A_308 = arith.constant 0 : i32
            %dma_wait3A_309 = tpu.memref_slice %arg13[%dma_wait3A_307, %dma_wait3A_308] : memref<10112x128xf32, #tpu.memory_space<vmem_shared>> -> memref<10112x128xf32, #tpu.memory_space<vmem_shared>>
            tpu.wait_indirect_dma semaphore(%run_scoped3A : memref<!tpu.dma_semaphore, #tpu.memory_space<semaphore_mem>>) src(%arg16 : memref<128x128xf32, #tpu.memory_space<vmem>>) dst(%dma_wait3A_309 : memref<10112x128xf32, #tpu.memory_space<vmem_shared>>)
            tpu.yield
          }) : () -> ()
        } else {
        }
        %add3A_237 = arith.constant 3 : i32
        %add3A_238 = arith.addi %add3A_231, %add3A_237 : i32
        %lt3A_239 = arith.constant 80 : i32
        %lt3A_240 = arith.cmpi slt, %add3A_238, %lt3A_239 : i32
        %convert_element_type3A_241 = arith.extui %lt3A_240 : i1 to i32
        %cond3A_242 = arith.constant 0 : i32
        %cond3A_243 = arith.cmpi ne, %convert_element_type3A_241, %cond3A_242 : i32
        scf.if %cond3A_243 {
          %mul3A_245 = arith.constant 10240 : i32
          %mul3A_246 = arith.muli %arg1, %mul3A_245 : i32
          %add3A_247 = arith.constant 3 : i32
          %add3A_248 = arith.addi %add3A_231, %add3A_247 : i32
          %mul3A_249 = arith.constant 128 : i32
          %mul3A_250 = arith.muli %add3A_248, %mul3A_249 : i32
          %add3A_251 = arith.addi %mul3A_246, %mul3A_250 : i32
          %dma_start3A_252 = tpu.memref_slice %arg3[%add3A_251] : memref<163840xi32, #tpu.memory_space<hbm>> -> memref<128xi32, #tpu.memory_space<hbm>>
          %dma_start3A_253 = tpu.memref_slice %arg3[%add3A_251] : memref<163840xi32, #tpu.memory_space<hbm>> -> memref<128xi32, #tpu.memory_space<hbm>>
          tpu.enqueue_dma source(%dma_start3A_253 : memref<128xi32, #tpu.memory_space<hbm>>) target(%arg22 : memref<128xi32, #tpu.memory_space<vmem>>) target_semaphore(%arg28 : memref<!tpu.dma_semaphore, #tpu.memory_space<semaphore_mem>>)
          %dma_wait3A_254 = arith.constant 0 : i32
          %dma_wait3A_255 = tpu.memref_slice %arg2[%dma_wait3A_254] : memref<163840xi32, #tpu.memory_space<hbm>> -> memref<128xi32, #tpu.memory_space<hbm>>
          %dma_wait3A_256 = arith.constant 0 : i32
          %dma_wait3A_257 = tpu.memref_slice %arg2[%dma_wait3A_256] : memref<163840xi32, #tpu.memory_space<hbm>> -> memref<128xi32, #tpu.memory_space<hbm>>
          tpu.wait_dma2 semaphore(%arg25 : memref<!tpu.dma_semaphore, #tpu.memory_space<semaphore_mem>>) src(%dma_wait3A_257 : memref<128xi32, #tpu.memory_space<hbm>>) dst(%arg19 : memref<128xi32, #tpu.memory_space<vmem>>)
          %dma_start3A_258 = arith.constant 0 : i32
          %dma_start3A_259 = arith.constant 0 : i32
          %dma_start3A_260 = tpu.memref_slice %arg16[%dma_start3A_258, %dma_start3A_259] : memref<128x128xf32, #tpu.memory_space<vmem>> -> memref<32x128xf32, #tpu.memory_space<vmem>>
          %dma_start3A_261 = arith.constant 0 : i32
          %dma_start3A_262 = tpu.memref_slice %arg19[%dma_start3A_261] : memref<128xi32, #tpu.memory_space<vmem>> -> memref<32xi32, #tpu.memory_space<vmem>>
          %dma_start3A_263 = arith.constant 0 : i32
          %dma_start3A_264 = arith.constant 0 : i32
          %dma_start3A_265 = tpu.memref_slice %arg5[%dma_start3A_263, %dma_start3A_264] : memref<10240x128xf32, #tpu.memory_space<hbm>> -> memref<10240x128xf32, #tpu.memory_space<hbm>>
          tpu.enqueue_indirect_dma source(%dma_start3A_265 : memref<10240x128xf32, #tpu.memory_space<hbm>>) target(%dma_start3A_260 : memref<32x128xf32, #tpu.memory_space<vmem>>) offsets(%dma_start3A_262 : memref<32xi32, #tpu.memory_space<vmem>>) semaphore(%arg37 : memref<!tpu.dma_semaphore, #tpu.memory_space<semaphore_mem>>)
          %dma_start3A_266 = arith.constant 32 : i32
          %dma_start3A_267 = arith.constant 0 : i32
          %dma_start3A_268 = tpu.memref_slice %arg16[%dma_start3A_266, %dma_start3A_267] : memref<128x128xf32, #tpu.memory_space<vmem>> -> memref<32x128xf32, #tpu.memory_space<vmem>>
          %dma_start3A_269 = arith.constant 32 : i32
          %dma_start3A_270 = tpu.memref_slice %arg19[%dma_start3A_269] : memref<128xi32, #tpu.memory_space<vmem>> -> memref<32xi32, #tpu.memory_space<vmem>>
          %dma_start3A_271 = arith.constant 0 : i32
          %dma_start3A_272 = arith.constant 0 : i32
          %dma_start3A_273 = tpu.memref_slice %arg5[%dma_start3A_271, %dma_start3A_272] : memref<10240x128xf32, #tpu.memory_space<hbm>> -> memref<10240x128xf32, #tpu.memory_space<hbm>>
          tpu.enqueue_indirect_dma source(%dma_start3A_273 : memref<10240x128xf32, #tpu.memory_space<hbm>>) target(%dma_start3A_268 : memref<32x128xf32, #tpu.memory_space<vmem>>) offsets(%dma_start3A_270 : memref<32xi32, #tpu.memory_space<vmem>>) semaphore(%arg38 : memref<!tpu.dma_semaphore, #tpu.memory_space<semaphore_mem>>)
          %dma_start3A_274 = arith.constant 64 : i32
          %dma_start3A_275 = arith.constant 0 : i32
          %dma_start3A_276 = tpu.memref_slice %arg16[%dma_start3A_274, %dma_start3A_275] : memref<128x128xf32, #tpu.memory_space<vmem>> -> memref<32x128xf32, #tpu.memory_space<vmem>>
          %dma_start3A_277 = arith.constant 64 : i32
          %dma_start3A_278 = tpu.memref_slice %arg19[%dma_start3A_277] : memref<128xi32, #tpu.memory_space<vmem>> -> memref<32xi32, #tpu.memory_space<vmem>>
          %dma_start3A_279 = arith.constant 0 : i32
          %dma_start3A_280 = arith.constant 0 : i32
          %dma_start3A_281 = tpu.memref_slice %arg5[%dma_start3A_279, %dma_start3A_280] : memref<10240x128xf32, #tpu.memory_space<hbm>> -> memref<10240x128xf32, #tpu.memory_space<hbm>>
          tpu.enqueue_indirect_dma source(%dma_start3A_281 : memref<10240x128xf32, #tpu.memory_space<hbm>>) target(%dma_start3A_276 : memref<32x128xf32, #tpu.memory_space<vmem>>) offsets(%dma_start3A_278 : memref<32xi32, #tpu.memory_space<vmem>>) semaphore(%arg39 : memref<!tpu.dma_semaphore, #tpu.memory_space<semaphore_mem>>)
          %dma_start3A_282 = arith.constant 96 : i32
          %dma_start3A_283 = arith.constant 0 : i32
          %dma_start3A_284 = tpu.memref_slice %arg16[%dma_start3A_282, %dma_start3A_283] : memref<128x128xf32, #tpu.memory_space<vmem>> -> memref<32x128xf32, #tpu.memory_space<vmem>>
          %dma_start3A_285 = arith.constant 96 : i32
          %dma_start3A_286 = tpu.memref_slice %arg19[%dma_start3A_285] : memref<128xi32, #tpu.memory_space<vmem>> -> memref<32xi32, #tpu.memory_space<vmem>>
          %dma_start3A_287 = arith.constant 0 : i32
          %dma_start3A_288 = arith.constant 0 : i32
          %dma_start3A_289 = tpu.memref_slice %arg5[%dma_start3A_287, %dma_start3A_288] : memref<10240x128xf32, #tpu.memory_space<hbm>> -> memref<10240x128xf32, #tpu.memory_space<hbm>>
          tpu.enqueue_indirect_dma source(%dma_start3A_289 : memref<10240x128xf32, #tpu.memory_space<hbm>>) target(%dma_start3A_284 : memref<32x128xf32, #tpu.memory_space<vmem>>) offsets(%dma_start3A_286 : memref<32xi32, #tpu.memory_space<vmem>>) semaphore(%arg40 : memref<!tpu.dma_semaphore, #tpu.memory_space<semaphore_mem>>)
        } else {
        }
        %scan3A_244 = arith.constant 0 : i32
        scf.yield %scan3A_244 : i32
      }
      %scan3A_194 = arith.constant 27 : i32
    } else {
    }
    %barrier3A_13 = arith.constant 0 : index
    tpu.barrier barrier_id(%barrier3A_13)
    %eq3A_14 = arith.constant 0 : i32
    %eq3A_15 = arith.cmpi eq, %arg0, %eq3A_14 : i32
    %convert_element_type3A_16 = arith.extui %eq3A_15 : i1 to i32
    %cond3A_17 = arith.constant 0 : i32
    %cond3A_18 = arith.cmpi ne, %convert_element_type3A_16, %cond3A_17 : i32
    scf.if %cond3A_18 {
      %scan3A_55 = arith.constant 0 : i32
      %scan3A_56 = arith.constant 0 : i32
      %scan3A_57 = arith.constant 5 : i32
      %scan3A_58 = arith.addi %scan3A_56, %scan3A_57 : i32
      %scan3A_59 = arith.constant 1 : i32
      %scan3A_60 = scf.for %scan3A_62 = %scan3A_56 to %scan3A_58 step %scan3A_59 iter_args(%scan3A_63 = %scan3A_55) -> (i32)  : i32 {
        %mul3A = arith.constant 5 : i32
        %mul3A_64 = arith.muli %arg1, %mul3A : i32
        %add3A = arith.addi %mul3A_64, %scan3A_62 : i32
        %lt3A = arith.constant 79 : i32
        %lt3A_65 = arith.cmpi slt, %add3A, %lt3A : i32
        %convert_element_type3A_66 = arith.extui %lt3A_65 : i1 to i32
        %cond3A_67 = arith.constant 0 : i32
        %cond3A_68 = arith.cmpi ne, %convert_element_type3A_66, %cond3A_67 : i32
        scf.if %cond3A_68 {
          %mul3A_70 = arith.constant 128 : i32
          %mul3A_71 = arith.muli %add3A, %mul3A_70 : i32
          %mul3A_72 = arith.constant 128 : i32
          %mul3A_73 = arith.muli %add3A, %mul3A_72 : i32
          "tpu.region"() ({
            %run_scoped3A = tpu.sem_alloc : memref<!tpu.dma_semaphore, #tpu.memory_space<semaphore_mem>>
            %dma_start3A = arith.constant 0 : i32
            %dma_start3A_74 = tpu.memref_slice %arg9[%mul3A_73, %dma_start3A] : memref<10240x128xf32, #tpu.memory_space<hbm>> -> memref<128x128xf32, #tpu.memory_space<hbm>>
            %dma_start3A_75 = arith.constant 0 : i32
            %dma_start3A_76 = tpu.memref_slice %arg13[%mul3A_71, %dma_start3A_75] : memref<10112x128xf32, #tpu.memory_space<vmem_shared>> -> memref<128x128xf32, #tpu.memory_space<vmem_shared>>
            tpu.enqueue_dma source(%dma_start3A_76 : memref<128x128xf32, #tpu.memory_space<vmem_shared>>) target(%dma_start3A_74 : memref<128x128xf32, #tpu.memory_space<hbm>>) target_semaphore(%run_scoped3A : memref<!tpu.dma_semaphore, #tpu.memory_space<semaphore_mem>>)
            %dma_wait3A = arith.constant 0 : i32
            %dma_wait3A_77 = tpu.memref_slice %arg9[%mul3A_73, %dma_wait3A] : memref<10240x128xf32, #tpu.memory_space<hbm>> -> memref<128x128xf32, #tpu.memory_space<hbm>>
            %dma_wait3A_78 = arith.constant 0 : i32
            %dma_wait3A_79 = tpu.memref_slice %arg13[%mul3A_71, %dma_wait3A_78] : memref<10112x128xf32, #tpu.memory_space<vmem_shared>> -> memref<128x128xf32, #tpu.memory_space<vmem_shared>>
            tpu.wait_dma2 semaphore(%run_scoped3A : memref<!tpu.dma_semaphore, #tpu.memory_space<semaphore_mem>>) src(%dma_wait3A_79 : memref<128x128xf32, #tpu.memory_space<vmem_shared>>) dst(%dma_wait3A_77 : memref<128x128xf32, #tpu.memory_space<hbm>>)
            tpu.yield
          }) : () -> ()
        } else {
        }
        %scan3A_69 = arith.constant 0 : i32
        scf.yield %scan3A_69 : i32
      }
      %scan3A_61 = arith.constant 5 : i32
    } else {
    }
    %eq3A_19 = arith.constant 1 : i32
    %eq3A_20 = arith.cmpi eq, %arg0, %eq3A_19 : i32
    %convert_element_type3A_21 = arith.extui %eq3A_20 : i1 to i32
    %cond3A_22 = arith.constant 0 : i32
    %cond3A_23 = arith.cmpi ne, %convert_element_type3A_21, %cond3A_22 : i32
    scf.if %cond3A_23 {
      %scan3A_55 = arith.constant 0 : i32
      %scan3A_56 = arith.constant 0 : i32
      %scan3A_57 = arith.constant 5 : i32
      %scan3A_58 = arith.addi %scan3A_56, %scan3A_57 : i32
      %scan3A_59 = arith.constant 1 : i32
      %scan3A_60 = scf.for %scan3A_62 = %scan3A_56 to %scan3A_58 step %scan3A_59 iter_args(%scan3A_63 = %scan3A_55) -> (i32)  : i32 {
        %mul3A = arith.constant 5 : i32
        %mul3A_64 = arith.muli %arg1, %mul3A : i32
        %add3A = arith.addi %mul3A_64, %scan3A_62 : i32
        %lt3A = arith.constant 79 : i32
        %lt3A_65 = arith.cmpi slt, %add3A, %lt3A : i32
        %convert_element_type3A_66 = arith.extui %lt3A_65 : i1 to i32
        %cond3A_67 = arith.constant 0 : i32
        %cond3A_68 = arith.cmpi ne, %convert_element_type3A_66, %cond3A_67 : i32
        scf.if %cond3A_68 {
          %mul3A_70 = arith.constant 128 : i32
          %mul3A_71 = arith.muli %add3A, %mul3A_70 : i32
          %mul3A_72 = arith.constant 128 : i32
          %mul3A_73 = arith.muli %add3A, %mul3A_72 : i32
          "tpu.region"() ({
            %run_scoped3A = tpu.sem_alloc : memref<!tpu.dma_semaphore, #tpu.memory_space<semaphore_mem>>
            %dma_start3A = arith.constant 0 : i32
            %dma_start3A_74 = tpu.memref_slice %arg10[%mul3A_73, %dma_start3A] : memref<10240x128xf32, #tpu.memory_space<hbm>> -> memref<128x128xf32, #tpu.memory_space<hbm>>
            %dma_start3A_75 = arith.constant 0 : i32
            %dma_start3A_76 = tpu.memref_slice %arg13[%mul3A_71, %dma_start3A_75] : memref<10112x128xf32, #tpu.memory_space<vmem_shared>> -> memref<128x128xf32, #tpu.memory_space<vmem_shared>>
            tpu.enqueue_dma source(%dma_start3A_76 : memref<128x128xf32, #tpu.memory_space<vmem_shared>>) target(%dma_start3A_74 : memref<128x128xf32, #tpu.memory_space<hbm>>) target_semaphore(%run_scoped3A : memref<!tpu.dma_semaphore, #tpu.memory_space<semaphore_mem>>)
            %dma_wait3A = arith.constant 0 : i32
            %dma_wait3A_77 = tpu.memref_slice %arg10[%mul3A_73, %dma_wait3A] : memref<10240x128xf32, #tpu.memory_space<hbm>> -> memref<128x128xf32, #tpu.memory_space<hbm>>
            %dma_wait3A_78 = arith.constant 0 : i32
            %dma_wait3A_79 = tpu.memref_slice %arg13[%mul3A_71, %dma_wait3A_78] : memref<10112x128xf32, #tpu.memory_space<vmem_shared>> -> memref<128x128xf32, #tpu.memory_space<vmem_shared>>
            tpu.wait_dma2 semaphore(%run_scoped3A : memref<!tpu.dma_semaphore, #tpu.memory_space<semaphore_mem>>) src(%dma_wait3A_79 : memref<128x128xf32, #tpu.memory_space<vmem_shared>>) dst(%dma_wait3A_77 : memref<128x128xf32, #tpu.memory_space<hbm>>)
            tpu.yield
          }) : () -> ()
        } else {
        }
        %scan3A_69 = arith.constant 0 : i32
        scf.yield %scan3A_69 : i32
      }
      %scan3A_61 = arith.constant 5 : i32
    } else {
    }
    %barrier3A_24 = arith.constant 0 : index
    tpu.barrier barrier_id(%barrier3A_24)
    "tpu.region"() ({
      %run_scoped3A = tpu.sem_alloc : memref<!tpu.dma_semaphore, #tpu.memory_space<semaphore_mem>>
      tpu.enqueue_dma source(%arg8 : memref<128x128xf32, #tpu.memory_space<hbm>>) target(%arg14 : memref<128x128xf32, #tpu.memory_space<vmem>>) target_semaphore(%run_scoped3A : memref<!tpu.dma_semaphore, #tpu.memory_space<semaphore_mem>>)
      tpu.wait_dma2 semaphore(%run_scoped3A : memref<!tpu.dma_semaphore, #tpu.memory_space<semaphore_mem>>) src(%arg8 : memref<128x128xf32, #tpu.memory_space<hbm>>) dst(%arg14 : memref<128x128xf32, #tpu.memory_space<vmem>>)
      tpu.yield
    }) : () -> ()
    %scan3A_25 = arith.constant 0 : i32
    %scan3A_26 = arith.constant 0 : i32
    %scan3A_27 = arith.constant 5 : i32
    %scan3A_28 = arith.addi %scan3A_26, %scan3A_27 : i32
    %scan3A_29 = arith.constant 1 : i32
    %scan3A_30 = scf.for %scan3A_55 = %scan3A_26 to %scan3A_28 step %scan3A_29 iter_args(%scan3A_56 = %scan3A_25) -> (i32)  : i32 {
      %mul3A = arith.constant 5 : i32
      %mul3A_57 = arith.muli %arg1, %mul3A : i32
      %add3A = arith.addi %mul3A_57, %scan3A_55 : i32
      %lt3A = arith.constant 79 : i32
      %lt3A_58 = arith.cmpi slt, %add3A, %lt3A : i32
      %convert_element_type3A_59 = arith.extui %lt3A_58 : i1 to i32
      %cond3A_60 = arith.constant 0 : i32
      %cond3A_61 = arith.cmpi ne, %convert_element_type3A_59, %cond3A_60 : i32
      scf.if %cond3A_61 {
        %mul3A_63 = arith.constant 128 : i32
        %mul3A_64 = arith.muli %add3A, %mul3A_63 : i32
        "tpu.region"() ({
          %run_scoped3A = tpu.sem_alloc : memref<!tpu.dma_semaphore, #tpu.memory_space<semaphore_mem>>
          %dma_start3A = arith.constant 0 : i32
          %dma_start3A_65 = tpu.memref_slice %arg13[%mul3A_64, %dma_start3A] : memref<10112x128xf32, #tpu.memory_space<vmem_shared>> -> memref<128x128xf32, #tpu.memory_space<vmem_shared>>
          %dma_start3A_66 = arith.constant 0 : i32
          %dma_start3A_67 = tpu.memref_slice %arg13[%mul3A_64, %dma_start3A_66] : memref<10112x128xf32, #tpu.memory_space<vmem_shared>> -> memref<128x128xf32, #tpu.memory_space<vmem_shared>>
          tpu.enqueue_dma source(%arg14 : memref<128x128xf32, #tpu.memory_space<vmem>>) target(%dma_start3A_67 : memref<128x128xf32, #tpu.memory_space<vmem_shared>>) target_semaphore(%run_scoped3A : memref<!tpu.dma_semaphore, #tpu.memory_space<semaphore_mem>>)
          %dma_wait3A = arith.constant 0 : i32
          %dma_wait3A_68 = tpu.memref_slice %arg13[%mul3A_64, %dma_wait3A] : memref<10112x128xf32, #tpu.memory_space<vmem_shared>> -> memref<128x128xf32, #tpu.memory_space<vmem_shared>>
          %dma_wait3A_69 = arith.constant 0 : i32
          %dma_wait3A_70 = tpu.memref_slice %arg13[%mul3A_64, %dma_wait3A_69] : memref<10112x128xf32, #tpu.memory_space<vmem_shared>> -> memref<128x128xf32, #tpu.memory_space<vmem_shared>>
          tpu.wait_dma2 semaphore(%run_scoped3A : memref<!tpu.dma_semaphore, #tpu.memory_space<semaphore_mem>>) src(%arg14 : memref<128x128xf32, #tpu.memory_space<vmem>>) dst(%dma_wait3A_70 : memref<128x128xf32, #tpu.memory_space<vmem_shared>>)
          tpu.yield
        }) : () -> ()
      } else {
      }
      %scan3A_62 = arith.constant 0 : i32
      scf.yield %scan3A_62 : i32
    }
    %scan3A_31 = arith.constant 5 : i32
    %barrier3A_32 = arith.constant 0 : index
    tpu.barrier barrier_id(%barrier3A_32)
    %eq3A_33 = arith.constant 0 : i32
    %eq3A_34 = arith.cmpi eq, %arg0, %eq3A_33 : i32
    %convert_element_type3A_35 = arith.extui %eq3A_34 : i1 to i32
    %cond3A_36 = arith.constant 0 : i32
    %cond3A_37 = arith.cmpi ne, %convert_element_type3A_35, %cond3A_36 : i32
    scf.if %cond3A_37 {
      %eq3A_55 = arith.constant 15 : i32
      %eq3A_56 = arith.cmpi eq, %arg1, %eq3A_55 : i32
      %convert_element_type3A_57 = arith.extui %eq3A_56 : i1 to i32
      %cond3A_58 = arith.constant 0 : i32
      %cond3A_59 = arith.cmpi ne, %convert_element_type3A_57, %cond3A_58 : i32
      scf.if %cond3A_59 {
        "tpu.region"() ({
          %run_scoped3A = tpu.sem_alloc : memref<!tpu.dma_semaphore, #tpu.memory_space<semaphore_mem>>
          %dma_start3A_195 = arith.constant 10112 : i32
          %dma_start3A_196 = arith.constant 0 : i32
          %dma_start3A_197 = tpu.memref_slice %arg11[%dma_start3A_195, %dma_start3A_196] : memref<10240x128xf32, #tpu.memory_space<hbm>> -> memref<128x128xf32, #tpu.memory_space<hbm>>
          %dma_start3A_198 = arith.constant 10112 : i32
          %dma_start3A_199 = arith.constant 0 : i32
          %dma_start3A_200 = tpu.memref_slice %arg11[%dma_start3A_198, %dma_start3A_199] : memref<10240x128xf32, #tpu.memory_space<hbm>> -> memref<128x128xf32, #tpu.memory_space<hbm>>
          tpu.enqueue_dma source(%arg14 : memref<128x128xf32, #tpu.memory_space<vmem>>) target(%dma_start3A_200 : memref<128x128xf32, #tpu.memory_space<hbm>>) target_semaphore(%run_scoped3A : memref<!tpu.dma_semaphore, #tpu.memory_space<semaphore_mem>>)
          %dma_wait3A_201 = arith.constant 10112 : i32
          %dma_wait3A_202 = arith.constant 0 : i32
          %dma_wait3A_203 = tpu.memref_slice %arg11[%dma_wait3A_201, %dma_wait3A_202] : memref<10240x128xf32, #tpu.memory_space<hbm>> -> memref<128x128xf32, #tpu.memory_space<hbm>>
          %dma_wait3A_204 = arith.constant 10112 : i32
          %dma_wait3A_205 = arith.constant 0 : i32
          %dma_wait3A_206 = tpu.memref_slice %arg11[%dma_wait3A_204, %dma_wait3A_205] : memref<10240x128xf32, #tpu.memory_space<hbm>> -> memref<128x128xf32, #tpu.memory_space<hbm>>
          tpu.wait_dma2 semaphore(%run_scoped3A : memref<!tpu.dma_semaphore, #tpu.memory_space<semaphore_mem>>) src(%arg14 : memref<128x128xf32, #tpu.memory_space<vmem>>) dst(%dma_wait3A_206 : memref<128x128xf32, #tpu.memory_space<hbm>>)
          tpu.yield
        }) : () -> ()
      } else {
      }
      %mul3A = arith.constant 10240 : i32
      %mul3A_60 = arith.muli %arg1, %mul3A : i32
      %add3A = arith.constant 0 : i32
      %add3A_61 = arith.addi %mul3A_60, %add3A : i32
      %dma_start3A = tpu.memref_slice %arg2[%add3A_61] : memref<163840xi32, #tpu.memory_space<hbm>> -> memref<128xi32, #tpu.memory_space<hbm>>
      %dma_start3A_62 = tpu.memref_slice %arg2[%add3A_61] : memref<163840xi32, #tpu.memory_space<hbm>> -> memref<128xi32, #tpu.memory_space<hbm>>
      tpu.enqueue_dma source(%dma_start3A_62 : memref<128xi32, #tpu.memory_space<hbm>>) target(%arg17 : memref<128xi32, #tpu.memory_space<vmem>>) target_semaphore(%arg23 : memref<!tpu.dma_semaphore, #tpu.memory_space<semaphore_mem>>)
      %dma_start3A_63 = tpu.memref_slice %arg3[%add3A_61] : memref<163840xi32, #tpu.memory_space<hbm>> -> memref<128xi32, #tpu.memory_space<hbm>>
      %dma_start3A_64 = tpu.memref_slice %arg3[%add3A_61] : memref<163840xi32, #tpu.memory_space<hbm>> -> memref<128xi32, #tpu.memory_space<hbm>>
      tpu.enqueue_dma source(%dma_start3A_64 : memref<128xi32, #tpu.memory_space<hbm>>) target(%arg20 : memref<128xi32, #tpu.memory_space<vmem>>) target_semaphore(%arg26 : memref<!tpu.dma_semaphore, #tpu.memory_space<semaphore_mem>>)
      %mul3A_65 = arith.constant 10240 : i32
      %mul3A_66 = arith.muli %arg1, %mul3A_65 : i32
      %add3A_67 = arith.constant 128 : i32
      %add3A_68 = arith.addi %mul3A_66, %add3A_67 : i32
      %dma_start3A_69 = tpu.memref_slice %arg2[%add3A_68] : memref<163840xi32, #tpu.memory_space<hbm>> -> memref<128xi32, #tpu.memory_space<hbm>>
      %dma_start3A_70 = tpu.memref_slice %arg2[%add3A_68] : memref<163840xi32, #tpu.memory_space<hbm>> -> memref<128xi32, #tpu.memory_space<hbm>>
      tpu.enqueue_dma source(%dma_start3A_70 : memref<128xi32, #tpu.memory_space<hbm>>) target(%arg18 : memref<128xi32, #tpu.memory_space<vmem>>) target_semaphore(%arg24 : memref<!tpu.dma_semaphore, #tpu.memory_space<semaphore_mem>>)
      %dma_start3A_71 = tpu.memref_slice %arg3[%add3A_68] : memref<163840xi32, #tpu.memory_space<hbm>> -> memref<128xi32, #tpu.memory_space<hbm>>
      %dma_start3A_72 = tpu.memref_slice %arg3[%add3A_68] : memref<163840xi32, #tpu.memory_space<hbm>> -> memref<128xi32, #tpu.memory_space<hbm>>
      tpu.enqueue_dma source(%dma_start3A_72 : memref<128xi32, #tpu.memory_space<hbm>>) target(%arg21 : memref<128xi32, #tpu.memory_space<vmem>>) target_semaphore(%arg27 : memref<!tpu.dma_semaphore, #tpu.memory_space<semaphore_mem>>)
      %mul3A_73 = arith.constant 10240 : i32
      %mul3A_74 = arith.muli %arg1, %mul3A_73 : i32
      %add3A_75 = arith.constant 256 : i32
      %add3A_76 = arith.addi %mul3A_74, %add3A_75 : i32
      %dma_start3A_77 = tpu.memref_slice %arg2[%add3A_76] : memref<163840xi32, #tpu.memory_space<hbm>> -> memref<128xi32, #tpu.memory_space<hbm>>
      %dma_start3A_78 = tpu.memref_slice %arg2[%add3A_76] : memref<163840xi32, #tpu.memory_space<hbm>> -> memref<128xi32, #tpu.memory_space<hbm>>
      tpu.enqueue_dma source(%dma_start3A_78 : memref<128xi32, #tpu.memory_space<hbm>>) target(%arg19 : memref<128xi32, #tpu.memory_space<vmem>>) target_semaphore(%arg25 : memref<!tpu.dma_semaphore, #tpu.memory_space<semaphore_mem>>)
      %dma_start3A_79 = tpu.memref_slice %arg3[%add3A_76] : memref<163840xi32, #tpu.memory_space<hbm>> -> memref<128xi32, #tpu.memory_space<hbm>>
      %dma_start3A_80 = tpu.memref_slice %arg3[%add3A_76] : memref<163840xi32, #tpu.memory_space<hbm>> -> memref<128xi32, #tpu.memory_space<hbm>>
      tpu.enqueue_dma source(%dma_start3A_80 : memref<128xi32, #tpu.memory_space<hbm>>) target(%arg22 : memref<128xi32, #tpu.memory_space<vmem>>) target_semaphore(%arg28 : memref<!tpu.dma_semaphore, #tpu.memory_space<semaphore_mem>>)
      %dma_wait3A = arith.constant 0 : i32
      %dma_wait3A_81 = tpu.memref_slice %arg2[%dma_wait3A] : memref<163840xi32, #tpu.memory_space<hbm>> -> memref<128xi32, #tpu.memory_space<hbm>>
      %dma_wait3A_82 = arith.constant 0 : i32
      %dma_wait3A_83 = tpu.memref_slice %arg2[%dma_wait3A_82] : memref<163840xi32, #tpu.memory_space<hbm>> -> memref<128xi32, #tpu.memory_space<hbm>>
      tpu.wait_dma2 semaphore(%arg23 : memref<!tpu.dma_semaphore, #tpu.memory_space<semaphore_mem>>) src(%dma_wait3A_83 : memref<128xi32, #tpu.memory_space<hbm>>) dst(%arg17 : memref<128xi32, #tpu.memory_space<vmem>>)
      %dma_start3A_84 = arith.constant 0 : i32
      %dma_start3A_85 = arith.constant 0 : i32
      %dma_start3A_86 = tpu.memref_slice %arg14[%dma_start3A_84, %dma_start3A_85] : memref<128x128xf32, #tpu.memory_space<vmem>> -> memref<32x128xf32, #tpu.memory_space<vmem>>
      %dma_start3A_87 = arith.constant 0 : i32
      %dma_start3A_88 = tpu.memref_slice %arg17[%dma_start3A_87] : memref<128xi32, #tpu.memory_space<vmem>> -> memref<32xi32, #tpu.memory_space<vmem>>
      %dma_start3A_89 = arith.constant 0 : i32
      %dma_start3A_90 = arith.constant 0 : i32
      %dma_start3A_91 = tpu.memref_slice %arg6[%dma_start3A_89, %dma_start3A_90] : memref<10240x128xf32, #tpu.memory_space<hbm>> -> memref<10240x128xf32, #tpu.memory_space<hbm>>
      tpu.enqueue_indirect_dma source(%dma_start3A_91 : memref<10240x128xf32, #tpu.memory_space<hbm>>) target(%dma_start3A_86 : memref<32x128xf32, #tpu.memory_space<vmem>>) offsets(%dma_start3A_88 : memref<32xi32, #tpu.memory_space<vmem>>) semaphore(%arg29 : memref<!tpu.dma_semaphore, #tpu.memory_space<semaphore_mem>>)
      %dma_start3A_92 = arith.constant 32 : i32
      %dma_start3A_93 = arith.constant 0 : i32
      %dma_start3A_94 = tpu.memref_slice %arg14[%dma_start3A_92, %dma_start3A_93] : memref<128x128xf32, #tpu.memory_space<vmem>> -> memref<32x128xf32, #tpu.memory_space<vmem>>
      %dma_start3A_95 = arith.constant 32 : i32
      %dma_start3A_96 = tpu.memref_slice %arg17[%dma_start3A_95] : memref<128xi32, #tpu.memory_space<vmem>> -> memref<32xi32, #tpu.memory_space<vmem>>
      %dma_start3A_97 = arith.constant 0 : i32
      %dma_start3A_98 = arith.constant 0 : i32
      %dma_start3A_99 = tpu.memref_slice %arg6[%dma_start3A_97, %dma_start3A_98] : memref<10240x128xf32, #tpu.memory_space<hbm>> -> memref<10240x128xf32, #tpu.memory_space<hbm>>
      tpu.enqueue_indirect_dma source(%dma_start3A_99 : memref<10240x128xf32, #tpu.memory_space<hbm>>) target(%dma_start3A_94 : memref<32x128xf32, #tpu.memory_space<vmem>>) offsets(%dma_start3A_96 : memref<32xi32, #tpu.memory_space<vmem>>) semaphore(%arg30 : memref<!tpu.dma_semaphore, #tpu.memory_space<semaphore_mem>>)
      %dma_start3A_100 = arith.constant 64 : i32
      %dma_start3A_101 = arith.constant 0 : i32
      %dma_start3A_102 = tpu.memref_slice %arg14[%dma_start3A_100, %dma_start3A_101] : memref<128x128xf32, #tpu.memory_space<vmem>> -> memref<32x128xf32, #tpu.memory_space<vmem>>
      %dma_start3A_103 = arith.constant 64 : i32
      %dma_start3A_104 = tpu.memref_slice %arg17[%dma_start3A_103] : memref<128xi32, #tpu.memory_space<vmem>> -> memref<32xi32, #tpu.memory_space<vmem>>
      %dma_start3A_105 = arith.constant 0 : i32
      %dma_start3A_106 = arith.constant 0 : i32
      %dma_start3A_107 = tpu.memref_slice %arg6[%dma_start3A_105, %dma_start3A_106] : memref<10240x128xf32, #tpu.memory_space<hbm>> -> memref<10240x128xf32, #tpu.memory_space<hbm>>
      tpu.enqueue_indirect_dma source(%dma_start3A_107 : memref<10240x128xf32, #tpu.memory_space<hbm>>) target(%dma_start3A_102 : memref<32x128xf32, #tpu.memory_space<vmem>>) offsets(%dma_start3A_104 : memref<32xi32, #tpu.memory_space<vmem>>) semaphore(%arg31 : memref<!tpu.dma_semaphore, #tpu.memory_space<semaphore_mem>>)
      %dma_start3A_108 = arith.constant 96 : i32
      %dma_start3A_109 = arith.constant 0 : i32
      %dma_start3A_110 = tpu.memref_slice %arg14[%dma_start3A_108, %dma_start3A_109] : memref<128x128xf32, #tpu.memory_space<vmem>> -> memref<32x128xf32, #tpu.memory_space<vmem>>
      %dma_start3A_111 = arith.constant 96 : i32
      %dma_start3A_112 = tpu.memref_slice %arg17[%dma_start3A_111] : memref<128xi32, #tpu.memory_space<vmem>> -> memref<32xi32, #tpu.memory_space<vmem>>
      %dma_start3A_113 = arith.constant 0 : i32
      %dma_start3A_114 = arith.constant 0 : i32
      %dma_start3A_115 = tpu.memref_slice %arg6[%dma_start3A_113, %dma_start3A_114] : memref<10240x128xf32, #tpu.memory_space<hbm>> -> memref<10240x128xf32, #tpu.memory_space<hbm>>
      tpu.enqueue_indirect_dma source(%dma_start3A_115 : memref<10240x128xf32, #tpu.memory_space<hbm>>) target(%dma_start3A_110 : memref<32x128xf32, #tpu.memory_space<vmem>>) offsets(%dma_start3A_112 : memref<32xi32, #tpu.memory_space<vmem>>) semaphore(%arg32 : memref<!tpu.dma_semaphore, #tpu.memory_space<semaphore_mem>>)
      %dma_wait3A_116 = arith.constant 0 : i32
      %dma_wait3A_117 = tpu.memref_slice %arg2[%dma_wait3A_116] : memref<163840xi32, #tpu.memory_space<hbm>> -> memref<128xi32, #tpu.memory_space<hbm>>
      %dma_wait3A_118 = arith.constant 0 : i32
      %dma_wait3A_119 = tpu.memref_slice %arg2[%dma_wait3A_118] : memref<163840xi32, #tpu.memory_space<hbm>> -> memref<128xi32, #tpu.memory_space<hbm>>
      tpu.wait_dma2 semaphore(%arg24 : memref<!tpu.dma_semaphore, #tpu.memory_space<semaphore_mem>>) src(%dma_wait3A_119 : memref<128xi32, #tpu.memory_space<hbm>>) dst(%arg18 : memref<128xi32, #tpu.memory_space<vmem>>)
      %dma_start3A_120 = arith.constant 0 : i32
      %dma_start3A_121 = arith.constant 0 : i32
      %dma_start3A_122 = tpu.memref_slice %arg15[%dma_start3A_120, %dma_start3A_121] : memref<128x128xf32, #tpu.memory_space<vmem>> -> memref<32x128xf32, #tpu.memory_space<vmem>>
      %dma_start3A_123 = arith.constant 0 : i32
      %dma_start3A_124 = tpu.memref_slice %arg18[%dma_start3A_123] : memref<128xi32, #tpu.memory_space<vmem>> -> memref<32xi32, #tpu.memory_space<vmem>>
      %dma_start3A_125 = arith.constant 0 : i32
      %dma_start3A_126 = arith.constant 0 : i32
      %dma_start3A_127 = tpu.memref_slice %arg6[%dma_start3A_125, %dma_start3A_126] : memref<10240x128xf32, #tpu.memory_space<hbm>> -> memref<10240x128xf32, #tpu.memory_space<hbm>>
      tpu.enqueue_indirect_dma source(%dma_start3A_127 : memref<10240x128xf32, #tpu.memory_space<hbm>>) target(%dma_start3A_122 : memref<32x128xf32, #tpu.memory_space<vmem>>) offsets(%dma_start3A_124 : memref<32xi32, #tpu.memory_space<vmem>>) semaphore(%arg33 : memref<!tpu.dma_semaphore, #tpu.memory_space<semaphore_mem>>)
      %dma_start3A_128 = arith.constant 32 : i32
      %dma_start3A_129 = arith.constant 0 : i32
      %dma_start3A_130 = tpu.memref_slice %arg15[%dma_start3A_128, %dma_start3A_129] : memref<128x128xf32, #tpu.memory_space<vmem>> -> memref<32x128xf32, #tpu.memory_space<vmem>>
      %dma_start3A_131 = arith.constant 32 : i32
      %dma_start3A_132 = tpu.memref_slice %arg18[%dma_start3A_131] : memref<128xi32, #tpu.memory_space<vmem>> -> memref<32xi32, #tpu.memory_space<vmem>>
      %dma_start3A_133 = arith.constant 0 : i32
      %dma_start3A_134 = arith.constant 0 : i32
      %dma_start3A_135 = tpu.memref_slice %arg6[%dma_start3A_133, %dma_start3A_134] : memref<10240x128xf32, #tpu.memory_space<hbm>> -> memref<10240x128xf32, #tpu.memory_space<hbm>>
      tpu.enqueue_indirect_dma source(%dma_start3A_135 : memref<10240x128xf32, #tpu.memory_space<hbm>>) target(%dma_start3A_130 : memref<32x128xf32, #tpu.memory_space<vmem>>) offsets(%dma_start3A_132 : memref<32xi32, #tpu.memory_space<vmem>>) semaphore(%arg34 : memref<!tpu.dma_semaphore, #tpu.memory_space<semaphore_mem>>)
      %dma_start3A_136 = arith.constant 64 : i32
      %dma_start3A_137 = arith.constant 0 : i32
      %dma_start3A_138 = tpu.memref_slice %arg15[%dma_start3A_136, %dma_start3A_137] : memref<128x128xf32, #tpu.memory_space<vmem>> -> memref<32x128xf32, #tpu.memory_space<vmem>>
      %dma_start3A_139 = arith.constant 64 : i32
      %dma_start3A_140 = tpu.memref_slice %arg18[%dma_start3A_139] : memref<128xi32, #tpu.memory_space<vmem>> -> memref<32xi32, #tpu.memory_space<vmem>>
      %dma_start3A_141 = arith.constant 0 : i32
      %dma_start3A_142 = arith.constant 0 : i32
      %dma_start3A_143 = tpu.memref_slice %arg6[%dma_start3A_141, %dma_start3A_142] : memref<10240x128xf32, #tpu.memory_space<hbm>> -> memref<10240x128xf32, #tpu.memory_space<hbm>>
      tpu.enqueue_indirect_dma source(%dma_start3A_143 : memref<10240x128xf32, #tpu.memory_space<hbm>>) target(%dma_start3A_138 : memref<32x128xf32, #tpu.memory_space<vmem>>) offsets(%dma_start3A_140 : memref<32xi32, #tpu.memory_space<vmem>>) semaphore(%arg35 : memref<!tpu.dma_semaphore, #tpu.memory_space<semaphore_mem>>)
      %dma_start3A_144 = arith.constant 96 : i32
      %dma_start3A_145 = arith.constant 0 : i32
      %dma_start3A_146 = tpu.memref_slice %arg15[%dma_start3A_144, %dma_start3A_145] : memref<128x128xf32, #tpu.memory_space<vmem>> -> memref<32x128xf32, #tpu.memory_space<vmem>>
      %dma_start3A_147 = arith.constant 96 : i32
      %dma_start3A_148 = tpu.memref_slice %arg18[%dma_start3A_147] : memref<128xi32, #tpu.memory_space<vmem>> -> memref<32xi32, #tpu.memory_space<vmem>>
      %dma_start3A_149 = arith.constant 0 : i32
      %dma_start3A_150 = arith.constant 0 : i32
      %dma_start3A_151 = tpu.memref_slice %arg6[%dma_start3A_149, %dma_start3A_150] : memref<10240x128xf32, #tpu.memory_space<hbm>> -> memref<10240x128xf32, #tpu.memory_space<hbm>>
      tpu.enqueue_indirect_dma source(%dma_start3A_151 : memref<10240x128xf32, #tpu.memory_space<hbm>>) target(%dma_start3A_146 : memref<32x128xf32, #tpu.memory_space<vmem>>) offsets(%dma_start3A_148 : memref<32xi32, #tpu.memory_space<vmem>>) semaphore(%arg36 : memref<!tpu.dma_semaphore, #tpu.memory_space<semaphore_mem>>)
      %dma_wait3A_152 = arith.constant 0 : i32
      %dma_wait3A_153 = tpu.memref_slice %arg2[%dma_wait3A_152] : memref<163840xi32, #tpu.memory_space<hbm>> -> memref<128xi32, #tpu.memory_space<hbm>>
      %dma_wait3A_154 = arith.constant 0 : i32
      %dma_wait3A_155 = tpu.memref_slice %arg2[%dma_wait3A_154] : memref<163840xi32, #tpu.memory_space<hbm>> -> memref<128xi32, #tpu.memory_space<hbm>>
      tpu.wait_dma2 semaphore(%arg25 : memref<!tpu.dma_semaphore, #tpu.memory_space<semaphore_mem>>) src(%dma_wait3A_155 : memref<128xi32, #tpu.memory_space<hbm>>) dst(%arg19 : memref<128xi32, #tpu.memory_space<vmem>>)
      %dma_start3A_156 = arith.constant 0 : i32
      %dma_start3A_157 = arith.constant 0 : i32
      %dma_start3A_158 = tpu.memref_slice %arg16[%dma_start3A_156, %dma_start3A_157] : memref<128x128xf32, #tpu.memory_space<vmem>> -> memref<32x128xf32, #tpu.memory_space<vmem>>
      %dma_start3A_159 = arith.constant 0 : i32
      %dma_start3A_160 = tpu.memref_slice %arg19[%dma_start3A_159] : memref<128xi32, #tpu.memory_space<vmem>> -> memref<32xi32, #tpu.memory_space<vmem>>
      %dma_start3A_161 = arith.constant 0 : i32
      %dma_start3A_162 = arith.constant 0 : i32
      %dma_start3A_163 = tpu.memref_slice %arg6[%dma_start3A_161, %dma_start3A_162] : memref<10240x128xf32, #tpu.memory_space<hbm>> -> memref<10240x128xf32, #tpu.memory_space<hbm>>
      tpu.enqueue_indirect_dma source(%dma_start3A_163 : memref<10240x128xf32, #tpu.memory_space<hbm>>) target(%dma_start3A_158 : memref<32x128xf32, #tpu.memory_space<vmem>>) offsets(%dma_start3A_160 : memref<32xi32, #tpu.memory_space<vmem>>) semaphore(%arg37 : memref<!tpu.dma_semaphore, #tpu.memory_space<semaphore_mem>>)
      %dma_start3A_164 = arith.constant 32 : i32
      %dma_start3A_165 = arith.constant 0 : i32
      %dma_start3A_166 = tpu.memref_slice %arg16[%dma_start3A_164, %dma_start3A_165] : memref<128x128xf32, #tpu.memory_space<vmem>> -> memref<32x128xf32, #tpu.memory_space<vmem>>
      %dma_start3A_167 = arith.constant 32 : i32
      %dma_start3A_168 = tpu.memref_slice %arg19[%dma_start3A_167] : memref<128xi32, #tpu.memory_space<vmem>> -> memref<32xi32, #tpu.memory_space<vmem>>
      %dma_start3A_169 = arith.constant 0 : i32
      %dma_start3A_170 = arith.constant 0 : i32
      %dma_start3A_171 = tpu.memref_slice %arg6[%dma_start3A_169, %dma_start3A_170] : memref<10240x128xf32, #tpu.memory_space<hbm>> -> memref<10240x128xf32, #tpu.memory_space<hbm>>
      tpu.enqueue_indirect_dma source(%dma_start3A_171 : memref<10240x128xf32, #tpu.memory_space<hbm>>) target(%dma_start3A_166 : memref<32x128xf32, #tpu.memory_space<vmem>>) offsets(%dma_start3A_168 : memref<32xi32, #tpu.memory_space<vmem>>) semaphore(%arg38 : memref<!tpu.dma_semaphore, #tpu.memory_space<semaphore_mem>>)
      %dma_start3A_172 = arith.constant 64 : i32
      %dma_start3A_173 = arith.constant 0 : i32
      %dma_start3A_174 = tpu.memref_slice %arg16[%dma_start3A_172, %dma_start3A_173] : memref<128x128xf32, #tpu.memory_space<vmem>> -> memref<32x128xf32, #tpu.memory_space<vmem>>
      %dma_start3A_175 = arith.constant 64 : i32
      %dma_start3A_176 = tpu.memref_slice %arg19[%dma_start3A_175] : memref<128xi32, #tpu.memory_space<vmem>> -> memref<32xi32, #tpu.memory_space<vmem>>
      %dma_start3A_177 = arith.constant 0 : i32
      %dma_start3A_178 = arith.constant 0 : i32
      %dma_start3A_179 = tpu.memref_slice %arg6[%dma_start3A_177, %dma_start3A_178] : memref<10240x128xf32, #tpu.memory_space<hbm>> -> memref<10240x128xf32, #tpu.memory_space<hbm>>
      tpu.enqueue_indirect_dma source(%dma_start3A_179 : memref<10240x128xf32, #tpu.memory_space<hbm>>) target(%dma_start3A_174 : memref<32x128xf32, #tpu.memory_space<vmem>>) offsets(%dma_start3A_176 : memref<32xi32, #tpu.memory_space<vmem>>) semaphore(%arg39 : memref<!tpu.dma_semaphore, #tpu.memory_space<semaphore_mem>>)
      %dma_start3A_180 = arith.constant 96 : i32
      %dma_start3A_181 = arith.constant 0 : i32
      %dma_start3A_182 = tpu.memref_slice %arg16[%dma_start3A_180, %dma_start3A_181] : memref<128x128xf32, #tpu.memory_space<vmem>> -> memref<32x128xf32, #tpu.memory_space<vmem>>
      %dma_start3A_183 = arith.constant 96 : i32
      %dma_start3A_184 = tpu.memref_slice %arg19[%dma_start3A_183] : memref<128xi32, #tpu.memory_space<vmem>> -> memref<32xi32, #tpu.memory_space<vmem>>
      %dma_start3A_185 = arith.constant 0 : i32
      %dma_start3A_186 = arith.constant 0 : i32
      %dma_start3A_187 = tpu.memref_slice %arg6[%dma_start3A_185, %dma_start3A_186] : memref<10240x128xf32, #tpu.memory_space<hbm>> -> memref<10240x128xf32, #tpu.memory_space<hbm>>
      tpu.enqueue_indirect_dma source(%dma_start3A_187 : memref<10240x128xf32, #tpu.memory_space<hbm>>) target(%dma_start3A_182 : memref<32x128xf32, #tpu.memory_space<vmem>>) offsets(%dma_start3A_184 : memref<32xi32, #tpu.memory_space<vmem>>) semaphore(%arg40 : memref<!tpu.dma_semaphore, #tpu.memory_space<semaphore_mem>>)
      %scan3A_188 = arith.constant 0 : i32
      %scan3A_189 = arith.constant 0 : i32
      %scan3A_190 = arith.constant 27 : i32
      %scan3A_191 = arith.addi %scan3A_189, %scan3A_190 : i32
      %scan3A_192 = arith.constant 1 : i32
      %scan3A_193 = scf.for %scan3A_195 = %scan3A_189 to %scan3A_191 step %scan3A_192 iter_args(%scan3A_196 = %scan3A_188) -> (i32)  : i32 {
        %mul3A_197 = arith.constant 3 : i32
        %mul3A_198 = arith.muli %scan3A_195, %mul3A_197 : i32
        %add3A_199 = arith.constant 0 : i32
        %add3A_200 = arith.addi %mul3A_198, %add3A_199 : i32
        %lt3A = arith.constant 80 : i32
        %lt3A_201 = arith.cmpi slt, %add3A_200, %lt3A : i32
        %convert_element_type3A_202 = arith.extui %lt3A_201 : i1 to i32
        %cond3A_203 = arith.constant 0 : i32
        %cond3A_204 = arith.cmpi ne, %convert_element_type3A_202, %cond3A_203 : i32
        scf.if %cond3A_204 {
          %dma_wait3A_245 = arith.constant 0 : i32
          %dma_wait3A_246 = tpu.memref_slice %arg3[%dma_wait3A_245] : memref<163840xi32, #tpu.memory_space<hbm>> -> memref<128xi32, #tpu.memory_space<hbm>>
          %dma_wait3A_247 = arith.constant 0 : i32
          %dma_wait3A_248 = tpu.memref_slice %arg3[%dma_wait3A_247] : memref<163840xi32, #tpu.memory_space<hbm>> -> memref<128xi32, #tpu.memory_space<hbm>>
          tpu.wait_dma2 semaphore(%arg26 : memref<!tpu.dma_semaphore, #tpu.memory_space<semaphore_mem>>) src(%dma_wait3A_248 : memref<128xi32, #tpu.memory_space<hbm>>) dst(%arg20 : memref<128xi32, #tpu.memory_space<vmem>>)
          %dma_wait3A_249 = arith.constant 0 : i32
          %dma_wait3A_250 = arith.constant 0 : i32
          %dma_wait3A_251 = tpu.memref_slice %arg14[%dma_wait3A_249, %dma_wait3A_250] : memref<128x128xf32, #tpu.memory_space<vmem>> -> memref<32x128xf32, #tpu.memory_space<vmem>>
          %dma_wait3A_252 = arith.constant 0 : i32
          %dma_wait3A_253 = arith.constant 0 : i32
          %dma_wait3A_254 = tpu.memref_slice %arg6[%dma_wait3A_252, %dma_wait3A_253] : memref<10240x128xf32, #tpu.memory_space<hbm>> -> memref<32x128xf32, #tpu.memory_space<hbm>>
          %dma_wait3A_255 = arith.constant 0 : i32
          %dma_wait3A_256 = arith.constant 0 : i32
          %dma_wait3A_257 = tpu.memref_slice %arg14[%dma_wait3A_255, %dma_wait3A_256] : memref<128x128xf32, #tpu.memory_space<vmem>> -> memref<32x128xf32, #tpu.memory_space<vmem>>
          %dma_wait3A_258 = arith.constant 0 : i32
          %dma_wait3A_259 = arith.constant 0 : i32
          %dma_wait3A_260 = tpu.memref_slice %arg6[%dma_wait3A_258, %dma_wait3A_259] : memref<10240x128xf32, #tpu.memory_space<hbm>> -> memref<32x128xf32, #tpu.memory_space<hbm>>
          tpu.wait_dma2 semaphore(%arg29 : memref<!tpu.dma_semaphore, #tpu.memory_space<semaphore_mem>>) src(%dma_wait3A_260 : memref<32x128xf32, #tpu.memory_space<hbm>>) dst(%dma_wait3A_257 : memref<32x128xf32, #tpu.memory_space<vmem>>)
          %dma_wait3A_261 = arith.constant 32 : i32
          %dma_wait3A_262 = arith.constant 0 : i32
          %dma_wait3A_263 = tpu.memref_slice %arg14[%dma_wait3A_261, %dma_wait3A_262] : memref<128x128xf32, #tpu.memory_space<vmem>> -> memref<32x128xf32, #tpu.memory_space<vmem>>
          %dma_wait3A_264 = arith.constant 0 : i32
          %dma_wait3A_265 = arith.constant 0 : i32
          %dma_wait3A_266 = tpu.memref_slice %arg6[%dma_wait3A_264, %dma_wait3A_265] : memref<10240x128xf32, #tpu.memory_space<hbm>> -> memref<32x128xf32, #tpu.memory_space<hbm>>
          %dma_wait3A_267 = arith.constant 32 : i32
          %dma_wait3A_268 = arith.constant 0 : i32
          %dma_wait3A_269 = tpu.memref_slice %arg14[%dma_wait3A_267, %dma_wait3A_268] : memref<128x128xf32, #tpu.memory_space<vmem>> -> memref<32x128xf32, #tpu.memory_space<vmem>>
          %dma_wait3A_270 = arith.constant 0 : i32
          %dma_wait3A_271 = arith.constant 0 : i32
          %dma_wait3A_272 = tpu.memref_slice %arg6[%dma_wait3A_270, %dma_wait3A_271] : memref<10240x128xf32, #tpu.memory_space<hbm>> -> memref<32x128xf32, #tpu.memory_space<hbm>>
          tpu.wait_dma2 semaphore(%arg30 : memref<!tpu.dma_semaphore, #tpu.memory_space<semaphore_mem>>) src(%dma_wait3A_272 : memref<32x128xf32, #tpu.memory_space<hbm>>) dst(%dma_wait3A_269 : memref<32x128xf32, #tpu.memory_space<vmem>>)
          %dma_wait3A_273 = arith.constant 64 : i32
          %dma_wait3A_274 = arith.constant 0 : i32
          %dma_wait3A_275 = tpu.memref_slice %arg14[%dma_wait3A_273, %dma_wait3A_274] : memref<128x128xf32, #tpu.memory_space<vmem>> -> memref<32x128xf32, #tpu.memory_space<vmem>>
          %dma_wait3A_276 = arith.constant 0 : i32
          %dma_wait3A_277 = arith.constant 0 : i32
          %dma_wait3A_278 = tpu.memref_slice %arg6[%dma_wait3A_276, %dma_wait3A_277] : memref<10240x128xf32, #tpu.memory_space<hbm>> -> memref<32x128xf32, #tpu.memory_space<hbm>>
          %dma_wait3A_279 = arith.constant 64 : i32
          %dma_wait3A_280 = arith.constant 0 : i32
          %dma_wait3A_281 = tpu.memref_slice %arg14[%dma_wait3A_279, %dma_wait3A_280] : memref<128x128xf32, #tpu.memory_space<vmem>> -> memref<32x128xf32, #tpu.memory_space<vmem>>
          %dma_wait3A_282 = arith.constant 0 : i32
          %dma_wait3A_283 = arith.constant 0 : i32
          %dma_wait3A_284 = tpu.memref_slice %arg6[%dma_wait3A_282, %dma_wait3A_283] : memref<10240x128xf32, #tpu.memory_space<hbm>> -> memref<32x128xf32, #tpu.memory_space<hbm>>
          tpu.wait_dma2 semaphore(%arg31 : memref<!tpu.dma_semaphore, #tpu.memory_space<semaphore_mem>>) src(%dma_wait3A_284 : memref<32x128xf32, #tpu.memory_space<hbm>>) dst(%dma_wait3A_281 : memref<32x128xf32, #tpu.memory_space<vmem>>)
          %dma_wait3A_285 = arith.constant 96 : i32
          %dma_wait3A_286 = arith.constant 0 : i32
          %dma_wait3A_287 = tpu.memref_slice %arg14[%dma_wait3A_285, %dma_wait3A_286] : memref<128x128xf32, #tpu.memory_space<vmem>> -> memref<32x128xf32, #tpu.memory_space<vmem>>
          %dma_wait3A_288 = arith.constant 0 : i32
          %dma_wait3A_289 = arith.constant 0 : i32
          %dma_wait3A_290 = tpu.memref_slice %arg6[%dma_wait3A_288, %dma_wait3A_289] : memref<10240x128xf32, #tpu.memory_space<hbm>> -> memref<32x128xf32, #tpu.memory_space<hbm>>
          %dma_wait3A_291 = arith.constant 96 : i32
          %dma_wait3A_292 = arith.constant 0 : i32
          %dma_wait3A_293 = tpu.memref_slice %arg14[%dma_wait3A_291, %dma_wait3A_292] : memref<128x128xf32, #tpu.memory_space<vmem>> -> memref<32x128xf32, #tpu.memory_space<vmem>>
          %dma_wait3A_294 = arith.constant 0 : i32
          %dma_wait3A_295 = arith.constant 0 : i32
          %dma_wait3A_296 = tpu.memref_slice %arg6[%dma_wait3A_294, %dma_wait3A_295] : memref<10240x128xf32, #tpu.memory_space<hbm>> -> memref<32x128xf32, #tpu.memory_space<hbm>>
          tpu.wait_dma2 semaphore(%arg32 : memref<!tpu.dma_semaphore, #tpu.memory_space<semaphore_mem>>) src(%dma_wait3A_296 : memref<32x128xf32, #tpu.memory_space<hbm>>) dst(%dma_wait3A_293 : memref<32x128xf32, #tpu.memory_space<vmem>>)
          %add3A_297 = arith.constant 3 : i32
          %add3A_298 = arith.addi %add3A_200, %add3A_297 : i32
          %lt3A_299 = arith.constant 80 : i32
          %lt3A_300 = arith.cmpi slt, %add3A_298, %lt3A_299 : i32
          %convert_element_type3A_301 = arith.extui %lt3A_300 : i1 to i32
          %cond3A_302 = arith.constant 0 : i32
          %cond3A_303 = arith.cmpi ne, %convert_element_type3A_301, %cond3A_302 : i32
          scf.if %cond3A_303 {
            %mul3A_304 = arith.constant 10240 : i32
            %mul3A_305 = arith.muli %arg1, %mul3A_304 : i32
            %add3A_306 = arith.constant 3 : i32
            %add3A_307 = arith.addi %add3A_200, %add3A_306 : i32
            %mul3A_308 = arith.constant 128 : i32
            %mul3A_309 = arith.muli %add3A_307, %mul3A_308 : i32
            %add3A_310 = arith.addi %mul3A_305, %mul3A_309 : i32
            %dma_start3A_311 = tpu.memref_slice %arg2[%add3A_310] : memref<163840xi32, #tpu.memory_space<hbm>> -> memref<128xi32, #tpu.memory_space<hbm>>
            %dma_start3A_312 = tpu.memref_slice %arg2[%add3A_310] : memref<163840xi32, #tpu.memory_space<hbm>> -> memref<128xi32, #tpu.memory_space<hbm>>
            tpu.enqueue_dma source(%dma_start3A_312 : memref<128xi32, #tpu.memory_space<hbm>>) target(%arg17 : memref<128xi32, #tpu.memory_space<vmem>>) target_semaphore(%arg23 : memref<!tpu.dma_semaphore, #tpu.memory_space<semaphore_mem>>)
          } else {
          }
          "tpu.region"() ({
            %run_scoped3A = tpu.sem_alloc : memref<!tpu.dma_semaphore, #tpu.memory_space<semaphore_mem>>
            %dma_start3A_304 = arith.constant 0 : i32
            %dma_start3A_305 = arith.constant 0 : i32
            %dma_start3A_306 = tpu.memref_slice %arg13[%dma_start3A_304, %dma_start3A_305] : memref<10112x128xf32, #tpu.memory_space<vmem_shared>> -> memref<10112x128xf32, #tpu.memory_space<vmem_shared>>
            tpu.enqueue_indirect_dma source(%arg14 : memref<128x128xf32, #tpu.memory_space<vmem>>) target(%dma_start3A_306 : memref<10112x128xf32, #tpu.memory_space<vmem_shared>>) offsets(%arg20 : memref<128xi32, #tpu.memory_space<vmem>>) semaphore(%run_scoped3A : memref<!tpu.dma_semaphore, #tpu.memory_space<semaphore_mem>>) {add = true}
            %dma_wait3A_307 = arith.constant 0 : i32
            %dma_wait3A_308 = arith.constant 0 : i32
            %dma_wait3A_309 = tpu.memref_slice %arg13[%dma_wait3A_307, %dma_wait3A_308] : memref<10112x128xf32, #tpu.memory_space<vmem_shared>> -> memref<10112x128xf32, #tpu.memory_space<vmem_shared>>
            tpu.wait_indirect_dma semaphore(%run_scoped3A : memref<!tpu.dma_semaphore, #tpu.memory_space<semaphore_mem>>) src(%arg14 : memref<128x128xf32, #tpu.memory_space<vmem>>) dst(%dma_wait3A_309 : memref<10112x128xf32, #tpu.memory_space<vmem_shared>>)
            tpu.yield
          }) : () -> ()
        } else {
        }
        %add3A_205 = arith.constant 3 : i32
        %add3A_206 = arith.addi %add3A_200, %add3A_205 : i32
        %lt3A_207 = arith.constant 80 : i32
        %lt3A_208 = arith.cmpi slt, %add3A_206, %lt3A_207 : i32
        %convert_element_type3A_209 = arith.extui %lt3A_208 : i1 to i32
        %cond3A_210 = arith.constant 0 : i32
        %cond3A_211 = arith.cmpi ne, %convert_element_type3A_209, %cond3A_210 : i32
        scf.if %cond3A_211 {
          %mul3A_245 = arith.constant 10240 : i32
          %mul3A_246 = arith.muli %arg1, %mul3A_245 : i32
          %add3A_247 = arith.constant 3 : i32
          %add3A_248 = arith.addi %add3A_200, %add3A_247 : i32
          %mul3A_249 = arith.constant 128 : i32
          %mul3A_250 = arith.muli %add3A_248, %mul3A_249 : i32
          %add3A_251 = arith.addi %mul3A_246, %mul3A_250 : i32
          %dma_start3A_252 = tpu.memref_slice %arg3[%add3A_251] : memref<163840xi32, #tpu.memory_space<hbm>> -> memref<128xi32, #tpu.memory_space<hbm>>
          %dma_start3A_253 = tpu.memref_slice %arg3[%add3A_251] : memref<163840xi32, #tpu.memory_space<hbm>> -> memref<128xi32, #tpu.memory_space<hbm>>
          tpu.enqueue_dma source(%dma_start3A_253 : memref<128xi32, #tpu.memory_space<hbm>>) target(%arg20 : memref<128xi32, #tpu.memory_space<vmem>>) target_semaphore(%arg26 : memref<!tpu.dma_semaphore, #tpu.memory_space<semaphore_mem>>)
          %dma_wait3A_254 = arith.constant 0 : i32
          %dma_wait3A_255 = tpu.memref_slice %arg2[%dma_wait3A_254] : memref<163840xi32, #tpu.memory_space<hbm>> -> memref<128xi32, #tpu.memory_space<hbm>>
          %dma_wait3A_256 = arith.constant 0 : i32
          %dma_wait3A_257 = tpu.memref_slice %arg2[%dma_wait3A_256] : memref<163840xi32, #tpu.memory_space<hbm>> -> memref<128xi32, #tpu.memory_space<hbm>>
          tpu.wait_dma2 semaphore(%arg23 : memref<!tpu.dma_semaphore, #tpu.memory_space<semaphore_mem>>) src(%dma_wait3A_257 : memref<128xi32, #tpu.memory_space<hbm>>) dst(%arg17 : memref<128xi32, #tpu.memory_space<vmem>>)
          %dma_start3A_258 = arith.constant 0 : i32
          %dma_start3A_259 = arith.constant 0 : i32
          %dma_start3A_260 = tpu.memref_slice %arg14[%dma_start3A_258, %dma_start3A_259] : memref<128x128xf32, #tpu.memory_space<vmem>> -> memref<32x128xf32, #tpu.memory_space<vmem>>
          %dma_start3A_261 = arith.constant 0 : i32
          %dma_start3A_262 = tpu.memref_slice %arg17[%dma_start3A_261] : memref<128xi32, #tpu.memory_space<vmem>> -> memref<32xi32, #tpu.memory_space<vmem>>
          %dma_start3A_263 = arith.constant 0 : i32
          %dma_start3A_264 = arith.constant 0 : i32
          %dma_start3A_265 = tpu.memref_slice %arg6[%dma_start3A_263, %dma_start3A_264] : memref<10240x128xf32, #tpu.memory_space<hbm>> -> memref<10240x128xf32, #tpu.memory_space<hbm>>
          tpu.enqueue_indirect_dma source(%dma_start3A_265 : memref<10240x128xf32, #tpu.memory_space<hbm>>) target(%dma_start3A_260 : memref<32x128xf32, #tpu.memory_space<vmem>>) offsets(%dma_start3A_262 : memref<32xi32, #tpu.memory_space<vmem>>) semaphore(%arg29 : memref<!tpu.dma_semaphore, #tpu.memory_space<semaphore_mem>>)
          %dma_start3A_266 = arith.constant 32 : i32
          %dma_start3A_267 = arith.constant 0 : i32
          %dma_start3A_268 = tpu.memref_slice %arg14[%dma_start3A_266, %dma_start3A_267] : memref<128x128xf32, #tpu.memory_space<vmem>> -> memref<32x128xf32, #tpu.memory_space<vmem>>
          %dma_start3A_269 = arith.constant 32 : i32
          %dma_start3A_270 = tpu.memref_slice %arg17[%dma_start3A_269] : memref<128xi32, #tpu.memory_space<vmem>> -> memref<32xi32, #tpu.memory_space<vmem>>
          %dma_start3A_271 = arith.constant 0 : i32
          %dma_start3A_272 = arith.constant 0 : i32
          %dma_start3A_273 = tpu.memref_slice %arg6[%dma_start3A_271, %dma_start3A_272] : memref<10240x128xf32, #tpu.memory_space<hbm>> -> memref<10240x128xf32, #tpu.memory_space<hbm>>
          tpu.enqueue_indirect_dma source(%dma_start3A_273 : memref<10240x128xf32, #tpu.memory_space<hbm>>) target(%dma_start3A_268 : memref<32x128xf32, #tpu.memory_space<vmem>>) offsets(%dma_start3A_270 : memref<32xi32, #tpu.memory_space<vmem>>) semaphore(%arg30 : memref<!tpu.dma_semaphore, #tpu.memory_space<semaphore_mem>>)
          %dma_start3A_274 = arith.constant 64 : i32
          %dma_start3A_275 = arith.constant 0 : i32
          %dma_start3A_276 = tpu.memref_slice %arg14[%dma_start3A_274, %dma_start3A_275] : memref<128x128xf32, #tpu.memory_space<vmem>> -> memref<32x128xf32, #tpu.memory_space<vmem>>
          %dma_start3A_277 = arith.constant 64 : i32
          %dma_start3A_278 = tpu.memref_slice %arg17[%dma_start3A_277] : memref<128xi32, #tpu.memory_space<vmem>> -> memref<32xi32, #tpu.memory_space<vmem>>
          %dma_start3A_279 = arith.constant 0 : i32
          %dma_start3A_280 = arith.constant 0 : i32
          %dma_start3A_281 = tpu.memref_slice %arg6[%dma_start3A_279, %dma_start3A_280] : memref<10240x128xf32, #tpu.memory_space<hbm>> -> memref<10240x128xf32, #tpu.memory_space<hbm>>
          tpu.enqueue_indirect_dma source(%dma_start3A_281 : memref<10240x128xf32, #tpu.memory_space<hbm>>) target(%dma_start3A_276 : memref<32x128xf32, #tpu.memory_space<vmem>>) offsets(%dma_start3A_278 : memref<32xi32, #tpu.memory_space<vmem>>) semaphore(%arg31 : memref<!tpu.dma_semaphore, #tpu.memory_space<semaphore_mem>>)
          %dma_start3A_282 = arith.constant 96 : i32
          %dma_start3A_283 = arith.constant 0 : i32
          %dma_start3A_284 = tpu.memref_slice %arg14[%dma_start3A_282, %dma_start3A_283] : memref<128x128xf32, #tpu.memory_space<vmem>> -> memref<32x128xf32, #tpu.memory_space<vmem>>
          %dma_start3A_285 = arith.constant 96 : i32
          %dma_start3A_286 = tpu.memref_slice %arg17[%dma_start3A_285] : memref<128xi32, #tpu.memory_space<vmem>> -> memref<32xi32, #tpu.memory_space<vmem>>
          %dma_start3A_287 = arith.constant 0 : i32
          %dma_start3A_288 = arith.constant 0 : i32
          %dma_start3A_289 = tpu.memref_slice %arg6[%dma_start3A_287, %dma_start3A_288] : memref<10240x128xf32, #tpu.memory_space<hbm>> -> memref<10240x128xf32, #tpu.memory_space<hbm>>
          tpu.enqueue_indirect_dma source(%dma_start3A_289 : memref<10240x128xf32, #tpu.memory_space<hbm>>) target(%dma_start3A_284 : memref<32x128xf32, #tpu.memory_space<vmem>>) offsets(%dma_start3A_286 : memref<32xi32, #tpu.memory_space<vmem>>) semaphore(%arg32 : memref<!tpu.dma_semaphore, #tpu.memory_space<semaphore_mem>>)
        } else {
        }
        %mul3A_212 = arith.constant 3 : i32
        %mul3A_213 = arith.muli %scan3A_195, %mul3A_212 : i32
        %add3A_214 = arith.constant 1 : i32
        %add3A_215 = arith.addi %mul3A_213, %add3A_214 : i32
        %lt3A_216 = arith.constant 80 : i32
        %lt3A_217 = arith.cmpi slt, %add3A_215, %lt3A_216 : i32
        %convert_element_type3A_218 = arith.extui %lt3A_217 : i1 to i32
        %cond3A_219 = arith.constant 0 : i32
        %cond3A_220 = arith.cmpi ne, %convert_element_type3A_218, %cond3A_219 : i32
        scf.if %cond3A_220 {
          %dma_wait3A_245 = arith.constant 0 : i32
          %dma_wait3A_246 = tpu.memref_slice %arg3[%dma_wait3A_245] : memref<163840xi32, #tpu.memory_space<hbm>> -> memref<128xi32, #tpu.memory_space<hbm>>
          %dma_wait3A_247 = arith.constant 0 : i32
          %dma_wait3A_248 = tpu.memref_slice %arg3[%dma_wait3A_247] : memref<163840xi32, #tpu.memory_space<hbm>> -> memref<128xi32, #tpu.memory_space<hbm>>
          tpu.wait_dma2 semaphore(%arg27 : memref<!tpu.dma_semaphore, #tpu.memory_space<semaphore_mem>>) src(%dma_wait3A_248 : memref<128xi32, #tpu.memory_space<hbm>>) dst(%arg21 : memref<128xi32, #tpu.memory_space<vmem>>)
          %dma_wait3A_249 = arith.constant 0 : i32
          %dma_wait3A_250 = arith.constant 0 : i32
          %dma_wait3A_251 = tpu.memref_slice %arg15[%dma_wait3A_249, %dma_wait3A_250] : memref<128x128xf32, #tpu.memory_space<vmem>> -> memref<32x128xf32, #tpu.memory_space<vmem>>
          %dma_wait3A_252 = arith.constant 0 : i32
          %dma_wait3A_253 = arith.constant 0 : i32
          %dma_wait3A_254 = tpu.memref_slice %arg6[%dma_wait3A_252, %dma_wait3A_253] : memref<10240x128xf32, #tpu.memory_space<hbm>> -> memref<32x128xf32, #tpu.memory_space<hbm>>
          %dma_wait3A_255 = arith.constant 0 : i32
          %dma_wait3A_256 = arith.constant 0 : i32
          %dma_wait3A_257 = tpu.memref_slice %arg15[%dma_wait3A_255, %dma_wait3A_256] : memref<128x128xf32, #tpu.memory_space<vmem>> -> memref<32x128xf32, #tpu.memory_space<vmem>>
          %dma_wait3A_258 = arith.constant 0 : i32
          %dma_wait3A_259 = arith.constant 0 : i32
          %dma_wait3A_260 = tpu.memref_slice %arg6[%dma_wait3A_258, %dma_wait3A_259] : memref<10240x128xf32, #tpu.memory_space<hbm>> -> memref<32x128xf32, #tpu.memory_space<hbm>>
          tpu.wait_dma2 semaphore(%arg33 : memref<!tpu.dma_semaphore, #tpu.memory_space<semaphore_mem>>) src(%dma_wait3A_260 : memref<32x128xf32, #tpu.memory_space<hbm>>) dst(%dma_wait3A_257 : memref<32x128xf32, #tpu.memory_space<vmem>>)
          %dma_wait3A_261 = arith.constant 32 : i32
          %dma_wait3A_262 = arith.constant 0 : i32
          %dma_wait3A_263 = tpu.memref_slice %arg15[%dma_wait3A_261, %dma_wait3A_262] : memref<128x128xf32, #tpu.memory_space<vmem>> -> memref<32x128xf32, #tpu.memory_space<vmem>>
          %dma_wait3A_264 = arith.constant 0 : i32
          %dma_wait3A_265 = arith.constant 0 : i32
          %dma_wait3A_266 = tpu.memref_slice %arg6[%dma_wait3A_264, %dma_wait3A_265] : memref<10240x128xf32, #tpu.memory_space<hbm>> -> memref<32x128xf32, #tpu.memory_space<hbm>>
          %dma_wait3A_267 = arith.constant 32 : i32
          %dma_wait3A_268 = arith.constant 0 : i32
          %dma_wait3A_269 = tpu.memref_slice %arg15[%dma_wait3A_267, %dma_wait3A_268] : memref<128x128xf32, #tpu.memory_space<vmem>> -> memref<32x128xf32, #tpu.memory_space<vmem>>
          %dma_wait3A_270 = arith.constant 0 : i32
          %dma_wait3A_271 = arith.constant 0 : i32
          %dma_wait3A_272 = tpu.memref_slice %arg6[%dma_wait3A_270, %dma_wait3A_271] : memref<10240x128xf32, #tpu.memory_space<hbm>> -> memref<32x128xf32, #tpu.memory_space<hbm>>
          tpu.wait_dma2 semaphore(%arg34 : memref<!tpu.dma_semaphore, #tpu.memory_space<semaphore_mem>>) src(%dma_wait3A_272 : memref<32x128xf32, #tpu.memory_space<hbm>>) dst(%dma_wait3A_269 : memref<32x128xf32, #tpu.memory_space<vmem>>)
          %dma_wait3A_273 = arith.constant 64 : i32
          %dma_wait3A_274 = arith.constant 0 : i32
          %dma_wait3A_275 = tpu.memref_slice %arg15[%dma_wait3A_273, %dma_wait3A_274] : memref<128x128xf32, #tpu.memory_space<vmem>> -> memref<32x128xf32, #tpu.memory_space<vmem>>
          %dma_wait3A_276 = arith.constant 0 : i32
          %dma_wait3A_277 = arith.constant 0 : i32
          %dma_wait3A_278 = tpu.memref_slice %arg6[%dma_wait3A_276, %dma_wait3A_277] : memref<10240x128xf32, #tpu.memory_space<hbm>> -> memref<32x128xf32, #tpu.memory_space<hbm>>
          %dma_wait3A_279 = arith.constant 64 : i32
          %dma_wait3A_280 = arith.constant 0 : i32
          %dma_wait3A_281 = tpu.memref_slice %arg15[%dma_wait3A_279, %dma_wait3A_280] : memref<128x128xf32, #tpu.memory_space<vmem>> -> memref<32x128xf32, #tpu.memory_space<vmem>>
          %dma_wait3A_282 = arith.constant 0 : i32
          %dma_wait3A_283 = arith.constant 0 : i32
          %dma_wait3A_284 = tpu.memref_slice %arg6[%dma_wait3A_282, %dma_wait3A_283] : memref<10240x128xf32, #tpu.memory_space<hbm>> -> memref<32x128xf32, #tpu.memory_space<hbm>>
          tpu.wait_dma2 semaphore(%arg35 : memref<!tpu.dma_semaphore, #tpu.memory_space<semaphore_mem>>) src(%dma_wait3A_284 : memref<32x128xf32, #tpu.memory_space<hbm>>) dst(%dma_wait3A_281 : memref<32x128xf32, #tpu.memory_space<vmem>>)
          %dma_wait3A_285 = arith.constant 96 : i32
          %dma_wait3A_286 = arith.constant 0 : i32
          %dma_wait3A_287 = tpu.memref_slice %arg15[%dma_wait3A_285, %dma_wait3A_286] : memref<128x128xf32, #tpu.memory_space<vmem>> -> memref<32x128xf32, #tpu.memory_space<vmem>>
          %dma_wait3A_288 = arith.constant 0 : i32
          %dma_wait3A_289 = arith.constant 0 : i32
          %dma_wait3A_290 = tpu.memref_slice %arg6[%dma_wait3A_288, %dma_wait3A_289] : memref<10240x128xf32, #tpu.memory_space<hbm>> -> memref<32x128xf32, #tpu.memory_space<hbm>>
          %dma_wait3A_291 = arith.constant 96 : i32
          %dma_wait3A_292 = arith.constant 0 : i32
          %dma_wait3A_293 = tpu.memref_slice %arg15[%dma_wait3A_291, %dma_wait3A_292] : memref<128x128xf32, #tpu.memory_space<vmem>> -> memref<32x128xf32, #tpu.memory_space<vmem>>
          %dma_wait3A_294 = arith.constant 0 : i32
          %dma_wait3A_295 = arith.constant 0 : i32
          %dma_wait3A_296 = tpu.memref_slice %arg6[%dma_wait3A_294, %dma_wait3A_295] : memref<10240x128xf32, #tpu.memory_space<hbm>> -> memref<32x128xf32, #tpu.memory_space<hbm>>
          tpu.wait_dma2 semaphore(%arg36 : memref<!tpu.dma_semaphore, #tpu.memory_space<semaphore_mem>>) src(%dma_wait3A_296 : memref<32x128xf32, #tpu.memory_space<hbm>>) dst(%dma_wait3A_293 : memref<32x128xf32, #tpu.memory_space<vmem>>)
          %add3A_297 = arith.constant 3 : i32
          %add3A_298 = arith.addi %add3A_215, %add3A_297 : i32
          %lt3A_299 = arith.constant 80 : i32
          %lt3A_300 = arith.cmpi slt, %add3A_298, %lt3A_299 : i32
          %convert_element_type3A_301 = arith.extui %lt3A_300 : i1 to i32
          %cond3A_302 = arith.constant 0 : i32
          %cond3A_303 = arith.cmpi ne, %convert_element_type3A_301, %cond3A_302 : i32
          scf.if %cond3A_303 {
            %mul3A_304 = arith.constant 10240 : i32
            %mul3A_305 = arith.muli %arg1, %mul3A_304 : i32
            %add3A_306 = arith.constant 3 : i32
            %add3A_307 = arith.addi %add3A_215, %add3A_306 : i32
            %mul3A_308 = arith.constant 128 : i32
            %mul3A_309 = arith.muli %add3A_307, %mul3A_308 : i32
            %add3A_310 = arith.addi %mul3A_305, %mul3A_309 : i32
            %dma_start3A_311 = tpu.memref_slice %arg2[%add3A_310] : memref<163840xi32, #tpu.memory_space<hbm>> -> memref<128xi32, #tpu.memory_space<hbm>>
            %dma_start3A_312 = tpu.memref_slice %arg2[%add3A_310] : memref<163840xi32, #tpu.memory_space<hbm>> -> memref<128xi32, #tpu.memory_space<hbm>>
            tpu.enqueue_dma source(%dma_start3A_312 : memref<128xi32, #tpu.memory_space<hbm>>) target(%arg18 : memref<128xi32, #tpu.memory_space<vmem>>) target_semaphore(%arg24 : memref<!tpu.dma_semaphore, #tpu.memory_space<semaphore_mem>>)
          } else {
          }
          "tpu.region"() ({
            %run_scoped3A = tpu.sem_alloc : memref<!tpu.dma_semaphore, #tpu.memory_space<semaphore_mem>>
            %dma_start3A_304 = arith.constant 0 : i32
            %dma_start3A_305 = arith.constant 0 : i32
            %dma_start3A_306 = tpu.memref_slice %arg13[%dma_start3A_304, %dma_start3A_305] : memref<10112x128xf32, #tpu.memory_space<vmem_shared>> -> memref<10112x128xf32, #tpu.memory_space<vmem_shared>>
            tpu.enqueue_indirect_dma source(%arg15 : memref<128x128xf32, #tpu.memory_space<vmem>>) target(%dma_start3A_306 : memref<10112x128xf32, #tpu.memory_space<vmem_shared>>) offsets(%arg21 : memref<128xi32, #tpu.memory_space<vmem>>) semaphore(%run_scoped3A : memref<!tpu.dma_semaphore, #tpu.memory_space<semaphore_mem>>) {add = true}
            %dma_wait3A_307 = arith.constant 0 : i32
            %dma_wait3A_308 = arith.constant 0 : i32
            %dma_wait3A_309 = tpu.memref_slice %arg13[%dma_wait3A_307, %dma_wait3A_308] : memref<10112x128xf32, #tpu.memory_space<vmem_shared>> -> memref<10112x128xf32, #tpu.memory_space<vmem_shared>>
            tpu.wait_indirect_dma semaphore(%run_scoped3A : memref<!tpu.dma_semaphore, #tpu.memory_space<semaphore_mem>>) src(%arg15 : memref<128x128xf32, #tpu.memory_space<vmem>>) dst(%dma_wait3A_309 : memref<10112x128xf32, #tpu.memory_space<vmem_shared>>)
            tpu.yield
          }) : () -> ()
        } else {
        }
        %add3A_221 = arith.constant 3 : i32
        %add3A_222 = arith.addi %add3A_215, %add3A_221 : i32
        %lt3A_223 = arith.constant 80 : i32
        %lt3A_224 = arith.cmpi slt, %add3A_222, %lt3A_223 : i32
        %convert_element_type3A_225 = arith.extui %lt3A_224 : i1 to i32
        %cond3A_226 = arith.constant 0 : i32
        %cond3A_227 = arith.cmpi ne, %convert_element_type3A_225, %cond3A_226 : i32
        scf.if %cond3A_227 {
          %mul3A_245 = arith.constant 10240 : i32
          %mul3A_246 = arith.muli %arg1, %mul3A_245 : i32
          %add3A_247 = arith.constant 3 : i32
          %add3A_248 = arith.addi %add3A_215, %add3A_247 : i32
          %mul3A_249 = arith.constant 128 : i32
          %mul3A_250 = arith.muli %add3A_248, %mul3A_249 : i32
          %add3A_251 = arith.addi %mul3A_246, %mul3A_250 : i32
          %dma_start3A_252 = tpu.memref_slice %arg3[%add3A_251] : memref<163840xi32, #tpu.memory_space<hbm>> -> memref<128xi32, #tpu.memory_space<hbm>>
          %dma_start3A_253 = tpu.memref_slice %arg3[%add3A_251] : memref<163840xi32, #tpu.memory_space<hbm>> -> memref<128xi32, #tpu.memory_space<hbm>>
          tpu.enqueue_dma source(%dma_start3A_253 : memref<128xi32, #tpu.memory_space<hbm>>) target(%arg21 : memref<128xi32, #tpu.memory_space<vmem>>) target_semaphore(%arg27 : memref<!tpu.dma_semaphore, #tpu.memory_space<semaphore_mem>>)
          %dma_wait3A_254 = arith.constant 0 : i32
          %dma_wait3A_255 = tpu.memref_slice %arg2[%dma_wait3A_254] : memref<163840xi32, #tpu.memory_space<hbm>> -> memref<128xi32, #tpu.memory_space<hbm>>
          %dma_wait3A_256 = arith.constant 0 : i32
          %dma_wait3A_257 = tpu.memref_slice %arg2[%dma_wait3A_256] : memref<163840xi32, #tpu.memory_space<hbm>> -> memref<128xi32, #tpu.memory_space<hbm>>
          tpu.wait_dma2 semaphore(%arg24 : memref<!tpu.dma_semaphore, #tpu.memory_space<semaphore_mem>>) src(%dma_wait3A_257 : memref<128xi32, #tpu.memory_space<hbm>>) dst(%arg18 : memref<128xi32, #tpu.memory_space<vmem>>)
          %dma_start3A_258 = arith.constant 0 : i32
          %dma_start3A_259 = arith.constant 0 : i32
          %dma_start3A_260 = tpu.memref_slice %arg15[%dma_start3A_258, %dma_start3A_259] : memref<128x128xf32, #tpu.memory_space<vmem>> -> memref<32x128xf32, #tpu.memory_space<vmem>>
          %dma_start3A_261 = arith.constant 0 : i32
          %dma_start3A_262 = tpu.memref_slice %arg18[%dma_start3A_261] : memref<128xi32, #tpu.memory_space<vmem>> -> memref<32xi32, #tpu.memory_space<vmem>>
          %dma_start3A_263 = arith.constant 0 : i32
          %dma_start3A_264 = arith.constant 0 : i32
          %dma_start3A_265 = tpu.memref_slice %arg6[%dma_start3A_263, %dma_start3A_264] : memref<10240x128xf32, #tpu.memory_space<hbm>> -> memref<10240x128xf32, #tpu.memory_space<hbm>>
          tpu.enqueue_indirect_dma source(%dma_start3A_265 : memref<10240x128xf32, #tpu.memory_space<hbm>>) target(%dma_start3A_260 : memref<32x128xf32, #tpu.memory_space<vmem>>) offsets(%dma_start3A_262 : memref<32xi32, #tpu.memory_space<vmem>>) semaphore(%arg33 : memref<!tpu.dma_semaphore, #tpu.memory_space<semaphore_mem>>)
          %dma_start3A_266 = arith.constant 32 : i32
          %dma_start3A_267 = arith.constant 0 : i32
          %dma_start3A_268 = tpu.memref_slice %arg15[%dma_start3A_266, %dma_start3A_267] : memref<128x128xf32, #tpu.memory_space<vmem>> -> memref<32x128xf32, #tpu.memory_space<vmem>>
          %dma_start3A_269 = arith.constant 32 : i32
          %dma_start3A_270 = tpu.memref_slice %arg18[%dma_start3A_269] : memref<128xi32, #tpu.memory_space<vmem>> -> memref<32xi32, #tpu.memory_space<vmem>>
          %dma_start3A_271 = arith.constant 0 : i32
          %dma_start3A_272 = arith.constant 0 : i32
          %dma_start3A_273 = tpu.memref_slice %arg6[%dma_start3A_271, %dma_start3A_272] : memref<10240x128xf32, #tpu.memory_space<hbm>> -> memref<10240x128xf32, #tpu.memory_space<hbm>>
          tpu.enqueue_indirect_dma source(%dma_start3A_273 : memref<10240x128xf32, #tpu.memory_space<hbm>>) target(%dma_start3A_268 : memref<32x128xf32, #tpu.memory_space<vmem>>) offsets(%dma_start3A_270 : memref<32xi32, #tpu.memory_space<vmem>>) semaphore(%arg34 : memref<!tpu.dma_semaphore, #tpu.memory_space<semaphore_mem>>)
          %dma_start3A_274 = arith.constant 64 : i32
          %dma_start3A_275 = arith.constant 0 : i32
          %dma_start3A_276 = tpu.memref_slice %arg15[%dma_start3A_274, %dma_start3A_275] : memref<128x128xf32, #tpu.memory_space<vmem>> -> memref<32x128xf32, #tpu.memory_space<vmem>>
          %dma_start3A_277 = arith.constant 64 : i32
          %dma_start3A_278 = tpu.memref_slice %arg18[%dma_start3A_277] : memref<128xi32, #tpu.memory_space<vmem>> -> memref<32xi32, #tpu.memory_space<vmem>>
          %dma_start3A_279 = arith.constant 0 : i32
          %dma_start3A_280 = arith.constant 0 : i32
          %dma_start3A_281 = tpu.memref_slice %arg6[%dma_start3A_279, %dma_start3A_280] : memref<10240x128xf32, #tpu.memory_space<hbm>> -> memref<10240x128xf32, #tpu.memory_space<hbm>>
          tpu.enqueue_indirect_dma source(%dma_start3A_281 : memref<10240x128xf32, #tpu.memory_space<hbm>>) target(%dma_start3A_276 : memref<32x128xf32, #tpu.memory_space<vmem>>) offsets(%dma_start3A_278 : memref<32xi32, #tpu.memory_space<vmem>>) semaphore(%arg35 : memref<!tpu.dma_semaphore, #tpu.memory_space<semaphore_mem>>)
          %dma_start3A_282 = arith.constant 96 : i32
          %dma_start3A_283 = arith.constant 0 : i32
          %dma_start3A_284 = tpu.memref_slice %arg15[%dma_start3A_282, %dma_start3A_283] : memref<128x128xf32, #tpu.memory_space<vmem>> -> memref<32x128xf32, #tpu.memory_space<vmem>>
          %dma_start3A_285 = arith.constant 96 : i32
          %dma_start3A_286 = tpu.memref_slice %arg18[%dma_start3A_285] : memref<128xi32, #tpu.memory_space<vmem>> -> memref<32xi32, #tpu.memory_space<vmem>>
          %dma_start3A_287 = arith.constant 0 : i32
          %dma_start3A_288 = arith.constant 0 : i32
          %dma_start3A_289 = tpu.memref_slice %arg6[%dma_start3A_287, %dma_start3A_288] : memref<10240x128xf32, #tpu.memory_space<hbm>> -> memref<10240x128xf32, #tpu.memory_space<hbm>>
          tpu.enqueue_indirect_dma source(%dma_start3A_289 : memref<10240x128xf32, #tpu.memory_space<hbm>>) target(%dma_start3A_284 : memref<32x128xf32, #tpu.memory_space<vmem>>) offsets(%dma_start3A_286 : memref<32xi32, #tpu.memory_space<vmem>>) semaphore(%arg36 : memref<!tpu.dma_semaphore, #tpu.memory_space<semaphore_mem>>)
        } else {
        }
        %mul3A_228 = arith.constant 3 : i32
        %mul3A_229 = arith.muli %scan3A_195, %mul3A_228 : i32
        %add3A_230 = arith.constant 2 : i32
        %add3A_231 = arith.addi %mul3A_229, %add3A_230 : i32
        %lt3A_232 = arith.constant 80 : i32
        %lt3A_233 = arith.cmpi slt, %add3A_231, %lt3A_232 : i32
        %convert_element_type3A_234 = arith.extui %lt3A_233 : i1 to i32
        %cond3A_235 = arith.constant 0 : i32
        %cond3A_236 = arith.cmpi ne, %convert_element_type3A_234, %cond3A_235 : i32
        scf.if %cond3A_236 {
          %dma_wait3A_245 = arith.constant 0 : i32
          %dma_wait3A_246 = tpu.memref_slice %arg3[%dma_wait3A_245] : memref<163840xi32, #tpu.memory_space<hbm>> -> memref<128xi32, #tpu.memory_space<hbm>>
          %dma_wait3A_247 = arith.constant 0 : i32
          %dma_wait3A_248 = tpu.memref_slice %arg3[%dma_wait3A_247] : memref<163840xi32, #tpu.memory_space<hbm>> -> memref<128xi32, #tpu.memory_space<hbm>>
          tpu.wait_dma2 semaphore(%arg28 : memref<!tpu.dma_semaphore, #tpu.memory_space<semaphore_mem>>) src(%dma_wait3A_248 : memref<128xi32, #tpu.memory_space<hbm>>) dst(%arg22 : memref<128xi32, #tpu.memory_space<vmem>>)
          %dma_wait3A_249 = arith.constant 0 : i32
          %dma_wait3A_250 = arith.constant 0 : i32
          %dma_wait3A_251 = tpu.memref_slice %arg16[%dma_wait3A_249, %dma_wait3A_250] : memref<128x128xf32, #tpu.memory_space<vmem>> -> memref<32x128xf32, #tpu.memory_space<vmem>>
          %dma_wait3A_252 = arith.constant 0 : i32
          %dma_wait3A_253 = arith.constant 0 : i32
          %dma_wait3A_254 = tpu.memref_slice %arg6[%dma_wait3A_252, %dma_wait3A_253] : memref<10240x128xf32, #tpu.memory_space<hbm>> -> memref<32x128xf32, #tpu.memory_space<hbm>>
          %dma_wait3A_255 = arith.constant 0 : i32
          %dma_wait3A_256 = arith.constant 0 : i32
          %dma_wait3A_257 = tpu.memref_slice %arg16[%dma_wait3A_255, %dma_wait3A_256] : memref<128x128xf32, #tpu.memory_space<vmem>> -> memref<32x128xf32, #tpu.memory_space<vmem>>
          %dma_wait3A_258 = arith.constant 0 : i32
          %dma_wait3A_259 = arith.constant 0 : i32
          %dma_wait3A_260 = tpu.memref_slice %arg6[%dma_wait3A_258, %dma_wait3A_259] : memref<10240x128xf32, #tpu.memory_space<hbm>> -> memref<32x128xf32, #tpu.memory_space<hbm>>
          tpu.wait_dma2 semaphore(%arg37 : memref<!tpu.dma_semaphore, #tpu.memory_space<semaphore_mem>>) src(%dma_wait3A_260 : memref<32x128xf32, #tpu.memory_space<hbm>>) dst(%dma_wait3A_257 : memref<32x128xf32, #tpu.memory_space<vmem>>)
          %dma_wait3A_261 = arith.constant 32 : i32
          %dma_wait3A_262 = arith.constant 0 : i32
          %dma_wait3A_263 = tpu.memref_slice %arg16[%dma_wait3A_261, %dma_wait3A_262] : memref<128x128xf32, #tpu.memory_space<vmem>> -> memref<32x128xf32, #tpu.memory_space<vmem>>
          %dma_wait3A_264 = arith.constant 0 : i32
          %dma_wait3A_265 = arith.constant 0 : i32
          %dma_wait3A_266 = tpu.memref_slice %arg6[%dma_wait3A_264, %dma_wait3A_265] : memref<10240x128xf32, #tpu.memory_space<hbm>> -> memref<32x128xf32, #tpu.memory_space<hbm>>
          %dma_wait3A_267 = arith.constant 32 : i32
          %dma_wait3A_268 = arith.constant 0 : i32
          %dma_wait3A_269 = tpu.memref_slice %arg16[%dma_wait3A_267, %dma_wait3A_268] : memref<128x128xf32, #tpu.memory_space<vmem>> -> memref<32x128xf32, #tpu.memory_space<vmem>>
          %dma_wait3A_270 = arith.constant 0 : i32
          %dma_wait3A_271 = arith.constant 0 : i32
          %dma_wait3A_272 = tpu.memref_slice %arg6[%dma_wait3A_270, %dma_wait3A_271] : memref<10240x128xf32, #tpu.memory_space<hbm>> -> memref<32x128xf32, #tpu.memory_space<hbm>>
          tpu.wait_dma2 semaphore(%arg38 : memref<!tpu.dma_semaphore, #tpu.memory_space<semaphore_mem>>) src(%dma_wait3A_272 : memref<32x128xf32, #tpu.memory_space<hbm>>) dst(%dma_wait3A_269 : memref<32x128xf32, #tpu.memory_space<vmem>>)
          %dma_wait3A_273 = arith.constant 64 : i32
          %dma_wait3A_274 = arith.constant 0 : i32
          %dma_wait3A_275 = tpu.memref_slice %arg16[%dma_wait3A_273, %dma_wait3A_274] : memref<128x128xf32, #tpu.memory_space<vmem>> -> memref<32x128xf32, #tpu.memory_space<vmem>>
          %dma_wait3A_276 = arith.constant 0 : i32
          %dma_wait3A_277 = arith.constant 0 : i32
          %dma_wait3A_278 = tpu.memref_slice %arg6[%dma_wait3A_276, %dma_wait3A_277] : memref<10240x128xf32, #tpu.memory_space<hbm>> -> memref<32x128xf32, #tpu.memory_space<hbm>>
          %dma_wait3A_279 = arith.constant 64 : i32
          %dma_wait3A_280 = arith.constant 0 : i32
          %dma_wait3A_281 = tpu.memref_slice %arg16[%dma_wait3A_279, %dma_wait3A_280] : memref<128x128xf32, #tpu.memory_space<vmem>> -> memref<32x128xf32, #tpu.memory_space<vmem>>
          %dma_wait3A_282 = arith.constant 0 : i32
          %dma_wait3A_283 = arith.constant 0 : i32
          %dma_wait3A_284 = tpu.memref_slice %arg6[%dma_wait3A_282, %dma_wait3A_283] : memref<10240x128xf32, #tpu.memory_space<hbm>> -> memref<32x128xf32, #tpu.memory_space<hbm>>
          tpu.wait_dma2 semaphore(%arg39 : memref<!tpu.dma_semaphore, #tpu.memory_space<semaphore_mem>>) src(%dma_wait3A_284 : memref<32x128xf32, #tpu.memory_space<hbm>>) dst(%dma_wait3A_281 : memref<32x128xf32, #tpu.memory_space<vmem>>)
          %dma_wait3A_285 = arith.constant 96 : i32
          %dma_wait3A_286 = arith.constant 0 : i32
          %dma_wait3A_287 = tpu.memref_slice %arg16[%dma_wait3A_285, %dma_wait3A_286] : memref<128x128xf32, #tpu.memory_space<vmem>> -> memref<32x128xf32, #tpu.memory_space<vmem>>
          %dma_wait3A_288 = arith.constant 0 : i32
          %dma_wait3A_289 = arith.constant 0 : i32
          %dma_wait3A_290 = tpu.memref_slice %arg6[%dma_wait3A_288, %dma_wait3A_289] : memref<10240x128xf32, #tpu.memory_space<hbm>> -> memref<32x128xf32, #tpu.memory_space<hbm>>
          %dma_wait3A_291 = arith.constant 96 : i32
          %dma_wait3A_292 = arith.constant 0 : i32
          %dma_wait3A_293 = tpu.memref_slice %arg16[%dma_wait3A_291, %dma_wait3A_292] : memref<128x128xf32, #tpu.memory_space<vmem>> -> memref<32x128xf32, #tpu.memory_space<vmem>>
          %dma_wait3A_294 = arith.constant 0 : i32
          %dma_wait3A_295 = arith.constant 0 : i32
          %dma_wait3A_296 = tpu.memref_slice %arg6[%dma_wait3A_294, %dma_wait3A_295] : memref<10240x128xf32, #tpu.memory_space<hbm>> -> memref<32x128xf32, #tpu.memory_space<hbm>>
          tpu.wait_dma2 semaphore(%arg40 : memref<!tpu.dma_semaphore, #tpu.memory_space<semaphore_mem>>) src(%dma_wait3A_296 : memref<32x128xf32, #tpu.memory_space<hbm>>) dst(%dma_wait3A_293 : memref<32x128xf32, #tpu.memory_space<vmem>>)
          %add3A_297 = arith.constant 3 : i32
          %add3A_298 = arith.addi %add3A_231, %add3A_297 : i32
          %lt3A_299 = arith.constant 80 : i32
          %lt3A_300 = arith.cmpi slt, %add3A_298, %lt3A_299 : i32
          %convert_element_type3A_301 = arith.extui %lt3A_300 : i1 to i32
          %cond3A_302 = arith.constant 0 : i32
          %cond3A_303 = arith.cmpi ne, %convert_element_type3A_301, %cond3A_302 : i32
          scf.if %cond3A_303 {
            %mul3A_304 = arith.constant 10240 : i32
            %mul3A_305 = arith.muli %arg1, %mul3A_304 : i32
            %add3A_306 = arith.constant 3 : i32
            %add3A_307 = arith.addi %add3A_231, %add3A_306 : i32
            %mul3A_308 = arith.constant 128 : i32
            %mul3A_309 = arith.muli %add3A_307, %mul3A_308 : i32
            %add3A_310 = arith.addi %mul3A_305, %mul3A_309 : i32
            %dma_start3A_311 = tpu.memref_slice %arg2[%add3A_310] : memref<163840xi32, #tpu.memory_space<hbm>> -> memref<128xi32, #tpu.memory_space<hbm>>
            %dma_start3A_312 = tpu.memref_slice %arg2[%add3A_310] : memref<163840xi32, #tpu.memory_space<hbm>> -> memref<128xi32, #tpu.memory_space<hbm>>
            tpu.enqueue_dma source(%dma_start3A_312 : memref<128xi32, #tpu.memory_space<hbm>>) target(%arg19 : memref<128xi32, #tpu.memory_space<vmem>>) target_semaphore(%arg25 : memref<!tpu.dma_semaphore, #tpu.memory_space<semaphore_mem>>)
          } else {
          }
          "tpu.region"() ({
            %run_scoped3A = tpu.sem_alloc : memref<!tpu.dma_semaphore, #tpu.memory_space<semaphore_mem>>
            %dma_start3A_304 = arith.constant 0 : i32
            %dma_start3A_305 = arith.constant 0 : i32
            %dma_start3A_306 = tpu.memref_slice %arg13[%dma_start3A_304, %dma_start3A_305] : memref<10112x128xf32, #tpu.memory_space<vmem_shared>> -> memref<10112x128xf32, #tpu.memory_space<vmem_shared>>
            tpu.enqueue_indirect_dma source(%arg16 : memref<128x128xf32, #tpu.memory_space<vmem>>) target(%dma_start3A_306 : memref<10112x128xf32, #tpu.memory_space<vmem_shared>>) offsets(%arg22 : memref<128xi32, #tpu.memory_space<vmem>>) semaphore(%run_scoped3A : memref<!tpu.dma_semaphore, #tpu.memory_space<semaphore_mem>>) {add = true}
            %dma_wait3A_307 = arith.constant 0 : i32
            %dma_wait3A_308 = arith.constant 0 : i32
            %dma_wait3A_309 = tpu.memref_slice %arg13[%dma_wait3A_307, %dma_wait3A_308] : memref<10112x128xf32, #tpu.memory_space<vmem_shared>> -> memref<10112x128xf32, #tpu.memory_space<vmem_shared>>
            tpu.wait_indirect_dma semaphore(%run_scoped3A : memref<!tpu.dma_semaphore, #tpu.memory_space<semaphore_mem>>) src(%arg16 : memref<128x128xf32, #tpu.memory_space<vmem>>) dst(%dma_wait3A_309 : memref<10112x128xf32, #tpu.memory_space<vmem_shared>>)
            tpu.yield
          }) : () -> ()
        } else {
        }
        %add3A_237 = arith.constant 3 : i32
        %add3A_238 = arith.addi %add3A_231, %add3A_237 : i32
        %lt3A_239 = arith.constant 80 : i32
        %lt3A_240 = arith.cmpi slt, %add3A_238, %lt3A_239 : i32
        %convert_element_type3A_241 = arith.extui %lt3A_240 : i1 to i32
        %cond3A_242 = arith.constant 0 : i32
        %cond3A_243 = arith.cmpi ne, %convert_element_type3A_241, %cond3A_242 : i32
        scf.if %cond3A_243 {
          %mul3A_245 = arith.constant 10240 : i32
          %mul3A_246 = arith.muli %arg1, %mul3A_245 : i32
          %add3A_247 = arith.constant 3 : i32
          %add3A_248 = arith.addi %add3A_231, %add3A_247 : i32
          %mul3A_249 = arith.constant 128 : i32
          %mul3A_250 = arith.muli %add3A_248, %mul3A_249 : i32
          %add3A_251 = arith.addi %mul3A_246, %mul3A_250 : i32
          %dma_start3A_252 = tpu.memref_slice %arg3[%add3A_251] : memref<163840xi32, #tpu.memory_space<hbm>> -> memref<128xi32, #tpu.memory_space<hbm>>
          %dma_start3A_253 = tpu.memref_slice %arg3[%add3A_251] : memref<163840xi32, #tpu.memory_space<hbm>> -> memref<128xi32, #tpu.memory_space<hbm>>
          tpu.enqueue_dma source(%dma_start3A_253 : memref<128xi32, #tpu.memory_space<hbm>>) target(%arg22 : memref<128xi32, #tpu.memory_space<vmem>>) target_semaphore(%arg28 : memref<!tpu.dma_semaphore, #tpu.memory_space<semaphore_mem>>)
          %dma_wait3A_254 = arith.constant 0 : i32
          %dma_wait3A_255 = tpu.memref_slice %arg2[%dma_wait3A_254] : memref<163840xi32, #tpu.memory_space<hbm>> -> memref<128xi32, #tpu.memory_space<hbm>>
          %dma_wait3A_256 = arith.constant 0 : i32
          %dma_wait3A_257 = tpu.memref_slice %arg2[%dma_wait3A_256] : memref<163840xi32, #tpu.memory_space<hbm>> -> memref<128xi32, #tpu.memory_space<hbm>>
          tpu.wait_dma2 semaphore(%arg25 : memref<!tpu.dma_semaphore, #tpu.memory_space<semaphore_mem>>) src(%dma_wait3A_257 : memref<128xi32, #tpu.memory_space<hbm>>) dst(%arg19 : memref<128xi32, #tpu.memory_space<vmem>>)
          %dma_start3A_258 = arith.constant 0 : i32
          %dma_start3A_259 = arith.constant 0 : i32
          %dma_start3A_260 = tpu.memref_slice %arg16[%dma_start3A_258, %dma_start3A_259] : memref<128x128xf32, #tpu.memory_space<vmem>> -> memref<32x128xf32, #tpu.memory_space<vmem>>
          %dma_start3A_261 = arith.constant 0 : i32
          %dma_start3A_262 = tpu.memref_slice %arg19[%dma_start3A_261] : memref<128xi32, #tpu.memory_space<vmem>> -> memref<32xi32, #tpu.memory_space<vmem>>
          %dma_start3A_263 = arith.constant 0 : i32
          %dma_start3A_264 = arith.constant 0 : i32
          %dma_start3A_265 = tpu.memref_slice %arg6[%dma_start3A_263, %dma_start3A_264] : memref<10240x128xf32, #tpu.memory_space<hbm>> -> memref<10240x128xf32, #tpu.memory_space<hbm>>
          tpu.enqueue_indirect_dma source(%dma_start3A_265 : memref<10240x128xf32, #tpu.memory_space<hbm>>) target(%dma_start3A_260 : memref<32x128xf32, #tpu.memory_space<vmem>>) offsets(%dma_start3A_262 : memref<32xi32, #tpu.memory_space<vmem>>) semaphore(%arg37 : memref<!tpu.dma_semaphore, #tpu.memory_space<semaphore_mem>>)
          %dma_start3A_266 = arith.constant 32 : i32
          %dma_start3A_267 = arith.constant 0 : i32
          %dma_start3A_268 = tpu.memref_slice %arg16[%dma_start3A_266, %dma_start3A_267] : memref<128x128xf32, #tpu.memory_space<vmem>> -> memref<32x128xf32, #tpu.memory_space<vmem>>
          %dma_start3A_269 = arith.constant 32 : i32
          %dma_start3A_270 = tpu.memref_slice %arg19[%dma_start3A_269] : memref<128xi32, #tpu.memory_space<vmem>> -> memref<32xi32, #tpu.memory_space<vmem>>
          %dma_start3A_271 = arith.constant 0 : i32
          %dma_start3A_272 = arith.constant 0 : i32
          %dma_start3A_273 = tpu.memref_slice %arg6[%dma_start3A_271, %dma_start3A_272] : memref<10240x128xf32, #tpu.memory_space<hbm>> -> memref<10240x128xf32, #tpu.memory_space<hbm>>
          tpu.enqueue_indirect_dma source(%dma_start3A_273 : memref<10240x128xf32, #tpu.memory_space<hbm>>) target(%dma_start3A_268 : memref<32x128xf32, #tpu.memory_space<vmem>>) offsets(%dma_start3A_270 : memref<32xi32, #tpu.memory_space<vmem>>) semaphore(%arg38 : memref<!tpu.dma_semaphore, #tpu.memory_space<semaphore_mem>>)
          %dma_start3A_274 = arith.constant 64 : i32
          %dma_start3A_275 = arith.constant 0 : i32
          %dma_start3A_276 = tpu.memref_slice %arg16[%dma_start3A_274, %dma_start3A_275] : memref<128x128xf32, #tpu.memory_space<vmem>> -> memref<32x128xf32, #tpu.memory_space<vmem>>
          %dma_start3A_277 = arith.constant 64 : i32
          %dma_start3A_278 = tpu.memref_slice %arg19[%dma_start3A_277] : memref<128xi32, #tpu.memory_space<vmem>> -> memref<32xi32, #tpu.memory_space<vmem>>
          %dma_start3A_279 = arith.constant 0 : i32
          %dma_start3A_280 = arith.constant 0 : i32
          %dma_start3A_281 = tpu.memref_slice %arg6[%dma_start3A_279, %dma_start3A_280] : memref<10240x128xf32, #tpu.memory_space<hbm>> -> memref<10240x128xf32, #tpu.memory_space<hbm>>
          tpu.enqueue_indirect_dma source(%dma_start3A_281 : memref<10240x128xf32, #tpu.memory_space<hbm>>) target(%dma_start3A_276 : memref<32x128xf32, #tpu.memory_space<vmem>>) offsets(%dma_start3A_278 : memref<32xi32, #tpu.memory_space<vmem>>) semaphore(%arg39 : memref<!tpu.dma_semaphore, #tpu.memory_space<semaphore_mem>>)
          %dma_start3A_282 = arith.constant 96 : i32
          %dma_start3A_283 = arith.constant 0 : i32
          %dma_start3A_284 = tpu.memref_slice %arg16[%dma_start3A_282, %dma_start3A_283] : memref<128x128xf32, #tpu.memory_space<vmem>> -> memref<32x128xf32, #tpu.memory_space<vmem>>
          %dma_start3A_285 = arith.constant 96 : i32
          %dma_start3A_286 = tpu.memref_slice %arg19[%dma_start3A_285] : memref<128xi32, #tpu.memory_space<vmem>> -> memref<32xi32, #tpu.memory_space<vmem>>
          %dma_start3A_287 = arith.constant 0 : i32
          %dma_start3A_288 = arith.constant 0 : i32
          %dma_start3A_289 = tpu.memref_slice %arg6[%dma_start3A_287, %dma_start3A_288] : memref<10240x128xf32, #tpu.memory_space<hbm>> -> memref<10240x128xf32, #tpu.memory_space<hbm>>
          tpu.enqueue_indirect_dma source(%dma_start3A_289 : memref<10240x128xf32, #tpu.memory_space<hbm>>) target(%dma_start3A_284 : memref<32x128xf32, #tpu.memory_space<vmem>>) offsets(%dma_start3A_286 : memref<32xi32, #tpu.memory_space<vmem>>) semaphore(%arg40 : memref<!tpu.dma_semaphore, #tpu.memory_space<semaphore_mem>>)
        } else {
        }
        %scan3A_244 = arith.constant 0 : i32
        scf.yield %scan3A_244 : i32
      }
      %scan3A_194 = arith.constant 27 : i32
    } else {
    }
    %eq3A_38 = arith.constant 1 : i32
    %eq3A_39 = arith.cmpi eq, %arg0, %eq3A_38 : i32
    %convert_element_type3A_40 = arith.extui %eq3A_39 : i1 to i32
    %cond3A_41 = arith.constant 0 : i32
    %cond3A_42 = arith.cmpi ne, %convert_element_type3A_40, %cond3A_41 : i32
    scf.if %cond3A_42 {
      %eq3A_55 = arith.constant 15 : i32
      %eq3A_56 = arith.cmpi eq, %arg1, %eq3A_55 : i32
      %convert_element_type3A_57 = arith.extui %eq3A_56 : i1 to i32
      %cond3A_58 = arith.constant 0 : i32
      %cond3A_59 = arith.cmpi ne, %convert_element_type3A_57, %cond3A_58 : i32
      scf.if %cond3A_59 {
        "tpu.region"() ({
          %run_scoped3A = tpu.sem_alloc : memref<!tpu.dma_semaphore, #tpu.memory_space<semaphore_mem>>
          %dma_start3A_195 = arith.constant 10112 : i32
          %dma_start3A_196 = arith.constant 0 : i32
          %dma_start3A_197 = tpu.memref_slice %arg12[%dma_start3A_195, %dma_start3A_196] : memref<10240x128xf32, #tpu.memory_space<hbm>> -> memref<128x128xf32, #tpu.memory_space<hbm>>
          %dma_start3A_198 = arith.constant 10112 : i32
          %dma_start3A_199 = arith.constant 0 : i32
          %dma_start3A_200 = tpu.memref_slice %arg12[%dma_start3A_198, %dma_start3A_199] : memref<10240x128xf32, #tpu.memory_space<hbm>> -> memref<128x128xf32, #tpu.memory_space<hbm>>
          tpu.enqueue_dma source(%arg14 : memref<128x128xf32, #tpu.memory_space<vmem>>) target(%dma_start3A_200 : memref<128x128xf32, #tpu.memory_space<hbm>>) target_semaphore(%run_scoped3A : memref<!tpu.dma_semaphore, #tpu.memory_space<semaphore_mem>>)
          %dma_wait3A_201 = arith.constant 10112 : i32
          %dma_wait3A_202 = arith.constant 0 : i32
          %dma_wait3A_203 = tpu.memref_slice %arg12[%dma_wait3A_201, %dma_wait3A_202] : memref<10240x128xf32, #tpu.memory_space<hbm>> -> memref<128x128xf32, #tpu.memory_space<hbm>>
          %dma_wait3A_204 = arith.constant 10112 : i32
          %dma_wait3A_205 = arith.constant 0 : i32
          %dma_wait3A_206 = tpu.memref_slice %arg12[%dma_wait3A_204, %dma_wait3A_205] : memref<10240x128xf32, #tpu.memory_space<hbm>> -> memref<128x128xf32, #tpu.memory_space<hbm>>
          tpu.wait_dma2 semaphore(%run_scoped3A : memref<!tpu.dma_semaphore, #tpu.memory_space<semaphore_mem>>) src(%arg14 : memref<128x128xf32, #tpu.memory_space<vmem>>) dst(%dma_wait3A_206 : memref<128x128xf32, #tpu.memory_space<hbm>>)
          tpu.yield
        }) : () -> ()
      } else {
      }
      %mul3A = arith.constant 10240 : i32
      %mul3A_60 = arith.muli %arg1, %mul3A : i32
      %add3A = arith.constant 0 : i32
      %add3A_61 = arith.addi %mul3A_60, %add3A : i32
      %dma_start3A = tpu.memref_slice %arg2[%add3A_61] : memref<163840xi32, #tpu.memory_space<hbm>> -> memref<128xi32, #tpu.memory_space<hbm>>
      %dma_start3A_62 = tpu.memref_slice %arg2[%add3A_61] : memref<163840xi32, #tpu.memory_space<hbm>> -> memref<128xi32, #tpu.memory_space<hbm>>
      tpu.enqueue_dma source(%dma_start3A_62 : memref<128xi32, #tpu.memory_space<hbm>>) target(%arg17 : memref<128xi32, #tpu.memory_space<vmem>>) target_semaphore(%arg23 : memref<!tpu.dma_semaphore, #tpu.memory_space<semaphore_mem>>)
      %dma_start3A_63 = tpu.memref_slice %arg3[%add3A_61] : memref<163840xi32, #tpu.memory_space<hbm>> -> memref<128xi32, #tpu.memory_space<hbm>>
      %dma_start3A_64 = tpu.memref_slice %arg3[%add3A_61] : memref<163840xi32, #tpu.memory_space<hbm>> -> memref<128xi32, #tpu.memory_space<hbm>>
      tpu.enqueue_dma source(%dma_start3A_64 : memref<128xi32, #tpu.memory_space<hbm>>) target(%arg20 : memref<128xi32, #tpu.memory_space<vmem>>) target_semaphore(%arg26 : memref<!tpu.dma_semaphore, #tpu.memory_space<semaphore_mem>>)
      %mul3A_65 = arith.constant 10240 : i32
      %mul3A_66 = arith.muli %arg1, %mul3A_65 : i32
      %add3A_67 = arith.constant 128 : i32
      %add3A_68 = arith.addi %mul3A_66, %add3A_67 : i32
      %dma_start3A_69 = tpu.memref_slice %arg2[%add3A_68] : memref<163840xi32, #tpu.memory_space<hbm>> -> memref<128xi32, #tpu.memory_space<hbm>>
      %dma_start3A_70 = tpu.memref_slice %arg2[%add3A_68] : memref<163840xi32, #tpu.memory_space<hbm>> -> memref<128xi32, #tpu.memory_space<hbm>>
      tpu.enqueue_dma source(%dma_start3A_70 : memref<128xi32, #tpu.memory_space<hbm>>) target(%arg18 : memref<128xi32, #tpu.memory_space<vmem>>) target_semaphore(%arg24 : memref<!tpu.dma_semaphore, #tpu.memory_space<semaphore_mem>>)
      %dma_start3A_71 = tpu.memref_slice %arg3[%add3A_68] : memref<163840xi32, #tpu.memory_space<hbm>> -> memref<128xi32, #tpu.memory_space<hbm>>
      %dma_start3A_72 = tpu.memref_slice %arg3[%add3A_68] : memref<163840xi32, #tpu.memory_space<hbm>> -> memref<128xi32, #tpu.memory_space<hbm>>
      tpu.enqueue_dma source(%dma_start3A_72 : memref<128xi32, #tpu.memory_space<hbm>>) target(%arg21 : memref<128xi32, #tpu.memory_space<vmem>>) target_semaphore(%arg27 : memref<!tpu.dma_semaphore, #tpu.memory_space<semaphore_mem>>)
      %mul3A_73 = arith.constant 10240 : i32
      %mul3A_74 = arith.muli %arg1, %mul3A_73 : i32
      %add3A_75 = arith.constant 256 : i32
      %add3A_76 = arith.addi %mul3A_74, %add3A_75 : i32
      %dma_start3A_77 = tpu.memref_slice %arg2[%add3A_76] : memref<163840xi32, #tpu.memory_space<hbm>> -> memref<128xi32, #tpu.memory_space<hbm>>
      %dma_start3A_78 = tpu.memref_slice %arg2[%add3A_76] : memref<163840xi32, #tpu.memory_space<hbm>> -> memref<128xi32, #tpu.memory_space<hbm>>
      tpu.enqueue_dma source(%dma_start3A_78 : memref<128xi32, #tpu.memory_space<hbm>>) target(%arg19 : memref<128xi32, #tpu.memory_space<vmem>>) target_semaphore(%arg25 : memref<!tpu.dma_semaphore, #tpu.memory_space<semaphore_mem>>)
      %dma_start3A_79 = tpu.memref_slice %arg3[%add3A_76] : memref<163840xi32, #tpu.memory_space<hbm>> -> memref<128xi32, #tpu.memory_space<hbm>>
      %dma_start3A_80 = tpu.memref_slice %arg3[%add3A_76] : memref<163840xi32, #tpu.memory_space<hbm>> -> memref<128xi32, #tpu.memory_space<hbm>>
      tpu.enqueue_dma source(%dma_start3A_80 : memref<128xi32, #tpu.memory_space<hbm>>) target(%arg22 : memref<128xi32, #tpu.memory_space<vmem>>) target_semaphore(%arg28 : memref<!tpu.dma_semaphore, #tpu.memory_space<semaphore_mem>>)
      %dma_wait3A = arith.constant 0 : i32
      %dma_wait3A_81 = tpu.memref_slice %arg2[%dma_wait3A] : memref<163840xi32, #tpu.memory_space<hbm>> -> memref<128xi32, #tpu.memory_space<hbm>>
      %dma_wait3A_82 = arith.constant 0 : i32
      %dma_wait3A_83 = tpu.memref_slice %arg2[%dma_wait3A_82] : memref<163840xi32, #tpu.memory_space<hbm>> -> memref<128xi32, #tpu.memory_space<hbm>>
      tpu.wait_dma2 semaphore(%arg23 : memref<!tpu.dma_semaphore, #tpu.memory_space<semaphore_mem>>) src(%dma_wait3A_83 : memref<128xi32, #tpu.memory_space<hbm>>) dst(%arg17 : memref<128xi32, #tpu.memory_space<vmem>>)
      %dma_start3A_84 = arith.constant 0 : i32
      %dma_start3A_85 = arith.constant 0 : i32
      %dma_start3A_86 = tpu.memref_slice %arg14[%dma_start3A_84, %dma_start3A_85] : memref<128x128xf32, #tpu.memory_space<vmem>> -> memref<32x128xf32, #tpu.memory_space<vmem>>
      %dma_start3A_87 = arith.constant 0 : i32
      %dma_start3A_88 = tpu.memref_slice %arg17[%dma_start3A_87] : memref<128xi32, #tpu.memory_space<vmem>> -> memref<32xi32, #tpu.memory_space<vmem>>
      %dma_start3A_89 = arith.constant 0 : i32
      %dma_start3A_90 = arith.constant 0 : i32
      %dma_start3A_91 = tpu.memref_slice %arg7[%dma_start3A_89, %dma_start3A_90] : memref<10240x128xf32, #tpu.memory_space<hbm>> -> memref<10240x128xf32, #tpu.memory_space<hbm>>
      tpu.enqueue_indirect_dma source(%dma_start3A_91 : memref<10240x128xf32, #tpu.memory_space<hbm>>) target(%dma_start3A_86 : memref<32x128xf32, #tpu.memory_space<vmem>>) offsets(%dma_start3A_88 : memref<32xi32, #tpu.memory_space<vmem>>) semaphore(%arg29 : memref<!tpu.dma_semaphore, #tpu.memory_space<semaphore_mem>>)
      %dma_start3A_92 = arith.constant 32 : i32
      %dma_start3A_93 = arith.constant 0 : i32
      %dma_start3A_94 = tpu.memref_slice %arg14[%dma_start3A_92, %dma_start3A_93] : memref<128x128xf32, #tpu.memory_space<vmem>> -> memref<32x128xf32, #tpu.memory_space<vmem>>
      %dma_start3A_95 = arith.constant 32 : i32
      %dma_start3A_96 = tpu.memref_slice %arg17[%dma_start3A_95] : memref<128xi32, #tpu.memory_space<vmem>> -> memref<32xi32, #tpu.memory_space<vmem>>
      %dma_start3A_97 = arith.constant 0 : i32
      %dma_start3A_98 = arith.constant 0 : i32
      %dma_start3A_99 = tpu.memref_slice %arg7[%dma_start3A_97, %dma_start3A_98] : memref<10240x128xf32, #tpu.memory_space<hbm>> -> memref<10240x128xf32, #tpu.memory_space<hbm>>
      tpu.enqueue_indirect_dma source(%dma_start3A_99 : memref<10240x128xf32, #tpu.memory_space<hbm>>) target(%dma_start3A_94 : memref<32x128xf32, #tpu.memory_space<vmem>>) offsets(%dma_start3A_96 : memref<32xi32, #tpu.memory_space<vmem>>) semaphore(%arg30 : memref<!tpu.dma_semaphore, #tpu.memory_space<semaphore_mem>>)
      %dma_start3A_100 = arith.constant 64 : i32
      %dma_start3A_101 = arith.constant 0 : i32
      %dma_start3A_102 = tpu.memref_slice %arg14[%dma_start3A_100, %dma_start3A_101] : memref<128x128xf32, #tpu.memory_space<vmem>> -> memref<32x128xf32, #tpu.memory_space<vmem>>
      %dma_start3A_103 = arith.constant 64 : i32
      %dma_start3A_104 = tpu.memref_slice %arg17[%dma_start3A_103] : memref<128xi32, #tpu.memory_space<vmem>> -> memref<32xi32, #tpu.memory_space<vmem>>
      %dma_start3A_105 = arith.constant 0 : i32
      %dma_start3A_106 = arith.constant 0 : i32
      %dma_start3A_107 = tpu.memref_slice %arg7[%dma_start3A_105, %dma_start3A_106] : memref<10240x128xf32, #tpu.memory_space<hbm>> -> memref<10240x128xf32, #tpu.memory_space<hbm>>
      tpu.enqueue_indirect_dma source(%dma_start3A_107 : memref<10240x128xf32, #tpu.memory_space<hbm>>) target(%dma_start3A_102 : memref<32x128xf32, #tpu.memory_space<vmem>>) offsets(%dma_start3A_104 : memref<32xi32, #tpu.memory_space<vmem>>) semaphore(%arg31 : memref<!tpu.dma_semaphore, #tpu.memory_space<semaphore_mem>>)
      %dma_start3A_108 = arith.constant 96 : i32
      %dma_start3A_109 = arith.constant 0 : i32
      %dma_start3A_110 = tpu.memref_slice %arg14[%dma_start3A_108, %dma_start3A_109] : memref<128x128xf32, #tpu.memory_space<vmem>> -> memref<32x128xf32, #tpu.memory_space<vmem>>
      %dma_start3A_111 = arith.constant 96 : i32
      %dma_start3A_112 = tpu.memref_slice %arg17[%dma_start3A_111] : memref<128xi32, #tpu.memory_space<vmem>> -> memref<32xi32, #tpu.memory_space<vmem>>
      %dma_start3A_113 = arith.constant 0 : i32
      %dma_start3A_114 = arith.constant 0 : i32
      %dma_start3A_115 = tpu.memref_slice %arg7[%dma_start3A_113, %dma_start3A_114] : memref<10240x128xf32, #tpu.memory_space<hbm>> -> memref<10240x128xf32, #tpu.memory_space<hbm>>
      tpu.enqueue_indirect_dma source(%dma_start3A_115 : memref<10240x128xf32, #tpu.memory_space<hbm>>) target(%dma_start3A_110 : memref<32x128xf32, #tpu.memory_space<vmem>>) offsets(%dma_start3A_112 : memref<32xi32, #tpu.memory_space<vmem>>) semaphore(%arg32 : memref<!tpu.dma_semaphore, #tpu.memory_space<semaphore_mem>>)
      %dma_wait3A_116 = arith.constant 0 : i32
      %dma_wait3A_117 = tpu.memref_slice %arg2[%dma_wait3A_116] : memref<163840xi32, #tpu.memory_space<hbm>> -> memref<128xi32, #tpu.memory_space<hbm>>
      %dma_wait3A_118 = arith.constant 0 : i32
      %dma_wait3A_119 = tpu.memref_slice %arg2[%dma_wait3A_118] : memref<163840xi32, #tpu.memory_space<hbm>> -> memref<128xi32, #tpu.memory_space<hbm>>
      tpu.wait_dma2 semaphore(%arg24 : memref<!tpu.dma_semaphore, #tpu.memory_space<semaphore_mem>>) src(%dma_wait3A_119 : memref<128xi32, #tpu.memory_space<hbm>>) dst(%arg18 : memref<128xi32, #tpu.memory_space<vmem>>)
      %dma_start3A_120 = arith.constant 0 : i32
      %dma_start3A_121 = arith.constant 0 : i32
      %dma_start3A_122 = tpu.memref_slice %arg15[%dma_start3A_120, %dma_start3A_121] : memref<128x128xf32, #tpu.memory_space<vmem>> -> memref<32x128xf32, #tpu.memory_space<vmem>>
      %dma_start3A_123 = arith.constant 0 : i32
      %dma_start3A_124 = tpu.memref_slice %arg18[%dma_start3A_123] : memref<128xi32, #tpu.memory_space<vmem>> -> memref<32xi32, #tpu.memory_space<vmem>>
      %dma_start3A_125 = arith.constant 0 : i32
      %dma_start3A_126 = arith.constant 0 : i32
      %dma_start3A_127 = tpu.memref_slice %arg7[%dma_start3A_125, %dma_start3A_126] : memref<10240x128xf32, #tpu.memory_space<hbm>> -> memref<10240x128xf32, #tpu.memory_space<hbm>>
      tpu.enqueue_indirect_dma source(%dma_start3A_127 : memref<10240x128xf32, #tpu.memory_space<hbm>>) target(%dma_start3A_122 : memref<32x128xf32, #tpu.memory_space<vmem>>) offsets(%dma_start3A_124 : memref<32xi32, #tpu.memory_space<vmem>>) semaphore(%arg33 : memref<!tpu.dma_semaphore, #tpu.memory_space<semaphore_mem>>)
      %dma_start3A_128 = arith.constant 32 : i32
      %dma_start3A_129 = arith.constant 0 : i32
      %dma_start3A_130 = tpu.memref_slice %arg15[%dma_start3A_128, %dma_start3A_129] : memref<128x128xf32, #tpu.memory_space<vmem>> -> memref<32x128xf32, #tpu.memory_space<vmem>>
      %dma_start3A_131 = arith.constant 32 : i32
      %dma_start3A_132 = tpu.memref_slice %arg18[%dma_start3A_131] : memref<128xi32, #tpu.memory_space<vmem>> -> memref<32xi32, #tpu.memory_space<vmem>>
      %dma_start3A_133 = arith.constant 0 : i32
      %dma_start3A_134 = arith.constant 0 : i32
      %dma_start3A_135 = tpu.memref_slice %arg7[%dma_start3A_133, %dma_start3A_134] : memref<10240x128xf32, #tpu.memory_space<hbm>> -> memref<10240x128xf32, #tpu.memory_space<hbm>>
      tpu.enqueue_indirect_dma source(%dma_start3A_135 : memref<10240x128xf32, #tpu.memory_space<hbm>>) target(%dma_start3A_130 : memref<32x128xf32, #tpu.memory_space<vmem>>) offsets(%dma_start3A_132 : memref<32xi32, #tpu.memory_space<vmem>>) semaphore(%arg34 : memref<!tpu.dma_semaphore, #tpu.memory_space<semaphore_mem>>)
      %dma_start3A_136 = arith.constant 64 : i32
      %dma_start3A_137 = arith.constant 0 : i32
      %dma_start3A_138 = tpu.memref_slice %arg15[%dma_start3A_136, %dma_start3A_137] : memref<128x128xf32, #tpu.memory_space<vmem>> -> memref<32x128xf32, #tpu.memory_space<vmem>>
      %dma_start3A_139 = arith.constant 64 : i32
      %dma_start3A_140 = tpu.memref_slice %arg18[%dma_start3A_139] : memref<128xi32, #tpu.memory_space<vmem>> -> memref<32xi32, #tpu.memory_space<vmem>>
      %dma_start3A_141 = arith.constant 0 : i32
      %dma_start3A_142 = arith.constant 0 : i32
      %dma_start3A_143 = tpu.memref_slice %arg7[%dma_start3A_141, %dma_start3A_142] : memref<10240x128xf32, #tpu.memory_space<hbm>> -> memref<10240x128xf32, #tpu.memory_space<hbm>>
      tpu.enqueue_indirect_dma source(%dma_start3A_143 : memref<10240x128xf32, #tpu.memory_space<hbm>>) target(%dma_start3A_138 : memref<32x128xf32, #tpu.memory_space<vmem>>) offsets(%dma_start3A_140 : memref<32xi32, #tpu.memory_space<vmem>>) semaphore(%arg35 : memref<!tpu.dma_semaphore, #tpu.memory_space<semaphore_mem>>)
      %dma_start3A_144 = arith.constant 96 : i32
      %dma_start3A_145 = arith.constant 0 : i32
      %dma_start3A_146 = tpu.memref_slice %arg15[%dma_start3A_144, %dma_start3A_145] : memref<128x128xf32, #tpu.memory_space<vmem>> -> memref<32x128xf32, #tpu.memory_space<vmem>>
      %dma_start3A_147 = arith.constant 96 : i32
      %dma_start3A_148 = tpu.memref_slice %arg18[%dma_start3A_147] : memref<128xi32, #tpu.memory_space<vmem>> -> memref<32xi32, #tpu.memory_space<vmem>>
      %dma_start3A_149 = arith.constant 0 : i32
      %dma_start3A_150 = arith.constant 0 : i32
      %dma_start3A_151 = tpu.memref_slice %arg7[%dma_start3A_149, %dma_start3A_150] : memref<10240x128xf32, #tpu.memory_space<hbm>> -> memref<10240x128xf32, #tpu.memory_space<hbm>>
      tpu.enqueue_indirect_dma source(%dma_start3A_151 : memref<10240x128xf32, #tpu.memory_space<hbm>>) target(%dma_start3A_146 : memref<32x128xf32, #tpu.memory_space<vmem>>) offsets(%dma_start3A_148 : memref<32xi32, #tpu.memory_space<vmem>>) semaphore(%arg36 : memref<!tpu.dma_semaphore, #tpu.memory_space<semaphore_mem>>)
      %dma_wait3A_152 = arith.constant 0 : i32
      %dma_wait3A_153 = tpu.memref_slice %arg2[%dma_wait3A_152] : memref<163840xi32, #tpu.memory_space<hbm>> -> memref<128xi32, #tpu.memory_space<hbm>>
      %dma_wait3A_154 = arith.constant 0 : i32
      %dma_wait3A_155 = tpu.memref_slice %arg2[%dma_wait3A_154] : memref<163840xi32, #tpu.memory_space<hbm>> -> memref<128xi32, #tpu.memory_space<hbm>>
      tpu.wait_dma2 semaphore(%arg25 : memref<!tpu.dma_semaphore, #tpu.memory_space<semaphore_mem>>) src(%dma_wait3A_155 : memref<128xi32, #tpu.memory_space<hbm>>) dst(%arg19 : memref<128xi32, #tpu.memory_space<vmem>>)
      %dma_start3A_156 = arith.constant 0 : i32
      %dma_start3A_157 = arith.constant 0 : i32
      %dma_start3A_158 = tpu.memref_slice %arg16[%dma_start3A_156, %dma_start3A_157] : memref<128x128xf32, #tpu.memory_space<vmem>> -> memref<32x128xf32, #tpu.memory_space<vmem>>
      %dma_start3A_159 = arith.constant 0 : i32
      %dma_start3A_160 = tpu.memref_slice %arg19[%dma_start3A_159] : memref<128xi32, #tpu.memory_space<vmem>> -> memref<32xi32, #tpu.memory_space<vmem>>
      %dma_start3A_161 = arith.constant 0 : i32
      %dma_start3A_162 = arith.constant 0 : i32
      %dma_start3A_163 = tpu.memref_slice %arg7[%dma_start3A_161, %dma_start3A_162] : memref<10240x128xf32, #tpu.memory_space<hbm>> -> memref<10240x128xf32, #tpu.memory_space<hbm>>
      tpu.enqueue_indirect_dma source(%dma_start3A_163 : memref<10240x128xf32, #tpu.memory_space<hbm>>) target(%dma_start3A_158 : memref<32x128xf32, #tpu.memory_space<vmem>>) offsets(%dma_start3A_160 : memref<32xi32, #tpu.memory_space<vmem>>) semaphore(%arg37 : memref<!tpu.dma_semaphore, #tpu.memory_space<semaphore_mem>>)
      %dma_start3A_164 = arith.constant 32 : i32
      %dma_start3A_165 = arith.constant 0 : i32
      %dma_start3A_166 = tpu.memref_slice %arg16[%dma_start3A_164, %dma_start3A_165] : memref<128x128xf32, #tpu.memory_space<vmem>> -> memref<32x128xf32, #tpu.memory_space<vmem>>
      %dma_start3A_167 = arith.constant 32 : i32
      %dma_start3A_168 = tpu.memref_slice %arg19[%dma_start3A_167] : memref<128xi32, #tpu.memory_space<vmem>> -> memref<32xi32, #tpu.memory_space<vmem>>
      %dma_start3A_169 = arith.constant 0 : i32
      %dma_start3A_170 = arith.constant 0 : i32
      %dma_start3A_171 = tpu.memref_slice %arg7[%dma_start3A_169, %dma_start3A_170] : memref<10240x128xf32, #tpu.memory_space<hbm>> -> memref<10240x128xf32, #tpu.memory_space<hbm>>
      tpu.enqueue_indirect_dma source(%dma_start3A_171 : memref<10240x128xf32, #tpu.memory_space<hbm>>) target(%dma_start3A_166 : memref<32x128xf32, #tpu.memory_space<vmem>>) offsets(%dma_start3A_168 : memref<32xi32, #tpu.memory_space<vmem>>) semaphore(%arg38 : memref<!tpu.dma_semaphore, #tpu.memory_space<semaphore_mem>>)
      %dma_start3A_172 = arith.constant 64 : i32
      %dma_start3A_173 = arith.constant 0 : i32
      %dma_start3A_174 = tpu.memref_slice %arg16[%dma_start3A_172, %dma_start3A_173] : memref<128x128xf32, #tpu.memory_space<vmem>> -> memref<32x128xf32, #tpu.memory_space<vmem>>
      %dma_start3A_175 = arith.constant 64 : i32
      %dma_start3A_176 = tpu.memref_slice %arg19[%dma_start3A_175] : memref<128xi32, #tpu.memory_space<vmem>> -> memref<32xi32, #tpu.memory_space<vmem>>
      %dma_start3A_177 = arith.constant 0 : i32
      %dma_start3A_178 = arith.constant 0 : i32
      %dma_start3A_179 = tpu.memref_slice %arg7[%dma_start3A_177, %dma_start3A_178] : memref<10240x128xf32, #tpu.memory_space<hbm>> -> memref<10240x128xf32, #tpu.memory_space<hbm>>
      tpu.enqueue_indirect_dma source(%dma_start3A_179 : memref<10240x128xf32, #tpu.memory_space<hbm>>) target(%dma_start3A_174 : memref<32x128xf32, #tpu.memory_space<vmem>>) offsets(%dma_start3A_176 : memref<32xi32, #tpu.memory_space<vmem>>) semaphore(%arg39 : memref<!tpu.dma_semaphore, #tpu.memory_space<semaphore_mem>>)
      %dma_start3A_180 = arith.constant 96 : i32
      %dma_start3A_181 = arith.constant 0 : i32
      %dma_start3A_182 = tpu.memref_slice %arg16[%dma_start3A_180, %dma_start3A_181] : memref<128x128xf32, #tpu.memory_space<vmem>> -> memref<32x128xf32, #tpu.memory_space<vmem>>
      %dma_start3A_183 = arith.constant 96 : i32
      %dma_start3A_184 = tpu.memref_slice %arg19[%dma_start3A_183] : memref<128xi32, #tpu.memory_space<vmem>> -> memref<32xi32, #tpu.memory_space<vmem>>
      %dma_start3A_185 = arith.constant 0 : i32
      %dma_start3A_186 = arith.constant 0 : i32
      %dma_start3A_187 = tpu.memref_slice %arg7[%dma_start3A_185, %dma_start3A_186] : memref<10240x128xf32, #tpu.memory_space<hbm>> -> memref<10240x128xf32, #tpu.memory_space<hbm>>
      tpu.enqueue_indirect_dma source(%dma_start3A_187 : memref<10240x128xf32, #tpu.memory_space<hbm>>) target(%dma_start3A_182 : memref<32x128xf32, #tpu.memory_space<vmem>>) offsets(%dma_start3A_184 : memref<32xi32, #tpu.memory_space<vmem>>) semaphore(%arg40 : memref<!tpu.dma_semaphore, #tpu.memory_space<semaphore_mem>>)
      %scan3A_188 = arith.constant 0 : i32
      %scan3A_189 = arith.constant 0 : i32
      %scan3A_190 = arith.constant 27 : i32
      %scan3A_191 = arith.addi %scan3A_189, %scan3A_190 : i32
      %scan3A_192 = arith.constant 1 : i32
      %scan3A_193 = scf.for %scan3A_195 = %scan3A_189 to %scan3A_191 step %scan3A_192 iter_args(%scan3A_196 = %scan3A_188) -> (i32)  : i32 {
        %mul3A_197 = arith.constant 3 : i32
        %mul3A_198 = arith.muli %scan3A_195, %mul3A_197 : i32
        %add3A_199 = arith.constant 0 : i32
        %add3A_200 = arith.addi %mul3A_198, %add3A_199 : i32
        %lt3A = arith.constant 80 : i32
        %lt3A_201 = arith.cmpi slt, %add3A_200, %lt3A : i32
        %convert_element_type3A_202 = arith.extui %lt3A_201 : i1 to i32
        %cond3A_203 = arith.constant 0 : i32
        %cond3A_204 = arith.cmpi ne, %convert_element_type3A_202, %cond3A_203 : i32
        scf.if %cond3A_204 {
          %dma_wait3A_245 = arith.constant 0 : i32
          %dma_wait3A_246 = tpu.memref_slice %arg3[%dma_wait3A_245] : memref<163840xi32, #tpu.memory_space<hbm>> -> memref<128xi32, #tpu.memory_space<hbm>>
          %dma_wait3A_247 = arith.constant 0 : i32
          %dma_wait3A_248 = tpu.memref_slice %arg3[%dma_wait3A_247] : memref<163840xi32, #tpu.memory_space<hbm>> -> memref<128xi32, #tpu.memory_space<hbm>>
          tpu.wait_dma2 semaphore(%arg26 : memref<!tpu.dma_semaphore, #tpu.memory_space<semaphore_mem>>) src(%dma_wait3A_248 : memref<128xi32, #tpu.memory_space<hbm>>) dst(%arg20 : memref<128xi32, #tpu.memory_space<vmem>>)
          %dma_wait3A_249 = arith.constant 0 : i32
          %dma_wait3A_250 = arith.constant 0 : i32
          %dma_wait3A_251 = tpu.memref_slice %arg14[%dma_wait3A_249, %dma_wait3A_250] : memref<128x128xf32, #tpu.memory_space<vmem>> -> memref<32x128xf32, #tpu.memory_space<vmem>>
          %dma_wait3A_252 = arith.constant 0 : i32
          %dma_wait3A_253 = arith.constant 0 : i32
          %dma_wait3A_254 = tpu.memref_slice %arg7[%dma_wait3A_252, %dma_wait3A_253] : memref<10240x128xf32, #tpu.memory_space<hbm>> -> memref<32x128xf32, #tpu.memory_space<hbm>>
          %dma_wait3A_255 = arith.constant 0 : i32
          %dma_wait3A_256 = arith.constant 0 : i32
          %dma_wait3A_257 = tpu.memref_slice %arg14[%dma_wait3A_255, %dma_wait3A_256] : memref<128x128xf32, #tpu.memory_space<vmem>> -> memref<32x128xf32, #tpu.memory_space<vmem>>
          %dma_wait3A_258 = arith.constant 0 : i32
          %dma_wait3A_259 = arith.constant 0 : i32
          %dma_wait3A_260 = tpu.memref_slice %arg7[%dma_wait3A_258, %dma_wait3A_259] : memref<10240x128xf32, #tpu.memory_space<hbm>> -> memref<32x128xf32, #tpu.memory_space<hbm>>
          tpu.wait_dma2 semaphore(%arg29 : memref<!tpu.dma_semaphore, #tpu.memory_space<semaphore_mem>>) src(%dma_wait3A_260 : memref<32x128xf32, #tpu.memory_space<hbm>>) dst(%dma_wait3A_257 : memref<32x128xf32, #tpu.memory_space<vmem>>)
          %dma_wait3A_261 = arith.constant 32 : i32
          %dma_wait3A_262 = arith.constant 0 : i32
          %dma_wait3A_263 = tpu.memref_slice %arg14[%dma_wait3A_261, %dma_wait3A_262] : memref<128x128xf32, #tpu.memory_space<vmem>> -> memref<32x128xf32, #tpu.memory_space<vmem>>
          %dma_wait3A_264 = arith.constant 0 : i32
          %dma_wait3A_265 = arith.constant 0 : i32
          %dma_wait3A_266 = tpu.memref_slice %arg7[%dma_wait3A_264, %dma_wait3A_265] : memref<10240x128xf32, #tpu.memory_space<hbm>> -> memref<32x128xf32, #tpu.memory_space<hbm>>
          %dma_wait3A_267 = arith.constant 32 : i32
          %dma_wait3A_268 = arith.constant 0 : i32
          %dma_wait3A_269 = tpu.memref_slice %arg14[%dma_wait3A_267, %dma_wait3A_268] : memref<128x128xf32, #tpu.memory_space<vmem>> -> memref<32x128xf32, #tpu.memory_space<vmem>>
          %dma_wait3A_270 = arith.constant 0 : i32
          %dma_wait3A_271 = arith.constant 0 : i32
          %dma_wait3A_272 = tpu.memref_slice %arg7[%dma_wait3A_270, %dma_wait3A_271] : memref<10240x128xf32, #tpu.memory_space<hbm>> -> memref<32x128xf32, #tpu.memory_space<hbm>>
          tpu.wait_dma2 semaphore(%arg30 : memref<!tpu.dma_semaphore, #tpu.memory_space<semaphore_mem>>) src(%dma_wait3A_272 : memref<32x128xf32, #tpu.memory_space<hbm>>) dst(%dma_wait3A_269 : memref<32x128xf32, #tpu.memory_space<vmem>>)
          %dma_wait3A_273 = arith.constant 64 : i32
          %dma_wait3A_274 = arith.constant 0 : i32
          %dma_wait3A_275 = tpu.memref_slice %arg14[%dma_wait3A_273, %dma_wait3A_274] : memref<128x128xf32, #tpu.memory_space<vmem>> -> memref<32x128xf32, #tpu.memory_space<vmem>>
          %dma_wait3A_276 = arith.constant 0 : i32
          %dma_wait3A_277 = arith.constant 0 : i32
          %dma_wait3A_278 = tpu.memref_slice %arg7[%dma_wait3A_276, %dma_wait3A_277] : memref<10240x128xf32, #tpu.memory_space<hbm>> -> memref<32x128xf32, #tpu.memory_space<hbm>>
          %dma_wait3A_279 = arith.constant 64 : i32
          %dma_wait3A_280 = arith.constant 0 : i32
          %dma_wait3A_281 = tpu.memref_slice %arg14[%dma_wait3A_279, %dma_wait3A_280] : memref<128x128xf32, #tpu.memory_space<vmem>> -> memref<32x128xf32, #tpu.memory_space<vmem>>
          %dma_wait3A_282 = arith.constant 0 : i32
          %dma_wait3A_283 = arith.constant 0 : i32
          %dma_wait3A_284 = tpu.memref_slice %arg7[%dma_wait3A_282, %dma_wait3A_283] : memref<10240x128xf32, #tpu.memory_space<hbm>> -> memref<32x128xf32, #tpu.memory_space<hbm>>
          tpu.wait_dma2 semaphore(%arg31 : memref<!tpu.dma_semaphore, #tpu.memory_space<semaphore_mem>>) src(%dma_wait3A_284 : memref<32x128xf32, #tpu.memory_space<hbm>>) dst(%dma_wait3A_281 : memref<32x128xf32, #tpu.memory_space<vmem>>)
          %dma_wait3A_285 = arith.constant 96 : i32
          %dma_wait3A_286 = arith.constant 0 : i32
          %dma_wait3A_287 = tpu.memref_slice %arg14[%dma_wait3A_285, %dma_wait3A_286] : memref<128x128xf32, #tpu.memory_space<vmem>> -> memref<32x128xf32, #tpu.memory_space<vmem>>
          %dma_wait3A_288 = arith.constant 0 : i32
          %dma_wait3A_289 = arith.constant 0 : i32
          %dma_wait3A_290 = tpu.memref_slice %arg7[%dma_wait3A_288, %dma_wait3A_289] : memref<10240x128xf32, #tpu.memory_space<hbm>> -> memref<32x128xf32, #tpu.memory_space<hbm>>
          %dma_wait3A_291 = arith.constant 96 : i32
          %dma_wait3A_292 = arith.constant 0 : i32
          %dma_wait3A_293 = tpu.memref_slice %arg14[%dma_wait3A_291, %dma_wait3A_292] : memref<128x128xf32, #tpu.memory_space<vmem>> -> memref<32x128xf32, #tpu.memory_space<vmem>>
          %dma_wait3A_294 = arith.constant 0 : i32
          %dma_wait3A_295 = arith.constant 0 : i32
          %dma_wait3A_296 = tpu.memref_slice %arg7[%dma_wait3A_294, %dma_wait3A_295] : memref<10240x128xf32, #tpu.memory_space<hbm>> -> memref<32x128xf32, #tpu.memory_space<hbm>>
          tpu.wait_dma2 semaphore(%arg32 : memref<!tpu.dma_semaphore, #tpu.memory_space<semaphore_mem>>) src(%dma_wait3A_296 : memref<32x128xf32, #tpu.memory_space<hbm>>) dst(%dma_wait3A_293 : memref<32x128xf32, #tpu.memory_space<vmem>>)
          %add3A_297 = arith.constant 3 : i32
          %add3A_298 = arith.addi %add3A_200, %add3A_297 : i32
          %lt3A_299 = arith.constant 80 : i32
          %lt3A_300 = arith.cmpi slt, %add3A_298, %lt3A_299 : i32
          %convert_element_type3A_301 = arith.extui %lt3A_300 : i1 to i32
          %cond3A_302 = arith.constant 0 : i32
          %cond3A_303 = arith.cmpi ne, %convert_element_type3A_301, %cond3A_302 : i32
          scf.if %cond3A_303 {
            %mul3A_304 = arith.constant 10240 : i32
            %mul3A_305 = arith.muli %arg1, %mul3A_304 : i32
            %add3A_306 = arith.constant 3 : i32
            %add3A_307 = arith.addi %add3A_200, %add3A_306 : i32
            %mul3A_308 = arith.constant 128 : i32
            %mul3A_309 = arith.muli %add3A_307, %mul3A_308 : i32
            %add3A_310 = arith.addi %mul3A_305, %mul3A_309 : i32
            %dma_start3A_311 = tpu.memref_slice %arg2[%add3A_310] : memref<163840xi32, #tpu.memory_space<hbm>> -> memref<128xi32, #tpu.memory_space<hbm>>
            %dma_start3A_312 = tpu.memref_slice %arg2[%add3A_310] : memref<163840xi32, #tpu.memory_space<hbm>> -> memref<128xi32, #tpu.memory_space<hbm>>
            tpu.enqueue_dma source(%dma_start3A_312 : memref<128xi32, #tpu.memory_space<hbm>>) target(%arg17 : memref<128xi32, #tpu.memory_space<vmem>>) target_semaphore(%arg23 : memref<!tpu.dma_semaphore, #tpu.memory_space<semaphore_mem>>)
          } else {
          }
          "tpu.region"() ({
            %run_scoped3A = tpu.sem_alloc : memref<!tpu.dma_semaphore, #tpu.memory_space<semaphore_mem>>
            %dma_start3A_304 = arith.constant 0 : i32
            %dma_start3A_305 = arith.constant 0 : i32
            %dma_start3A_306 = tpu.memref_slice %arg13[%dma_start3A_304, %dma_start3A_305] : memref<10112x128xf32, #tpu.memory_space<vmem_shared>> -> memref<10112x128xf32, #tpu.memory_space<vmem_shared>>
            tpu.enqueue_indirect_dma source(%arg14 : memref<128x128xf32, #tpu.memory_space<vmem>>) target(%dma_start3A_306 : memref<10112x128xf32, #tpu.memory_space<vmem_shared>>) offsets(%arg20 : memref<128xi32, #tpu.memory_space<vmem>>) semaphore(%run_scoped3A : memref<!tpu.dma_semaphore, #tpu.memory_space<semaphore_mem>>) {add = true}
            %dma_wait3A_307 = arith.constant 0 : i32
            %dma_wait3A_308 = arith.constant 0 : i32
            %dma_wait3A_309 = tpu.memref_slice %arg13[%dma_wait3A_307, %dma_wait3A_308] : memref<10112x128xf32, #tpu.memory_space<vmem_shared>> -> memref<10112x128xf32, #tpu.memory_space<vmem_shared>>
            tpu.wait_indirect_dma semaphore(%run_scoped3A : memref<!tpu.dma_semaphore, #tpu.memory_space<semaphore_mem>>) src(%arg14 : memref<128x128xf32, #tpu.memory_space<vmem>>) dst(%dma_wait3A_309 : memref<10112x128xf32, #tpu.memory_space<vmem_shared>>)
            tpu.yield
          }) : () -> ()
        } else {
        }
        %add3A_205 = arith.constant 3 : i32
        %add3A_206 = arith.addi %add3A_200, %add3A_205 : i32
        %lt3A_207 = arith.constant 80 : i32
        %lt3A_208 = arith.cmpi slt, %add3A_206, %lt3A_207 : i32
        %convert_element_type3A_209 = arith.extui %lt3A_208 : i1 to i32
        %cond3A_210 = arith.constant 0 : i32
        %cond3A_211 = arith.cmpi ne, %convert_element_type3A_209, %cond3A_210 : i32
        scf.if %cond3A_211 {
          %mul3A_245 = arith.constant 10240 : i32
          %mul3A_246 = arith.muli %arg1, %mul3A_245 : i32
          %add3A_247 = arith.constant 3 : i32
          %add3A_248 = arith.addi %add3A_200, %add3A_247 : i32
          %mul3A_249 = arith.constant 128 : i32
          %mul3A_250 = arith.muli %add3A_248, %mul3A_249 : i32
          %add3A_251 = arith.addi %mul3A_246, %mul3A_250 : i32
          %dma_start3A_252 = tpu.memref_slice %arg3[%add3A_251] : memref<163840xi32, #tpu.memory_space<hbm>> -> memref<128xi32, #tpu.memory_space<hbm>>
          %dma_start3A_253 = tpu.memref_slice %arg3[%add3A_251] : memref<163840xi32, #tpu.memory_space<hbm>> -> memref<128xi32, #tpu.memory_space<hbm>>
          tpu.enqueue_dma source(%dma_start3A_253 : memref<128xi32, #tpu.memory_space<hbm>>) target(%arg20 : memref<128xi32, #tpu.memory_space<vmem>>) target_semaphore(%arg26 : memref<!tpu.dma_semaphore, #tpu.memory_space<semaphore_mem>>)
          %dma_wait3A_254 = arith.constant 0 : i32
          %dma_wait3A_255 = tpu.memref_slice %arg2[%dma_wait3A_254] : memref<163840xi32, #tpu.memory_space<hbm>> -> memref<128xi32, #tpu.memory_space<hbm>>
          %dma_wait3A_256 = arith.constant 0 : i32
          %dma_wait3A_257 = tpu.memref_slice %arg2[%dma_wait3A_256] : memref<163840xi32, #tpu.memory_space<hbm>> -> memref<128xi32, #tpu.memory_space<hbm>>
          tpu.wait_dma2 semaphore(%arg23 : memref<!tpu.dma_semaphore, #tpu.memory_space<semaphore_mem>>) src(%dma_wait3A_257 : memref<128xi32, #tpu.memory_space<hbm>>) dst(%arg17 : memref<128xi32, #tpu.memory_space<vmem>>)
          %dma_start3A_258 = arith.constant 0 : i32
          %dma_start3A_259 = arith.constant 0 : i32
          %dma_start3A_260 = tpu.memref_slice %arg14[%dma_start3A_258, %dma_start3A_259] : memref<128x128xf32, #tpu.memory_space<vmem>> -> memref<32x128xf32, #tpu.memory_space<vmem>>
          %dma_start3A_261 = arith.constant 0 : i32
          %dma_start3A_262 = tpu.memref_slice %arg17[%dma_start3A_261] : memref<128xi32, #tpu.memory_space<vmem>> -> memref<32xi32, #tpu.memory_space<vmem>>
          %dma_start3A_263 = arith.constant 0 : i32
          %dma_start3A_264 = arith.constant 0 : i32
          %dma_start3A_265 = tpu.memref_slice %arg7[%dma_start3A_263, %dma_start3A_264] : memref<10240x128xf32, #tpu.memory_space<hbm>> -> memref<10240x128xf32, #tpu.memory_space<hbm>>
          tpu.enqueue_indirect_dma source(%dma_start3A_265 : memref<10240x128xf32, #tpu.memory_space<hbm>>) target(%dma_start3A_260 : memref<32x128xf32, #tpu.memory_space<vmem>>) offsets(%dma_start3A_262 : memref<32xi32, #tpu.memory_space<vmem>>) semaphore(%arg29 : memref<!tpu.dma_semaphore, #tpu.memory_space<semaphore_mem>>)
          %dma_start3A_266 = arith.constant 32 : i32
          %dma_start3A_267 = arith.constant 0 : i32
          %dma_start3A_268 = tpu.memref_slice %arg14[%dma_start3A_266, %dma_start3A_267] : memref<128x128xf32, #tpu.memory_space<vmem>> -> memref<32x128xf32, #tpu.memory_space<vmem>>
          %dma_start3A_269 = arith.constant 32 : i32
          %dma_start3A_270 = tpu.memref_slice %arg17[%dma_start3A_269] : memref<128xi32, #tpu.memory_space<vmem>> -> memref<32xi32, #tpu.memory_space<vmem>>
          %dma_start3A_271 = arith.constant 0 : i32
          %dma_start3A_272 = arith.constant 0 : i32
          %dma_start3A_273 = tpu.memref_slice %arg7[%dma_start3A_271, %dma_start3A_272] : memref<10240x128xf32, #tpu.memory_space<hbm>> -> memref<10240x128xf32, #tpu.memory_space<hbm>>
          tpu.enqueue_indirect_dma source(%dma_start3A_273 : memref<10240x128xf32, #tpu.memory_space<hbm>>) target(%dma_start3A_268 : memref<32x128xf32, #tpu.memory_space<vmem>>) offsets(%dma_start3A_270 : memref<32xi32, #tpu.memory_space<vmem>>) semaphore(%arg30 : memref<!tpu.dma_semaphore, #tpu.memory_space<semaphore_mem>>)
          %dma_start3A_274 = arith.constant 64 : i32
          %dma_start3A_275 = arith.constant 0 : i32
          %dma_start3A_276 = tpu.memref_slice %arg14[%dma_start3A_274, %dma_start3A_275] : memref<128x128xf32, #tpu.memory_space<vmem>> -> memref<32x128xf32, #tpu.memory_space<vmem>>
          %dma_start3A_277 = arith.constant 64 : i32
          %dma_start3A_278 = tpu.memref_slice %arg17[%dma_start3A_277] : memref<128xi32, #tpu.memory_space<vmem>> -> memref<32xi32, #tpu.memory_space<vmem>>
          %dma_start3A_279 = arith.constant 0 : i32
          %dma_start3A_280 = arith.constant 0 : i32
          %dma_start3A_281 = tpu.memref_slice %arg7[%dma_start3A_279, %dma_start3A_280] : memref<10240x128xf32, #tpu.memory_space<hbm>> -> memref<10240x128xf32, #tpu.memory_space<hbm>>
          tpu.enqueue_indirect_dma source(%dma_start3A_281 : memref<10240x128xf32, #tpu.memory_space<hbm>>) target(%dma_start3A_276 : memref<32x128xf32, #tpu.memory_space<vmem>>) offsets(%dma_start3A_278 : memref<32xi32, #tpu.memory_space<vmem>>) semaphore(%arg31 : memref<!tpu.dma_semaphore, #tpu.memory_space<semaphore_mem>>)
          %dma_start3A_282 = arith.constant 96 : i32
          %dma_start3A_283 = arith.constant 0 : i32
          %dma_start3A_284 = tpu.memref_slice %arg14[%dma_start3A_282, %dma_start3A_283] : memref<128x128xf32, #tpu.memory_space<vmem>> -> memref<32x128xf32, #tpu.memory_space<vmem>>
          %dma_start3A_285 = arith.constant 96 : i32
          %dma_start3A_286 = tpu.memref_slice %arg17[%dma_start3A_285] : memref<128xi32, #tpu.memory_space<vmem>> -> memref<32xi32, #tpu.memory_space<vmem>>
          %dma_start3A_287 = arith.constant 0 : i32
          %dma_start3A_288 = arith.constant 0 : i32
          %dma_start3A_289 = tpu.memref_slice %arg7[%dma_start3A_287, %dma_start3A_288] : memref<10240x128xf32, #tpu.memory_space<hbm>> -> memref<10240x128xf32, #tpu.memory_space<hbm>>
          tpu.enqueue_indirect_dma source(%dma_start3A_289 : memref<10240x128xf32, #tpu.memory_space<hbm>>) target(%dma_start3A_284 : memref<32x128xf32, #tpu.memory_space<vmem>>) offsets(%dma_start3A_286 : memref<32xi32, #tpu.memory_space<vmem>>) semaphore(%arg32 : memref<!tpu.dma_semaphore, #tpu.memory_space<semaphore_mem>>)
        } else {
        }
        %mul3A_212 = arith.constant 3 : i32
        %mul3A_213 = arith.muli %scan3A_195, %mul3A_212 : i32
        %add3A_214 = arith.constant 1 : i32
        %add3A_215 = arith.addi %mul3A_213, %add3A_214 : i32
        %lt3A_216 = arith.constant 80 : i32
        %lt3A_217 = arith.cmpi slt, %add3A_215, %lt3A_216 : i32
        %convert_element_type3A_218 = arith.extui %lt3A_217 : i1 to i32
        %cond3A_219 = arith.constant 0 : i32
        %cond3A_220 = arith.cmpi ne, %convert_element_type3A_218, %cond3A_219 : i32
        scf.if %cond3A_220 {
          %dma_wait3A_245 = arith.constant 0 : i32
          %dma_wait3A_246 = tpu.memref_slice %arg3[%dma_wait3A_245] : memref<163840xi32, #tpu.memory_space<hbm>> -> memref<128xi32, #tpu.memory_space<hbm>>
          %dma_wait3A_247 = arith.constant 0 : i32
          %dma_wait3A_248 = tpu.memref_slice %arg3[%dma_wait3A_247] : memref<163840xi32, #tpu.memory_space<hbm>> -> memref<128xi32, #tpu.memory_space<hbm>>
          tpu.wait_dma2 semaphore(%arg27 : memref<!tpu.dma_semaphore, #tpu.memory_space<semaphore_mem>>) src(%dma_wait3A_248 : memref<128xi32, #tpu.memory_space<hbm>>) dst(%arg21 : memref<128xi32, #tpu.memory_space<vmem>>)
          %dma_wait3A_249 = arith.constant 0 : i32
          %dma_wait3A_250 = arith.constant 0 : i32
          %dma_wait3A_251 = tpu.memref_slice %arg15[%dma_wait3A_249, %dma_wait3A_250] : memref<128x128xf32, #tpu.memory_space<vmem>> -> memref<32x128xf32, #tpu.memory_space<vmem>>
          %dma_wait3A_252 = arith.constant 0 : i32
          %dma_wait3A_253 = arith.constant 0 : i32
          %dma_wait3A_254 = tpu.memref_slice %arg7[%dma_wait3A_252, %dma_wait3A_253] : memref<10240x128xf32, #tpu.memory_space<hbm>> -> memref<32x128xf32, #tpu.memory_space<hbm>>
          %dma_wait3A_255 = arith.constant 0 : i32
          %dma_wait3A_256 = arith.constant 0 : i32
          %dma_wait3A_257 = tpu.memref_slice %arg15[%dma_wait3A_255, %dma_wait3A_256] : memref<128x128xf32, #tpu.memory_space<vmem>> -> memref<32x128xf32, #tpu.memory_space<vmem>>
          %dma_wait3A_258 = arith.constant 0 : i32
          %dma_wait3A_259 = arith.constant 0 : i32
          %dma_wait3A_260 = tpu.memref_slice %arg7[%dma_wait3A_258, %dma_wait3A_259] : memref<10240x128xf32, #tpu.memory_space<hbm>> -> memref<32x128xf32, #tpu.memory_space<hbm>>
          tpu.wait_dma2 semaphore(%arg33 : memref<!tpu.dma_semaphore, #tpu.memory_space<semaphore_mem>>) src(%dma_wait3A_260 : memref<32x128xf32, #tpu.memory_space<hbm>>) dst(%dma_wait3A_257 : memref<32x128xf32, #tpu.memory_space<vmem>>)
          %dma_wait3A_261 = arith.constant 32 : i32
          %dma_wait3A_262 = arith.constant 0 : i32
          %dma_wait3A_263 = tpu.memref_slice %arg15[%dma_wait3A_261, %dma_wait3A_262] : memref<128x128xf32, #tpu.memory_space<vmem>> -> memref<32x128xf32, #tpu.memory_space<vmem>>
          %dma_wait3A_264 = arith.constant 0 : i32
          %dma_wait3A_265 = arith.constant 0 : i32
          %dma_wait3A_266 = tpu.memref_slice %arg7[%dma_wait3A_264, %dma_wait3A_265] : memref<10240x128xf32, #tpu.memory_space<hbm>> -> memref<32x128xf32, #tpu.memory_space<hbm>>
          %dma_wait3A_267 = arith.constant 32 : i32
          %dma_wait3A_268 = arith.constant 0 : i32
          %dma_wait3A_269 = tpu.memref_slice %arg15[%dma_wait3A_267, %dma_wait3A_268] : memref<128x128xf32, #tpu.memory_space<vmem>> -> memref<32x128xf32, #tpu.memory_space<vmem>>
          %dma_wait3A_270 = arith.constant 0 : i32
          %dma_wait3A_271 = arith.constant 0 : i32
          %dma_wait3A_272 = tpu.memref_slice %arg7[%dma_wait3A_270, %dma_wait3A_271] : memref<10240x128xf32, #tpu.memory_space<hbm>> -> memref<32x128xf32, #tpu.memory_space<hbm>>
          tpu.wait_dma2 semaphore(%arg34 : memref<!tpu.dma_semaphore, #tpu.memory_space<semaphore_mem>>) src(%dma_wait3A_272 : memref<32x128xf32, #tpu.memory_space<hbm>>) dst(%dma_wait3A_269 : memref<32x128xf32, #tpu.memory_space<vmem>>)
          %dma_wait3A_273 = arith.constant 64 : i32
          %dma_wait3A_274 = arith.constant 0 : i32
          %dma_wait3A_275 = tpu.memref_slice %arg15[%dma_wait3A_273, %dma_wait3A_274] : memref<128x128xf32, #tpu.memory_space<vmem>> -> memref<32x128xf32, #tpu.memory_space<vmem>>
          %dma_wait3A_276 = arith.constant 0 : i32
          %dma_wait3A_277 = arith.constant 0 : i32
          %dma_wait3A_278 = tpu.memref_slice %arg7[%dma_wait3A_276, %dma_wait3A_277] : memref<10240x128xf32, #tpu.memory_space<hbm>> -> memref<32x128xf32, #tpu.memory_space<hbm>>
          %dma_wait3A_279 = arith.constant 64 : i32
          %dma_wait3A_280 = arith.constant 0 : i32
          %dma_wait3A_281 = tpu.memref_slice %arg15[%dma_wait3A_279, %dma_wait3A_280] : memref<128x128xf32, #tpu.memory_space<vmem>> -> memref<32x128xf32, #tpu.memory_space<vmem>>
          %dma_wait3A_282 = arith.constant 0 : i32
          %dma_wait3A_283 = arith.constant 0 : i32
          %dma_wait3A_284 = tpu.memref_slice %arg7[%dma_wait3A_282, %dma_wait3A_283] : memref<10240x128xf32, #tpu.memory_space<hbm>> -> memref<32x128xf32, #tpu.memory_space<hbm>>
          tpu.wait_dma2 semaphore(%arg35 : memref<!tpu.dma_semaphore, #tpu.memory_space<semaphore_mem>>) src(%dma_wait3A_284 : memref<32x128xf32, #tpu.memory_space<hbm>>) dst(%dma_wait3A_281 : memref<32x128xf32, #tpu.memory_space<vmem>>)
          %dma_wait3A_285 = arith.constant 96 : i32
          %dma_wait3A_286 = arith.constant 0 : i32
          %dma_wait3A_287 = tpu.memref_slice %arg15[%dma_wait3A_285, %dma_wait3A_286] : memref<128x128xf32, #tpu.memory_space<vmem>> -> memref<32x128xf32, #tpu.memory_space<vmem>>
          %dma_wait3A_288 = arith.constant 0 : i32
          %dma_wait3A_289 = arith.constant 0 : i32
          %dma_wait3A_290 = tpu.memref_slice %arg7[%dma_wait3A_288, %dma_wait3A_289] : memref<10240x128xf32, #tpu.memory_space<hbm>> -> memref<32x128xf32, #tpu.memory_space<hbm>>
          %dma_wait3A_291 = arith.constant 96 : i32
          %dma_wait3A_292 = arith.constant 0 : i32
          %dma_wait3A_293 = tpu.memref_slice %arg15[%dma_wait3A_291, %dma_wait3A_292] : memref<128x128xf32, #tpu.memory_space<vmem>> -> memref<32x128xf32, #tpu.memory_space<vmem>>
          %dma_wait3A_294 = arith.constant 0 : i32
          %dma_wait3A_295 = arith.constant 0 : i32
          %dma_wait3A_296 = tpu.memref_slice %arg7[%dma_wait3A_294, %dma_wait3A_295] : memref<10240x128xf32, #tpu.memory_space<hbm>> -> memref<32x128xf32, #tpu.memory_space<hbm>>
          tpu.wait_dma2 semaphore(%arg36 : memref<!tpu.dma_semaphore, #tpu.memory_space<semaphore_mem>>) src(%dma_wait3A_296 : memref<32x128xf32, #tpu.memory_space<hbm>>) dst(%dma_wait3A_293 : memref<32x128xf32, #tpu.memory_space<vmem>>)
          %add3A_297 = arith.constant 3 : i32
          %add3A_298 = arith.addi %add3A_215, %add3A_297 : i32
          %lt3A_299 = arith.constant 80 : i32
          %lt3A_300 = arith.cmpi slt, %add3A_298, %lt3A_299 : i32
          %convert_element_type3A_301 = arith.extui %lt3A_300 : i1 to i32
          %cond3A_302 = arith.constant 0 : i32
          %cond3A_303 = arith.cmpi ne, %convert_element_type3A_301, %cond3A_302 : i32
          scf.if %cond3A_303 {
            %mul3A_304 = arith.constant 10240 : i32
            %mul3A_305 = arith.muli %arg1, %mul3A_304 : i32
            %add3A_306 = arith.constant 3 : i32
            %add3A_307 = arith.addi %add3A_215, %add3A_306 : i32
            %mul3A_308 = arith.constant 128 : i32
            %mul3A_309 = arith.muli %add3A_307, %mul3A_308 : i32
            %add3A_310 = arith.addi %mul3A_305, %mul3A_309 : i32
            %dma_start3A_311 = tpu.memref_slice %arg2[%add3A_310] : memref<163840xi32, #tpu.memory_space<hbm>> -> memref<128xi32, #tpu.memory_space<hbm>>
            %dma_start3A_312 = tpu.memref_slice %arg2[%add3A_310] : memref<163840xi32, #tpu.memory_space<hbm>> -> memref<128xi32, #tpu.memory_space<hbm>>
            tpu.enqueue_dma source(%dma_start3A_312 : memref<128xi32, #tpu.memory_space<hbm>>) target(%arg18 : memref<128xi32, #tpu.memory_space<vmem>>) target_semaphore(%arg24 : memref<!tpu.dma_semaphore, #tpu.memory_space<semaphore_mem>>)
          } else {
          }
          "tpu.region"() ({
            %run_scoped3A = tpu.sem_alloc : memref<!tpu.dma_semaphore, #tpu.memory_space<semaphore_mem>>
            %dma_start3A_304 = arith.constant 0 : i32
            %dma_start3A_305 = arith.constant 0 : i32
            %dma_start3A_306 = tpu.memref_slice %arg13[%dma_start3A_304, %dma_start3A_305] : memref<10112x128xf32, #tpu.memory_space<vmem_shared>> -> memref<10112x128xf32, #tpu.memory_space<vmem_shared>>
            tpu.enqueue_indirect_dma source(%arg15 : memref<128x128xf32, #tpu.memory_space<vmem>>) target(%dma_start3A_306 : memref<10112x128xf32, #tpu.memory_space<vmem_shared>>) offsets(%arg21 : memref<128xi32, #tpu.memory_space<vmem>>) semaphore(%run_scoped3A : memref<!tpu.dma_semaphore, #tpu.memory_space<semaphore_mem>>) {add = true}
            %dma_wait3A_307 = arith.constant 0 : i32
            %dma_wait3A_308 = arith.constant 0 : i32
            %dma_wait3A_309 = tpu.memref_slice %arg13[%dma_wait3A_307, %dma_wait3A_308] : memref<10112x128xf32, #tpu.memory_space<vmem_shared>> -> memref<10112x128xf32, #tpu.memory_space<vmem_shared>>
            tpu.wait_indirect_dma semaphore(%run_scoped3A : memref<!tpu.dma_semaphore, #tpu.memory_space<semaphore_mem>>) src(%arg15 : memref<128x128xf32, #tpu.memory_space<vmem>>) dst(%dma_wait3A_309 : memref<10112x128xf32, #tpu.memory_space<vmem_shared>>)
            tpu.yield
          }) : () -> ()
        } else {
        }
        %add3A_221 = arith.constant 3 : i32
        %add3A_222 = arith.addi %add3A_215, %add3A_221 : i32
        %lt3A_223 = arith.constant 80 : i32
        %lt3A_224 = arith.cmpi slt, %add3A_222, %lt3A_223 : i32
        %convert_element_type3A_225 = arith.extui %lt3A_224 : i1 to i32
        %cond3A_226 = arith.constant 0 : i32
        %cond3A_227 = arith.cmpi ne, %convert_element_type3A_225, %cond3A_226 : i32
        scf.if %cond3A_227 {
          %mul3A_245 = arith.constant 10240 : i32
          %mul3A_246 = arith.muli %arg1, %mul3A_245 : i32
          %add3A_247 = arith.constant 3 : i32
          %add3A_248 = arith.addi %add3A_215, %add3A_247 : i32
          %mul3A_249 = arith.constant 128 : i32
          %mul3A_250 = arith.muli %add3A_248, %mul3A_249 : i32
          %add3A_251 = arith.addi %mul3A_246, %mul3A_250 : i32
          %dma_start3A_252 = tpu.memref_slice %arg3[%add3A_251] : memref<163840xi32, #tpu.memory_space<hbm>> -> memref<128xi32, #tpu.memory_space<hbm>>
          %dma_start3A_253 = tpu.memref_slice %arg3[%add3A_251] : memref<163840xi32, #tpu.memory_space<hbm>> -> memref<128xi32, #tpu.memory_space<hbm>>
          tpu.enqueue_dma source(%dma_start3A_253 : memref<128xi32, #tpu.memory_space<hbm>>) target(%arg21 : memref<128xi32, #tpu.memory_space<vmem>>) target_semaphore(%arg27 : memref<!tpu.dma_semaphore, #tpu.memory_space<semaphore_mem>>)
          %dma_wait3A_254 = arith.constant 0 : i32
          %dma_wait3A_255 = tpu.memref_slice %arg2[%dma_wait3A_254] : memref<163840xi32, #tpu.memory_space<hbm>> -> memref<128xi32, #tpu.memory_space<hbm>>
          %dma_wait3A_256 = arith.constant 0 : i32
          %dma_wait3A_257 = tpu.memref_slice %arg2[%dma_wait3A_256] : memref<163840xi32, #tpu.memory_space<hbm>> -> memref<128xi32, #tpu.memory_space<hbm>>
          tpu.wait_dma2 semaphore(%arg24 : memref<!tpu.dma_semaphore, #tpu.memory_space<semaphore_mem>>) src(%dma_wait3A_257 : memref<128xi32, #tpu.memory_space<hbm>>) dst(%arg18 : memref<128xi32, #tpu.memory_space<vmem>>)
          %dma_start3A_258 = arith.constant 0 : i32
          %dma_start3A_259 = arith.constant 0 : i32
          %dma_start3A_260 = tpu.memref_slice %arg15[%dma_start3A_258, %dma_start3A_259] : memref<128x128xf32, #tpu.memory_space<vmem>> -> memref<32x128xf32, #tpu.memory_space<vmem>>
          %dma_start3A_261 = arith.constant 0 : i32
          %dma_start3A_262 = tpu.memref_slice %arg18[%dma_start3A_261] : memref<128xi32, #tpu.memory_space<vmem>> -> memref<32xi32, #tpu.memory_space<vmem>>
          %dma_start3A_263 = arith.constant 0 : i32
          %dma_start3A_264 = arith.constant 0 : i32
          %dma_start3A_265 = tpu.memref_slice %arg7[%dma_start3A_263, %dma_start3A_264] : memref<10240x128xf32, #tpu.memory_space<hbm>> -> memref<10240x128xf32, #tpu.memory_space<hbm>>
          tpu.enqueue_indirect_dma source(%dma_start3A_265 : memref<10240x128xf32, #tpu.memory_space<hbm>>) target(%dma_start3A_260 : memref<32x128xf32, #tpu.memory_space<vmem>>) offsets(%dma_start3A_262 : memref<32xi32, #tpu.memory_space<vmem>>) semaphore(%arg33 : memref<!tpu.dma_semaphore, #tpu.memory_space<semaphore_mem>>)
          %dma_start3A_266 = arith.constant 32 : i32
          %dma_start3A_267 = arith.constant 0 : i32
          %dma_start3A_268 = tpu.memref_slice %arg15[%dma_start3A_266, %dma_start3A_267] : memref<128x128xf32, #tpu.memory_space<vmem>> -> memref<32x128xf32, #tpu.memory_space<vmem>>
          %dma_start3A_269 = arith.constant 32 : i32
          %dma_start3A_270 = tpu.memref_slice %arg18[%dma_start3A_269] : memref<128xi32, #tpu.memory_space<vmem>> -> memref<32xi32, #tpu.memory_space<vmem>>
          %dma_start3A_271 = arith.constant 0 : i32
          %dma_start3A_272 = arith.constant 0 : i32
          %dma_start3A_273 = tpu.memref_slice %arg7[%dma_start3A_271, %dma_start3A_272] : memref<10240x128xf32, #tpu.memory_space<hbm>> -> memref<10240x128xf32, #tpu.memory_space<hbm>>
          tpu.enqueue_indirect_dma source(%dma_start3A_273 : memref<10240x128xf32, #tpu.memory_space<hbm>>) target(%dma_start3A_268 : memref<32x128xf32, #tpu.memory_space<vmem>>) offsets(%dma_start3A_270 : memref<32xi32, #tpu.memory_space<vmem>>) semaphore(%arg34 : memref<!tpu.dma_semaphore, #tpu.memory_space<semaphore_mem>>)
          %dma_start3A_274 = arith.constant 64 : i32
          %dma_start3A_275 = arith.constant 0 : i32
          %dma_start3A_276 = tpu.memref_slice %arg15[%dma_start3A_274, %dma_start3A_275] : memref<128x128xf32, #tpu.memory_space<vmem>> -> memref<32x128xf32, #tpu.memory_space<vmem>>
          %dma_start3A_277 = arith.constant 64 : i32
          %dma_start3A_278 = tpu.memref_slice %arg18[%dma_start3A_277] : memref<128xi32, #tpu.memory_space<vmem>> -> memref<32xi32, #tpu.memory_space<vmem>>
          %dma_start3A_279 = arith.constant 0 : i32
          %dma_start3A_280 = arith.constant 0 : i32
          %dma_start3A_281 = tpu.memref_slice %arg7[%dma_start3A_279, %dma_start3A_280] : memref<10240x128xf32, #tpu.memory_space<hbm>> -> memref<10240x128xf32, #tpu.memory_space<hbm>>
          tpu.enqueue_indirect_dma source(%dma_start3A_281 : memref<10240x128xf32, #tpu.memory_space<hbm>>) target(%dma_start3A_276 : memref<32x128xf32, #tpu.memory_space<vmem>>) offsets(%dma_start3A_278 : memref<32xi32, #tpu.memory_space<vmem>>) semaphore(%arg35 : memref<!tpu.dma_semaphore, #tpu.memory_space<semaphore_mem>>)
          %dma_start3A_282 = arith.constant 96 : i32
          %dma_start3A_283 = arith.constant 0 : i32
          %dma_start3A_284 = tpu.memref_slice %arg15[%dma_start3A_282, %dma_start3A_283] : memref<128x128xf32, #tpu.memory_space<vmem>> -> memref<32x128xf32, #tpu.memory_space<vmem>>
          %dma_start3A_285 = arith.constant 96 : i32
          %dma_start3A_286 = tpu.memref_slice %arg18[%dma_start3A_285] : memref<128xi32, #tpu.memory_space<vmem>> -> memref<32xi32, #tpu.memory_space<vmem>>
          %dma_start3A_287 = arith.constant 0 : i32
          %dma_start3A_288 = arith.constant 0 : i32
          %dma_start3A_289 = tpu.memref_slice %arg7[%dma_start3A_287, %dma_start3A_288] : memref<10240x128xf32, #tpu.memory_space<hbm>> -> memref<10240x128xf32, #tpu.memory_space<hbm>>
          tpu.enqueue_indirect_dma source(%dma_start3A_289 : memref<10240x128xf32, #tpu.memory_space<hbm>>) target(%dma_start3A_284 : memref<32x128xf32, #tpu.memory_space<vmem>>) offsets(%dma_start3A_286 : memref<32xi32, #tpu.memory_space<vmem>>) semaphore(%arg36 : memref<!tpu.dma_semaphore, #tpu.memory_space<semaphore_mem>>)
        } else {
        }
        %mul3A_228 = arith.constant 3 : i32
        %mul3A_229 = arith.muli %scan3A_195, %mul3A_228 : i32
        %add3A_230 = arith.constant 2 : i32
        %add3A_231 = arith.addi %mul3A_229, %add3A_230 : i32
        %lt3A_232 = arith.constant 80 : i32
        %lt3A_233 = arith.cmpi slt, %add3A_231, %lt3A_232 : i32
        %convert_element_type3A_234 = arith.extui %lt3A_233 : i1 to i32
        %cond3A_235 = arith.constant 0 : i32
        %cond3A_236 = arith.cmpi ne, %convert_element_type3A_234, %cond3A_235 : i32
        scf.if %cond3A_236 {
          %dma_wait3A_245 = arith.constant 0 : i32
          %dma_wait3A_246 = tpu.memref_slice %arg3[%dma_wait3A_245] : memref<163840xi32, #tpu.memory_space<hbm>> -> memref<128xi32, #tpu.memory_space<hbm>>
          %dma_wait3A_247 = arith.constant 0 : i32
          %dma_wait3A_248 = tpu.memref_slice %arg3[%dma_wait3A_247] : memref<163840xi32, #tpu.memory_space<hbm>> -> memref<128xi32, #tpu.memory_space<hbm>>
          tpu.wait_dma2 semaphore(%arg28 : memref<!tpu.dma_semaphore, #tpu.memory_space<semaphore_mem>>) src(%dma_wait3A_248 : memref<128xi32, #tpu.memory_space<hbm>>) dst(%arg22 : memref<128xi32, #tpu.memory_space<vmem>>)
          %dma_wait3A_249 = arith.constant 0 : i32
          %dma_wait3A_250 = arith.constant 0 : i32
          %dma_wait3A_251 = tpu.memref_slice %arg16[%dma_wait3A_249, %dma_wait3A_250] : memref<128x128xf32, #tpu.memory_space<vmem>> -> memref<32x128xf32, #tpu.memory_space<vmem>>
          %dma_wait3A_252 = arith.constant 0 : i32
          %dma_wait3A_253 = arith.constant 0 : i32
          %dma_wait3A_254 = tpu.memref_slice %arg7[%dma_wait3A_252, %dma_wait3A_253] : memref<10240x128xf32, #tpu.memory_space<hbm>> -> memref<32x128xf32, #tpu.memory_space<hbm>>
          %dma_wait3A_255 = arith.constant 0 : i32
          %dma_wait3A_256 = arith.constant 0 : i32
          %dma_wait3A_257 = tpu.memref_slice %arg16[%dma_wait3A_255, %dma_wait3A_256] : memref<128x128xf32, #tpu.memory_space<vmem>> -> memref<32x128xf32, #tpu.memory_space<vmem>>
          %dma_wait3A_258 = arith.constant 0 : i32
          %dma_wait3A_259 = arith.constant 0 : i32
          %dma_wait3A_260 = tpu.memref_slice %arg7[%dma_wait3A_258, %dma_wait3A_259] : memref<10240x128xf32, #tpu.memory_space<hbm>> -> memref<32x128xf32, #tpu.memory_space<hbm>>
          tpu.wait_dma2 semaphore(%arg37 : memref<!tpu.dma_semaphore, #tpu.memory_space<semaphore_mem>>) src(%dma_wait3A_260 : memref<32x128xf32, #tpu.memory_space<hbm>>) dst(%dma_wait3A_257 : memref<32x128xf32, #tpu.memory_space<vmem>>)
          %dma_wait3A_261 = arith.constant 32 : i32
          %dma_wait3A_262 = arith.constant 0 : i32
          %dma_wait3A_263 = tpu.memref_slice %arg16[%dma_wait3A_261, %dma_wait3A_262] : memref<128x128xf32, #tpu.memory_space<vmem>> -> memref<32x128xf32, #tpu.memory_space<vmem>>
          %dma_wait3A_264 = arith.constant 0 : i32
          %dma_wait3A_265 = arith.constant 0 : i32
          %dma_wait3A_266 = tpu.memref_slice %arg7[%dma_wait3A_264, %dma_wait3A_265] : memref<10240x128xf32, #tpu.memory_space<hbm>> -> memref<32x128xf32, #tpu.memory_space<hbm>>
          %dma_wait3A_267 = arith.constant 32 : i32
          %dma_wait3A_268 = arith.constant 0 : i32
          %dma_wait3A_269 = tpu.memref_slice %arg16[%dma_wait3A_267, %dma_wait3A_268] : memref<128x128xf32, #tpu.memory_space<vmem>> -> memref<32x128xf32, #tpu.memory_space<vmem>>
          %dma_wait3A_270 = arith.constant 0 : i32
          %dma_wait3A_271 = arith.constant 0 : i32
          %dma_wait3A_272 = tpu.memref_slice %arg7[%dma_wait3A_270, %dma_wait3A_271] : memref<10240x128xf32, #tpu.memory_space<hbm>> -> memref<32x128xf32, #tpu.memory_space<hbm>>
          tpu.wait_dma2 semaphore(%arg38 : memref<!tpu.dma_semaphore, #tpu.memory_space<semaphore_mem>>) src(%dma_wait3A_272 : memref<32x128xf32, #tpu.memory_space<hbm>>) dst(%dma_wait3A_269 : memref<32x128xf32, #tpu.memory_space<vmem>>)
          %dma_wait3A_273 = arith.constant 64 : i32
          %dma_wait3A_274 = arith.constant 0 : i32
          %dma_wait3A_275 = tpu.memref_slice %arg16[%dma_wait3A_273, %dma_wait3A_274] : memref<128x128xf32, #tpu.memory_space<vmem>> -> memref<32x128xf32, #tpu.memory_space<vmem>>
          %dma_wait3A_276 = arith.constant 0 : i32
          %dma_wait3A_277 = arith.constant 0 : i32
          %dma_wait3A_278 = tpu.memref_slice %arg7[%dma_wait3A_276, %dma_wait3A_277] : memref<10240x128xf32, #tpu.memory_space<hbm>> -> memref<32x128xf32, #tpu.memory_space<hbm>>
          %dma_wait3A_279 = arith.constant 64 : i32
          %dma_wait3A_280 = arith.constant 0 : i32
          %dma_wait3A_281 = tpu.memref_slice %arg16[%dma_wait3A_279, %dma_wait3A_280] : memref<128x128xf32, #tpu.memory_space<vmem>> -> memref<32x128xf32, #tpu.memory_space<vmem>>
          %dma_wait3A_282 = arith.constant 0 : i32
          %dma_wait3A_283 = arith.constant 0 : i32
          %dma_wait3A_284 = tpu.memref_slice %arg7[%dma_wait3A_282, %dma_wait3A_283] : memref<10240x128xf32, #tpu.memory_space<hbm>> -> memref<32x128xf32, #tpu.memory_space<hbm>>
          tpu.wait_dma2 semaphore(%arg39 : memref<!tpu.dma_semaphore, #tpu.memory_space<semaphore_mem>>) src(%dma_wait3A_284 : memref<32x128xf32, #tpu.memory_space<hbm>>) dst(%dma_wait3A_281 : memref<32x128xf32, #tpu.memory_space<vmem>>)
          %dma_wait3A_285 = arith.constant 96 : i32
          %dma_wait3A_286 = arith.constant 0 : i32
          %dma_wait3A_287 = tpu.memref_slice %arg16[%dma_wait3A_285, %dma_wait3A_286] : memref<128x128xf32, #tpu.memory_space<vmem>> -> memref<32x128xf32, #tpu.memory_space<vmem>>
          %dma_wait3A_288 = arith.constant 0 : i32
          %dma_wait3A_289 = arith.constant 0 : i32
          %dma_wait3A_290 = tpu.memref_slice %arg7[%dma_wait3A_288, %dma_wait3A_289] : memref<10240x128xf32, #tpu.memory_space<hbm>> -> memref<32x128xf32, #tpu.memory_space<hbm>>
          %dma_wait3A_291 = arith.constant 96 : i32
          %dma_wait3A_292 = arith.constant 0 : i32
          %dma_wait3A_293 = tpu.memref_slice %arg16[%dma_wait3A_291, %dma_wait3A_292] : memref<128x128xf32, #tpu.memory_space<vmem>> -> memref<32x128xf32, #tpu.memory_space<vmem>>
          %dma_wait3A_294 = arith.constant 0 : i32
          %dma_wait3A_295 = arith.constant 0 : i32
          %dma_wait3A_296 = tpu.memref_slice %arg7[%dma_wait3A_294, %dma_wait3A_295] : memref<10240x128xf32, #tpu.memory_space<hbm>> -> memref<32x128xf32, #tpu.memory_space<hbm>>
          tpu.wait_dma2 semaphore(%arg40 : memref<!tpu.dma_semaphore, #tpu.memory_space<semaphore_mem>>) src(%dma_wait3A_296 : memref<32x128xf32, #tpu.memory_space<hbm>>) dst(%dma_wait3A_293 : memref<32x128xf32, #tpu.memory_space<vmem>>)
          %add3A_297 = arith.constant 3 : i32
          %add3A_298 = arith.addi %add3A_231, %add3A_297 : i32
          %lt3A_299 = arith.constant 80 : i32
          %lt3A_300 = arith.cmpi slt, %add3A_298, %lt3A_299 : i32
          %convert_element_type3A_301 = arith.extui %lt3A_300 : i1 to i32
          %cond3A_302 = arith.constant 0 : i32
          %cond3A_303 = arith.cmpi ne, %convert_element_type3A_301, %cond3A_302 : i32
          scf.if %cond3A_303 {
            %mul3A_304 = arith.constant 10240 : i32
            %mul3A_305 = arith.muli %arg1, %mul3A_304 : i32
            %add3A_306 = arith.constant 3 : i32
            %add3A_307 = arith.addi %add3A_231, %add3A_306 : i32
            %mul3A_308 = arith.constant 128 : i32
            %mul3A_309 = arith.muli %add3A_307, %mul3A_308 : i32
            %add3A_310 = arith.addi %mul3A_305, %mul3A_309 : i32
            %dma_start3A_311 = tpu.memref_slice %arg2[%add3A_310] : memref<163840xi32, #tpu.memory_space<hbm>> -> memref<128xi32, #tpu.memory_space<hbm>>
            %dma_start3A_312 = tpu.memref_slice %arg2[%add3A_310] : memref<163840xi32, #tpu.memory_space<hbm>> -> memref<128xi32, #tpu.memory_space<hbm>>
            tpu.enqueue_dma source(%dma_start3A_312 : memref<128xi32, #tpu.memory_space<hbm>>) target(%arg19 : memref<128xi32, #tpu.memory_space<vmem>>) target_semaphore(%arg25 : memref<!tpu.dma_semaphore, #tpu.memory_space<semaphore_mem>>)
          } else {
          }
          "tpu.region"() ({
            %run_scoped3A = tpu.sem_alloc : memref<!tpu.dma_semaphore, #tpu.memory_space<semaphore_mem>>
            %dma_start3A_304 = arith.constant 0 : i32
            %dma_start3A_305 = arith.constant 0 : i32
            %dma_start3A_306 = tpu.memref_slice %arg13[%dma_start3A_304, %dma_start3A_305] : memref<10112x128xf32, #tpu.memory_space<vmem_shared>> -> memref<10112x128xf32, #tpu.memory_space<vmem_shared>>
            tpu.enqueue_indirect_dma source(%arg16 : memref<128x128xf32, #tpu.memory_space<vmem>>) target(%dma_start3A_306 : memref<10112x128xf32, #tpu.memory_space<vmem_shared>>) offsets(%arg22 : memref<128xi32, #tpu.memory_space<vmem>>) semaphore(%run_scoped3A : memref<!tpu.dma_semaphore, #tpu.memory_space<semaphore_mem>>) {add = true}
            %dma_wait3A_307 = arith.constant 0 : i32
            %dma_wait3A_308 = arith.constant 0 : i32
            %dma_wait3A_309 = tpu.memref_slice %arg13[%dma_wait3A_307, %dma_wait3A_308] : memref<10112x128xf32, #tpu.memory_space<vmem_shared>> -> memref<10112x128xf32, #tpu.memory_space<vmem_shared>>
            tpu.wait_indirect_dma semaphore(%run_scoped3A : memref<!tpu.dma_semaphore, #tpu.memory_space<semaphore_mem>>) src(%arg16 : memref<128x128xf32, #tpu.memory_space<vmem>>) dst(%dma_wait3A_309 : memref<10112x128xf32, #tpu.memory_space<vmem_shared>>)
            tpu.yield
          }) : () -> ()
        } else {
        }
        %add3A_237 = arith.constant 3 : i32
        %add3A_238 = arith.addi %add3A_231, %add3A_237 : i32
        %lt3A_239 = arith.constant 80 : i32
        %lt3A_240 = arith.cmpi slt, %add3A_238, %lt3A_239 : i32
        %convert_element_type3A_241 = arith.extui %lt3A_240 : i1 to i32
        %cond3A_242 = arith.constant 0 : i32
        %cond3A_243 = arith.cmpi ne, %convert_element_type3A_241, %cond3A_242 : i32
        scf.if %cond3A_243 {
          %mul3A_245 = arith.constant 10240 : i32
          %mul3A_246 = arith.muli %arg1, %mul3A_245 : i32
          %add3A_247 = arith.constant 3 : i32
          %add3A_248 = arith.addi %add3A_231, %add3A_247 : i32
          %mul3A_249 = arith.constant 128 : i32
          %mul3A_250 = arith.muli %add3A_248, %mul3A_249 : i32
          %add3A_251 = arith.addi %mul3A_246, %mul3A_250 : i32
          %dma_start3A_252 = tpu.memref_slice %arg3[%add3A_251] : memref<163840xi32, #tpu.memory_space<hbm>> -> memref<128xi32, #tpu.memory_space<hbm>>
          %dma_start3A_253 = tpu.memref_slice %arg3[%add3A_251] : memref<163840xi32, #tpu.memory_space<hbm>> -> memref<128xi32, #tpu.memory_space<hbm>>
          tpu.enqueue_dma source(%dma_start3A_253 : memref<128xi32, #tpu.memory_space<hbm>>) target(%arg22 : memref<128xi32, #tpu.memory_space<vmem>>) target_semaphore(%arg28 : memref<!tpu.dma_semaphore, #tpu.memory_space<semaphore_mem>>)
          %dma_wait3A_254 = arith.constant 0 : i32
          %dma_wait3A_255 = tpu.memref_slice %arg2[%dma_wait3A_254] : memref<163840xi32, #tpu.memory_space<hbm>> -> memref<128xi32, #tpu.memory_space<hbm>>
          %dma_wait3A_256 = arith.constant 0 : i32
          %dma_wait3A_257 = tpu.memref_slice %arg2[%dma_wait3A_256] : memref<163840xi32, #tpu.memory_space<hbm>> -> memref<128xi32, #tpu.memory_space<hbm>>
          tpu.wait_dma2 semaphore(%arg25 : memref<!tpu.dma_semaphore, #tpu.memory_space<semaphore_mem>>) src(%dma_wait3A_257 : memref<128xi32, #tpu.memory_space<hbm>>) dst(%arg19 : memref<128xi32, #tpu.memory_space<vmem>>)
          %dma_start3A_258 = arith.constant 0 : i32
          %dma_start3A_259 = arith.constant 0 : i32
          %dma_start3A_260 = tpu.memref_slice %arg16[%dma_start3A_258, %dma_start3A_259] : memref<128x128xf32, #tpu.memory_space<vmem>> -> memref<32x128xf32, #tpu.memory_space<vmem>>
          %dma_start3A_261 = arith.constant 0 : i32
          %dma_start3A_262 = tpu.memref_slice %arg19[%dma_start3A_261] : memref<128xi32, #tpu.memory_space<vmem>> -> memref<32xi32, #tpu.memory_space<vmem>>
          %dma_start3A_263 = arith.constant 0 : i32
          %dma_start3A_264 = arith.constant 0 : i32
          %dma_start3A_265 = tpu.memref_slice %arg7[%dma_start3A_263, %dma_start3A_264] : memref<10240x128xf32, #tpu.memory_space<hbm>> -> memref<10240x128xf32, #tpu.memory_space<hbm>>
          tpu.enqueue_indirect_dma source(%dma_start3A_265 : memref<10240x128xf32, #tpu.memory_space<hbm>>) target(%dma_start3A_260 : memref<32x128xf32, #tpu.memory_space<vmem>>) offsets(%dma_start3A_262 : memref<32xi32, #tpu.memory_space<vmem>>) semaphore(%arg37 : memref<!tpu.dma_semaphore, #tpu.memory_space<semaphore_mem>>)
          %dma_start3A_266 = arith.constant 32 : i32
          %dma_start3A_267 = arith.constant 0 : i32
          %dma_start3A_268 = tpu.memref_slice %arg16[%dma_start3A_266, %dma_start3A_267] : memref<128x128xf32, #tpu.memory_space<vmem>> -> memref<32x128xf32, #tpu.memory_space<vmem>>
          %dma_start3A_269 = arith.constant 32 : i32
          %dma_start3A_270 = tpu.memref_slice %arg19[%dma_start3A_269] : memref<128xi32, #tpu.memory_space<vmem>> -> memref<32xi32, #tpu.memory_space<vmem>>
          %dma_start3A_271 = arith.constant 0 : i32
          %dma_start3A_272 = arith.constant 0 : i32
          %dma_start3A_273 = tpu.memref_slice %arg7[%dma_start3A_271, %dma_start3A_272] : memref<10240x128xf32, #tpu.memory_space<hbm>> -> memref<10240x128xf32, #tpu.memory_space<hbm>>
          tpu.enqueue_indirect_dma source(%dma_start3A_273 : memref<10240x128xf32, #tpu.memory_space<hbm>>) target(%dma_start3A_268 : memref<32x128xf32, #tpu.memory_space<vmem>>) offsets(%dma_start3A_270 : memref<32xi32, #tpu.memory_space<vmem>>) semaphore(%arg38 : memref<!tpu.dma_semaphore, #tpu.memory_space<semaphore_mem>>)
          %dma_start3A_274 = arith.constant 64 : i32
          %dma_start3A_275 = arith.constant 0 : i32
          %dma_start3A_276 = tpu.memref_slice %arg16[%dma_start3A_274, %dma_start3A_275] : memref<128x128xf32, #tpu.memory_space<vmem>> -> memref<32x128xf32, #tpu.memory_space<vmem>>
          %dma_start3A_277 = arith.constant 64 : i32
          %dma_start3A_278 = tpu.memref_slice %arg19[%dma_start3A_277] : memref<128xi32, #tpu.memory_space<vmem>> -> memref<32xi32, #tpu.memory_space<vmem>>
          %dma_start3A_279 = arith.constant 0 : i32
          %dma_start3A_280 = arith.constant 0 : i32
          %dma_start3A_281 = tpu.memref_slice %arg7[%dma_start3A_279, %dma_start3A_280] : memref<10240x128xf32, #tpu.memory_space<hbm>> -> memref<10240x128xf32, #tpu.memory_space<hbm>>
          tpu.enqueue_indirect_dma source(%dma_start3A_281 : memref<10240x128xf32, #tpu.memory_space<hbm>>) target(%dma_start3A_276 : memref<32x128xf32, #tpu.memory_space<vmem>>) offsets(%dma_start3A_278 : memref<32xi32, #tpu.memory_space<vmem>>) semaphore(%arg39 : memref<!tpu.dma_semaphore, #tpu.memory_space<semaphore_mem>>)
          %dma_start3A_282 = arith.constant 96 : i32
          %dma_start3A_283 = arith.constant 0 : i32
          %dma_start3A_284 = tpu.memref_slice %arg16[%dma_start3A_282, %dma_start3A_283] : memref<128x128xf32, #tpu.memory_space<vmem>> -> memref<32x128xf32, #tpu.memory_space<vmem>>
          %dma_start3A_285 = arith.constant 96 : i32
          %dma_start3A_286 = tpu.memref_slice %arg19[%dma_start3A_285] : memref<128xi32, #tpu.memory_space<vmem>> -> memref<32xi32, #tpu.memory_space<vmem>>
          %dma_start3A_287 = arith.constant 0 : i32
          %dma_start3A_288 = arith.constant 0 : i32
          %dma_start3A_289 = tpu.memref_slice %arg7[%dma_start3A_287, %dma_start3A_288] : memref<10240x128xf32, #tpu.memory_space<hbm>> -> memref<10240x128xf32, #tpu.memory_space<hbm>>
          tpu.enqueue_indirect_dma source(%dma_start3A_289 : memref<10240x128xf32, #tpu.memory_space<hbm>>) target(%dma_start3A_284 : memref<32x128xf32, #tpu.memory_space<vmem>>) offsets(%dma_start3A_286 : memref<32xi32, #tpu.memory_space<vmem>>) semaphore(%arg40 : memref<!tpu.dma_semaphore, #tpu.memory_space<semaphore_mem>>)
        } else {
        }
        %scan3A_244 = arith.constant 0 : i32
        scf.yield %scan3A_244 : i32
      }
      %scan3A_194 = arith.constant 27 : i32
    } else {
    }
    %barrier3A_43 = arith.constant 0 : index
    tpu.barrier barrier_id(%barrier3A_43)
    %eq3A_44 = arith.constant 0 : i32
    %eq3A_45 = arith.cmpi eq, %arg0, %eq3A_44 : i32
    %convert_element_type3A_46 = arith.extui %eq3A_45 : i1 to i32
    %cond3A_47 = arith.constant 0 : i32
    %cond3A_48 = arith.cmpi ne, %convert_element_type3A_46, %cond3A_47 : i32
    scf.if %cond3A_48 {
      %scan3A_55 = arith.constant 0 : i32
      %scan3A_56 = arith.constant 0 : i32
      %scan3A_57 = arith.constant 5 : i32
      %scan3A_58 = arith.addi %scan3A_56, %scan3A_57 : i32
      %scan3A_59 = arith.constant 1 : i32
      %scan3A_60 = scf.for %scan3A_62 = %scan3A_56 to %scan3A_58 step %scan3A_59 iter_args(%scan3A_63 = %scan3A_55) -> (i32)  : i32 {
        %mul3A = arith.constant 5 : i32
        %mul3A_64 = arith.muli %arg1, %mul3A : i32
        %add3A = arith.addi %mul3A_64, %scan3A_62 : i32
        %lt3A = arith.constant 79 : i32
        %lt3A_65 = arith.cmpi slt, %add3A, %lt3A : i32
        %convert_element_type3A_66 = arith.extui %lt3A_65 : i1 to i32
        %cond3A_67 = arith.constant 0 : i32
        %cond3A_68 = arith.cmpi ne, %convert_element_type3A_66, %cond3A_67 : i32
        scf.if %cond3A_68 {
          %mul3A_70 = arith.constant 128 : i32
          %mul3A_71 = arith.muli %add3A, %mul3A_70 : i32
          %mul3A_72 = arith.constant 128 : i32
          %mul3A_73 = arith.muli %add3A, %mul3A_72 : i32
          "tpu.region"() ({
            %run_scoped3A = tpu.sem_alloc : memref<!tpu.dma_semaphore, #tpu.memory_space<semaphore_mem>>
            %dma_start3A = arith.constant 0 : i32
            %dma_start3A_74 = tpu.memref_slice %arg11[%mul3A_73, %dma_start3A] : memref<10240x128xf32, #tpu.memory_space<hbm>> -> memref<128x128xf32, #tpu.memory_space<hbm>>
            %dma_start3A_75 = arith.constant 0 : i32
            %dma_start3A_76 = tpu.memref_slice %arg13[%mul3A_71, %dma_start3A_75] : memref<10112x128xf32, #tpu.memory_space<vmem_shared>> -> memref<128x128xf32, #tpu.memory_space<vmem_shared>>
            tpu.enqueue_dma source(%dma_start3A_76 : memref<128x128xf32, #tpu.memory_space<vmem_shared>>) target(%dma_start3A_74 : memref<128x128xf32, #tpu.memory_space<hbm>>) target_semaphore(%run_scoped3A : memref<!tpu.dma_semaphore, #tpu.memory_space<semaphore_mem>>)
            %dma_wait3A = arith.constant 0 : i32
            %dma_wait3A_77 = tpu.memref_slice %arg11[%mul3A_73, %dma_wait3A] : memref<10240x128xf32, #tpu.memory_space<hbm>> -> memref<128x128xf32, #tpu.memory_space<hbm>>
            %dma_wait3A_78 = arith.constant 0 : i32
            %dma_wait3A_79 = tpu.memref_slice %arg13[%mul3A_71, %dma_wait3A_78] : memref<10112x128xf32, #tpu.memory_space<vmem_shared>> -> memref<128x128xf32, #tpu.memory_space<vmem_shared>>
            tpu.wait_dma2 semaphore(%run_scoped3A : memref<!tpu.dma_semaphore, #tpu.memory_space<semaphore_mem>>) src(%dma_wait3A_79 : memref<128x128xf32, #tpu.memory_space<vmem_shared>>) dst(%dma_wait3A_77 : memref<128x128xf32, #tpu.memory_space<hbm>>)
            tpu.yield
          }) : () -> ()
        } else {
        }
        %scan3A_69 = arith.constant 0 : i32
        scf.yield %scan3A_69 : i32
      }
      %scan3A_61 = arith.constant 5 : i32
    } else {
    }
    %eq3A_49 = arith.constant 1 : i32
    %eq3A_50 = arith.cmpi eq, %arg0, %eq3A_49 : i32
    %convert_element_type3A_51 = arith.extui %eq3A_50 : i1 to i32
    %cond3A_52 = arith.constant 0 : i32
    %cond3A_53 = arith.cmpi ne, %convert_element_type3A_51, %cond3A_52 : i32
    scf.if %cond3A_53 {
      %scan3A_55 = arith.constant 0 : i32
      %scan3A_56 = arith.constant 0 : i32
      %scan3A_57 = arith.constant 5 : i32
      %scan3A_58 = arith.addi %scan3A_56, %scan3A_57 : i32
      %scan3A_59 = arith.constant 1 : i32
      %scan3A_60 = scf.for %scan3A_62 = %scan3A_56 to %scan3A_58 step %scan3A_59 iter_args(%scan3A_63 = %scan3A_55) -> (i32)  : i32 {
        %mul3A = arith.constant 5 : i32
        %mul3A_64 = arith.muli %arg1, %mul3A : i32
        %add3A = arith.addi %mul3A_64, %scan3A_62 : i32
        %lt3A = arith.constant 79 : i32
        %lt3A_65 = arith.cmpi slt, %add3A, %lt3A : i32
        %convert_element_type3A_66 = arith.extui %lt3A_65 : i1 to i32
        %cond3A_67 = arith.constant 0 : i32
        %cond3A_68 = arith.cmpi ne, %convert_element_type3A_66, %cond3A_67 : i32
        scf.if %cond3A_68 {
          %mul3A_70 = arith.constant 128 : i32
          %mul3A_71 = arith.muli %add3A, %mul3A_70 : i32
          %mul3A_72 = arith.constant 128 : i32
          %mul3A_73 = arith.muli %add3A, %mul3A_72 : i32
          "tpu.region"() ({
            %run_scoped3A = tpu.sem_alloc : memref<!tpu.dma_semaphore, #tpu.memory_space<semaphore_mem>>
            %dma_start3A = arith.constant 0 : i32
            %dma_start3A_74 = tpu.memref_slice %arg12[%mul3A_73, %dma_start3A] : memref<10240x128xf32, #tpu.memory_space<hbm>> -> memref<128x128xf32, #tpu.memory_space<hbm>>
            %dma_start3A_75 = arith.constant 0 : i32
            %dma_start3A_76 = tpu.memref_slice %arg13[%mul3A_71, %dma_start3A_75] : memref<10112x128xf32, #tpu.memory_space<vmem_shared>> -> memref<128x128xf32, #tpu.memory_space<vmem_shared>>
            tpu.enqueue_dma source(%dma_start3A_76 : memref<128x128xf32, #tpu.memory_space<vmem_shared>>) target(%dma_start3A_74 : memref<128x128xf32, #tpu.memory_space<hbm>>) target_semaphore(%run_scoped3A : memref<!tpu.dma_semaphore, #tpu.memory_space<semaphore_mem>>)
            %dma_wait3A = arith.constant 0 : i32
            %dma_wait3A_77 = tpu.memref_slice %arg12[%mul3A_73, %dma_wait3A] : memref<10240x128xf32, #tpu.memory_space<hbm>> -> memref<128x128xf32, #tpu.memory_space<hbm>>
            %dma_wait3A_78 = arith.constant 0 : i32
            %dma_wait3A_79 = tpu.memref_slice %arg13[%mul3A_71, %dma_wait3A_78] : memref<10112x128xf32, #tpu.memory_space<vmem_shared>> -> memref<128x128xf32, #tpu.memory_space<vmem_shared>>
            tpu.wait_dma2 semaphore(%run_scoped3A : memref<!tpu.dma_semaphore, #tpu.memory_space<semaphore_mem>>) src(%dma_wait3A_79 : memref<128x128xf32, #tpu.memory_space<vmem_shared>>) dst(%dma_wait3A_77 : memref<128x128xf32, #tpu.memory_space<hbm>>)
            tpu.yield
          }) : () -> ()
        } else {
        }
        %scan3A_69 = arith.constant 0 : i32
        scf.yield %scan3A_69 : i32
      }
      %scan3A_61 = arith.constant 5 : i32
    } else {
    }
    %barrier3A_54 = arith.constant 0 : index
    tpu.barrier barrier_id(%barrier3A_54)
    return
  }
}

module attributes {stable_mosaic.version = 14 : i64} {
  func.func @_prep_body(%arg0: memref<32x1x10240xf32, #tpu.memory_space<vmem>>, %arg1: memref<32x160xf32, #tpu.memory_space<vmem>>, %arg2: memref<2x10240xf32, #tpu.memory_space<vmem>>, %arg3: memref<1x10240xf32, #tpu.memory_space<vmem>>, %arg4: memref<2x10240xf32, #tpu.memory_space<vmem>>, %arg5: memref<1x128xf32, #tpu.memory_space<vmem>>) attributes {dimension_semantics = [], scalar_prefetch = 0 : i64, scratch_operands = 0 : i64, tpu.core_type = #tpu.core_type<tc>} {
    %get3A = arith.constant 0 : index
    %get3A_0 = arith.constant 0 : index
    %get3A_1 = arith.constant 0 : index
    %get3A_2 = vector.load %arg0[%get3A, %get3A_0, %get3A_1] : memref<32x1x10240xf32, #tpu.memory_space<vmem>>, vector<32x1x10240xf32>
    %reduce_sum3A = arith.constant dense<0.000000e+00> : vector<1x10240xf32>
    %reduce_sum3A_3 = vector.multi_reduction <add>, %get3A_2, %reduce_sum3A [0] : vector<32x1x10240xf32> to vector<1x10240xf32>
    %add3A = arith.constant 1.000000e+00 : f32
    %add3A_4 = vector.broadcast %add3A : f32 to vector<1x10240xf32>
    %add3A_5 = arith.addf %reduce_sum3A_3, %add3A_4 : vector<1x10240xf32>
    %rsqrt3A = math.rsqrt %add3A_5 : vector<1x10240xf32>
    %swap3A = arith.constant 0 : index
    %swap3A_6 = arith.constant 0 : index
    %swap3A_7 = vector.load %arg3[%swap3A, %swap3A_6] : memref<1x10240xf32, #tpu.memory_space<vmem>>, vector<1x10240xf32>
    tpu.vector_store %arg3[%swap3A, %swap3A_6], %rsqrt3A {strides = array<i32>} : memref<1x10240xf32, #tpu.memory_space<vmem>>, vector<1x10240xf32>,
    %get3A_8 = arith.constant 0 : index
    %get3A_9 = arith.constant 0 : index
    %get3A_10 = vector.load %arg2[%get3A_8, %get3A_9] : memref<2x10240xf32, #tpu.memory_space<vmem>>, vector<2x10240xf32>
    %mul3A = vector.broadcast %rsqrt3A : vector<1x10240xf32> to vector<2x10240xf32>
    %mul3A_11 = arith.mulf %get3A_10, %mul3A : vector<2x10240xf32>
    %swap3A_12 = arith.constant 0 : index
    %swap3A_13 = arith.constant 0 : index
    %swap3A_14 = vector.load %arg4[%swap3A_12, %swap3A_13] : memref<2x10240xf32, #tpu.memory_space<vmem>>, vector<2x10240xf32>
    tpu.vector_store %arg4[%swap3A_12, %swap3A_13], %mul3A_11 {strides = array<i32>} : memref<2x10240xf32, #tpu.memory_space<vmem>>, vector<2x10240xf32>,
    %get3A_15 = arith.constant 0 : index
    %get3A_16 = arith.constant 0 : index
    %get3A_17 = vector.load %arg1[%get3A_15, %get3A_16] : memref<32x160xf32, #tpu.memory_space<vmem>>, vector<32x160xf32>
    %reduce_sum3A_18 = arith.constant dense<0.000000e+00> : vector<160xf32>
    %reduce_sum3A_19 = vector.multi_reduction <add>, %get3A_17, %reduce_sum3A_18 [0] : vector<32x160xf32> to vector<160xf32>
    %broadcast_in_dim3A = vector.shape_cast %reduce_sum3A_19 : vector<160xf32> to vector<1x160xf32>
    %slice3A = vector.extract_strided_slice %broadcast_in_dim3A {offsets = [0, 0], sizes = [1, 128], strides = [1, 1]} : vector<1x160xf32> to vector<1x128xf32>
    %swap3A_20 = arith.constant 0 : index
    %swap3A_21 = arith.constant 0 : index
    %swap3A_22 = vector.load %arg5[%swap3A_20, %swap3A_21] : memref<1x128xf32, #tpu.memory_space<vmem>>, vector<1x128xf32>
    tpu.vector_store %arg5[%swap3A_20, %swap3A_21], %slice3A {strides = array<i32>} : memref<1x128xf32, #tpu.memory_space<vmem>>, vector<1x128xf32>,
    return
  }
}

module attributes {stable_mosaic.version = 14 : i64} {
  func.func @_layer1_body(%arg0: i32, %arg1: memref<32x2x1024xf32, #tpu.memory_space<vmem>>, %arg2: memref<2x1024xf32, #tpu.memory_space<vmem>>, %arg3: memref<1x1024xf32, #tpu.memory_space<vmem>>, %arg4: memref<1024x1xf32, #tpu.memory_space<vmem>>, %arg5: memref<2x512xf32, #tpu.memory_space<vmem>>, %arg6: memref<1x512xf32, #tpu.memory_space<vmem>>, %arg7: memref<512x512xf32, #tpu.memory_space<vmem>>, %arg8: memref<1x512xf32, #tpu.memory_space<vmem>>, %arg9: memref<1x512xf32, #tpu.memory_space<vmem>>, %arg10: memref<1024x128xf32, #tpu.memory_space<vmem>>, %arg11: memref<1024x128xf32, #tpu.memory_space<vmem>>, %arg12: memref<1024x128xf32, #tpu.memory_space<vmem>>, %arg13: memref<1024x128xf32, #tpu.memory_space<vmem>>, %arg14: memref<1x512xf32, #tpu.memory_space<vmem>>, %arg15: memref<1x1xf32, #tpu.memory_space<vmem>>) attributes {dimension_semantics = [#tpu.dimension_semantics<arbitrary>], iteration_bounds = array<i64: 10>, scalar_prefetch = 0 : i64, scratch_operands = 0 : i64, tpu.core_type = #tpu.core_type<tc>, window_params = [{transform_indices = @transform_0, window_bounds = array<i64: 32, 2, 1024>}, {transform_indices = @transform_1, window_bounds = array<i64: 2, 1024>}, {transform_indices = @transform_2, window_bounds = array<i64: 1, 1024>}, {transform_indices = @transform_3, window_bounds = array<i64: 1024, 1>}, {pipeline_mode = #tpu.pipeline_mode<synchronous>, transform_indices = @transform_4, window_bounds = array<i64: 2, 512>}, {pipeline_mode = #tpu.pipeline_mode<synchronous>, transform_indices = @transform_5, window_bounds = array<i64: 1, 512>}, {pipeline_mode = #tpu.pipeline_mode<synchronous>, transform_indices = @transform_6, window_bounds = array<i64: 512, 512>}, {pipeline_mode = #tpu.pipeline_mode<synchronous>, transform_indices = @transform_7, window_bounds = array<i64: 1, 512>}, {pipeline_mode = #tpu.pipeline_mode<synchronous>, transform_indices = @transform_8, window_bounds = array<i64: 1, 512>}, {transform_indices = @transform_9, window_bounds = array<i64: 1024, 128>}, {transform_indices = @transform_10, window_bounds = array<i64: 1024, 128>}, {transform_indices = @transform_11, window_bounds = array<i64: 1024, 128>}, {transform_indices = @transform_12, window_bounds = array<i64: 1024, 128>}, {pipeline_mode = #tpu.pipeline_mode<synchronous>, transform_indices = @transform_13, window_bounds = array<i64: 1, 512>}, {pipeline_mode = #tpu.pipeline_mode<synchronous>, transform_indices = @transform_14, window_bounds = array<i64: 1, 1>}]} {
    %get3A = arith.constant 0 : index
    %get3A_0 = arith.constant 0 : index
    %get3A_1 = arith.constant 0 : index
    %get3A_2 = vector.load %arg1[%get3A, %get3A_0, %get3A_1] : memref<32x2x1024xf32, #tpu.memory_space<vmem>>, vector<32x2x1024xf32>
    %reduce_sum3A = arith.constant dense<0.000000e+00> : vector<2x1024xf32>
    %reduce_sum3A_3 = vector.multi_reduction <add>, %get3A_2, %reduce_sum3A [0] : vector<32x2x1024xf32> to vector<2x1024xf32>
    %get3A_4 = arith.constant 0 : index
    %get3A_5 = arith.constant 0 : index
    %get3A_6 = vector.load %arg2[%get3A_4, %get3A_5] : memref<2x1024xf32, #tpu.memory_space<vmem>>, vector<2x1024xf32>
    %add3A = arith.addf %reduce_sum3A_3, %get3A_6 : vector<2x1024xf32>
    %get3A_7 = arith.constant 0 : index
    %get3A_8 = arith.constant 0 : index
    %get3A_9 = vector.load %arg3[%get3A_7, %get3A_8] : memref<1x1024xf32, #tpu.memory_space<vmem>>, vector<1x1024xf32>
    %mul3A = vector.broadcast %get3A_9 : vector<1x1024xf32> to vector<2x1024xf32>
    %mul3A_10 = arith.mulf %add3A, %mul3A : vector<2x1024xf32>
    %get3A_11 = arith.constant 0 : index
    %get3A_12 = arith.constant 0 : index
    %get3A_13 = vector.load %arg5[%get3A_11, %get3A_12] : memref<2x512xf32, #tpu.memory_space<vmem>>, vector<2x512xf32>
    %dot_general3A = arith.constant dense<0.000000e+00> : vector<1024x512xf32>
    %dot_general3A_14 = tpu.matmul %mul3A_10, %get3A_13, %dot_general3A {dimension_numbers = #tpu.dot_dimension_numbers<[0], [0], [1], [1], [0, 1, 1, 1], [], []>, transpose_lhs_hint = false} : vector<2x1024xf32>, vector<2x512xf32>, vector<1024x512xf32> -> vector<1024x512xf32>
    %get3A_15 = arith.constant 0 : index
    %get3A_16 = arith.constant 0 : index
    %get3A_17 = vector.load %arg6[%get3A_15, %get3A_16] : memref<1x512xf32, #tpu.memory_space<vmem>>, vector<1x512xf32>
    %add3A_18 = vector.broadcast %get3A_17 : vector<1x512xf32> to vector<1024x512xf32>
    %add3A_19 = arith.addf %dot_general3A_14, %add3A_18 : vector<1024x512xf32>
    %max3A = arith.constant 0.000000e+00 : f32
    %max3A_20 = vector.broadcast %max3A : f32 to vector<1024x512xf32>
    %max3A_21 = arith.maximumf %add3A_19, %max3A_20 : vector<1024x512xf32>
    %get3A_22 = arith.constant 0 : index
    %get3A_23 = arith.constant 0 : index
    %get3A_24 = vector.load %arg4[%get3A_22, %get3A_23] : memref<1024x1xf32, #tpu.memory_space<vmem>>, vector<1024x1xf32>
    %mul3A_25 = vector.broadcast %get3A_24 : vector<1024x1xf32> to vector<1024x512xf32>
    %mul3A_26 = arith.mulf %max3A_21, %mul3A_25 : vector<1024x512xf32>
    %slice3A = vector.extract_strided_slice %mul3A_26 {offsets = [0, 0], sizes = [1024, 128], strides = [1, 1]} : vector<1024x512xf32> to vector<1024x128xf32>
    %swap3A = arith.constant 0 : index
    %swap3A_27 = arith.constant 0 : index
    %swap3A_28 = vector.load %arg10[%swap3A, %swap3A_27] : memref<1024x128xf32, #tpu.memory_space<vmem>>, vector<1024x128xf32>
    tpu.vector_store %arg10[%swap3A, %swap3A_27], %slice3A {strides = array<i32>} : memref<1024x128xf32, #tpu.memory_space<vmem>>, vector<1024x128xf32>,
    %slice3A_29 = vector.extract_strided_slice %mul3A_26 {offsets = [0, 128], sizes = [1024, 128], strides = [1, 1]} : vector<1024x512xf32> to vector<1024x128xf32>
    %swap3A_30 = arith.constant 0 : index
    %swap3A_31 = arith.constant 0 : index
    %swap3A_32 = vector.load %arg11[%swap3A_30, %swap3A_31] : memref<1024x128xf32, #tpu.memory_space<vmem>>, vector<1024x128xf32>
    tpu.vector_store %arg11[%swap3A_30, %swap3A_31], %slice3A_29 {strides = array<i32>} : memref<1024x128xf32, #tpu.memory_space<vmem>>, vector<1024x128xf32>,
    %slice3A_33 = vector.extract_strided_slice %mul3A_26 {offsets = [0, 256], sizes = [1024, 128], strides = [1, 1]} : vector<1024x512xf32> to vector<1024x128xf32>
    %swap3A_34 = arith.constant 0 : index
    %swap3A_35 = arith.constant 0 : index
    %swap3A_36 = vector.load %arg12[%swap3A_34, %swap3A_35] : memref<1024x128xf32, #tpu.memory_space<vmem>>, vector<1024x128xf32>
    tpu.vector_store %arg12[%swap3A_34, %swap3A_35], %slice3A_33 {strides = array<i32>} : memref<1024x128xf32, #tpu.memory_space<vmem>>, vector<1024x128xf32>,
    %slice3A_37 = vector.extract_strided_slice %mul3A_26 {offsets = [0, 384], sizes = [1024, 128], strides = [1, 1]} : vector<1024x512xf32> to vector<1024x128xf32>
    %swap3A_38 = arith.constant 0 : index
    %swap3A_39 = arith.constant 0 : index
    %swap3A_40 = vector.load %arg13[%swap3A_38, %swap3A_39] : memref<1024x128xf32, #tpu.memory_space<vmem>>, vector<1024x128xf32>
    tpu.vector_store %arg13[%swap3A_38, %swap3A_39], %slice3A_37 {strides = array<i32>} : memref<1024x128xf32, #tpu.memory_space<vmem>>, vector<1024x128xf32>,
    %get3A_41 = arith.constant 0 : index
    %get3A_42 = arith.constant 0 : index
    %get3A_43 = vector.load %arg8[%get3A_41, %get3A_42] : memref<1x512xf32, #tpu.memory_space<vmem>>, vector<1x512xf32>
    %get3A_44 = arith.constant 0 : index
    %get3A_45 = arith.constant 0 : index
    %get3A_46 = vector.load %arg7[%get3A_44, %get3A_45] : memref<512x512xf32, #tpu.memory_space<vmem>>, vector<512x512xf32>
    %dot_general3A_47 = arith.constant dense<0.000000e+00> : vector<1x512xf32>
    %dot_general3A_48 = tpu.matmul %get3A_43, %get3A_46, %dot_general3A_47 {dimension_numbers = #tpu.dot_dimension_numbers<[1], [1], [0], [0], [0, 0, 1, 0], [], []>, transpose_lhs_hint = false} : vector<1x512xf32>, vector<512x512xf32>, vector<1x512xf32> -> vector<1x512xf32>
    %swap3A_49 = arith.constant 0 : index
    %swap3A_50 = arith.constant 0 : index
    %swap3A_51 = vector.load %arg14[%swap3A_49, %swap3A_50] : memref<1x512xf32, #tpu.memory_space<vmem>>, vector<1x512xf32>
    tpu.vector_store %arg14[%swap3A_49, %swap3A_50], %dot_general3A_48 {strides = array<i32>} : memref<1x512xf32, #tpu.memory_space<vmem>>, vector<1x512xf32>,
    %get3A_52 = arith.constant 0 : index
    %get3A_53 = arith.constant 0 : index
    %get3A_54 = vector.load %arg9[%get3A_52, %get3A_53] : memref<1x512xf32, #tpu.memory_space<vmem>>, vector<1x512xf32>
    %get3A_55 = arith.constant 0 : index
    %get3A_56 = arith.constant 0 : index
    %get3A_57 = vector.load %arg8[%get3A_55, %get3A_56] : memref<1x512xf32, #tpu.memory_space<vmem>>, vector<1x512xf32>
    %mul3A_58 = arith.mulf %get3A_54, %get3A_57 : vector<1x512xf32>
    %reduce_sum3A_59 = arith.constant dense<0.000000e+00> : vector<1xf32>
    %reduce_sum3A_60 = vector.multi_reduction <add>, %mul3A_58, %reduce_sum3A_59 [1] : vector<1x512xf32> to vector<1xf32>
    %broadcast_in_dim3A = vector.shape_cast %reduce_sum3A_60 : vector<1xf32> to vector<1x1xf32>
    %swap3A_61 = arith.constant 0 : index
    %swap3A_62 = arith.constant 0 : index
    %swap3A_63 = vector.load %arg15[%swap3A_61, %swap3A_62] : memref<1x1xf32, #tpu.memory_space<vmem>>, vector<1x1xf32>
    tpu.vector_store %arg15[%swap3A_61, %swap3A_62], %broadcast_in_dim3A {strides = array<i32>} : memref<1x1xf32, #tpu.memory_space<vmem>>, vector<1x1xf32>,
    return
  }
  func.func @transform_0(%arg0: i32) -> (i32, i32, i32) {
    %c0_i32 = arith.constant 0 : i32
    %c0_i32_0 = arith.constant 0 : i32
    %c0_i32_1 = arith.constant 0 : i32
    return %c0_i32, %c0_i32_0, %arg0 : i32, i32, i32
  }
  func.func @transform_1(%arg0: i32) -> (i32, i32) {
    %c0_i32 = arith.constant 0 : i32
    %c0_i32_0 = arith.constant 0 : i32
    return %c0_i32, %arg0 : i32, i32
  }
  func.func @transform_2(%arg0: i32) -> (i32, i32) {
    %c0_i32 = arith.constant 0 : i32
    %c0_i32_0 = arith.constant 0 : i32
    return %c0_i32, %arg0 : i32, i32
  }
  func.func @transform_3(%arg0: i32) -> (i32, i32) {
    %c0_i32 = arith.constant 0 : i32
    %c0_i32_0 = arith.constant 0 : i32
    return %arg0, %c0_i32 : i32, i32
  }
  func.func @transform_4(%arg0: i32) -> (i32, i32) {
    %c0_i32 = arith.constant 0 : i32
    %c0_i32_0 = arith.constant 0 : i32
    %c0_i32_1 = arith.constant 0 : i32
    return %c0_i32, %c0_i32_0 : i32, i32
  }
  func.func @transform_5(%arg0: i32) -> (i32, i32) {
    %c0_i32 = arith.constant 0 : i32
    %c0_i32_0 = arith.constant 0 : i32
    %c0_i32_1 = arith.constant 0 : i32
    return %c0_i32, %c0_i32_0 : i32, i32
  }
  func.func @transform_6(%arg0: i32) -> (i32, i32) {
    %c0_i32 = arith.constant 0 : i32
    %c0_i32_0 = arith.constant 0 : i32
    %c0_i32_1 = arith.constant 0 : i32
    return %c0_i32, %c0_i32_0 : i32, i32
  }
  func.func @transform_7(%arg0: i32) -> (i32, i32) {
    %c0_i32 = arith.constant 0 : i32
    %c0_i32_0 = arith.constant 0 : i32
    %c0_i32_1 = arith.constant 0 : i32
    return %c0_i32, %c0_i32_0 : i32, i32
  }
  func.func @transform_8(%arg0: i32) -> (i32, i32) {
    %c0_i32 = arith.constant 0 : i32
    %c0_i32_0 = arith.constant 0 : i32
    %c0_i32_1 = arith.constant 0 : i32
    return %c0_i32, %c0_i32_0 : i32, i32
  }
  func.func @transform_9(%arg0: i32) -> (i32, i32) {
    %c0_i32 = arith.constant 0 : i32
    %c0_i32_0 = arith.constant 0 : i32
    return %arg0, %c0_i32 : i32, i32
  }
  func.func @transform_10(%arg0: i32) -> (i32, i32) {
    %c0_i32 = arith.constant 0 : i32
    %c0_i32_0 = arith.constant 0 : i32
    return %arg0, %c0_i32 : i32, i32
  }
  func.func @transform_11(%arg0: i32) -> (i32, i32) {
    %c0_i32 = arith.constant 0 : i32
    %c0_i32_0 = arith.constant 0 : i32
    return %arg0, %c0_i32 : i32, i32
  }
  func.func @transform_12(%arg0: i32) -> (i32, i32) {
    %c0_i32 = arith.constant 0 : i32
    %c0_i32_0 = arith.constant 0 : i32
    return %arg0, %c0_i32 : i32, i32
  }
  func.func @transform_13(%arg0: i32) -> (i32, i32) {
    %c0_i32 = arith.constant 0 : i32
    %c0_i32_0 = arith.constant 0 : i32
    %c0_i32_1 = arith.constant 0 : i32
    return %c0_i32, %c0_i32_0 : i32, i32
  }
  func.func @transform_14(%arg0: i32) -> (i32, i32) {
    %c0_i32 = arith.constant 0 : i32
    %c0_i32_0 = arith.constant 0 : i32
    %c0_i32_1 = arith.constant 0 : i32
    return %c0_i32, %c0_i32_0 : i32, i32
  }
}

module attributes {stable_mosaic.version = 14 : i64} {
  func.func @_layer2_body(%arg0: i32, %arg1: memref<1024x128xf32, #tpu.memory_space<vmem>>, %arg2: memref<1024x128xf32, #tpu.memory_space<vmem>>, %arg3: memref<1024x128xf32, #tpu.memory_space<vmem>>, %arg4: memref<1024x128xf32, #tpu.memory_space<vmem>>, %arg5: memref<1024x128xf32, #tpu.memory_space<vmem>>, %arg6: memref<1024x128xf32, #tpu.memory_space<vmem>>, %arg7: memref<1024x128xf32, #tpu.memory_space<vmem>>, %arg8: memref<1024x128xf32, #tpu.memory_space<vmem>>, %arg9: memref<1024x1xf32, #tpu.memory_space<vmem>>, %arg10: memref<512x512xf32, #tpu.memory_space<vmem>>, %arg11: memref<1x512xf32, #tpu.memory_space<vmem>>, %arg12: memref<1x512xf32, #tpu.memory_space<vmem>>, %arg13: memref<1024x1xf32, #tpu.memory_space<vmem>>) attributes {dimension_semantics = [#tpu.dimension_semantics<arbitrary>], iteration_bounds = array<i64: 10>, scalar_prefetch = 0 : i64, scratch_operands = 0 : i64, tpu.core_type = #tpu.core_type<tc>, window_params = [{transform_indices = @transform_0, window_bounds = array<i64: 1024, 128>}, {transform_indices = @transform_1, window_bounds = array<i64: 1024, 128>}, {transform_indices = @transform_2, window_bounds = array<i64: 1024, 128>}, {transform_indices = @transform_3, window_bounds = array<i64: 1024, 128>}, {transform_indices = @transform_4, window_bounds = array<i64: 1024, 128>}, {transform_indices = @transform_5, window_bounds = array<i64: 1024, 128>}, {transform_indices = @transform_6, window_bounds = array<i64: 1024, 128>}, {transform_indices = @transform_7, window_bounds = array<i64: 1024, 128>}, {transform_indices = @transform_8, window_bounds = array<i64: 1024, 1>}, {pipeline_mode = #tpu.pipeline_mode<synchronous>, transform_indices = @transform_9, window_bounds = array<i64: 512, 512>}, {pipeline_mode = #tpu.pipeline_mode<synchronous>, transform_indices = @transform_10, window_bounds = array<i64: 1, 512>}, {pipeline_mode = #tpu.pipeline_mode<synchronous>, transform_indices = @transform_11, window_bounds = array<i64: 1, 512>}, {transform_indices = @transform_12, window_bounds = array<i64: 1024, 1>}]} {
    %get3A = arith.constant 0 : index
    %get3A_0 = arith.constant 0 : index
    %get3A_1 = vector.load %arg9[%get3A, %get3A_0] : memref<1024x1xf32, #tpu.memory_space<vmem>>, vector<1024x1xf32>
    %get3A_2 = arith.constant 0 : index
    %get3A_3 = arith.constant 0 : index
    %get3A_4 = vector.load %arg1[%get3A_2, %get3A_3] : memref<1024x128xf32, #tpu.memory_space<vmem>>, vector<1024x128xf32>
    %get3A_5 = arith.constant 0 : index
    %get3A_6 = arith.constant 0 : index
    %get3A_7 = vector.load %arg5[%get3A_5, %get3A_6] : memref<1024x128xf32, #tpu.memory_space<vmem>>, vector<1024x128xf32>
    %add3A = arith.addf %get3A_4, %get3A_7 : vector<1024x128xf32>
    %mul3A = vector.broadcast %get3A_1 : vector<1024x1xf32> to vector<1024x128xf32>
    %mul3A_8 = arith.mulf %add3A, %mul3A : vector<1024x128xf32>
    %get3A_9 = arith.constant 0 : index
    %get3A_10 = arith.constant 0 : index
    %get3A_11 = vector.load %arg2[%get3A_9, %get3A_10] : memref<1024x128xf32, #tpu.memory_space<vmem>>, vector<1024x128xf32>
    %get3A_12 = arith.constant 0 : index
    %get3A_13 = arith.constant 0 : index
    %get3A_14 = vector.load %arg6[%get3A_12, %get3A_13] : memref<1024x128xf32, #tpu.memory_space<vmem>>, vector<1024x128xf32>
    %add3A_15 = arith.addf %get3A_11, %get3A_14 : vector<1024x128xf32>
    %mul3A_16 = vector.broadcast %get3A_1 : vector<1024x1xf32> to vector<1024x128xf32>
    %mul3A_17 = arith.mulf %add3A_15, %mul3A_16 : vector<1024x128xf32>
    %get3A_18 = arith.constant 0 : index
    %get3A_19 = arith.constant 0 : index
    %get3A_20 = vector.load %arg3[%get3A_18, %get3A_19] : memref<1024x128xf32, #tpu.memory_space<vmem>>, vector<1024x128xf32>
    %get3A_21 = arith.constant 0 : index
    %get3A_22 = arith.constant 0 : index
    %get3A_23 = vector.load %arg7[%get3A_21, %get3A_22] : memref<1024x128xf32, #tpu.memory_space<vmem>>, vector<1024x128xf32>
    %add3A_24 = arith.addf %get3A_20, %get3A_23 : vector<1024x128xf32>
    %mul3A_25 = vector.broadcast %get3A_1 : vector<1024x1xf32> to vector<1024x128xf32>
    %mul3A_26 = arith.mulf %add3A_24, %mul3A_25 : vector<1024x128xf32>
    %get3A_27 = arith.constant 0 : index
    %get3A_28 = arith.constant 0 : index
    %get3A_29 = vector.load %arg4[%get3A_27, %get3A_28] : memref<1024x128xf32, #tpu.memory_space<vmem>>, vector<1024x128xf32>
    %get3A_30 = arith.constant 0 : index
    %get3A_31 = arith.constant 0 : index
    %get3A_32 = vector.load %arg8[%get3A_30, %get3A_31] : memref<1024x128xf32, #tpu.memory_space<vmem>>, vector<1024x128xf32>
    %add3A_33 = arith.addf %get3A_29, %get3A_32 : vector<1024x128xf32>
    %mul3A_34 = vector.broadcast %get3A_1 : vector<1024x1xf32> to vector<1024x128xf32>
    %mul3A_35 = arith.mulf %add3A_33, %mul3A_34 : vector<1024x128xf32>
    %concatenate3A = tpu.concatenate %mul3A_8, %mul3A_17, %mul3A_26, %mul3A_35 in 1 : vector<1024x128xf32>, vector<1024x128xf32>, vector<1024x128xf32>, vector<1024x128xf32> -> vector<1024x512xf32>
    %get3A_36 = arith.constant 0 : index
    %get3A_37 = arith.constant 0 : index
    %get3A_38 = vector.load %arg10[%get3A_36, %get3A_37] : memref<512x512xf32, #tpu.memory_space<vmem>>, vector<512x512xf32>
    %dot_general3A = arith.constant dense<0.000000e+00> : vector<1024x512xf32>
    %dot_general3A_39 = tpu.matmul %concatenate3A, %get3A_38, %dot_general3A {dimension_numbers = #tpu.dot_dimension_numbers<[1], [0], [0], [1], [0, 0, 1, 1], [], []>, transpose_lhs_hint = false} : vector<1024x512xf32>, vector<512x512xf32>, vector<1024x512xf32> -> vector<1024x512xf32>
    %get3A_40 = arith.constant 0 : index
    %get3A_41 = arith.constant 0 : index
    %get3A_42 = vector.load %arg11[%get3A_40, %get3A_41] : memref<1x512xf32, #tpu.memory_space<vmem>>, vector<1x512xf32>
    %add3A_43 = vector.broadcast %get3A_42 : vector<1x512xf32> to vector<1024x512xf32>
    %add3A_44 = arith.addf %dot_general3A_39, %add3A_43 : vector<1024x512xf32>
    %max3A = arith.constant 0.000000e+00 : f32
    %max3A_45 = vector.broadcast %max3A : f32 to vector<1024x512xf32>
    %max3A_46 = arith.maximumf %add3A_44, %max3A_45 : vector<1024x512xf32>
    %get3A_47 = arith.constant 0 : index
    %get3A_48 = arith.constant 0 : index
    %get3A_49 = vector.load %arg12[%get3A_47, %get3A_48] : memref<1x512xf32, #tpu.memory_space<vmem>>, vector<1x512xf32>
    %mul3A_50 = vector.broadcast %get3A_49 : vector<1x512xf32> to vector<1024x512xf32>
    %mul3A_51 = arith.mulf %max3A_46, %mul3A_50 : vector<1024x512xf32>
    %reduce_sum3A = arith.constant dense<0.000000e+00> : vector<1024xf32>
    %reduce_sum3A_52 = vector.multi_reduction <add>, %mul3A_51, %reduce_sum3A [1] : vector<1024x512xf32> to vector<1024xf32>
    %broadcast_in_dim3A = vector.shape_cast %reduce_sum3A_52 : vector<1024xf32> to vector<1024x1xf32>
    %mul3A_53 = arith.mulf %broadcast_in_dim3A, %get3A_1 : vector<1024x1xf32>
    %swap3A = arith.constant 0 : index
    %swap3A_54 = arith.constant 0 : index
    %swap3A_55 = vector.load %arg13[%swap3A, %swap3A_54] : memref<1024x1xf32, #tpu.memory_space<vmem>>, vector<1024x1xf32>
    tpu.vector_store %arg13[%swap3A, %swap3A_54], %mul3A_53 {strides = array<i32>} : memref<1024x1xf32, #tpu.memory_space<vmem>>, vector<1024x1xf32>,
    return
  }
  func.func @transform_0(%arg0: i32) -> (i32, i32) {
    %c0_i32 = arith.constant 0 : i32
    %c0_i32_0 = arith.constant 0 : i32
    return %arg0, %c0_i32 : i32, i32
  }
  func.func @transform_1(%arg0: i32) -> (i32, i32) {
    %c0_i32 = arith.constant 0 : i32
    %c0_i32_0 = arith.constant 0 : i32
    return %arg0, %c0_i32 : i32, i32
  }
  func.func @transform_2(%arg0: i32) -> (i32, i32) {
    %c0_i32 = arith.constant 0 : i32
    %c0_i32_0 = arith.constant 0 : i32
    return %arg0, %c0_i32 : i32, i32
  }
  func.func @transform_3(%arg0: i32) -> (i32, i32) {
    %c0_i32 = arith.constant 0 : i32
    %c0_i32_0 = arith.constant 0 : i32
    return %arg0, %c0_i32 : i32, i32
  }
  func.func @transform_4(%arg0: i32) -> (i32, i32) {
    %c0_i32 = arith.constant 0 : i32
    %c0_i32_0 = arith.constant 0 : i32
    return %arg0, %c0_i32 : i32, i32
  }
  func.func @transform_5(%arg0: i32) -> (i32, i32) {
    %c0_i32 = arith.constant 0 : i32
    %c0_i32_0 = arith.constant 0 : i32
    return %arg0, %c0_i32 : i32, i32
  }
  func.func @transform_6(%arg0: i32) -> (i32, i32) {
    %c0_i32 = arith.constant 0 : i32
    %c0_i32_0 = arith.constant 0 : i32
    return %arg0, %c0_i32 : i32, i32
  }
  func.func @transform_7(%arg0: i32) -> (i32, i32) {
    %c0_i32 = arith.constant 0 : i32
    %c0_i32_0 = arith.constant 0 : i32
    return %arg0, %c0_i32 : i32, i32
  }
  func.func @transform_8(%arg0: i32) -> (i32, i32) {
    %c0_i32 = arith.constant 0 : i32
    %c0_i32_0 = arith.constant 0 : i32
    return %arg0, %c0_i32 : i32, i32
  }
  func.func @transform_9(%arg0: i32) -> (i32, i32) {
    %c0_i32 = arith.constant 0 : i32
    %c0_i32_0 = arith.constant 0 : i32
    %c0_i32_1 = arith.constant 0 : i32
    return %c0_i32, %c0_i32_0 : i32, i32
  }
  func.func @transform_10(%arg0: i32) -> (i32, i32) {
    %c0_i32 = arith.constant 0 : i32
    %c0_i32_0 = arith.constant 0 : i32
    %c0_i32_1 = arith.constant 0 : i32
    return %c0_i32, %c0_i32_0 : i32, i32
  }
  func.func @transform_11(%arg0: i32) -> (i32, i32) {
    %c0_i32 = arith.constant 0 : i32
    %c0_i32_0 = arith.constant 0 : i32
    %c0_i32_1 = arith.constant 0 : i32
    return %c0_i32, %c0_i32_0 : i32, i32
  }
  func.func @transform_12(%arg0: i32) -> (i32, i32) {
    %c0_i32 = arith.constant 0 : i32
    %c0_i32_0 = arith.constant 0 : i32
    return %arg0, %c0_i32 : i32, i32
  }
}

module attributes {stable_mosaic.version = 14 : i64} {
  func.func @_final_body(%arg0: memref<32x1x10240xf32, #tpu.memory_space<vmem>>, %arg1: memref<1x10240xf32, #tpu.memory_space<vmem>>, %arg2: memref<1x10240xf32, #tpu.memory_space<vmem>>, %arg3: memref<10240x1xi32, #tpu.memory_space<vmem>>, %arg4: memref<1x128xf32, #tpu.memory_space<vmem>>, %arg5: memref<1x1xf32, #tpu.memory_space<vmem>>, %arg6: memref<1x1xf32, #tpu.memory_space<vmem>>, %arg7: memref<1x128xf32, #tpu.memory_space<vmem>>) attributes {dimension_semantics = [], scalar_prefetch = 0 : i64, scratch_operands = 0 : i64, tpu.core_type = #tpu.core_type<tc>} {
    %get3A = arith.constant 0 : index
    %get3A_0 = arith.constant 0 : index
    %get3A_1 = arith.constant 0 : index
    %get3A_2 = vector.load %arg0[%get3A, %get3A_0, %get3A_1] : memref<32x1x10240xf32, #tpu.memory_space<vmem>>, vector<32x1x10240xf32>
    %reduce_sum3A = arith.constant dense<0.000000e+00> : vector<1x10240xf32>
    %reduce_sum3A_3 = vector.multi_reduction <add>, %get3A_2, %reduce_sum3A [0] : vector<32x1x10240xf32> to vector<1x10240xf32>
    %get3A_4 = arith.constant 0 : index
    %get3A_5 = arith.constant 0 : index
    %get3A_6 = vector.load %arg2[%get3A_4, %get3A_5] : memref<1x10240xf32, #tpu.memory_space<vmem>>, vector<1x10240xf32>
    %get3A_7 = arith.constant 0 : index
    %get3A_8 = arith.constant 0 : index
    %get3A_9 = vector.load %arg1[%get3A_7, %get3A_8] : memref<1x10240xf32, #tpu.memory_space<vmem>>, vector<1x10240xf32>
    %add3A = arith.addf %reduce_sum3A_3, %get3A_9 : vector<1x10240xf32>
    %mul3A = arith.mulf %get3A_6, %add3A : vector<1x10240xf32>
    %get3A_10 = arith.constant 0 : index
    %get3A_11 = arith.constant 0 : index
    %get3A_12 = vector.load %arg5[%get3A_10, %get3A_11] : memref<1x1xf32, #tpu.memory_space<vmem>>, vector<1x1xf32>
    %get3A_13 = vector.extract %get3A_12[0, 0] : f32 from vector<1x1xf32>
    %add3A_14 = vector.broadcast %get3A_13 : f32 to vector<1x10240xf32>
    %add3A_15 = arith.addf %mul3A, %add3A_14 : vector<1x10240xf32>
    %iota3A = tpu.iota {dimensions = array<i32: 1>} : vector<1x128xi32>
    %get3A_16 = arith.constant 0 : index
    %get3A_17 = arith.constant 0 : index
    %get3A_18 = vector.load %arg3[%get3A_16, %get3A_17] : memref<10240x1xi32, #tpu.memory_space<vmem>>, vector<10240x1xi32>
    %eq3A = vector.broadcast %get3A_18 : vector<10240x1xi32> to vector<10240x128xi32>
    %eq3A_19 = vector.broadcast %iota3A : vector<1x128xi32> to vector<10240x128xi32>
    %eq3A_20 = arith.cmpi eq, %eq3A, %eq3A_19 : vector<10240x128xi32>
    %convert_element_type3A = arith.extui %eq3A_20 : vector<10240x128xi1> to vector<10240x128xi32>
    %convert_element_type3A_21 = arith.sitofp %convert_element_type3A : vector<10240x128xi32> to vector<10240x128xf32>
    %dot_general3A = arith.constant dense<0.000000e+00> : vector<1x128xf32>
    %dot_general3A_22 = tpu.matmul %add3A_15, %convert_element_type3A_21, %dot_general3A {dimension_numbers = #tpu.dot_dimension_numbers<[1], [0], [0], [1], [0, 0, 1, 1], [], []>, transpose_lhs_hint = false} : vector<1x10240xf32>, vector<10240x128xf32>, vector<1x128xf32> -> vector<1x128xf32>
    %get3A_23 = arith.constant 0 : index
    %get3A_24 = arith.constant 0 : index
    %get3A_25 = vector.load %arg4[%get3A_23, %get3A_24] : memref<1x128xf32, #tpu.memory_space<vmem>>, vector<1x128xf32>
    %max3A = arith.constant 1.000000e+00 : f32
    %max3A_26 = vector.broadcast %max3A : f32 to vector<1x128xf32>
    %max3A_27 = arith.maximumf %get3A_25, %max3A_26 : vector<1x128xf32>
    %div3A = arith.divf %dot_general3A_22, %max3A_27 : vector<1x128xf32>
    %get3A_28 = arith.constant 0 : index
    %get3A_29 = arith.constant 0 : index
    %get3A_30 = vector.load %arg6[%get3A_28, %get3A_29] : memref<1x1xf32, #tpu.memory_space<vmem>>, vector<1x1xf32>
    %add3A_31 = vector.broadcast %get3A_30 : vector<1x1xf32> to vector<1x128xf32>
    %add3A_32 = arith.addf %div3A, %add3A_31 : vector<1x128xf32>
    %swap3A = arith.constant 0 : index
    %swap3A_33 = arith.constant 0 : index
    %swap3A_34 = vector.load %arg7[%swap3A, %swap3A_33] : memref<1x128xf32, #tpu.memory_space<vmem>>, vector<1x128xf32>
    tpu.vector_store %arg7[%swap3A, %swap3A_33], %add3A_32 {strides = array<i32>} : memref<1x128xf32, #tpu.memory_space<vmem>>, vector<1x128xf32>,
    return
  }
}

</mosaic_0001>

<sc_bundles>
// kernel: kernel.10.cloned.1.call-start
scs
__scs_entry_jumppad:
0x0: {  	(pc) =	sbr.rel $0x88, $3  }
0x1: {  	(tag) =	ssettag $0x0;
	lr =	simm.s32 $0x1  }
0x2: {  	[smem:$0x3F96] =	sst lr;
	_ =	strace $0xD0000000  }
0x3: {  	_ = 	snop  }
0x4: {  	_ = 	snop  }
0x5: {  	_ = 	snop  }
0x6: {  	_ = 	snop  }
0x7: {  	_ = 	snop  }
__scs_overlays_trampoline_lowered:
0x8: {  	[smem:$0x3FA5] =	sst s0  }
0x9: {  	[smem:$0x3FA6] =	sst s1  }
0xa: {  	[smem:$0x3FA7] =	sst s2  }
0xb: {  	[smem:$0x3FA8] =	sst s3  }
0xc: {  	[smem:$0x3FA9] =	sst s4  }
0xd: {  	[smem:$0x3FAA] =	sst s5  }
0xe: {  	[smem:$0x3FAB] =	sst s6  }
0xf: {  	[smem:$0x3FAC] =	sst s7  }
0x10: {  	[smem:$0x3FAD] =	sst s8  }
0x11: {  	[smem:$0x3FAE] =	sst s9;
	s0 =	simm.s32 @!p0 $0x0  }
0x12: {  	s1 =	sld [smem:$0x3F94];
	s0 =	simm.s32 @p0 $0x1  }
0x13: {  	[smem:$0x3FAF] =	sst s0;
	s0 =	simm.s32 @!p1 $0x0  }
0x14: {  	s2 =	sld [smem:$0x3F93];
	s0 =	simm.s32 @p1 $0x1  }
0x15: {  	[smem:$0x3FB0] =	sst s0;
	s0 =	simm.s32 @!p2 $0x0  }
0x16: {  	s3 =	sld [smem:$0x3FDB];
	s0 =	simm.s32 @p2 $0x1  }
0x17: {  	s4 =	simm.s32 $0x1BF5;
	[smem:$0x3FB2] =	sst s0  }
0x18: {  	s0 =	sld [smem:$0x3F95];
	_ =	swait.ge [sflag:s4], $0x0  }
0x19: {  	s7 =	sld [smem:$0x3F96]  }
0x1a: {  	s8 =	sadd.s32 $0xFFFFE003, lr  }
0x1b: {  	s9 =	sadd.s32 $0xFFFFFEF7, lr;
	s5 =	simm.s32 $0xFFFFFFFF;
	p2 =	slt.u32 s8, $0xFFFFF086  }
0x1c: {  	p1 =	slt.u32 s9, $0xF7A;
	s5 =	simm.s32 @!p2 $0x0  }
0x1d: {  	s5 =	simm.s32 @p1 $0x1;
	p0 =	seq.s32 s7, s2  }
0x1e: {  	s7 =	smul.u32 @!p0 $0xF7A, s2;
	p2 =	seq.s32 @!p0 s5, $0x0  }
0x1f: {  	s9 =	smul.u32 $0xF7A, s1;
	s8 =	simm.s32 @!p0 $0x1BF5;
	p2 =	por !p2, p0  }
0x20: {  	[sflag:s8] =	ssyncset.s32 @!p0 $0xFFFFF086;
	s6 =	sadd.s32 @!p0 s3, s7;
	s7 =	simm.s32 @!p0 $0x108  }
0x21: {  	s3 =	sadd.s32 s3, s9;
	s6 =	sadd.s32 @!p0 $0x88, s6;
	s7 =	simm.s32 @p2 $0x1082  }
0x22: {  	[simem:s7], [sflag:s8] =	dma.local @!p0 [hbm:s6], $0xF7A  }
0x23: {  	s9 =	sor.u32 $0xD0000000, s2;
	s6 =	simm.s32 $0x108;
	_ =	swait.ge @!p0 [sflag:s8], $0x0  }
0x24: {  	s3 =	sadd.s32 $0x88, s3;
	s6 =	simm.s32 @!p1 $0x1082;
	[sflag:s4] =	ssyncset.s32 $0xFFFFF086  }
0x25: {  	[simem:s6], [sflag:s4] =	dma.local [hbm:s3], $0xF7A  }
0x26: {  	[smem:$0x3F96] =	sst s1;
	(tag) =	ssettag s2;
	_ =	strace s9  }
0x27: {  	s1 =	sld [smem:$0x3FA6]  }
0x28: {  	s2 =	sld [smem:$0x3FA7]  }
0x29: {  	s4 =	sld [smem:$0x3FA9]  }
0x2a: {  	p0 =	seq.s32 s5, $0x0;
	s5 =	sld [smem:$0x3FAA]  }
0x2b: {  	s6 =	sld [smem:$0x3FAB]  }
0x2c: {  	s7 =	sld [smem:$0x3FAC]  }
0x2d: {  	s3 =	simm.s32 $0x108;
	s8 =	sld [smem:$0x3FAD]  }
0x2e: {  	s3 =	simm.s32 @!p0 $0x1082;
	s9 =	sld [smem:$0x3FAE]  }
0x2f: {  	lr =	sadd.s32 s0, s3;
	s0 =	sld [smem:$0x3FA5]  }
0x30: {  	s3 =	sld [smem:$0x3FA8]  }
0x31: {  	[smem:$0x3FB1] =	sst s10  }
0x32: {  	s10 =	sld [smem:$0x3FAF];
	_ =	sdelay $0x3  }
0x33: {  	p0 =	seq.s32 s10, $0x1;
	s10 =	sld [smem:$0x3FB1];
	_ =	sdelay $0x3  }
0x34: {  	[smem:$0x3FB1] =	sst s10  }
0x35: {  	s10 =	sld [smem:$0x3FB0];
	_ =	sdelay $0x3  }
0x36: {  	p1 =	seq.s32 s10, $0x1;
	s10 =	sld [smem:$0x3FB1];
	_ =	sdelay $0x3  }
0x37: {  	[smem:$0x3FB1] =	sst s10  }
0x38: {  	s10 =	sld [smem:$0x3FB2]  }
0x39: {  	_ = 	snop;
	(pc) =	sbr.ind lr, $3  }
0x3a: {  	_ = 	snop  }
0x3b: {  	_ = 	snop  }
0x3c: {  	p2 =	seq.s32 s10, $0x1;
	s10 =	sld [smem:$0x3FB1]  }
0x3d: {  	_ =	shalt  }
0x3e: {  	_ =	shalt  }
0x3f: {  	_ =	shalt  }
0x40: {  	_ =	shalt  }
0x41: {  	_ =	shalt  }
0x42: {  	_ =	shalt  }
0x43: {  	_ =	shalt  }
0x44: {  	_ =	shalt  }
0x45: {  	_ =	shalt  }
0x46: {  	_ =	shalt  }
0x47: {  	_ =	shalt  }
0x48: {  	_ =	shalt  }
0x49: {  	_ =	shalt  }
0x4a: {  	_ =	shalt  }
0x4b: {  	_ =	shalt  }
0x4c: {  	_ =	shalt  }
0x4d: {  	_ =	shalt  }
0x4e: {  	_ =	shalt  }
0x4f: {  	_ =	shalt  }
0x50: {  	_ =	shalt  }
0x51: {  	_ =	shalt  }
0x52: {  	_ =	shalt  }
0x53: {  	_ =	shalt  }
0x54: {  	_ =	shalt  }
0x55: {  	_ =	shalt  }
0x56: {  	_ =	shalt  }
0x57: {  	_ =	shalt  }
0x58: {  	_ =	shalt  }
0x59: {  	_ =	shalt  }
0x5a: {  	_ =	shalt  }
0x5b: {  	_ =	shalt  }
0x5c: {  	_ =	shalt  }
0x5d: {  	_ =	shalt  }
0x5e: {  	_ =	shalt  }
0x5f: {  	_ =	shalt  }
0x60: {  	_ =	shalt  }
0x61: {  	_ =	shalt  }
0x62: {  	_ =	shalt  }
0x63: {  	_ =	shalt  }
0x64: {  	_ =	shalt  }
0x65: {  	_ =	shalt  }
0x66: {  	_ =	shalt  }
0x67: {  	_ =	shalt  }
0x68: {  	_ =	shalt  }
0x69: {  	_ =	shalt  }
0x6a: {  	_ =	shalt  }
0x6b: {  	_ =	shalt  }
0x6c: {  	_ =	shalt  }
0x6d: {  	_ =	shalt  }
0x6e: {  	_ =	shalt  }
0x6f: {  	_ =	shalt  }
0x70: {  	_ =	shalt  }
0x71: {  	_ =	shalt  }
0x72: {  	_ =	shalt  }
0x73: {  	_ =	shalt  }
0x74: {  	_ =	shalt  }
0x75: {  	_ =	shalt  }
0x76: {  	_ =	shalt  }
0x77: {  	_ =	shalt  }
0x78: {  	_ =	shalt  }
0x79: {  	_ =	shalt  }
0x7a: {  	_ =	shalt  }
0x7b: {  	_ =	shalt  }
0x7c: {  	_ =	shalt  }
0x7d: {  	_ =	shalt  }
0x7e: {  	_ =	shalt  }
0x7f: {  	_ =	shalt  }
0x80: {  	_ =	shalt  }
0x81: {  	_ =	shalt  }
0x82: {  	_ =	shalt  }
0x83: {  	_ =	shalt  }
0x84: {  	_ =	shalt  }
0x85: {  	_ =	shalt  }
0x86: {  	_ =	shalt  }
0x87: {  	_ =	shalt  }
.Lfunc_end0:
.L_simem_size_0:
called_computation_lowered:
.L_overlay_start_0:
0x88: {  	s2 =	sld [smem:$0x3FD9]  }
0x89: {  	s3 =	sld [smem:$0x3FFE];
	_ =	sdelay $0x1  }
0x8a: {  	s1 =	srdreg.scid  }
0x8b: {  	s0 =	sand.u32 $0x1, s1  }
0x8c: {  	s16 =	sshll.u32 s0, $0xA;
	s2 =	sadd.s32 s3, s2  }
0x8d: {  	s2 =	sadd.s32 s2, s16  }
0x8e: {  	[smem:$0x3FBD] =	sst s2  }
0x8f: {  	_ = 	snop  }
0x90: {  	(tm) =	ssettm $0x1  }
0x91: {  	s17 =	sld [smem:$0x3FFB];
	_ =	sdelay $0x3  }
0x92: {  	_ =	strace s17  }
0x93: {  	s2 =	sld [smem:$0x3FFC];
	_ =	sdelay $0x3  }
0x94: {  	_ =	strace s2  }
0x95: {  	s2 =	sld [smem:$0x3FFD];
	_ =	sdelay $0x3  }
0x96: {  	_ =	strace s2  }
0x97: {  	_ =	strace $0x8FFFFFFF  }
0x98: {  	s18 =	sld [smem:$0x3FDB];
	_ =	sdelay $0x1  }
0x99: {  	s19 =	simm.s32 $_scs_section_size  }
0x9a: {  	s4 =	simm.s32 $_size__tile_overlayer_lowered;
	s5 =	simm.s32 $_tile_overlayer_lowered  }
0x9b: {  	s22 =	simm.s32 $0x1BFF;
	s21 =	sshll.u32 s5, $0x1;
	s2 =	sadd.s32 s19, s18  }
0x9c: {  	s6 =	simm.s32 $0x0;
	s20 =	sshll.u32 s4, $0x1;
	s4 =	sadd.s32 s21, s2  }
0x9d: {  	[timem:s6], [sflag:s22] =	dma.local [hbm:s4], s20  }
0x9e: {  	_ =	swait.ge [sflag:s22], s20  }
0x9f: {  	s3 =	ssub.s32 $0x0, s20;
	[sflag:s22] =	ssyncset.done $0x0  }
0xa0: {  	[sflag:s22] =	ssyncadd.s32 s3;
	_ =	sdelay $0x1  }
0xa1: {  	s23 =	simm.s32 $0x1B8B  }
0xa2: {  	_ =	swait.ge [sflag:s23], $0x1  }
0xa3: {  	[sflag:s23] =	ssyncset.done $0x0  }
0xa4: {  	s25 =	simm.s32 $0x1B8E;
	s24 =	sld [smem:$0x3FFE];
	[sflag:s23] =	ssyncadd.s32 $0xFFFFFFFF  }
0xa5: {  	s26 =	simm.s32 $execute0_lowered;
	[smem:$0x3FD2] =	sst s25  }
0xa6: {  	s4 =	sshll.u32 s26, $0x1;
	_ =	strace $0x80000046;
	[dreg:$0x1] =	wrdreg $0xFFFFFFFF  }
0xa7: {  	s28 =	simm.s32 $_size_execute0_lowered;
	s2 =	sadd.s32 s2, s4;
	[dreg:$0x0] =	wrdreg $0x0  }
0xa8: {  	s4 =	sshll.u32 s28, $0x1;
	[dreg:$0x2] =	wrdreg s2  }
0xa9: {  	[dreg:$0x3] =	wrdreg s4  }
0xaa: {  	[dreg:$0x4] =	wrdreg $0xC0  }
0xab: {  	_ =	task [dreg:s6], $0x5FFFF  }
0xac: {  	[dreg:$0x1] =	wrdreg $0xFFFFFFFF  }
0xad: {  	[dreg:$0x0] =	wrdreg $0x60  }
0xae: {  	[dreg:$0x2] =	wrdreg s24  }
0xaf: {  	[dreg:$0x3] =	wrdreg $0x9  }
0xb0: {  	_ =	task.clear_ibuf [dreg:s6], $0x4FFFF;
	_ =	strace $0x90000046  }
0xb1: {  	s29 =	simm.s32 $0x9;
	_ =	strace $0x80000048  }
0xb2: {  	_ =	swait.ge [sflag:s29], $0x1  }
0xb3: {  	[sflag:s29] =	ssyncadd.s32 $0xFFFFFFFF  }
0xb4: {  	_ =	strace $0x90000048  }
0xb5: {  	_ =	sfence  }
0xb6: {  	s30 =	sld [smem:$0x0];
	_ =	sdelay $0x2  }
0xb7: {  	s31 =	sshll.u32 s1, $0xD;
	s1 =	sshrl.u32 s1, $0x2  }
0xb8: {  	s3 =	sand.u32 $0x4000, s31;
	s1 =	sadd.s32 s1, s30  }
0xb9: {  	s0 =	sor.u32 s3, s0;
	s1 =	sshll.u32 s1, $0x11  }
0xba: {  	s0 =	sor.u32 s1, s0  }
0xbb: {  	s0 =	sadd.s32 $0x8F2B, s0  }
0xbc: {  	[sflag:s0] =	ssyncadd.remote.s32 $0x1  }
0xbd: {  	_ =	sfence.sel $0xFFFF  }
0xbe: {  	[dreg:$0x0] =	wrdreg $0xFFFFFFFF;
	(pc) =	sbr.abs _section_cstart, $3  }
0xbf: {  	[dreg:$0x1] =	wrdreg $0xFFFFFFFF  }
0xc0: {  	_ =	task.clear_ibuf [dreg:s6], $0x2FFFF;
	_ =	strace $0x9FFFFFFF  }
0xc1: {  	(tm) =	ssettm $0x7FFFFFFF  }
tec
execute0_lowered:
.L_overlay_start_1:
0x0: {  	(tag) =	ssettag $0x1  }
0x1: {  	s1 =	srdreg.scid  }
0x2: {  	s0 =	stileid.u32;
	s3 =	rddreg [dreg:$0x0];
	s2 =	simm.s32 $0x0  }
0x3: {  	s11 =	simm.s32 $0x3D80;
	s12 =	simm.s32 $0x80;
	s13 =	simm.s32 $0x400  }
0x4: {  	s4 =	sand.u32 $0x1, s1;
	s5 =	sshll.u32 s0, $0x1;
	s8 =	sshrl.u32 s0, $0x2  }
0x5: {  	s1 =	rddreg [dreg:$0x1];
	s5 =	sor.u32 s4, s5;
	s9 =	smul.u32 $0x14000, s8  }
0x6: {  	s14 =	simm.s32 $0x0;
	[smem:$0x7FF] =	sst s2;
	s6 =	smul.u32 $0x280, s5  }
0x7: {  	_ =	strace $0x80000047;
	s7 =	smul.u32 $0x28, s5;
	s5 =	sshll.u32 s5, $0x7  }
0x8: {  	s8 =	sshll.u32 s8, $0xB;
	s4 =	ssub.s32 $0x2, s4;
	s5 =	sand.u32 $0x380, s5  }
0x9: {  	s31 =	sshrl.u32 s4, $0x1;
	s6 =	sadd.s32 s6, s3;
	s9 =	sor.u32 s9, s5  }
0xa: {  	s7 =	sadd.s32 s7, s3;
	s5 =	sor.u32 s8, s5;
	s30 =	sshrl.u32 s9, $0x3  }
0xb: {  	s5 =	sshrl.u32 s5, $0x3;
	s9 =	ssub.s32 s4, s31;
	s4 =	sadd.s32 $0x8800, s7  }
0xc: {  	s8 =	sadd.s32 s30, s3;
	s10 =	sadd.s32 s5, s3;
	s3 =	sadd.s32 $0x3800, s6  }
0xd: {  	s7 =	smax.u32 s9, $0x1;
	s9 =	simm.s32 $0x1580;
	s5 =	sadd.s32 $0x8E00, s8  }
0xe: {  	v0 =	vimm.f32 $0.0e+00;
	v1 =	vimm.f32 $1.000000000e+00;
	s6 =	sadd.s32 $0x12E00, s10;
	s8 =	simm.s32 $0x1;
	s10 =	simm.s32 $0x1400  }
.LBB2_1:
0xf: {  	s15 =	simm.s32 $0x40;
	s16 =	simm.s32 $0x0  }
.LBB2_2:
0x10: {  	p0 =	sne.s32 s15, $0x9FC0;
	[tilespmem:s16+$0x1580] =	vst v0;
	s16 =	smov.u32 s15;
	s15 =	sadd.s32 $0x40, s15  }
.Ltmp0:
0x11: {  	(pc) =	sbr.rel @p0 .LBB2_2-.Ltmp0, $2  }
0x12: {  	_ =	sdelay $0x2  }
0x13: {  	s16 =	sshra.s32 s16, $0x2  }
0x14: {  	[tilespmem:s16+$0x1580] =	vst v0  }
0x15: {  	[tilespmem:$0x3D80] =	vst v0  }
0x16: {  	[tilespmem:$0x3D90] =	vst v0  }
0x17: {  	[tilespmem:$0x3DA0] =	vst v0  }
0x18: {  	[tilespmem:$0x3DB0] =	vst v0  }
0x19: {  	[tilespmem:$0x3DC0] =	vst v0  }
0x1a: {  	[tilespmem:$0x3DD0] =	vst v0  }
0x1b: {  	[tilespmem:$0x3DE0] =	vst v0  }
0x1c: {  	[tilespmem:$0x3DF0] =	vst v0  }
0x1d: {  	[tilespmem:$0x3E00] =	vst v0  }
0x1e: {  	s15 =	simm.s32 $0x0;
	[tilespmem:$0x3E10] =	vst v0  }
0x1f: {  	[tilespmem:s15], [sflag:$0x1] =	stream.linear.gather [hbm4b:s3+s15], $0x1400, $0x38;
	[tilespmem:$0x3E80] =	vst v63  }
0x20: {  	_ =	swait.ge [sflag:s8], $0x1400  }
0x21: {  	[sflag:s8] =	ssyncset.done $0x0  }
0x22: {  	s16 =	simm.s32 $0x0;
	s15 =	simm.s32 $0x40;
	[sflag:s8] =	ssyncadd.s32 $0xFFFFEC00  }
.LBB2_4:
0x23: {  	p0 =	sne.s32 s15, $0x4FC0;
	v2 =	vld [tilespmem:s16+$0x0];
	_ =	sdelay $0x3  }
.Ltmp1:
0x24: {  	(pc) =	sbr.rel @p0 .LBB2_4-.Ltmp1, $2  }
0x25: {  	_ =	sdelay $0x2  }
0x26: {  	s16 =	sshra.s32 s15, $0x2;
	s15 =	sadd.s32 $0x40, s15;
	[tilespmem:v2+s9+$0x0] =	vst.idx.add.f32.msk $0xffff, v1  }
0x27: {  	v2 =	vld [tilespmem:s16+$0x0];
	_ =	sdelay $0x7  }
0x28: {  	[tilespmem:v2+s9+$0x0] =	vst.idx.add.f32.msk $0xffff, v1  }
0x29: {  	[tilespmem:s10], [sflag:$0x1] =	stream.linear.gather [hbm4b:s4+s2], $0x140, $0x38;
	[tilespmem:$0x3E80] =	vst v63  }
0x2a: {  	_ =	swait.ge [sflag:s8], $0x140  }
0x2b: {  	[sflag:s8] =	ssyncset.done $0x0  }
0x2c: {  	[sflag:s8] =	ssyncadd.s32 $0xFFFFFEC0  }
0x2d: {  	v2 =	vld [tilespmem:$0x1400];
	_ =	sdelay $0x7  }
0x2e: {  	[tilespmem:v2+s11+$0x0] =	vst.idx.add.f32.msk $0xffff, v1  }
0x2f: {  	v2 =	vld [tilespmem:$0x1410];
	_ =	sdelay $0x7  }
0x30: {  	[tilespmem:v2+s11+$0x0] =	vst.idx.add.f32.msk $0xffff, v1  }
0x31: {  	v2 =	vld [tilespmem:$0x1420];
	_ =	sdelay $0x7  }
0x32: {  	[tilespmem:v2+s11+$0x0] =	vst.idx.add.f32.msk $0xffff, v1  }
0x33: {  	v2 =	vld [tilespmem:$0x1430];
	_ =	sdelay $0x7  }
0x34: {  	[tilespmem:v2+s11+$0x0] =	vst.idx.add.f32.msk $0xffff, v1  }
0x35: {  	v2 =	vld [tilespmem:$0x1440];
	_ =	sdelay $0x7  }
0x36: {  	[tilespmem:v2+s11+$0x0] =	vst.idx.add.f32.msk $0xffff, v1  }
0x37: {  	v2 =	vld [tilespmem:$0x1450];
	_ =	sdelay $0x7  }
0x38: {  	[tilespmem:v2+s11+$0x0] =	vst.idx.add.f32.msk $0xffff, v1  }
0x39: {  	v2 =	vld [tilespmem:$0x1460];
	_ =	sdelay $0x7  }
0x3a: {  	[tilespmem:v2+s11+$0x0] =	vst.idx.add.f32.msk $0xffff, v1  }
0x3b: {  	v2 =	vld [tilespmem:$0x1470];
	_ =	sdelay $0x7  }
0x3c: {  	[tilespmem:v2+s11+$0x0] =	vst.idx.add.f32.msk $0xffff, v1  }
0x3d: {  	v2 =	vld [tilespmem:$0x1480];
	_ =	sdelay $0x7  }
0x3e: {  	[tilespmem:v2+s11+$0x0] =	vst.idx.add.f32.msk $0xffff, v1  }
0x3f: {  	v2 =	vld [tilespmem:$0x1490];
	_ =	sdelay $0x7  }
0x40: {  	[tilespmem:v2+s11+$0x0] =	vst.idx.add.f32.msk $0xffff, v1  }
0x41: {  	v2 =	vld [tilespmem:$0x14A0];
	_ =	sdelay $0x7  }
0x42: {  	[tilespmem:v2+s11+$0x0] =	vst.idx.add.f32.msk $0xffff, v1  }
0x43: {  	v2 =	vld [tilespmem:$0x14B0];
	_ =	sdelay $0x7  }
0x44: {  	[tilespmem:v2+s11+$0x0] =	vst.idx.add.f32.msk $0xffff, v1  }
0x45: {  	v2 =	vld [tilespmem:$0x14C0];
	_ =	sdelay $0x7  }
0x46: {  	[tilespmem:v2+s11+$0x0] =	vst.idx.add.f32.msk $0xffff, v1  }
0x47: {  	v2 =	vld [tilespmem:$0x14D0];
	_ =	sdelay $0x7  }
0x48: {  	[tilespmem:v2+s11+$0x0] =	vst.idx.add.f32.msk $0xffff, v1  }
0x49: {  	v2 =	vld [tilespmem:$0x14E0];
	_ =	sdelay $0x7  }
0x4a: {  	[tilespmem:v2+s11+$0x0] =	vst.idx.add.f32.msk $0xffff, v1  }
0x4b: {  	v2 =	vld [tilespmem:$0x14F0];
	_ =	sdelay $0x7  }
0x4c: {  	[tilespmem:v2+s11+$0x0] =	vst.idx.add.f32.msk $0xffff, v1  }
0x4d: {  	v2 =	vld [tilespmem:$0x1500];
	_ =	sdelay $0x7  }
0x4e: {  	[tilespmem:v2+s11+$0x0] =	vst.idx.add.f32.msk $0xffff, v1  }
0x4f: {  	v2 =	vld [tilespmem:$0x1510];
	_ =	sdelay $0x7  }
0x50: {  	[tilespmem:v2+s11+$0x0] =	vst.idx.add.f32.msk $0xffff, v1  }
0x51: {  	v2 =	vld [tilespmem:$0x1520];
	_ =	sdelay $0x7  }
0x52: {  	[tilespmem:v2+s11+$0x0] =	vst.idx.add.f32.msk $0xffff, v1  }
0x53: {  	v2 =	vld [tilespmem:$0x1530];
	_ =	sdelay $0x7  }
0x54: {  	[tilespmem:v2+s11+$0x0] =	vst.idx.add.f32.msk $0xffff, v1  }
0x55: {  	[hbm4b:s5+s12] =	stream.strided.scatter [tilespmem:s9], [sflag:$0x1], $0x2800, s13, s12, $0x38;
	[tilespmem:$0x3E80] =	vst v63  }
0x56: {  	s14 =	sadd.s32 $0x1, s14;
	_ =	swait.ge [sflag:s8], $0x2800  }
0x57: {  	p0 =	sne.s32 s14, s7;
	[sflag:s8] =	ssyncset.done $0x0  }
.Ltmp2:
0x58: {  	[sflag:s8] =	ssyncadd.s32 $0xFFFFD800;
	(pc) =	sbr.rel @p0 .LBB2_1-.Ltmp2, $4  }
0x59: {  	[hbm4b:s6+s12] =	stream.strided.scatter [tilespmem:s11], [sflag:$0x1], $0x100, s13, s12, $0x38;
	[tilespmem:$0x3E80] =	vst v63  }
0x5a: {  	_ =	swait.ge [sflag:s8], $0x100  }
0x5b: {  	[sflag:s8] =	ssyncset.done $0x0  }
0x5c: {  	[sflag:s8] =	ssyncadd.s32 $0xFFFFFF00  }
0x5d: {  	_ =	sfence.sel $0x180000  }
0x5e: {  	[bflag:$0x0] =	sbarrier.arrive $0xFFFF  }
0x5f: {  	p0 =	sne.s32 s0, $0x0;
	_ =	strace $0x90000047  }
0x60: {  	s0 =	sadd.s32 @!p0 $0x100000, s1;
	[bflag:$0x2] =	sbarrier.arrive $0xFFFF  }
0x61: {  	[sflag:s0] =	ssyncadd.tile.s32 @!p0 $0x1;
	_ =	shalt  }
.Lfunc_end2:
_tile_overlayer_lowered:
.L_overlay_start_2:
0x62: {  	(tag) =	ssettag $0x2  }
0x63: {  	s0 =	rddreg [dreg:$0x0];
	s2 =	stileid.u32  }
0x64: {  	s1 =	rddreg [dreg:$0x1];
	p0 =	sne.s32 s2, $0x0  }
0x65: {  	s3 =	rddreg [dreg:$0x2];
	[bflag:$0x3] =	sbarrier.arrive $0xFFFF;
	s2 =	simm.s32 @!p0 $0x1C01  }
0x66: {  	[timem:s3], [sflag:s2] =	dma.local @!p0 [hbm:s0], s1  }
0x67: {  	s0 =	simm.s32 @!p0 $0x1  }
0x68: {  	_ =	swait.ge @!p0 [sflag:s0], s1  }
0x69: {  	s1 =	ssub.s32 @!p0 $0x0, s1;
	[sflag:s0] =	ssyncset.done @!p0 $0x0  }
0x6a: {  	[sflag:s0] =	ssyncadd.s32 @!p0 s1  }
0x6b: {  	[bflag:$0x3] =	sbarrier.arrive $0xFFFF  }
0x6c: {  	_ =	shalt  }

// kernel: kernel.13.cloned.1.call-start
scs
__scs_entry_jumppad:
0x0: {  	(pc) =	sbr.rel $0x88, $3  }
0x1: {  	(tag) =	ssettag $0x0;
	lr =	simm.s32 $0x1  }
0x2: {  	[smem:$0x3F96] =	sst lr;
	_ =	strace $0xD0000000  }
0x3: {  	_ = 	snop  }
0x4: {  	_ = 	snop  }
0x5: {  	_ = 	snop  }
0x6: {  	_ = 	snop  }
0x7: {  	_ = 	snop  }
__scs_overlays_trampoline_lowered:
0x8: {  	[smem:$0x3FA5] =	sst s0  }
0x9: {  	[smem:$0x3FA6] =	sst s1  }
0xa: {  	[smem:$0x3FA7] =	sst s2  }
0xb: {  	[smem:$0x3FA8] =	sst s3  }
0xc: {  	[smem:$0x3FA9] =	sst s4  }
0xd: {  	[smem:$0x3FAA] =	sst s5  }
0xe: {  	[smem:$0x3FAB] =	sst s6  }
0xf: {  	[smem:$0x3FAC] =	sst s7  }
0x10: {  	[smem:$0x3FAD] =	sst s8  }
0x11: {  	[smem:$0x3FAE] =	sst s9;
	s0 =	simm.s32 @!p0 $0x0  }
0x12: {  	s1 =	sld [smem:$0x3F94];
	s0 =	simm.s32 @p0 $0x1  }
0x13: {  	[smem:$0x3FAF] =	sst s0;
	s0 =	simm.s32 @!p1 $0x0  }
0x14: {  	s2 =	sld [smem:$0x3F93];
	s0 =	simm.s32 @p1 $0x1  }
0x15: {  	[smem:$0x3FB0] =	sst s0;
	s0 =	simm.s32 @!p2 $0x0  }
0x16: {  	s3 =	sld [smem:$0x3FDB];
	s0 =	simm.s32 @p2 $0x1  }
0x17: {  	s4 =	simm.s32 $0x1BF5;
	[smem:$0x3FB2] =	sst s0  }
0x18: {  	s0 =	sld [smem:$0x3F95];
	_ =	swait.ge [sflag:s4], $0x0  }
0x19: {  	s7 =	sld [smem:$0x3F96]  }
0x1a: {  	s8 =	sadd.s32 $0xFFFFE003, lr  }
0x1b: {  	s9 =	sadd.s32 $0xFFFFFEF7, lr;
	s5 =	simm.s32 $0xFFFFFFFF;
	p2 =	slt.u32 s8, $0xFFFFF086  }
0x1c: {  	p1 =	slt.u32 s9, $0xF7A;
	s5 =	simm.s32 @!p2 $0x0  }
0x1d: {  	s5 =	simm.s32 @p1 $0x1;
	p0 =	seq.s32 s7, s2  }
0x1e: {  	s7 =	smul.u32 @!p0 $0xF7A, s2;
	p2 =	seq.s32 @!p0 s5, $0x0  }
0x1f: {  	s9 =	smul.u32 $0xF7A, s1;
	s8 =	simm.s32 @!p0 $0x1BF5;
	p2 =	por !p2, p0  }
0x20: {  	[sflag:s8] =	ssyncset.s32 @!p0 $0xFFFFF086;
	s6 =	sadd.s32 @!p0 s3, s7;
	s7 =	simm.s32 @!p0 $0x108  }
0x21: {  	s3 =	sadd.s32 s3, s9;
	s6 =	sadd.s32 @!p0 $0x88, s6;
	s7 =	simm.s32 @p2 $0x1082  }
0x22: {  	[simem:s7], [sflag:s8] =	dma.local @!p0 [hbm:s6], $0xF7A  }
0x23: {  	s9 =	sor.u32 $0xD0000000, s2;
	s6 =	simm.s32 $0x108;
	_ =	swait.ge @!p0 [sflag:s8], $0x0  }
0x24: {  	s3 =	sadd.s32 $0x88, s3;
	s6 =	simm.s32 @!p1 $0x1082;
	[sflag:s4] =	ssyncset.s32 $0xFFFFF086  }
0x25: {  	[simem:s6], [sflag:s4] =	dma.local [hbm:s3], $0xF7A  }
0x26: {  	[smem:$0x3F96] =	sst s1;
	(tag) =	ssettag s2;
	_ =	strace s9  }
0x27: {  	s1 =	sld [smem:$0x3FA6]  }
0x28: {  	s2 =	sld [smem:$0x3FA7]  }
0x29: {  	s4 =	sld [smem:$0x3FA9]  }
0x2a: {  	p0 =	seq.s32 s5, $0x0;
	s5 =	sld [smem:$0x3FAA]  }
0x2b: {  	s6 =	sld [smem:$0x3FAB]  }
0x2c: {  	s7 =	sld [smem:$0x3FAC]  }
0x2d: {  	s3 =	simm.s32 $0x108;
	s8 =	sld [smem:$0x3FAD]  }
0x2e: {  	s3 =	simm.s32 @!p0 $0x1082;
	s9 =	sld [smem:$0x3FAE]  }
0x2f: {  	lr =	sadd.s32 s0, s3;
	s0 =	sld [smem:$0x3FA5]  }
0x30: {  	s3 =	sld [smem:$0x3FA8]  }
0x31: {  	[smem:$0x3FB1] =	sst s10  }
0x32: {  	s10 =	sld [smem:$0x3FAF];
	_ =	sdelay $0x3  }
0x33: {  	p0 =	seq.s32 s10, $0x1;
	s10 =	sld [smem:$0x3FB1];
	_ =	sdelay $0x3  }
0x34: {  	[smem:$0x3FB1] =	sst s10  }
0x35: {  	s10 =	sld [smem:$0x3FB0];
	_ =	sdelay $0x3  }
0x36: {  	p1 =	seq.s32 s10, $0x1;
	s10 =	sld [smem:$0x3FB1];
	_ =	sdelay $0x3  }
0x37: {  	[smem:$0x3FB1] =	sst s10  }
0x38: {  	s10 =	sld [smem:$0x3FB2]  }
0x39: {  	_ = 	snop;
	(pc) =	sbr.ind lr, $3  }
0x3a: {  	_ = 	snop  }
0x3b: {  	_ = 	snop  }
0x3c: {  	p2 =	seq.s32 s10, $0x1;
	s10 =	sld [smem:$0x3FB1]  }
0x3d: {  	_ =	shalt  }
0x3e: {  	_ =	shalt  }
0x3f: {  	_ =	shalt  }
0x40: {  	_ =	shalt  }
0x41: {  	_ =	shalt  }
0x42: {  	_ =	shalt  }
0x43: {  	_ =	shalt  }
0x44: {  	_ =	shalt  }
0x45: {  	_ =	shalt  }
0x46: {  	_ =	shalt  }
0x47: {  	_ =	shalt  }
0x48: {  	_ =	shalt  }
0x49: {  	_ =	shalt  }
0x4a: {  	_ =	shalt  }
0x4b: {  	_ =	shalt  }
0x4c: {  	_ =	shalt  }
0x4d: {  	_ =	shalt  }
0x4e: {  	_ =	shalt  }
0x4f: {  	_ =	shalt  }
0x50: {  	_ =	shalt  }
0x51: {  	_ =	shalt  }
0x52: {  	_ =	shalt  }
0x53: {  	_ =	shalt  }
0x54: {  	_ =	shalt  }
0x55: {  	_ =	shalt  }
0x56: {  	_ =	shalt  }
0x57: {  	_ =	shalt  }
0x58: {  	_ =	shalt  }
0x59: {  	_ =	shalt  }
0x5a: {  	_ =	shalt  }
0x5b: {  	_ =	shalt  }
0x5c: {  	_ =	shalt  }
0x5d: {  	_ =	shalt  }
0x5e: {  	_ =	shalt  }
0x5f: {  	_ =	shalt  }
0x60: {  	_ =	shalt  }
0x61: {  	_ =	shalt  }
0x62: {  	_ =	shalt  }
0x63: {  	_ =	shalt  }
0x64: {  	_ =	shalt  }
0x65: {  	_ =	shalt  }
0x66: {  	_ =	shalt  }
0x67: {  	_ =	shalt  }
0x68: {  	_ =	shalt  }
0x69: {  	_ =	shalt  }
0x6a: {  	_ =	shalt  }
0x6b: {  	_ =	shalt  }
0x6c: {  	_ =	shalt  }
0x6d: {  	_ =	shalt  }
0x6e: {  	_ =	shalt  }
0x6f: {  	_ =	shalt  }
0x70: {  	_ =	shalt  }
0x71: {  	_ =	shalt  }
0x72: {  	_ =	shalt  }
0x73: {  	_ =	shalt  }
0x74: {  	_ =	shalt  }
0x75: {  	_ =	shalt  }
0x76: {  	_ =	shalt  }
0x77: {  	_ =	shalt  }
0x78: {  	_ =	shalt  }
0x79: {  	_ =	shalt  }
0x7a: {  	_ =	shalt  }
0x7b: {  	_ =	shalt  }
0x7c: {  	_ =	shalt  }
0x7d: {  	_ =	shalt  }
0x7e: {  	_ =	shalt  }
0x7f: {  	_ =	shalt  }
0x80: {  	_ =	shalt  }
0x81: {  	_ =	shalt  }
0x82: {  	_ =	shalt  }
0x83: {  	_ =	shalt  }
0x84: {  	_ =	shalt  }
0x85: {  	_ =	shalt  }
0x86: {  	_ =	shalt  }
0x87: {  	_ =	shalt  }
.Lfunc_end0:
.L_simem_size_0:
called_computation.1_lowered:
.L_overlay_start_0:
0x88: {  	s2 =	sld [smem:$0x3FD9]  }
0x89: {  	s3 =	sld [smem:$0x3FFE];
	_ =	sdelay $0x1  }
0x8a: {  	s1 =	srdreg.scid  }
0x8b: {  	s0 =	sand.u32 $0x1, s1  }
0x8c: {  	s16 =	sshll.u32 s0, $0xA;
	s2 =	sadd.s32 s3, s2  }
0x8d: {  	s2 =	sadd.s32 s2, s16  }
0x8e: {  	[smem:$0x3FBD] =	sst s2  }
0x8f: {  	_ = 	snop  }
0x90: {  	(tm) =	ssettm $0x1  }
0x91: {  	s17 =	sld [smem:$0x3FFB];
	_ =	sdelay $0x3  }
0x92: {  	_ =	strace s17  }
0x93: {  	s2 =	sld [smem:$0x3FFC];
	_ =	sdelay $0x3  }
0x94: {  	_ =	strace s2  }
0x95: {  	s2 =	sld [smem:$0x3FFD];
	_ =	sdelay $0x3  }
0x96: {  	_ =	strace s2  }
0x97: {  	_ =	strace $0x8FFFFFFF  }
0x98: {  	s18 =	sld [smem:$0x3FDB];
	_ =	sdelay $0x1  }
0x99: {  	s19 =	simm.s32 $_scs_section_size  }
0x9a: {  	s4 =	simm.s32 $_size__tile_overlayer_lowered;
	s5 =	simm.s32 $_tile_overlayer_lowered  }
0x9b: {  	s22 =	simm.s32 $0x1BFF;
	s21 =	sshll.u32 s5, $0x1;
	s2 =	sadd.s32 s19, s18  }
0x9c: {  	s6 =	simm.s32 $0x0;
	s20 =	sshll.u32 s4, $0x1;
	s4 =	sadd.s32 s21, s2  }
0x9d: {  	[timem:s6], [sflag:s22] =	dma.local [hbm:s4], s20  }
0x9e: {  	_ =	swait.ge [sflag:s22], s20  }
0x9f: {  	s3 =	ssub.s32 $0x0, s20;
	[sflag:s22] =	ssyncset.done $0x0  }
0xa0: {  	[sflag:s22] =	ssyncadd.s32 s3;
	_ =	sdelay $0x1  }
0xa1: {  	s23 =	simm.s32 $0x1B8B  }
0xa2: {  	_ =	swait.ge [sflag:s23], $0x1  }
0xa3: {  	[sflag:s23] =	ssyncset.done $0x0  }
0xa4: {  	s25 =	simm.s32 $0x1B8E;
	s24 =	sld [smem:$0x3FFE];
	[sflag:s23] =	ssyncadd.s32 $0xFFFFFFFF  }
0xa5: {  	s26 =	simm.s32 $execute0_lowered;
	[smem:$0x3FD2] =	sst s25  }
0xa6: {  	s4 =	sshll.u32 s26, $0x1;
	_ =	strace $0x80000049;
	[dreg:$0x1] =	wrdreg $0xFFFFFFFF  }
0xa7: {  	s28 =	simm.s32 $_size_execute0_lowered;
	s2 =	sadd.s32 s2, s4;
	[dreg:$0x0] =	wrdreg $0x0  }
0xa8: {  	s4 =	sshll.u32 s28, $0x1;
	[dreg:$0x2] =	wrdreg s2  }
0xa9: {  	[dreg:$0x3] =	wrdreg s4  }
0xaa: {  	[dreg:$0x4] =	wrdreg $0xC0  }
0xab: {  	_ =	task [dreg:s6], $0x5FFFF  }
0xac: {  	[dreg:$0x1] =	wrdreg $0xFFFFFFFF  }
0xad: {  	[dreg:$0x0] =	wrdreg $0x60  }
0xae: {  	[dreg:$0x2] =	wrdreg s24  }
0xaf: {  	[dreg:$0x3] =	wrdreg $0x9  }
0xb0: {  	_ =	task.clear_ibuf [dreg:s6], $0x4FFFF;
	_ =	strace $0x90000049  }
0xb1: {  	s29 =	simm.s32 $0x9;
	_ =	strace $0x8000004B  }
0xb2: {  	_ =	swait.ge [sflag:s29], $0x1  }
0xb3: {  	[sflag:s29] =	ssyncadd.s32 $0xFFFFFFFF  }
0xb4: {  	_ =	strace $0x9000004B  }
0xb5: {  	_ =	sfence  }
0xb6: {  	s30 =	sld [smem:$0x0];
	_ =	sdelay $0x2  }
0xb7: {  	s31 =	sshll.u32 s1, $0xD;
	s1 =	sshrl.u32 s1, $0x2  }
0xb8: {  	s3 =	sand.u32 $0x4000, s31;
	s1 =	sadd.s32 s1, s30  }
0xb9: {  	s0 =	sor.u32 s3, s0;
	s1 =	sshll.u32 s1, $0x11  }
0xba: {  	s0 =	sor.u32 s1, s0  }
0xbb: {  	s0 =	sadd.s32 $0x8F2B, s0  }
0xbc: {  	[sflag:s0] =	ssyncadd.remote.s32 $0x1  }
0xbd: {  	_ =	sfence.sel $0xFFFF  }
0xbe: {  	[dreg:$0x0] =	wrdreg $0xFFFFFFFF;
	(pc) =	sbr.abs _section_cstart, $3  }
0xbf: {  	[dreg:$0x1] =	wrdreg $0xFFFFFFFF  }
0xc0: {  	_ =	task.clear_ibuf [dreg:s6], $0x2FFFF;
	_ =	strace $0x9FFFFFFF  }
0xc1: {  	(tm) =	ssettm $0x7FFFFFFF  }
tec
execute0_lowered:
.L_overlay_start_1:
0x0: {  	(tag) =	ssettag $0x1  }
0x1: {  	s1 =	srdreg.scid;
	s0 =	stileid.u32  }
0x2: {  	s4 =	rddreg [dreg:$0x0];
	s2 =	simm.s32 $0x0;
	s10 =	simm.s32 $0x80  }
0x3: {  	s11 =	simm.s32 $0x100;
	s12 =	simm.s32 $0x2800;
	s13 =	simm.s32 $0x1  }
0x4: {  	s14 =	simm.s32 $0x5000;
	s3 =	sand.u32 $0x1, s1;
	s30 =	sshll.u32 s0, $0x1  }
0x5: {  	s15 =	simm.s32 $0x1400;
	s16 =	simm.s32 $0x7800;
	s5 =	sor.u32 s3, s30  }
0x6: {  	s17 =	simm.s32 $0xA000;
	s1 =	rddreg [dreg:$0x1];
	s6 =	smul.u32 $0x280, s5  }
0x7: {  	[smem:$0x7FF] =	sst s2;
	s7 =	ssub.s32 $0x2, s3;
	s5 =	smul.u32 $0xA00, s5  }
0x8: {  	_ =	strace $0x8000004A;
	s3 =	sadd.s32 $0x8E00, s4;
	s31 =	sshrl.u32 s7, $0x1  }
0x9: {  	s9 =	ssub.s32 s7, s31;
	s6 =	sadd.s32 s6, s4;
	s8 =	sadd.s32 s5, s4  }
0xa: {  	s4 =	sadd.s32 $0x8E10, s4;
	s9 =	smax.u32 s9, $0x1;
	s5 =	sadd.s32 $0x13200, s6  }
0xb: {  	v0 =	vimm.f32 $0.0e+00;
	s6 =	sadd.s32 $0x3800, s6;
	s7 =	sadd.s32 $0x18200, s8;
	s8 =	sadd.s32 $0x18210, s8  }
.LBB2_1:
0xc: {  	[tilespmem:s12], [sflag:$0x1] =	stream.strided.gather [hbm4b:s3+s10], $0x2800, s11, s10, $0x38;
	[tilespmem:$0xC800] =	vst v63  }
0xd: {  	_ =	swait.ge [sflag:s13], $0x2800  }
0xe: {  	[sflag:s13] =	ssyncset.done $0x0  }
0xf: {  	s18 =	simm.s32 $0x40;
	s19 =	simm.s32 $0x0;
	[sflag:s13] =	ssyncadd.s32 $0xFFFFD800  }
.LBB2_2:
0x10: {  	p0 =	sne.s32 s18, $0x9FC0;
	[tilespmem:s19+$0x7800] =	vst v0;
	s19 =	smov.u32 s18;
	s18 =	sadd.s32 $0x40, s18  }
.Ltmp0:
0x11: {  	(pc) =	sbr.rel @p0 .LBB2_2-.Ltmp0, $2  }
0x12: {  	_ =	sdelay $0x2  }
0x13: {  	s19 =	sshra.s32 s19, $0x2  }
0x14: {  	[tilespmem:s19+$0x7800] =	vst v0  }
0x15: {  	[tilespmem:s14], [sflag:$0x1] =	stream.strided.gather [hbm4b:s4+s10], $0x2800, s11, s10, $0x38;
	[tilespmem:$0xC800] =	vst v63  }
0x16: {  	_ =	swait.ge [sflag:s13], $0x2800  }
0x17: {  	[sflag:s13] =	ssyncset.done $0x0  }
0x18: {  	s18 =	simm.s32 $0x40;
	s19 =	simm.s32 $0x0;
	[sflag:s13] =	ssyncadd.s32 $0xFFFFD800  }
.LBB2_4:
0x19: {  	p0 =	sne.s32 s18, $0x9FC0;
	[tilespmem:s19+$0xA000] =	vst v0;
	s19 =	smov.u32 s18;
	s18 =	sadd.s32 $0x40, s18  }
.Ltmp1:
0x1a: {  	(pc) =	sbr.rel @p0 .LBB2_4-.Ltmp1, $2  }
0x1b: {  	_ =	sdelay $0x2  }
0x1c: {  	s19 =	sshra.s32 s19, $0x2  }
0x1d: {  	[tilespmem:s19+$0xA000] =	vst v0;
	s18 =	simm.s32 $0x0  }
0x1e: {  	[tilespmem:s18], [sflag:$0x1] =	stream.linear.gather [hbm4b:s5+s18], $0x1400, $0x38;
	[tilespmem:$0xC800] =	vst v63  }
0x1f: {  	_ =	swait.ge [sflag:s13], $0x1400  }
0x20: {  	[sflag:s13] =	ssyncset.done $0x0  }
0x21: {  	[sflag:s13] =	ssyncadd.s32 $0xFFFFEC00  }
0x22: {  	[tilespmem:s15], [sflag:$0x1] =	stream.linear.gather [hbm4b:s6+s18], $0x1400, $0x38;
	[tilespmem:$0xC800] =	vst v63  }
0x23: {  	_ =	swait.ge [sflag:s13], $0x1400  }
0x24: {  	[sflag:s13] =	ssyncset.done $0x0  }
0x25: {  	s31 =	simm.s32 $0x0;
	[sflag:s13] =	ssyncadd.s32 $0xFFFFEC00  }
0x26: {  	v2 =	vld [tilespmem:s31+$0x0];
	_ =	sdelay $0x4  }
0x27: {  	v1 =	vld [tilespmem:s31+$0x1400];
	_ =	sdelay $0x2  }
0x28: {  	v3 =	vld.idx.msk [tilespmem:v2+s12+$0x0], $0xffff;
	_ =	sdelay $0x4  }
0x29: {  	[tilespmem:v1+s16+$0x0] =	vst.idx.add.f32.msk $0xffff, v3  }
0x2a: {  	s19 =	simm.s32 $0x80;
	s18 =	simm.s32 $0x40;
	v2 =	vld.idx.msk [tilespmem:v2+s14+$0x0], $0xffff  }
.LBB2_6:
0x2b: {  	_ =	sdelay $0x2  }
0x2c: {  	p0 =	sne.s32 s19, $0x4FC0  }
0x2d: {  	s20 =	sshra.s32 s18, $0x2;
	s18 =	smov.u32 s19;
	s19 =	sadd.s32 $0x40, s19;
	[tilespmem:v1+s17+$0x0] =	vst.idx.add.f32.msk $0xffff, v2  }
0x2e: {  	v2 =	vld [tilespmem:s20+$0x0];
	_ =	sdelay $0x5  }
0x2f: {  	v1 =	vld [tilespmem:s20+$0x1400];
	_ =	sdelay $0x1  }
0x30: {  	v3 =	vld.idx.msk [tilespmem:v2+s12+$0x0], $0xffff;
	_ =	sdelay $0x2  }
.Ltmp2:
0x31: {  	(pc) =	sbr.rel @p0 .LBB2_6-.Ltmp2, $3  }
0x32: {  	_ =	sdelay $0x1  }
0x33: {  	[tilespmem:v1+s16+$0x0] =	vst.idx.add.f32.msk $0xffff, v3  }
0x34: {  	v2 =	vld.idx.msk [tilespmem:v2+s14+$0x0], $0xffff  }
0x35: {  	_ =	sdelay $0x3  }
0x36: {  	s18 =	sshra.s32 s18, $0x2;
	[tilespmem:v1+s17+$0x0] =	vst.idx.add.f32.msk $0xffff, v2  }
0x37: {  	v1 =	vld [tilespmem:s18+$0x0];
	_ =	sdelay $0x4  }
0x38: {  	v2 =	vld [tilespmem:s18+$0x1400];
	_ =	sdelay $0x2  }
0x39: {  	v3 =	vld.idx.msk [tilespmem:v1+s12+$0x0], $0xffff;
	_ =	sdelay $0x4  }
0x3a: {  	[tilespmem:v2+s16+$0x0] =	vst.idx.add.f32.msk $0xffff, v3  }
0x3b: {  	v1 =	vld.idx.msk [tilespmem:v1+s14+$0x0], $0xffff;
	_ =	sdelay $0x4  }
0x3c: {  	[tilespmem:v2+s17+$0x0] =	vst.idx.add.f32.msk $0xffff, v1  }
0x3d: {  	[hbm4b:s7+s10] =	stream.strided.scatter [tilespmem:s16], [sflag:$0x1], $0x2800, s11, s10, $0x38;
	[tilespmem:$0xC800] =	vst v63  }
0x3e: {  	s2 =	sadd.s32 $0x1, s2;
	_ =	swait.ge [sflag:s13], $0x2800  }
0x3f: {  	p0 =	sne.s32 s2, s9;
	[sflag:s13] =	ssyncset.done $0x0  }
.Ltmp3:
0x40: {  	[sflag:s13] =	ssyncadd.s32 $0xFFFFD800;
	(pc) =	sbr.rel @p0 .LBB2_1-.Ltmp3, $4  }
0x41: {  	[hbm4b:s8+s10] =	stream.strided.scatter [tilespmem:s17], [sflag:$0x1], $0x2800, s11, s10, $0x38;
	[tilespmem:$0xC800] =	vst v63  }
0x42: {  	_ =	swait.ge [sflag:s13], $0x2800  }
0x43: {  	[sflag:s13] =	ssyncset.done $0x0  }
0x44: {  	[sflag:s13] =	ssyncadd.s32 $0xFFFFD800  }
0x45: {  	_ =	sfence.sel $0x180000  }
0x46: {  	[bflag:$0x0] =	sbarrier.arrive $0xFFFF  }
0x47: {  	p0 =	sne.s32 s0, $0x0;
	_ =	strace $0x9000004A  }
0x48: {  	s0 =	sadd.s32 @!p0 $0x100000, s1;
	[bflag:$0x2] =	sbarrier.arrive $0xFFFF  }
0x49: {  	[sflag:s0] =	ssyncadd.tile.s32 @!p0 $0x1;
	_ =	shalt  }
.Lfunc_end2:
_tile_overlayer_lowered:
.L_overlay_start_2:
0x4a: {  	(tag) =	ssettag $0x2  }
0x4b: {  	s0 =	rddreg [dreg:$0x0];
	s2 =	stileid.u32  }
0x4c: {  	s1 =	rddreg [dreg:$0x1];
	p0 =	sne.s32 s2, $0x0  }
0x4d: {  	s3 =	rddreg [dreg:$0x2];
	[bflag:$0x3] =	sbarrier.arrive $0xFFFF;
	s2 =	simm.s32 @!p0 $0x1C01  }
0x4e: {  	[timem:s3], [sflag:s2] =	dma.local @!p0 [hbm:s0], s1  }
0x4f: {  	s0 =	simm.s32 @!p0 $0x1  }
0x50: {  	_ =	swait.ge @!p0 [sflag:s0], s1  }
0x51: {  	s1 =	ssub.s32 @!p0 $0x0, s1;
	[sflag:s0] =	ssyncset.done @!p0 $0x0  }
0x52: {  	[sflag:s0] =	ssyncadd.s32 @!p0 s1  }
0x53: {  	[bflag:$0x3] =	sbarrier.arrive $0xFFFF  }
0x54: {  	_ =	shalt  }

// kernel: kernel.16.cloned.1.call-start
scs
__scs_entry_jumppad:
0x0: {  	(pc) =	sbr.rel $0x88, $3  }
0x1: {  	(tag) =	ssettag $0x0;
	lr =	simm.s32 $0x1  }
0x2: {  	[smem:$0x3F96] =	sst lr;
	_ =	strace $0xD0000000  }
0x3: {  	_ = 	snop  }
0x4: {  	_ = 	snop  }
0x5: {  	_ = 	snop  }
0x6: {  	_ = 	snop  }
0x7: {  	_ = 	snop  }
__scs_overlays_trampoline_lowered:
0x8: {  	[smem:$0x3FA5] =	sst s0  }
0x9: {  	[smem:$0x3FA6] =	sst s1  }
0xa: {  	[smem:$0x3FA7] =	sst s2  }
0xb: {  	[smem:$0x3FA8] =	sst s3  }
0xc: {  	[smem:$0x3FA9] =	sst s4  }
0xd: {  	[smem:$0x3FAA] =	sst s5  }
0xe: {  	[smem:$0x3FAB] =	sst s6  }
0xf: {  	[smem:$0x3FAC] =	sst s7  }
0x10: {  	[smem:$0x3FAD] =	sst s8  }
0x11: {  	[smem:$0x3FAE] =	sst s9;
	s0 =	simm.s32 @!p0 $0x0  }
0x12: {  	s1 =	sld [smem:$0x3F94];
	s0 =	simm.s32 @p0 $0x1  }
0x13: {  	[smem:$0x3FAF] =	sst s0;
	s0 =	simm.s32 @!p1 $0x0  }
0x14: {  	s2 =	sld [smem:$0x3F93];
	s0 =	simm.s32 @p1 $0x1  }
0x15: {  	[smem:$0x3FB0] =	sst s0;
	s0 =	simm.s32 @!p2 $0x0  }
0x16: {  	s3 =	sld [smem:$0x3FDB];
	s0 =	simm.s32 @p2 $0x1  }
0x17: {  	s4 =	simm.s32 $0x1BF5;
	[smem:$0x3FB2] =	sst s0  }
0x18: {  	s0 =	sld [smem:$0x3F95];
	_ =	swait.ge [sflag:s4], $0x0  }
0x19: {  	s7 =	sld [smem:$0x3F96]  }
0x1a: {  	s8 =	sadd.s32 $0xFFFFE003, lr  }
0x1b: {  	s9 =	sadd.s32 $0xFFFFFEF7, lr;
	s5 =	simm.s32 $0xFFFFFFFF;
	p2 =	slt.u32 s8, $0xFFFFF086  }
0x1c: {  	p1 =	slt.u32 s9, $0xF7A;
	s5 =	simm.s32 @!p2 $0x0  }
0x1d: {  	s5 =	simm.s32 @p1 $0x1;
	p0 =	seq.s32 s7, s2  }
0x1e: {  	s7 =	smul.u32 @!p0 $0xF7A, s2;
	p2 =	seq.s32 @!p0 s5, $0x0  }
0x1f: {  	s9 =	smul.u32 $0xF7A, s1;
	s8 =	simm.s32 @!p0 $0x1BF5;
	p2 =	por !p2, p0  }
0x20: {  	[sflag:s8] =	ssyncset.s32 @!p0 $0xFFFFF086;
	s6 =	sadd.s32 @!p0 s3, s7;
	s7 =	simm.s32 @!p0 $0x108  }
0x21: {  	s3 =	sadd.s32 s3, s9;
	s6 =	sadd.s32 @!p0 $0x88, s6;
	s7 =	simm.s32 @p2 $0x1082  }
0x22: {  	[simem:s7], [sflag:s8] =	dma.local @!p0 [hbm:s6], $0xF7A  }
0x23: {  	s9 =	sor.u32 $0xD0000000, s2;
	s6 =	simm.s32 $0x108;
	_ =	swait.ge @!p0 [sflag:s8], $0x0  }
0x24: {  	s3 =	sadd.s32 $0x88, s3;
	s6 =	simm.s32 @!p1 $0x1082;
	[sflag:s4] =	ssyncset.s32 $0xFFFFF086  }
0x25: {  	[simem:s6], [sflag:s4] =	dma.local [hbm:s3], $0xF7A  }
0x26: {  	[smem:$0x3F96] =	sst s1;
	(tag) =	ssettag s2;
	_ =	strace s9  }
0x27: {  	s1 =	sld [smem:$0x3FA6]  }
0x28: {  	s2 =	sld [smem:$0x3FA7]  }
0x29: {  	s4 =	sld [smem:$0x3FA9]  }
0x2a: {  	p0 =	seq.s32 s5, $0x0;
	s5 =	sld [smem:$0x3FAA]  }
0x2b: {  	s6 =	sld [smem:$0x3FAB]  }
0x2c: {  	s7 =	sld [smem:$0x3FAC]  }
0x2d: {  	s3 =	simm.s32 $0x108;
	s8 =	sld [smem:$0x3FAD]  }
0x2e: {  	s3 =	simm.s32 @!p0 $0x1082;
	s9 =	sld [smem:$0x3FAE]  }
0x2f: {  	lr =	sadd.s32 s0, s3;
	s0 =	sld [smem:$0x3FA5]  }
0x30: {  	s3 =	sld [smem:$0x3FA8]  }
0x31: {  	[smem:$0x3FB1] =	sst s10  }
0x32: {  	s10 =	sld [smem:$0x3FAF];
	_ =	sdelay $0x3  }
0x33: {  	p0 =	seq.s32 s10, $0x1;
	s10 =	sld [smem:$0x3FB1];
	_ =	sdelay $0x3  }
0x34: {  	[smem:$0x3FB1] =	sst s10  }
0x35: {  	s10 =	sld [smem:$0x3FB0];
	_ =	sdelay $0x3  }
0x36: {  	p1 =	seq.s32 s10, $0x1;
	s10 =	sld [smem:$0x3FB1];
	_ =	sdelay $0x3  }
0x37: {  	[smem:$0x3FB1] =	sst s10  }
0x38: {  	s10 =	sld [smem:$0x3FB2]  }
0x39: {  	_ = 	snop;
	(pc) =	sbr.ind lr, $3  }
0x3a: {  	_ = 	snop  }
0x3b: {  	_ = 	snop  }
0x3c: {  	p2 =	seq.s32 s10, $0x1;
	s10 =	sld [smem:$0x3FB1]  }
0x3d: {  	_ =	shalt  }
0x3e: {  	_ =	shalt  }
0x3f: {  	_ =	shalt  }
0x40: {  	_ =	shalt  }
0x41: {  	_ =	shalt  }
0x42: {  	_ =	shalt  }
0x43: {  	_ =	shalt  }
0x44: {  	_ =	shalt  }
0x45: {  	_ =	shalt  }
0x46: {  	_ =	shalt  }
0x47: {  	_ =	shalt  }
0x48: {  	_ =	shalt  }
0x49: {  	_ =	shalt  }
0x4a: {  	_ =	shalt  }
0x4b: {  	_ =	shalt  }
0x4c: {  	_ =	shalt  }
0x4d: {  	_ =	shalt  }
0x4e: {  	_ =	shalt  }
0x4f: {  	_ =	shalt  }
0x50: {  	_ =	shalt  }
0x51: {  	_ =	shalt  }
0x52: {  	_ =	shalt  }
0x53: {  	_ =	shalt  }
0x54: {  	_ =	shalt  }
0x55: {  	_ =	shalt  }
0x56: {  	_ =	shalt  }
0x57: {  	_ =	shalt  }
0x58: {  	_ =	shalt  }
0x59: {  	_ =	shalt  }
0x5a: {  	_ =	shalt  }
0x5b: {  	_ =	shalt  }
0x5c: {  	_ =	shalt  }
0x5d: {  	_ =	shalt  }
0x5e: {  	_ =	shalt  }
0x5f: {  	_ =	shalt  }
0x60: {  	_ =	shalt  }
0x61: {  	_ =	shalt  }
0x62: {  	_ =	shalt  }
0x63: {  	_ =	shalt  }
0x64: {  	_ =	shalt  }
0x65: {  	_ =	shalt  }
0x66: {  	_ =	shalt  }
0x67: {  	_ =	shalt  }
0x68: {  	_ =	shalt  }
0x69: {  	_ =	shalt  }
0x6a: {  	_ =	shalt  }
0x6b: {  	_ =	shalt  }
0x6c: {  	_ =	shalt  }
0x6d: {  	_ =	shalt  }
0x6e: {  	_ =	shalt  }
0x6f: {  	_ =	shalt  }
0x70: {  	_ =	shalt  }
0x71: {  	_ =	shalt  }
0x72: {  	_ =	shalt  }
0x73: {  	_ =	shalt  }
0x74: {  	_ =	shalt  }
0x75: {  	_ =	shalt  }
0x76: {  	_ =	shalt  }
0x77: {  	_ =	shalt  }
0x78: {  	_ =	shalt  }
0x79: {  	_ =	shalt  }
0x7a: {  	_ =	shalt  }
0x7b: {  	_ =	shalt  }
0x7c: {  	_ =	shalt  }
0x7d: {  	_ =	shalt  }
0x7e: {  	_ =	shalt  }
0x7f: {  	_ =	shalt  }
0x80: {  	_ =	shalt  }
0x81: {  	_ =	shalt  }
0x82: {  	_ =	shalt  }
0x83: {  	_ =	shalt  }
0x84: {  	_ =	shalt  }
0x85: {  	_ =	shalt  }
0x86: {  	_ =	shalt  }
0x87: {  	_ =	shalt  }
.Lfunc_end0:
.L_simem_size_0:
called_computation.2_lowered:
.L_overlay_start_0:
0x88: {  	s2 =	sld [smem:$0x3FD9]  }
0x89: {  	s3 =	sld [smem:$0x3FFE];
	_ =	sdelay $0x1  }
0x8a: {  	s1 =	srdreg.scid  }
0x8b: {  	s0 =	sand.u32 $0x1, s1  }
0x8c: {  	s16 =	sshll.u32 s0, $0xA;
	s2 =	sadd.s32 s3, s2  }
0x8d: {  	s2 =	sadd.s32 s2, s16  }
0x8e: {  	[smem:$0x3FBD] =	sst s2  }
0x8f: {  	_ = 	snop  }
0x90: {  	(tm) =	ssettm $0x1  }
0x91: {  	s17 =	sld [smem:$0x3FFB];
	_ =	sdelay $0x3  }
0x92: {  	_ =	strace s17  }
0x93: {  	s2 =	sld [smem:$0x3FFC];
	_ =	sdelay $0x3  }
0x94: {  	_ =	strace s2  }
0x95: {  	s2 =	sld [smem:$0x3FFD];
	_ =	sdelay $0x3  }
0x96: {  	_ =	strace s2  }
0x97: {  	_ =	strace $0x8FFFFFFF  }
0x98: {  	s18 =	sld [smem:$0x3FDB];
	_ =	sdelay $0x1  }
0x99: {  	s19 =	simm.s32 $_scs_section_size  }
0x9a: {  	s4 =	simm.s32 $_size__tile_overlayer_lowered;
	s5 =	simm.s32 $_tile_overlayer_lowered  }
0x9b: {  	s22 =	simm.s32 $0x1BFF;
	s21 =	sshll.u32 s5, $0x1;
	s2 =	sadd.s32 s19, s18  }
0x9c: {  	s6 =	simm.s32 $0x0;
	s20 =	sshll.u32 s4, $0x1;
	s4 =	sadd.s32 s21, s2  }
0x9d: {  	[timem:s6], [sflag:s22] =	dma.local [hbm:s4], s20  }
0x9e: {  	_ =	swait.ge [sflag:s22], s20  }
0x9f: {  	s3 =	ssub.s32 $0x0, s20;
	[sflag:s22] =	ssyncset.done $0x0  }
0xa0: {  	[sflag:s22] =	ssyncadd.s32 s3;
	_ =	sdelay $0x1  }
0xa1: {  	s23 =	simm.s32 $0x1B8B  }
0xa2: {  	_ =	swait.ge [sflag:s23], $0x1  }
0xa3: {  	[sflag:s23] =	ssyncset.done $0x0  }
0xa4: {  	s25 =	simm.s32 $0x1B8E;
	s24 =	sld [smem:$0x3FFE];
	[sflag:s23] =	ssyncadd.s32 $0xFFFFFFFF  }
0xa5: {  	s26 =	simm.s32 $execute0_lowered;
	[smem:$0x3FD2] =	sst s25  }
0xa6: {  	s4 =	sshll.u32 s26, $0x1;
	_ =	strace $0x8000004C;
	[dreg:$0x1] =	wrdreg $0xFFFFFFFF  }
0xa7: {  	s28 =	simm.s32 $_size_execute0_lowered;
	s2 =	sadd.s32 s2, s4;
	[dreg:$0x0] =	wrdreg $0x0  }
0xa8: {  	s4 =	sshll.u32 s28, $0x1;
	[dreg:$0x2] =	wrdreg s2  }
0xa9: {  	[dreg:$0x3] =	wrdreg s4  }
0xaa: {  	[dreg:$0x4] =	wrdreg $0xC0  }
0xab: {  	_ =	task [dreg:s6], $0x5FFFF  }
0xac: {  	[dreg:$0x1] =	wrdreg $0xFFFFFFFF  }
0xad: {  	[dreg:$0x0] =	wrdreg $0x60  }
0xae: {  	[dreg:$0x2] =	wrdreg s24  }
0xaf: {  	[dreg:$0x3] =	wrdreg $0x0  }
0xb0: {  	[dreg:$0x4] =	wrdreg $0x9  }
0xb1: {  	_ =	task.clear_ibuf [dreg:s6], $0x5FFFF;
	_ =	strace $0x9000004C  }
0xb2: {  	s29 =	simm.s32 $0x9;
	_ =	strace $0x8000004E  }
0xb3: {  	_ =	swait.ge [sflag:s29], $0x1  }
0xb4: {  	[sflag:s29] =	ssyncadd.s32 $0xFFFFFFFF  }
0xb5: {  	_ =	strace $0x9000004E  }
0xb6: {  	_ =	sfence  }
0xb7: {  	s30 =	sld [smem:$0x0];
	_ =	sdelay $0x2  }
0xb8: {  	s31 =	sshll.u32 s1, $0xD;
	s1 =	sshrl.u32 s1, $0x2  }
0xb9: {  	s3 =	sand.u32 $0x4000, s31;
	s1 =	sadd.s32 s1, s30  }
0xba: {  	s0 =	sor.u32 s3, s0;
	s1 =	sshll.u32 s1, $0x11  }
0xbb: {  	s0 =	sor.u32 s1, s0  }
0xbc: {  	s0 =	sadd.s32 $0x8F2B, s0  }
0xbd: {  	[sflag:s0] =	ssyncadd.remote.s32 $0x1  }
0xbe: {  	_ =	sfence.sel $0xFFFF  }
0xbf: {  	[dreg:$0x0] =	wrdreg $0xFFFFFFFF;
	(pc) =	sbr.abs _section_cstart, $3  }
0xc0: {  	[dreg:$0x1] =	wrdreg $0xFFFFFFFF  }
0xc1: {  	_ =	task.clear_ibuf [dreg:s6], $0x2FFFF;
	_ =	strace $0x9FFFFFFF  }
0xc2: {  	(tm) =	ssettm $0x7FFFFFFF  }
0xc3: {  	_ =	shalt  }
tec
execute0_lowered:
.L_overlay_start_1:
0x0: {  	(tag) =	ssettag $0x1  }
0x1: {  	s0 =	rddreg [dreg:$0x0]  }
0x2: {  	s1 =	rddreg [dreg:$0x1];
	s2 =	simm.s32 $0x0  }
0x3: {  	s9 =	srdreg.scid;
	[smem:$0x7FF] =	sst s2  }
0x4: {  	s4 =	sadd.s32 $0x13200, s0;
	s8 =	sadd.s32 $0x3800, s0;
	s3 =	sadd.s32 $0x7C200, s0  }
0x5: {  	s5 =	sadd.s32 $0xA4200, s0;
	s6 =	sadd.s32 $0xCC200, s0;
	s7 =	sadd.s32 $0x54200, s0  }
0x6: {  	s2 =	stileid.u32;
	s9 =	sand.u32 $0x1, s9;
	s10 =	sadd.s32 $0x9000, s0  }
0x7: {  	s23 =	sadd.s32 $0x143A00, s0;
	_ =	strace $0x8000004D;
	[dreg:$0x3] =	wrdreg s10  }
0x8: {  	s16 =	sadd.s32 $0x11C200, s0;
	s25 =	sadd.s32 $0x11BA00, s0;
	[dreg:$0xe] =	wrdreg s23  }
0x9: {  	s17 =	sadd.s32 $0x144200, s0;
	s26 =	sadd.s32 $0x193A00, s0;
	[dreg:$0xf] =	wrdreg s25  }
0xa: {  	s20 =	sadd.s32 $0x16C200, s0;
	s11 =	smul.u32 $0x2800, s2;
	[dreg:$0x10] =	wrdreg s26  }
0xb: {  	s15 =	ssub.s32 $0x2, s9;
	s13 =	smul.u32 $0x5, s2;
	[dreg:$0x4] =	wrdreg s16  }
0xc: {  	s24 =	smul.u32 $0x50000, s2;
	[dreg:$0x6] =	wrdreg s20;
	s12 =	sshrl.u32 s15, $0x1  }
0xd: {  	p0 =	sne.s32 s9, $0x0;
	[dreg:$0x5] =	wrdreg s17;
	s10 =	ssub.s32 s15, s12  }
0xe: {  	s18 =	sshrl.u32 s11, $0x3;
	s15 =	smul.u32 $0x500, s2;
	s9 =	sadd.s32 $0x1, s13  }
0xf: {  	s23 =	sadd.s32 $0x3, s13;
	s14 =	sadd.s32 s4, s18;
	s19 =	sadd.s32 s8, s18  }
0x10: {  	s21 =	sor.u32 $0x10, s18;
	s12 =	sor.u32 $0x20, s18;
	[dreg:$0x7] =	wrdreg s14  }
0x11: {  	s26 =	sshll.u32 s23, $0xE;
	[dreg:$0x8] =	wrdreg s19;
	s18 =	sadd.s32 s4, s21  }
0x12: {  	s14 =	sadd.s32 s8, s21;
	s22 =	sadd.s32 s4, s12;
	[dreg:$0x9] =	wrdreg s18  }
0x13: {  	s12 =	sadd.s32 s8, s12;
	s19 =	sadd.s32 s15, s4;
	[dreg:$0xa] =	wrdreg s14  }
0x14: {  	s4 =	sshrl.u32 s24, $0x2;
	s21 =	sshll.u32 s9, $0xE;
	[dreg:$0xb] =	wrdreg s22  }
0x15: {  	[dreg:$0xc] =	wrdreg s12;
	s14 =	sadd.s32 $0xF4200, s0;
	s0 =	sadd.s32 $0x16BA00, s0  }
0x16: {  	s18 =	sadd.s32 s15, s8;
	s15 =	smax.u32 s10, $0x1;
	[dreg:$0x11] =	wrdreg s0  }
0x17: {  	s24 =	sadd.s32 $0x4, s13;
	s12 =	sadd.s32 s26, s1;
	[dreg:$0x12] =	wrdreg s15  }
0x18: {  	s21 =	sadd.s32 s21, s1;
	s22 =	sadd.s32 $0x2, s13;
	[dreg:$0x16] =	wrdreg s12  }
0x19: {  	s15 =	sadd.s32 s4, s1;
	s25 =	sshll.u32 s22, $0xE;
	[dreg:$0xd] =	wrdreg s14  }
0x1a: {  	s4 =	sshll.u32 s9, $0xB;
	s9 =	sshll.u32 s24, $0xB;
	[dreg:$0x14] =	wrdreg s21  }
0x1b: {  	s0 =	sshll.u32 s22, $0xB;
	s22 =	sadd.s32 s16, s11;
	[dreg:$0x18] =	wrdreg s9  }
0x1c: {  	s8 =	sshll.u32 s23, $0xB;
	s23 =	sadd.s32 s14, s11;
	[dreg:$0x19] =	wrdreg s22  }
0x1d: {  	s13 =	sshll.u32 s24, $0xE;
	s24 =	sadd.s32 s20, s11;
	[dreg:$0x1a] =	wrdreg s23  }
0x1e: {  	s31 =	simm.s32 $0x9;
	[dreg:$0x1b] =	wrdreg s24  }
0x1f: {  	s28 =	simm.s32 $0xC;
	s10 =	sadd.s32 s25, s1;
	[dreg:$0x13] =	wrdreg s15  }
0x20: {  	s29 =	simm.s32 $0xD;
	s25 =	sadd.s32 s17, s11;
	[dreg:$0x15] =	wrdreg s10  }
0x21: {  	s30 =	simm.s32 $0xE;
	s26 =	sadd.s32 s16, s4;
	[dreg:$0x1c] =	wrdreg s25  }
0x22: {  	p1 =	seq.s32 s2, $0xF;
	s11 =	sadd.s32 s20, s4;
	[dreg:$0x1d] =	wrdreg s26  }
0x23: {  	p2 =	sne.s32 s2, $0xF;
	s12 =	sadd.s32 s16, s0;
	[dreg:$0x1f] =	wrdreg s11  }
0x24: {  	s22 =	sadd.s32 s20, s0;
	s23 =	sadd.s32 s16, s8;
	[smem:$0x7F6] =	sst s12  }
0x25: {  	s24 =	sadd.s32 s14, s8;
	s16 =	simm.s32 $0x5;
	[smem:$0x7F8] =	sst s22  }
0x26: {  	s10 =	sadd.s32 s13, s1;
	s13 =	sadd.s32 s14, s0;
	[smem:$0x7FA] =	sst s23  }
0x27: {  	s0 =	sadd.s32 s17, s0;
	[smem:$0x7FB] =	sst s24;
	s25 =	sadd.s32 s20, s8  }
0x28: {  	s26 =	sadd.s32 s17, s8;
	s22 =	simm.s32 $0x13;
	s24 =	simm.s32 $0x2  }
0x29: {  	s23 =	simm.s32 $0x7;
	s11 =	simm.s32 $0x8;
	[dreg:$0x17] =	wrdreg s10  }
0x2a: {  	s8 =	simm.s32 $0x10;
	s12 =	simm.s32 $0x11;
	[smem:$0x7F7] =	sst s13  }
.Ltmp0:
0x2b: {  	s20 =	simm.s32 $0x0;
	[smem:$0x7F9] =	sst s0;
	(pc) =	sbr.rel .LBB2_1-.Ltmp0, $4  }
0x2c: {  	s10 =	sadd.s32 s14, s4;
	s4 =	sadd.s32 s17, s4;
	[smem:$0x7FC] =	sst s25  }
0x2d: {  	[smem:$0x7FD] =	sst s26;
	s0 =	simm.s32 $0x20;
	s17 =	simm.s32 $0x4  }
0x2e: {  	s25 =	simm.s32 $0xA;
	s26 =	simm.s32 $0xB;
	[dreg:$0x1e] =	wrdreg s10  }
0x2f: {  	s13 =	simm.s32 $0x12;
	[smem:$0x7F5] =	sst s4;
	s10 =	simm.s32 $0x13C00  }
.LBB2_24:
0x30: {  	s2 =	stileid.u32;
	s4 =	rddreg [dreg:$0x18]  }
0x31: {  	s9 =	rddreg [dreg:$0x17];
	s2 =	sshll.u32 s2, $0x6  }
0x32: {  	s4 =	sadd.s32 s14, s4;
	s9 =	sshrl.u32 s9, $0x3;
	s2 =	sor.u32 $0x1C13, s2  }
0x33: {  	[hbm:s4], [sflag:s2] =	dma.local [spmem:s9], $0x800  }
0x34: {  	_ =	swait.ge [sflag:s22], $0x800  }
0x35: {  	[sflag:s22] =	ssyncset.done $0x0  }
0x36: {  	[sflag:s22] =	ssyncadd.s32 $0xFFFFF800  }
.LBB2_25:
0x37: {  	s20 =	sadd.s32 $0x1, s20;
	s2 =	rddreg [dreg:$0x12]  }
0x38: {  	p3 =	sne.s32 s20, s2  }
.Ltmp1:
0x39: {  	_ = 	snop;
	(pc) =	sbr.rel @!p3 .LBB2_26-.Ltmp1, $3  }
0x3a: {  	_ =	sdelay $0x1  }
0x3b: {  	[bflag:$0x0] =	sbarrier.arrive $0xFFFF  }
0x3c: {  	s10 =	simm.s32 $0x13C00  }
.LBB2_1:
0x3d: {  	[smem:$0x7F4] =	sst s20  }
0x3e: {  	s2 =	simm.s32 $0x0;
	s4 =	rddreg [dreg:$0x3]  }
0x3f: {  	[tilespmem:s10], [sflag:$0x13] =	stream.linear.gather [hbm4b:s4+s2], $0x4000, $0x38;
	[tilespmem:$0x1FF00] =	vst v63  }
0x40: {  	_ =	swait.ge [sflag:s22], $0x4000  }
0x41: {  	[sflag:s22] =	ssyncset.done $0x0  }
0x42: {  	[sflag:s22] =	ssyncadd.s32 $0xFFFFC000  }
0x43: {  	[spmem:s15] =	stream.linear.scatter [tilespmem:s10], [sflag:$0x13], $0x4000, $0x38;
	[tilespmem:$0x1FF00] =	vst v63  }
0x44: {  	_ =	swait.ge [sflag:s22], $0x4000  }
0x45: {  	[sflag:s22] =	ssyncset.done $0x0  }
0x46: {  	[sflag:s22] =	ssyncadd.s32 $0xFFFFC000  }
0x47: {  	[spmem:s21] =	stream.linear.scatter [tilespmem:s10], [sflag:$0x13], $0x4000, $0x38;
	[tilespmem:$0x1FF00] =	vst v63  }
0x48: {  	_ =	swait.ge [sflag:s22], $0x4000  }
0x49: {  	[sflag:s22] =	ssyncset.done $0x0  }
0x4a: {  	s20 =	rddreg [dreg:$0x15];
	[sflag:s22] =	ssyncadd.s32 $0xFFFFC000  }
0x4b: {  	[spmem:s20] =	stream.linear.scatter [tilespmem:s10], [sflag:$0x13], $0x4000, $0x38;
	[tilespmem:$0x1FF00] =	vst v63  }
0x4c: {  	_ =	swait.ge [sflag:s22], $0x4000  }
0x4d: {  	[sflag:s22] =	ssyncset.done $0x0  }
0x4e: {  	s21 =	rddreg [dreg:$0x16];
	[sflag:s22] =	ssyncadd.s32 $0xFFFFC000  }
0x4f: {  	[spmem:s21] =	stream.linear.scatter [tilespmem:s10], [sflag:$0x13], $0x4000, $0x38;
	[tilespmem:$0x1FF00] =	vst v63  }
0x50: {  	_ =	swait.ge [sflag:s22], $0x4000  }
0x51: {  	[sflag:s22] =	ssyncset.done $0x0  }
0x52: {  	s14 =	simm.s32 @!p1 $0x13C00;
	s2 =	rddreg [dreg:$0x17];
	[sflag:s22] =	ssyncadd.s32 $0xFFFFC000  }
0x53: {  	[spmem:s2] =	stream.linear.scatter @!p1 [tilespmem:s14], [sflag:$0x13], $0x4000, $0x38;
	[tilespmem:$0x1FF00] =	vst v63  }
0x54: {  	s14 =	simm.s32 @!p1 $0x13  }
.Ltmp2:
0x55: {  	_ =	swait.ge @!p1 [sflag:s14], $0x4000;
	(pc) =	sbr.rel @p0 .LBB2_5-.Ltmp2, $3  }
0x56: {  	[sflag:s14] =	ssyncset.done @!p1 $0x0  }
0x57: {  	[sflag:s14] =	ssyncadd.s32 @!p1 $0xFFFFC000  }
0x58: {  	[bflag:$0x0] =	sbarrier.arrive $0xFFFF;
	_ =	sdelay $0x1  }
0x59: {  	s14 =	simm.s32 @!p2 $0x0;
	s15 =	simm.s32 @!p2 $0x13C00;
	s2 =	rddreg [dreg:$0xf]  }
0x5a: {  	[hbm4b:s2+s14] =	stream.linear.scatter @!p2 [tilespmem:s15], [sflag:$0x13], $0x4000, $0x38;
	[tilespmem:$0x1FF00] =	vst v63  }
0x5b: {  	s14 =	simm.s32 @!p2 $0x13  }
0x5c: {  	_ =	swait.ge @!p2 [sflag:s14], $0x4000  }
0x5d: {  	s4 =	simm.s32 $0x1FC00;
	[sflag:s14] =	ssyncset.done @!p2 $0x0  }
0x5e: {  	s20 =	rddreg [dreg:$0x7];
	[sflag:s14] =	ssyncadd.s32 @!p2 $0xFFFFC000;
	s14 =	simm.s32 $0x0  }
0x5f: {  	[tilespmem:s4], [sflag:$0x1] =	stream.linear.gather [hbm4b:s20+s14], $0x80, $0x38;
	[tilespmem:$0x1FF00] =	vst v63  }
0x60: {  	s9 =	simm.s32 $0x1FD80;
	s21 =	rddreg [dreg:$0x8]  }
0x61: {  	[tilespmem:s9], [sflag:$0x4] =	stream.linear.gather [hbm4b:s21+s14], $0x80, $0x38;
	[tilespmem:$0x1FF00] =	vst v63  }
0x62: {  	s15 =	rddreg [dreg:$0x9];
	s9 =	simm.s32 $0x1FC80  }
0x63: {  	[tilespmem:s9], [sflag:$0x2] =	stream.linear.gather [hbm4b:s15+s14], $0x80, $0x38;
	[tilespmem:$0x1FF00] =	vst v63  }
0x64: {  	s20 =	rddreg [dreg:$0xa];
	s21 =	simm.s32 $0x1FE00  }
0x65: {  	[tilespmem:s21], [sflag:$0x5] =	stream.linear.gather [hbm4b:s20+s14], $0x80, $0x38;
	[tilespmem:$0x1FF00] =	vst v63  }
0x66: {  	s15 =	simm.s32 $0x1FD00;
	s20 =	rddreg [dreg:$0xb]  }
0x67: {  	[tilespmem:s15], [sflag:$0x3] =	stream.linear.gather [hbm4b:s20+s14], $0x80, $0x38;
	[tilespmem:$0x1FF00] =	vst v63  }
0x68: {  	s21 =	rddreg [dreg:$0xc];
	s20 =	simm.s32 $0x1FE80  }
0x69: {  	[tilespmem:s20], [sflag:$0x6] =	stream.linear.gather [hbm4b:s21+s14], $0x80, $0x38;
	[tilespmem:$0x1FF00] =	vst v63  }
0x6a: {  	s21 =	simm.s32 $0x1  }
0x6b: {  	_ =	swait.ge [sflag:s21], $0x80  }
0x6c: {  	[sflag:s21] =	ssyncset.done $0x0  }
0x6d: {  	[sflag:s21] =	ssyncadd.s32 $0xFFFFFF80  }
0x6e: {  	[tilespmem:s10], [sflag:$0x7] =	stream.indirect.gather [hbm4b:s3+s0], $0x80, s4, s0, $0xb8;
	[tilespmem:$0x1FF00] =	vst v63  }
0x6f: {  	s20 =	simm.s32 $0x1FC20;
	s21 =	simm.s32 $0x14C00  }
0x70: {  	[tilespmem:s21], [sflag:$0x8] =	stream.indirect.gather [hbm4b:s3+s0], $0x80, s20, s0, $0xb8;
	[tilespmem:$0x1FF00] =	vst v63  }
0x71: {  	s4 =	simm.s32 $0x1FC40;
	s10 =	simm.s32 $0x15C00  }
0x72: {  	[tilespmem:s10], [sflag:$0x9] =	stream.indirect.gather [hbm4b:s3+s0], $0x80, s4, s0, $0xb8;
	[tilespmem:$0x1FF00] =	vst v63  }
0x73: {  	s20 =	simm.s32 $0x1FC60;
	s21 =	simm.s32 $0x16C00  }
0x74: {  	[tilespmem:s21], [sflag:$0xA] =	stream.indirect.gather [hbm4b:s3+s0], $0x80, s20, s0, $0xb8;
	[tilespmem:$0x1FF00] =	vst v63  }
0x75: {  	_ =	swait.ge [sflag:s24], $0x80  }
0x76: {  	[sflag:s24] =	ssyncset.done $0x0  }
0x77: {  	s4 =	simm.s32 $0x17C00;
	[sflag:s24] =	ssyncadd.s32 $0xFFFFFF80  }
0x78: {  	[tilespmem:s4], [sflag:$0xB] =	stream.indirect.gather [hbm4b:s3+s0], $0x80, s9, s0, $0xb8;
	[tilespmem:$0x1FF00] =	vst v63  }
0x79: {  	s10 =	simm.s32 $0x18C00;
	s9 =	simm.s32 $0x1FCA0  }
0x7a: {  	[tilespmem:s10], [sflag:$0xC] =	stream.indirect.gather [hbm4b:s3+s0], $0x80, s9, s0, $0xb8;
	[tilespmem:$0x1FF00] =	vst v63  }
0x7b: {  	s20 =	simm.s32 $0x1FCC0;
	s21 =	simm.s32 $0x19C00  }
0x7c: {  	[tilespmem:s21], [sflag:$0xD] =	stream.indirect.gather [hbm4b:s3+s0], $0x80, s20, s0, $0xb8;
	[tilespmem:$0x1FF00] =	vst v63  }
0x7d: {  	s9 =	simm.s32 $0x1FCE0;
	s10 =	simm.s32 $0x1AC00;
	s20 =	simm.s32 $0x3  }
0x7e: {  	[tilespmem:s10], [sflag:$0xE] =	stream.indirect.gather [hbm4b:s3+s0], $0x80, s9, s0, $0xb8;
	[tilespmem:$0x1FF00] =	vst v63  }
0x7f: {  	_ =	swait.ge [sflag:s20], $0x80  }
0x80: {  	[sflag:s20] =	ssyncset.done $0x0  }
0x81: {  	s21 =	simm.s32 $0x1BC00;
	[sflag:s20] =	ssyncadd.s32 $0xFFFFFF80  }
0x82: {  	[tilespmem:s21], [sflag:$0xF] =	stream.indirect.gather [hbm4b:s3+s0], $0x80, s15, s0, $0xb8;
	[tilespmem:$0x1FF00] =	vst v63  }
0x83: {  	s4 =	simm.s32 $0x1FD20;
	s9 =	simm.s32 $0x1CC00  }
0x84: {  	[tilespmem:s9], [sflag:$0x10] =	stream.indirect.gather [hbm4b:s3+s0], $0x80, s4, s0, $0xb8;
	[tilespmem:$0x1FF00] =	vst v63  }
0x85: {  	s10 =	simm.s32 $0x1FD40;
	s15 =	simm.s32 $0x1DC00  }
0x86: {  	[tilespmem:s15], [sflag:$0x11] =	stream.indirect.gather [hbm4b:s3+s0], $0x80, s10, s0, $0xb8;
	[tilespmem:$0x1FF00] =	vst v63  }
0x87: {  	s20 =	simm.s32 $0x1FD60;
	s21 =	simm.s32 $0x1EC00;
	s15 =	simm.s32 $0x0  }
0x88: {  	[tilespmem:s21], [sflag:$0x12] =	stream.indirect.gather [hbm4b:s3+s0], $0x80, s20, s0, $0xb8;
	[tilespmem:$0x1FF00] =	vst v63  }
.LBB2_3:
0x89: {  	_ =	swait.ge [sflag:s17], $0x80  }
0x8a: {  	[sflag:s17] =	ssyncset.done $0x0  }
0x8b: {  	[sflag:s17] =	ssyncadd.s32 $0xFFFFFF80  }
0x8c: {  	_ =	swait.ge [sflag:s23], $0x1000  }
0x8d: {  	[sflag:s23] =	ssyncset.done $0x0  }
0x8e: {  	[sflag:s23] =	ssyncadd.s32 $0xFFFFF000  }
0x8f: {  	_ =	swait.ge [sflag:s11], $0x1000  }
0x90: {  	[sflag:s11] =	ssyncset.done $0x0  }
0x91: {  	[sflag:s11] =	ssyncadd.s32 $0xFFFFF000  }
0x92: {  	_ =	swait.ge [sflag:s31], $0x1000  }
0x93: {  	[sflag:s31] =	ssyncset.done $0x0  }
0x94: {  	[sflag:s31] =	ssyncadd.s32 $0xFFFFF000  }
0x95: {  	p3 =	seq.s32 s14, $0x4E0;
	_ =	swait.ge [sflag:s25], $0x1000  }
0x96: {  	s2 =	simm.s32 @p3 $0x80;
	[sflag:s25] =	ssyncset.done $0x0  }
0x97: {  	s10 =	simm.s32 @p3 $0x1FD80;
	s20 =	simm.s32 @p3 $0x13C00;
	[sflag:s25] =	ssyncadd.s32 $0xFFFFF000  }
0x98: {  	[spmem:s1] =	stream.indirect.scatter.add.f32 @p3 [tilespmem:s20], [sflag:$0x13], $0x80, s10, s2, $0xb8;
	[tilespmem:$0x1FF00] =	vst v63  }
0x99: {  	s2 =	simm.s32 @p3 $0x13  }
0x9a: {  	_ =	swait.ge @p3 [sflag:s2], $0x4000  }
0x9b: {  	[sflag:s2] =	ssyncset.done @p3 $0x0  }
0x9c: {  	[sflag:s2] =	ssyncadd.s32 @p3 $0xFFFFC000;
	s2 =	sadd.s32 @!p3 s14, s19  }
0x9d: {  	s10 =	simm.s32 @!p3 $0x0;
	s20 =	simm.s32 @!p3 $0x1FC00;
	s2 =	sadd.s32 @!p3 $0x30, s2  }
0x9e: {  	[tilespmem:s20], [sflag:$0x1] =	stream.linear.gather @!p3 [hbm4b:s2+s10], $0x80, $0x38;
	[tilespmem:$0x1FF00] =	vst v63  }
0x9f: {  	s9 =	simm.s32 @!p3 $0x1FD80;
	s21 =	simm.s32 @!p3 $0x13C00;
	s2 =	simm.s32 @!p3 $0x80  }
0xa0: {  	[spmem:s1] =	stream.indirect.scatter.add.f32 @!p3 [tilespmem:s21], [sflag:$0x13], $0x80, s9, s2, $0xb8;
	[tilespmem:$0x1FF00] =	vst v63  }
0xa1: {  	s2 =	simm.s32 @!p3 $0x13  }
0xa2: {  	_ =	swait.ge @!p3 [sflag:s2], $0x4000  }
0xa3: {  	s4 =	sadd.s32 @!p3 s14, s18;
	[sflag:s2] =	ssyncset.done @!p3 $0x0  }
0xa4: {  	[sflag:s2] =	ssyncadd.s32 @!p3 $0xFFFFC000;
	s2 =	sadd.s32 @!p3 $0x30, s4  }
0xa5: {  	[tilespmem:s9], [sflag:$0x4] =	stream.linear.gather @!p3 [hbm4b:s2+s10], $0x80, $0x38;
	[tilespmem:$0x1FF00] =	vst v63  }
0xa6: {  	s2 =	simm.s32 @!p3 $0x1  }
0xa7: {  	_ =	swait.ge @!p3 [sflag:s2], $0x80  }
0xa8: {  	[sflag:s2] =	ssyncset.done @!p3 $0x0  }
0xa9: {  	[sflag:s2] =	ssyncadd.s32 @!p3 $0xFFFFFF80;
	s2 =	simm.s32 @!p3 $0x20  }
0xaa: {  	[tilespmem:s21], [sflag:$0x7] =	stream.indirect.gather @!p3 [hbm4b:s3+s2], $0x80, s20, s2, $0xb8;
	[tilespmem:$0x1FF00] =	vst v63  }
0xab: {  	s4 =	simm.s32 @!p3 $0x1FC20;
	s9 =	simm.s32 @!p3 $0x14C00  }
0xac: {  	[tilespmem:s9], [sflag:$0x8] =	stream.indirect.gather @!p3 [hbm4b:s3+s2], $0x80, s4, s2, $0xb8;
	[tilespmem:$0x1FF00] =	vst v63  }
0xad: {  	s4 =	simm.s32 @!p3 $0x1FC40;
	s9 =	simm.s32 @!p3 $0x15C00  }
0xae: {  	[tilespmem:s9], [sflag:$0x9] =	stream.indirect.gather @!p3 [hbm4b:s3+s2], $0x80, s4, s2, $0xb8;
	[tilespmem:$0x1FF00] =	vst v63  }
0xaf: {  	s4 =	simm.s32 @!p3 $0x1FC60;
	s9 =	simm.s32 @!p3 $0x16C00  }
0xb0: {  	[tilespmem:s9], [sflag:$0xA] =	stream.indirect.gather @!p3 [hbm4b:s3+s2], $0x80, s4, s2, $0xb8;
	[tilespmem:$0x1FF00] =	vst v63  }
0xb1: {  	_ =	swait.ge [sflag:s16], $0x80  }
0xb2: {  	[sflag:s16] =	ssyncset.done $0x0  }
0xb3: {  	[sflag:s16] =	ssyncadd.s32 $0xFFFFFF80  }
0xb4: {  	_ =	swait.ge [sflag:s26], $0x1000  }
0xb5: {  	[sflag:s26] =	ssyncset.done $0x0  }
0xb6: {  	[sflag:s26] =	ssyncadd.s32 $0xFFFFF000  }
0xb7: {  	_ =	swait.ge [sflag:s28], $0x1000  }
0xb8: {  	[sflag:s28] =	ssyncset.done $0x0  }
0xb9: {  	[sflag:s28] =	ssyncadd.s32 $0xFFFFF000  }
0xba: {  	_ =	swait.ge [sflag:s29], $0x1000  }
.Ltmp3:
0xbb: {  	[sflag:s29] =	ssyncset.done $0x0;
	(pc) =	sbr.rel @p3 .LBB2_8-.Ltmp3, $4  }
0xbc: {  	[sflag:s29] =	ssyncadd.s32 $0xFFFFF000  }
0xbd: {  	_ =	swait.ge [sflag:s30], $0x1000  }
0xbe: {  	[sflag:s30] =	ssyncset.done $0x0  }
0xbf: {  	[sflag:s30] =	ssyncadd.s32 $0xFFFFF000  }
0xc0: {  	s2 =	sadd.s32 s14, s19  }
0xc1: {  	s4 =	simm.s32 $0x0;
	s9 =	simm.s32 $0x1FC80;
	s2 =	sadd.s32 $0x40, s2  }
0xc2: {  	[tilespmem:s9], [sflag:$0x2] =	stream.linear.gather [hbm4b:s2+s4], $0x80, $0x38;
	[tilespmem:$0x1FF00] =	vst v63  }
0xc3: {  	s10 =	simm.s32 $0x1FE00;
	s20 =	simm.s32 $0x17C00;
	s21 =	simm.s32 $0x80  }
0xc4: {  	[spmem:s1] =	stream.indirect.scatter.add.f32 [tilespmem:s20], [sflag:$0x13], $0x80, s10, s21, $0xb8;
	[tilespmem:$0x1FF00] =	vst v63  }
0xc5: {  	_ =	swait.ge [sflag:s22], $0x4000  }
0xc6: {  	s21 =	sadd.s32 s14, s18;
	[sflag:s22] =	ssyncset.done $0x0  }
0xc7: {  	s2 =	sadd.s32 $0x40, s21;
	[sflag:s22] =	ssyncadd.s32 $0xFFFFC000  }
0xc8: {  	[tilespmem:s10], [sflag:$0x5] =	stream.linear.gather [hbm4b:s2+s4], $0x80, $0x38;
	[tilespmem:$0x1FF00] =	vst v63  }
0xc9: {  	_ =	swait.ge [sflag:s24], $0x80  }
0xca: {  	[sflag:s24] =	ssyncset.done $0x0  }
0xcb: {  	[sflag:s24] =	ssyncadd.s32 $0xFFFFFF80  }
0xcc: {  	[tilespmem:s20], [sflag:$0xB] =	stream.indirect.gather [hbm4b:s3+s0], $0x80, s9, s0, $0xb8;
	[tilespmem:$0x1FF00] =	vst v63  }
0xcd: {  	s10 =	simm.s32 $0x18C00;
	s9 =	simm.s32 $0x1FCA0  }
0xce: {  	[tilespmem:s10], [sflag:$0xC] =	stream.indirect.gather [hbm4b:s3+s0], $0x80, s9, s0, $0xb8;
	[tilespmem:$0x1FF00] =	vst v63  }
0xcf: {  	s21 =	simm.s32 $0x19C00;
	s20 =	simm.s32 $0x1FCC0  }
0xd0: {  	[tilespmem:s21], [sflag:$0xD] =	stream.indirect.gather [hbm4b:s3+s0], $0x80, s20, s0, $0xb8;
	[tilespmem:$0x1FF00] =	vst v63  }
0xd1: {  	s9 =	simm.s32 $0x1FCE0;
	s10 =	simm.s32 $0x1AC00;
	s20 =	simm.s32 $0x6  }
0xd2: {  	[tilespmem:s10], [sflag:$0xE] =	stream.indirect.gather [hbm4b:s3+s0], $0x80, s9, s0, $0xb8;
	[tilespmem:$0x1FF00] =	vst v63  }
0xd3: {  	_ =	swait.ge [sflag:s20], $0x80  }
0xd4: {  	[sflag:s20] =	ssyncset.done $0x0  }
0xd5: {  	s21 =	simm.s32 $0xF;
	[sflag:s20] =	ssyncadd.s32 $0xFFFFFF80  }
0xd6: {  	_ =	swait.ge [sflag:s21], $0x1000  }
0xd7: {  	[sflag:s21] =	ssyncset.done $0x0  }
0xd8: {  	[sflag:s21] =	ssyncadd.s32 $0xFFFFF000  }
0xd9: {  	_ =	swait.ge [sflag:s8], $0x1000  }
0xda: {  	[sflag:s8] =	ssyncset.done $0x0  }
0xdb: {  	[sflag:s8] =	ssyncadd.s32 $0xFFFFF000  }
0xdc: {  	_ =	swait.ge [sflag:s12], $0x1000  }
0xdd: {  	[sflag:s12] =	ssyncset.done $0x0  }
0xde: {  	[sflag:s12] =	ssyncadd.s32 $0xFFFFF000  }
0xdf: {  	p3 =	sgt.u32 s15, $0x18;
	_ =	swait.ge [sflag:s13], $0x1000  }
0xe0: {  	s2 =	simm.s32 @p3 $0x80;
	[sflag:s13] =	ssyncset.done $0x0  }
0xe1: {  	s4 =	simm.s32 @p3 $0x1FE80;
	s9 =	simm.s32 @p3 $0x1BC00;
	[sflag:s13] =	ssyncadd.s32 $0xFFFFF000  }
0xe2: {  	[spmem:s1] =	stream.indirect.scatter.add.f32 @p3 [tilespmem:s9], [sflag:$0x13], $0x80, s4, s2, $0xb8;
	[tilespmem:$0x1FF00] =	vst v63  }
0xe3: {  	s2 =	simm.s32 @p3 $0x13  }
0xe4: {  	_ =	swait.ge @p3 [sflag:s2], $0x4000  }
0xe5: {  	[sflag:s2] =	ssyncset.done @p3 $0x0  }
0xe6: {  	[sflag:s2] =	ssyncadd.s32 @p3 $0xFFFFC000;
	s2 =	sadd.s32 @!p3 s14, s19  }
0xe7: {  	s4 =	simm.s32 @!p3 $0x0;
	s9 =	simm.s32 @!p3 $0x1FD00;
	s2 =	sadd.s32 @!p3 $0x50, s2  }
0xe8: {  	[tilespmem:s9], [sflag:$0x3] =	stream.linear.gather @!p3 [hbm4b:s2+s4], $0x80, $0x38;
	[tilespmem:$0x1FF00] =	vst v63  }
0xe9: {  	s10 =	simm.s32 @!p3 $0x1FE80;
	s20 =	simm.s32 @!p3 $0x1BC00;
	s2 =	simm.s32 @!p3 $0x80  }
0xea: {  	[spmem:s1] =	stream.indirect.scatter.add.f32 @!p3 [tilespmem:s20], [sflag:$0x13], $0x80, s10, s2, $0xb8;
	[tilespmem:$0x1FF00] =	vst v63  }
0xeb: {  	s2 =	simm.s32 @!p3 $0x13  }
0xec: {  	_ =	swait.ge @!p3 [sflag:s2], $0x4000  }
0xed: {  	s21 =	sadd.s32 @!p3 s14, s18;
	[sflag:s2] =	ssyncset.done @!p3 $0x0  }
0xee: {  	[sflag:s2] =	ssyncadd.s32 @!p3 $0xFFFFC000;
	s2 =	sadd.s32 @!p3 $0x50, s21  }
0xef: {  	[tilespmem:s10], [sflag:$0x6] =	stream.linear.gather @!p3 [hbm4b:s2+s4], $0x80, $0x38;
	[tilespmem:$0x1FF00] =	vst v63  }
0xf0: {  	s2 =	simm.s32 @!p3 $0x3  }
0xf1: {  	_ =	swait.ge @!p3 [sflag:s2], $0x80  }
0xf2: {  	[sflag:s2] =	ssyncset.done @!p3 $0x0  }
0xf3: {  	[sflag:s2] =	ssyncadd.s32 @!p3 $0xFFFFFF80;
	s2 =	simm.s32 @!p3 $0x20  }
0xf4: {  	[tilespmem:s20], [sflag:$0xF] =	stream.indirect.gather @!p3 [hbm4b:s3+s2], $0x80, s9, s2, $0xb8;
	[tilespmem:$0x1FF00] =	vst v63  }
0xf5: {  	s4 =	simm.s32 @!p3 $0x1FD20;
	s9 =	simm.s32 @!p3 $0x1CC00  }
0xf6: {  	[tilespmem:s9], [sflag:$0x10] =	stream.indirect.gather @!p3 [hbm4b:s3+s2], $0x80, s4, s2, $0xb8;
	[tilespmem:$0x1FF00] =	vst v63  }
0xf7: {  	s4 =	simm.s32 @!p3 $0x1FD40;
	s9 =	simm.s32 @!p3 $0x1DC00  }
0xf8: {  	[tilespmem:s9], [sflag:$0x11] =	stream.indirect.gather @!p3 [hbm4b:s3+s2], $0x80, s4, s2, $0xb8;
	[tilespmem:$0x1FF00] =	vst v63  }
0xf9: {  	s14 =	sadd.s32 $0x30, s14;
	s4 =	simm.s32 @!p3 $0x1FD60;
	s9 =	simm.s32 @!p3 $0x1EC00  }
0xfa: {  	[tilespmem:s9], [sflag:$0x12] =	stream.indirect.gather @!p3 [hbm4b:s3+s2], $0x80, s4, s2, $0xb8;
	[tilespmem:$0x1FF00] =	vst v63  }
0xfb: {  	p3 =	seq.s32 s14, $0x510  }
.Ltmp4:
0xfc: {  	_ = 	snop;
	(pc) =	sbr.rel @!p3 .LBB2_3-.Ltmp4, $4  }
.Ltmp5:
0xfd: {  	_ = 	snop;
	(pc) =	sbr.rel @p3 .LBB2_9-.Ltmp5, $4  }
0xfe: {  	_ = 	snop  }
0xff: {  	_ = 	snop  }
0x100: {  	s15 =	sadd.s32 $0x1, s15  }
0x101: {  	_ = 	snop  }
.LBB2_5:
0x102: {  	s2 =	simm.s32 @!p2 $0x0;
	s4 =	simm.s32 @!p2 $0x13C00;
	s9 =	rddreg [dreg:$0xe]  }
0x103: {  	[hbm4b:s9+s2] =	stream.linear.scatter @!p2 [tilespmem:s4], [sflag:$0x13], $0x4000, $0x38;
	[tilespmem:$0x1FF00] =	vst v63  }
0x104: {  	s2 =	simm.s32 @!p2 $0x13  }
0x105: {  	_ =	swait.ge @!p2 [sflag:s2], $0x4000  }
0x106: {  	s14 =	simm.s32 $0x0;
	[sflag:s2] =	ssyncset.done @!p2 $0x0  }
0x107: {  	s4 =	simm.s32 $0x1FC00;
	s21 =	rddreg [dreg:$0x7];
	[sflag:s2] =	ssyncadd.s32 @!p2 $0xFFFFC000  }
0x108: {  	[tilespmem:s4], [sflag:$0x1] =	stream.linear.gather [hbm4b:s21+s14], $0x80, $0x38;
	[tilespmem:$0x1FF00] =	vst v63  }
0x109: {  	s15 =	simm.s32 $0x1FD80;
	s9 =	rddreg [dreg:$0x8]  }
0x10a: {  	[tilespmem:s15], [sflag:$0x4] =	stream.linear.gather [hbm4b:s9+s14], $0x80, $0x38;
	[tilespmem:$0x1FF00] =	vst v63  }
0x10b: {  	s20 =	rddreg [dreg:$0x9];
	s9 =	simm.s32 $0x1FC80  }
0x10c: {  	[tilespmem:s9], [sflag:$0x2] =	stream.linear.gather [hbm4b:s20+s14], $0x80, $0x38;
	[tilespmem:$0x1FF00] =	vst v63  }
0x10d: {  	s21 =	rddreg [dreg:$0xa];
	s15 =	simm.s32 $0x1FE00  }
0x10e: {  	[tilespmem:s15], [sflag:$0x5] =	stream.linear.gather [hbm4b:s21+s14], $0x80, $0x38;
	[tilespmem:$0x1FF00] =	vst v63  }
0x10f: {  	s20 =	rddreg [dreg:$0xb];
	s15 =	simm.s32 $0x1FD00  }
0x110: {  	[tilespmem:s15], [sflag:$0x3] =	stream.linear.gather [hbm4b:s20+s14], $0x80, $0x38;
	[tilespmem:$0x1FF00] =	vst v63  }
0x111: {  	s21 =	rddreg [dreg:$0xc];
	s20 =	simm.s32 $0x1FE80  }
0x112: {  	[tilespmem:s20], [sflag:$0x6] =	stream.linear.gather [hbm4b:s21+s14], $0x80, $0x38;
	[tilespmem:$0x1FF00] =	vst v63  }
0x113: {  	s21 =	simm.s32 $0x1  }
0x114: {  	_ =	swait.ge [sflag:s21], $0x80  }
0x115: {  	[sflag:s21] =	ssyncset.done $0x0  }
0x116: {  	[sflag:s21] =	ssyncadd.s32 $0xFFFFFF80  }
0x117: {  	[tilespmem:s10], [sflag:$0x7] =	stream.indirect.gather [hbm4b:s5+s0], $0x80, s4, s0, $0xb8;
	[tilespmem:$0x1FF00] =	vst v63  }
0x118: {  	s20 =	simm.s32 $0x1FC20;
	s21 =	simm.s32 $0x14C00  }
0x119: {  	[tilespmem:s21], [sflag:$0x8] =	stream.indirect.gather [hbm4b:s5+s0], $0x80, s20, s0, $0xb8;
	[tilespmem:$0x1FF00] =	vst v63  }
0x11a: {  	s4 =	simm.s32 $0x1FC40;
	s10 =	simm.s32 $0x15C00  }
0x11b: {  	[tilespmem:s10], [sflag:$0x9] =	stream.indirect.gather [hbm4b:s5+s0], $0x80, s4, s0, $0xb8;
	[tilespmem:$0x1FF00] =	vst v63  }
0x11c: {  	s20 =	simm.s32 $0x1FC60;
	s21 =	simm.s32 $0x16C00  }
0x11d: {  	[tilespmem:s21], [sflag:$0xA] =	stream.indirect.gather [hbm4b:s5+s0], $0x80, s20, s0, $0xb8;
	[tilespmem:$0x1FF00] =	vst v63  }
0x11e: {  	_ =	swait.ge [sflag:s24], $0x80  }
0x11f: {  	[sflag:s24] =	ssyncset.done $0x0  }
0x120: {  	s4 =	simm.s32 $0x17C00;
	[sflag:s24] =	ssyncadd.s32 $0xFFFFFF80  }
0x121: {  	[tilespmem:s4], [sflag:$0xB] =	stream.indirect.gather [hbm4b:s5+s0], $0x80, s9, s0, $0xb8;
	[tilespmem:$0x1FF00] =	vst v63  }
0x122: {  	s10 =	simm.s32 $0x18C00;
	s9 =	simm.s32 $0x1FCA0  }
0x123: {  	[tilespmem:s10], [sflag:$0xC] =	stream.indirect.gather [hbm4b:s5+s0], $0x80, s9, s0, $0xb8;
	[tilespmem:$0x1FF00] =	vst v63  }
0x124: {  	s20 =	simm.s32 $0x1FCC0;
	s21 =	simm.s32 $0x19C00  }
0x125: {  	[tilespmem:s21], [sflag:$0xD] =	stream.indirect.gather [hbm4b:s5+s0], $0x80, s20, s0, $0xb8;
	[tilespmem:$0x1FF00] =	vst v63  }
0x126: {  	s9 =	simm.s32 $0x1FCE0;
	s10 =	simm.s32 $0x1AC00;
	s20 =	simm.s32 $0x3  }
0x127: {  	[tilespmem:s10], [sflag:$0xE] =	stream.indirect.gather [hbm4b:s5+s0], $0x80, s9, s0, $0xb8;
	[tilespmem:$0x1FF00] =	vst v63  }
0x128: {  	_ =	swait.ge [sflag:s20], $0x80  }
0x129: {  	[sflag:s20] =	ssyncset.done $0x0  }
0x12a: {  	s21 =	simm.s32 $0x1BC00;
	[sflag:s20] =	ssyncadd.s32 $0xFFFFFF80  }
0x12b: {  	[tilespmem:s21], [sflag:$0xF] =	stream.indirect.gather [hbm4b:s5+s0], $0x80, s15, s0, $0xb8;
	[tilespmem:$0x1FF00] =	vst v63  }
0x12c: {  	s4 =	simm.s32 $0x1FD20;
	s9 =	simm.s32 $0x1CC00  }
0x12d: {  	[tilespmem:s9], [sflag:$0x10] =	stream.indirect.gather [hbm4b:s5+s0], $0x80, s4, s0, $0xb8;
	[tilespmem:$0x1FF00] =	vst v63  }
0x12e: {  	s10 =	simm.s32 $0x1FD40;
	s15 =	simm.s32 $0x1DC00  }
0x12f: {  	[tilespmem:s15], [sflag:$0x11] =	stream.indirect.gather [hbm4b:s5+s0], $0x80, s10, s0, $0xb8;
	[tilespmem:$0x1FF00] =	vst v63  }
0x130: {  	s20 =	simm.s32 $0x1FD60;
	s21 =	simm.s32 $0x1EC00;
	s15 =	simm.s32 $0x0  }
0x131: {  	[tilespmem:s21], [sflag:$0x12] =	stream.indirect.gather [hbm4b:s5+s0], $0x80, s20, s0, $0xb8;
	[tilespmem:$0x1FF00] =	vst v63  }
.LBB2_6:
0x132: {  	_ =	swait.ge [sflag:s17], $0x80  }
0x133: {  	[sflag:s17] =	ssyncset.done $0x0  }
0x134: {  	[sflag:s17] =	ssyncadd.s32 $0xFFFFFF80  }
0x135: {  	_ =	swait.ge [sflag:s23], $0x1000  }
0x136: {  	[sflag:s23] =	ssyncset.done $0x0  }
0x137: {  	[sflag:s23] =	ssyncadd.s32 $0xFFFFF000  }
0x138: {  	_ =	swait.ge [sflag:s11], $0x1000  }
0x139: {  	[sflag:s11] =	ssyncset.done $0x0  }
0x13a: {  	[sflag:s11] =	ssyncadd.s32 $0xFFFFF000  }
0x13b: {  	_ =	swait.ge [sflag:s31], $0x1000  }
0x13c: {  	[sflag:s31] =	ssyncset.done $0x0  }
0x13d: {  	[sflag:s31] =	ssyncadd.s32 $0xFFFFF000  }
0x13e: {  	p3 =	seq.s32 s14, $0x4E0;
	_ =	swait.ge [sflag:s25], $0x1000  }
0x13f: {  	s2 =	simm.s32 @p3 $0x80;
	[sflag:s25] =	ssyncset.done $0x0  }
0x140: {  	s4 =	simm.s32 @p3 $0x1FD80;
	s9 =	simm.s32 @p3 $0x13C00;
	[sflag:s25] =	ssyncadd.s32 $0xFFFFF000  }
0x141: {  	[spmem:s1] =	stream.indirect.scatter.add.f32 @p3 [tilespmem:s9], [sflag:$0x13], $0x80, s4, s2, $0xb8;
	[tilespmem:$0x1FF00] =	vst v63  }
0x142: {  	s2 =	simm.s32 @p3 $0x13  }
0x143: {  	_ =	swait.ge @p3 [sflag:s2], $0x4000  }
0x144: {  	[sflag:s2] =	ssyncset.done @p3 $0x0  }
0x145: {  	[sflag:s2] =	ssyncadd.s32 @p3 $0xFFFFC000;
	s2 =	sadd.s32 @!p3 s14, s19  }
0x146: {  	s4 =	simm.s32 @!p3 $0x0;
	s9 =	simm.s32 @!p3 $0x1FC00;
	s2 =	sadd.s32 @!p3 $0x30, s2  }
0x147: {  	[tilespmem:s9], [sflag:$0x1] =	stream.linear.gather @!p3 [hbm4b:s2+s4], $0x80, $0x38;
	[tilespmem:$0x1FF00] =	vst v63  }
0x148: {  	s10 =	simm.s32 @!p3 $0x1FD80;
	s20 =	simm.s32 @!p3 $0x13C00;
	s2 =	simm.s32 @!p3 $0x80  }
0x149: {  	[spmem:s1] =	stream.indirect.scatter.add.f32 @!p3 [tilespmem:s20], [sflag:$0x13], $0x80, s10, s2, $0xb8;
	[tilespmem:$0x1FF00] =	vst v63  }
0x14a: {  	s2 =	simm.s32 @!p3 $0x13  }
0x14b: {  	_ =	swait.ge @!p3 [sflag:s2], $0x4000  }
0x14c: {  	s21 =	sadd.s32 @!p3 s14, s18;
	[sflag:s2] =	ssyncset.done @!p3 $0x0  }
0x14d: {  	[sflag:s2] =	ssyncadd.s32 @!p3 $0xFFFFC000;
	s2 =	sadd.s32 @!p3 $0x30, s21  }
0x14e: {  	[tilespmem:s10], [sflag:$0x4] =	stream.linear.gather @!p3 [hbm4b:s2+s4], $0x80, $0x38;
	[tilespmem:$0x1FF00] =	vst v63  }
0x14f: {  	s2 =	simm.s32 @!p3 $0x1  }
0x150: {  	_ =	swait.ge @!p3 [sflag:s2], $0x80  }
0x151: {  	[sflag:s2] =	ssyncset.done @!p3 $0x0  }
0x152: {  	[sflag:s2] =	ssyncadd.s32 @!p3 $0xFFFFFF80;
	s2 =	simm.s32 @!p3 $0x20  }
0x153: {  	[tilespmem:s20], [sflag:$0x7] =	stream.indirect.gather @!p3 [hbm4b:s5+s2], $0x80, s9, s2, $0xb8;
	[tilespmem:$0x1FF00] =	vst v63  }
0x154: {  	s4 =	simm.s32 @!p3 $0x1FC20;
	s9 =	simm.s32 @!p3 $0x14C00  }
0x155: {  	[tilespmem:s9], [sflag:$0x8] =	stream.indirect.gather @!p3 [hbm4b:s5+s2], $0x80, s4, s2, $0xb8;
	[tilespmem:$0x1FF00] =	vst v63  }
0x156: {  	s4 =	simm.s32 @!p3 $0x1FC40;
	s9 =	simm.s32 @!p3 $0x15C00  }
0x157: {  	[tilespmem:s9], [sflag:$0x9] =	stream.indirect.gather @!p3 [hbm4b:s5+s2], $0x80, s4, s2, $0xb8;
	[tilespmem:$0x1FF00] =	vst v63  }
0x158: {  	s4 =	simm.s32 @!p3 $0x1FC60;
	s9 =	simm.s32 @!p3 $0x16C00  }
0x159: {  	[tilespmem:s9], [sflag:$0xA] =	stream.indirect.gather @!p3 [hbm4b:s5+s2], $0x80, s4, s2, $0xb8;
	[tilespmem:$0x1FF00] =	vst v63  }
0x15a: {  	_ =	swait.ge [sflag:s16], $0x80  }
0x15b: {  	[sflag:s16] =	ssyncset.done $0x0  }
0x15c: {  	[sflag:s16] =	ssyncadd.s32 $0xFFFFFF80  }
0x15d: {  	_ =	swait.ge [sflag:s26], $0x1000  }
0x15e: {  	[sflag:s26] =	ssyncset.done $0x0  }
0x15f: {  	[sflag:s26] =	ssyncadd.s32 $0xFFFFF000  }
0x160: {  	_ =	swait.ge [sflag:s28], $0x1000  }
0x161: {  	[sflag:s28] =	ssyncset.done $0x0  }
0x162: {  	[sflag:s28] =	ssyncadd.s32 $0xFFFFF000  }
0x163: {  	_ =	swait.ge [sflag:s29], $0x1000  }
.Ltmp6:
0x164: {  	[sflag:s29] =	ssyncset.done $0x0;
	(pc) =	sbr.rel @p3 .LBB2_10-.Ltmp6, $4  }
0x165: {  	[sflag:s29] =	ssyncadd.s32 $0xFFFFF000  }
0x166: {  	_ =	swait.ge [sflag:s30], $0x1000  }
0x167: {  	[sflag:s30] =	ssyncset.done $0x0  }
0x168: {  	[sflag:s30] =	ssyncadd.s32 $0xFFFFF000  }
0x169: {  	s2 =	sadd.s32 s14, s19  }
0x16a: {  	s4 =	simm.s32 $0x0;
	s9 =	simm.s32 $0x1FC80;
	s2 =	sadd.s32 $0x40, s2  }
0x16b: {  	[tilespmem:s9], [sflag:$0x2] =	stream.linear.gather [hbm4b:s2+s4], $0x80, $0x38;
	[tilespmem:$0x1FF00] =	vst v63  }
0x16c: {  	s10 =	simm.s32 $0x1FE00;
	s20 =	simm.s32 $0x17C00;
	s21 =	simm.s32 $0x80  }
0x16d: {  	[spmem:s1] =	stream.indirect.scatter.add.f32 [tilespmem:s20], [sflag:$0x13], $0x80, s10, s21, $0xb8;
	[tilespmem:$0x1FF00] =	vst v63  }
0x16e: {  	_ =	swait.ge [sflag:s22], $0x4000  }
0x16f: {  	s21 =	sadd.s32 s14, s18;
	[sflag:s22] =	ssyncset.done $0x0  }
0x170: {  	s2 =	sadd.s32 $0x40, s21;
	[sflag:s22] =	ssyncadd.s32 $0xFFFFC000  }
0x171: {  	[tilespmem:s10], [sflag:$0x5] =	stream.linear.gather [hbm4b:s2+s4], $0x80, $0x38;
	[tilespmem:$0x1FF00] =	vst v63  }
0x172: {  	_ =	swait.ge [sflag:s24], $0x80  }
0x173: {  	[sflag:s24] =	ssyncset.done $0x0  }
0x174: {  	[sflag:s24] =	ssyncadd.s32 $0xFFFFFF80  }
0x175: {  	[tilespmem:s20], [sflag:$0xB] =	stream.indirect.gather [hbm4b:s5+s0], $0x80, s9, s0, $0xb8;
	[tilespmem:$0x1FF00] =	vst v63  }
0x176: {  	s10 =	simm.s32 $0x18C00;
	s9 =	simm.s32 $0x1FCA0  }
0x177: {  	[tilespmem:s10], [sflag:$0xC] =	stream.indirect.gather [hbm4b:s5+s0], $0x80, s9, s0, $0xb8;
	[tilespmem:$0x1FF00] =	vst v63  }
0x178: {  	s21 =	simm.s32 $0x19C00;
	s20 =	simm.s32 $0x1FCC0  }
0x179: {  	[tilespmem:s21], [sflag:$0xD] =	stream.indirect.gather [hbm4b:s5+s0], $0x80, s20, s0, $0xb8;
	[tilespmem:$0x1FF00] =	vst v63  }
0x17a: {  	s9 =	simm.s32 $0x1FCE0;
	s10 =	simm.s32 $0x1AC00;
	s20 =	simm.s32 $0x6  }
0x17b: {  	[tilespmem:s10], [sflag:$0xE] =	stream.indirect.gather [hbm4b:s5+s0], $0x80, s9, s0, $0xb8;
	[tilespmem:$0x1FF00] =	vst v63  }
0x17c: {  	_ =	swait.ge [sflag:s20], $0x80  }
0x17d: {  	[sflag:s20] =	ssyncset.done $0x0  }
0x17e: {  	s21 =	simm.s32 $0xF;
	[sflag:s20] =	ssyncadd.s32 $0xFFFFFF80  }
0x17f: {  	_ =	swait.ge [sflag:s21], $0x1000  }
0x180: {  	[sflag:s21] =	ssyncset.done $0x0  }
0x181: {  	[sflag:s21] =	ssyncadd.s32 $0xFFFFF000  }
0x182: {  	_ =	swait.ge [sflag:s8], $0x1000  }
0x183: {  	[sflag:s8] =	ssyncset.done $0x0  }
0x184: {  	[sflag:s8] =	ssyncadd.s32 $0xFFFFF000  }
0x185: {  	_ =	swait.ge [sflag:s12], $0x1000  }
0x186: {  	[sflag:s12] =	ssyncset.done $0x0  }
0x187: {  	[sflag:s12] =	ssyncadd.s32 $0xFFFFF000  }
0x188: {  	p3 =	sgt.u32 s15, $0x18;
	_ =	swait.ge [sflag:s13], $0x1000  }
0x189: {  	s2 =	simm.s32 @p3 $0x80;
	[sflag:s13] =	ssyncset.done $0x0  }
0x18a: {  	s4 =	simm.s32 @p3 $0x1FE80;
	s9 =	simm.s32 @p3 $0x1BC00;
	[sflag:s13] =	ssyncadd.s32 $0xFFFFF000  }
0x18b: {  	[spmem:s1] =	stream.indirect.scatter.add.f32 @p3 [tilespmem:s9], [sflag:$0x13], $0x80, s4, s2, $0xb8;
	[tilespmem:$0x1FF00] =	vst v63  }
0x18c: {  	s2 =	simm.s32 @p3 $0x13  }
0x18d: {  	_ =	swait.ge @p3 [sflag:s2], $0x4000  }
0x18e: {  	[sflag:s2] =	ssyncset.done @p3 $0x0  }
0x18f: {  	[sflag:s2] =	ssyncadd.s32 @p3 $0xFFFFC000;
	s2 =	sadd.s32 @!p3 s14, s19  }
0x190: {  	s4 =	simm.s32 @!p3 $0x0;
	s9 =	simm.s32 @!p3 $0x1FD00;
	s2 =	sadd.s32 @!p3 $0x50, s2  }
0x191: {  	[tilespmem:s9], [sflag:$0x3] =	stream.linear.gather @!p3 [hbm4b:s2+s4], $0x80, $0x38;
	[tilespmem:$0x1FF00] =	vst v63  }
0x192: {  	s10 =	simm.s32 @!p3 $0x1FE80;
	s20 =	simm.s32 @!p3 $0x1BC00;
	s2 =	simm.s32 @!p3 $0x80  }
0x193: {  	[spmem:s1] =	stream.indirect.scatter.add.f32 @!p3 [tilespmem:s20], [sflag:$0x13], $0x80, s10, s2, $0xb8;
	[tilespmem:$0x1FF00] =	vst v63  }
0x194: {  	s2 =	simm.s32 @!p3 $0x13  }
0x195: {  	_ =	swait.ge @!p3 [sflag:s2], $0x4000  }
0x196: {  	s21 =	sadd.s32 @!p3 s14, s18;
	[sflag:s2] =	ssyncset.done @!p3 $0x0  }
0x197: {  	[sflag:s2] =	ssyncadd.s32 @!p3 $0xFFFFC000;
	s2 =	sadd.s32 @!p3 $0x50, s21  }
0x198: {  	[tilespmem:s10], [sflag:$0x6] =	stream.linear.gather @!p3 [hbm4b:s2+s4], $0x80, $0x38;
	[tilespmem:$0x1FF00] =	vst v63  }
0x199: {  	s2 =	simm.s32 @!p3 $0x3  }
0x19a: {  	_ =	swait.ge @!p3 [sflag:s2], $0x80  }
0x19b: {  	[sflag:s2] =	ssyncset.done @!p3 $0x0  }
0x19c: {  	[sflag:s2] =	ssyncadd.s32 @!p3 $0xFFFFFF80;
	s2 =	simm.s32 @!p3 $0x20  }
0x19d: {  	[tilespmem:s20], [sflag:$0xF] =	stream.indirect.gather @!p3 [hbm4b:s5+s2], $0x80, s9, s2, $0xb8;
	[tilespmem:$0x1FF00] =	vst v63  }
0x19e: {  	s4 =	simm.s32 @!p3 $0x1FD20;
	s9 =	simm.s32 @!p3 $0x1CC00  }
0x19f: {  	[tilespmem:s9], [sflag:$0x10] =	stream.indirect.gather @!p3 [hbm4b:s5+s2], $0x80, s4, s2, $0xb8;
	[tilespmem:$0x1FF00] =	vst v63  }
0x1a0: {  	s4 =	simm.s32 @!p3 $0x1FD40;
	s9 =	simm.s32 @!p3 $0x1DC00  }
0x1a1: {  	[tilespmem:s9], [sflag:$0x11] =	stream.indirect.gather @!p3 [hbm4b:s5+s2], $0x80, s4, s2, $0xb8;
	[tilespmem:$0x1FF00] =	vst v63  }
0x1a2: {  	s14 =	sadd.s32 $0x30, s14;
	s4 =	simm.s32 @!p3 $0x1FD60;
	s9 =	simm.s32 @!p3 $0x1EC00  }
0x1a3: {  	[tilespmem:s9], [sflag:$0x12] =	stream.indirect.gather @!p3 [hbm4b:s5+s2], $0x80, s4, s2, $0xb8;
	[tilespmem:$0x1FF00] =	vst v63  }
0x1a4: {  	p3 =	seq.s32 s14, $0x510  }
.Ltmp7:
0x1a5: {  	_ = 	snop;
	(pc) =	sbr.rel @!p3 .LBB2_6-.Ltmp7, $4  }
.Ltmp8:
0x1a6: {  	_ = 	snop;
	(pc) =	sbr.rel @p3 .LBB2_11-.Ltmp8, $4  }
0x1a7: {  	_ = 	snop  }
0x1a8: {  	_ = 	snop  }
0x1a9: {  	s15 =	sadd.s32 $0x1, s15  }
0x1aa: {  	_ = 	snop  }
.LBB2_8:
0x1ab: {  	s2 =	simm.s32 $0x1FE00;
	s4 =	simm.s32 $0x17C00;
	s9 =	simm.s32 $0x80  }
0x1ac: {  	[spmem:s1] =	stream.indirect.scatter.add.f32 [tilespmem:s4], [sflag:$0x13], $0x80, s2, s9, $0xb8;
	[tilespmem:$0x1FF00] =	vst v63  }
0x1ad: {  	_ =	swait.ge [sflag:s22], $0x4000  }
0x1ae: {  	[sflag:s22] =	ssyncset.done $0x0  }
0x1af: {  	[sflag:s22] =	ssyncadd.s32 $0xFFFFC000  }
.LBB2_9:
0x1b0: {  	s2 =	stileid.u32;
	[bflag:$0x0] =	sbarrier.arrive $0xFFFF  }
0x1b1: {  	s2 =	sshll.u32 s2, $0x6;
	s10 =	rddreg [dreg:$0x13]  }
0x1b2: {  	s9 =	rddreg [dreg:$0x1a];
	s2 =	sor.u32 $0x1C13, s2;
	s4 =	sshrl.u32 s10, $0x3  }
0x1b3: {  	[hbm:s9], [sflag:s2] =	dma.local [spmem:s4], $0x800  }
0x1b4: {  	_ =	swait.ge [sflag:s22], $0x800  }
0x1b5: {  	[sflag:s22] =	ssyncset.done $0x0;
	s15 =	rddreg [dreg:$0x14]  }
0x1b6: {  	s21 =	rddreg [dreg:$0x1e];
	[sflag:s22] =	ssyncadd.s32 $0xFFFFF800;
	s20 =	sshrl.u32 s15, $0x3  }
0x1b7: {  	[hbm:s21], [sflag:s2] =	dma.local [spmem:s20], $0x800  }
0x1b8: {  	_ =	swait.ge [sflag:s22], $0x800  }
0x1b9: {  	s14 =	sld [smem:$0x7F7]  }
0x1ba: {  	[sflag:s22] =	ssyncset.done $0x0;
	s9 =	rddreg [dreg:$0x15]  }
0x1bb: {  	[sflag:s22] =	ssyncadd.s32 $0xFFFFF800;
	s4 =	sshrl.u32 s9, $0x3  }
0x1bc: {  	[hbm:s14], [sflag:s2] =	dma.local [spmem:s4], $0x800  }
0x1bd: {  	_ =	swait.ge [sflag:s22], $0x800  }
0x1be: {  	s21 =	sld [smem:$0x7FB]  }
0x1bf: {  	[sflag:s22] =	ssyncset.done $0x0;
	s20 =	rddreg [dreg:$0x16]  }
0x1c0: {  	[sflag:s22] =	ssyncadd.s32 $0xFFFFF800;
	s4 =	sshrl.u32 s20, $0x3  }
0x1c1: {  	[hbm:s21], [sflag:s2] =	dma.local [spmem:s4], $0x800  }
.Ltmp9:
0x1c2: {  	_ = 	snop;
	(pc) =	sbr.rel @p1 .LBB2_13-.Ltmp9, $4  }
.Ltmp10:
0x1c3: {  	_ = 	snop;
	(pc) =	sbr.rel @!p1 .LBB2_12-.Ltmp10, $4  }
0x1c4: {  	_ =	swait.ge [sflag:s22], $0x800  }
0x1c5: {  	[sflag:s22] =	ssyncset.done $0x0  }
0x1c6: {  	s14 =	rddreg [dreg:$0xd];
	[sflag:s22] =	ssyncadd.s32 $0xFFFFF800  }
0x1c7: {  	_ = 	snop  }
.LBB2_10:
0x1c8: {  	s2 =	simm.s32 $0x1FE00;
	s4 =	simm.s32 $0x17C00;
	s9 =	simm.s32 $0x80  }
0x1c9: {  	[spmem:s1] =	stream.indirect.scatter.add.f32 [tilespmem:s4], [sflag:$0x13], $0x80, s2, s9, $0xb8;
	[tilespmem:$0x1FF00] =	vst v63  }
0x1ca: {  	_ =	swait.ge [sflag:s22], $0x4000  }
0x1cb: {  	[sflag:s22] =	ssyncset.done $0x0  }
0x1cc: {  	[sflag:s22] =	ssyncadd.s32 $0xFFFFC000  }
.LBB2_11:
0x1cd: {  	s2 =	stileid.u32;
	[bflag:$0x0] =	sbarrier.arrive $0xFFFF  }
0x1ce: {  	s2 =	sshll.u32 s2, $0x6;
	s10 =	rddreg [dreg:$0x13]  }
0x1cf: {  	s9 =	rddreg [dreg:$0x19];
	s2 =	sor.u32 $0x1C13, s2;
	s4 =	sshrl.u32 s10, $0x3  }
0x1d0: {  	[hbm:s9], [sflag:s2] =	dma.local [spmem:s4], $0x800  }
0x1d1: {  	_ =	swait.ge [sflag:s22], $0x800  }
0x1d2: {  	[sflag:s22] =	ssyncset.done $0x0;
	s15 =	rddreg [dreg:$0x14]  }
0x1d3: {  	s21 =	rddreg [dreg:$0x1d];
	[sflag:s22] =	ssyncadd.s32 $0xFFFFF800;
	s20 =	sshrl.u32 s15, $0x3  }
0x1d4: {  	[hbm:s21], [sflag:s2] =	dma.local [spmem:s20], $0x800  }
0x1d5: {  	_ =	swait.ge [sflag:s22], $0x800  }
0x1d6: {  	s14 =	sld [smem:$0x7F6]  }
0x1d7: {  	[sflag:s22] =	ssyncset.done $0x0;
	s9 =	rddreg [dreg:$0x15]  }
0x1d8: {  	[sflag:s22] =	ssyncadd.s32 $0xFFFFF800;
	s4 =	sshrl.u32 s9, $0x3  }
0x1d9: {  	[hbm:s14], [sflag:s2] =	dma.local [spmem:s4], $0x800  }
0x1da: {  	_ =	swait.ge [sflag:s22], $0x800  }
0x1db: {  	s21 =	sld [smem:$0x7FA]  }
0x1dc: {  	[sflag:s22] =	ssyncset.done $0x0;
	s20 =	rddreg [dreg:$0x16]  }
.Ltmp11:
0x1dd: {  	[sflag:s22] =	ssyncadd.s32 $0xFFFFF800;
	s4 =	sshrl.u32 s20, $0x3;
	(pc) =	sbr.rel @p1 .LBB2_13-.Ltmp11, $4  }
0x1de: {  	[hbm:s21], [sflag:s2] =	dma.local [spmem:s4], $0x800  }
0x1df: {  	_ =	swait.ge [sflag:s22], $0x800  }
0x1e0: {  	[sflag:s22] =	ssyncset.done $0x0  }
0x1e1: {  	s14 =	rddreg [dreg:$0x4];
	[sflag:s22] =	ssyncadd.s32 $0xFFFFF800  }
.LBB2_12:
0x1e2: {  	s2 =	stileid.u32;
	s4 =	rddreg [dreg:$0x18]  }
0x1e3: {  	s9 =	rddreg [dreg:$0x17];
	s2 =	sshll.u32 s2, $0x6  }
0x1e4: {  	s4 =	sadd.s32 s14, s4;
	s9 =	sshrl.u32 s9, $0x3;
	s2 =	sor.u32 $0x1C13, s2  }
0x1e5: {  	[hbm:s4], [sflag:s2] =	dma.local [spmem:s9], $0x800  }
0x1e6: {  	_ =	swait.ge [sflag:s22], $0x800  }
0x1e7: {  	[sflag:s22] =	ssyncset.done $0x0  }
0x1e8: {  	[sflag:s22] =	ssyncadd.s32 $0xFFFFF800  }
.LBB2_13:
0x1e9: {  	[bflag:$0x0] =	sbarrier.arrive $0xFFFF  }
0x1ea: {  	s2 =	simm.s32 $0x0;
	s20 =	simm.s32 $0x13C00;
	s4 =	rddreg [dreg:$0x3]  }
0x1eb: {  	[tilespmem:s20], [sflag:$0x13] =	stream.linear.gather [hbm4b:s4+s2], $0x4000, $0x38;
	[tilespmem:$0x1FF00] =	vst v63  }
0x1ec: {  	_ =	swait.ge [sflag:s22], $0x4000  }
0x1ed: {  	[sflag:s22] =	ssyncset.done $0x0  }
0x1ee: {  	[sflag:s22] =	ssyncadd.s32 $0xFFFFC000  }
0x1ef: {  	[spmem:s10] =	stream.linear.scatter [tilespmem:s20], [sflag:$0x13], $0x4000, $0x38;
	[tilespmem:$0x1FF00] =	vst v63  }
0x1f0: {  	_ =	swait.ge [sflag:s22], $0x4000  }
0x1f1: {  	[sflag:s22] =	ssyncset.done $0x0  }
0x1f2: {  	[sflag:s22] =	ssyncadd.s32 $0xFFFFC000  }
0x1f3: {  	[spmem:s15] =	stream.linear.scatter [tilespmem:s20], [sflag:$0x13], $0x4000, $0x38;
	[tilespmem:$0x1FF00] =	vst v63  }
0x1f4: {  	_ =	swait.ge [sflag:s22], $0x4000  }
0x1f5: {  	[sflag:s22] =	ssyncset.done $0x0  }
0x1f6: {  	s15 =	rddreg [dreg:$0x15];
	[sflag:s22] =	ssyncadd.s32 $0xFFFFC000  }
0x1f7: {  	[spmem:s15] =	stream.linear.scatter [tilespmem:s20], [sflag:$0x13], $0x4000, $0x38;
	[tilespmem:$0x1FF00] =	vst v63  }
0x1f8: {  	_ =	swait.ge [sflag:s22], $0x4000  }
0x1f9: {  	[sflag:s22] =	ssyncset.done $0x0  }
0x1fa: {  	s21 =	rddreg [dreg:$0x16];
	[sflag:s22] =	ssyncadd.s32 $0xFFFFC000  }
0x1fb: {  	[spmem:s21] =	stream.linear.scatter [tilespmem:s20], [sflag:$0x13], $0x4000, $0x38;
	[tilespmem:$0x1FF00] =	vst v63  }
0x1fc: {  	_ =	swait.ge [sflag:s22], $0x4000  }
0x1fd: {  	[sflag:s22] =	ssyncset.done $0x0  }
0x1fe: {  	s2 =	simm.s32 @!p1 $0x13C00;
	s4 =	rddreg [dreg:$0x17];
	[sflag:s22] =	ssyncadd.s32 $0xFFFFC000  }
0x1ff: {  	[spmem:s4] =	stream.linear.scatter @!p1 [tilespmem:s2], [sflag:$0x13], $0x4000, $0x38;
	[tilespmem:$0x1FF00] =	vst v63  }
0x200: {  	s2 =	simm.s32 @!p1 $0x13  }
.Ltmp12:
0x201: {  	_ =	swait.ge @!p1 [sflag:s2], $0x4000;
	(pc) =	sbr.rel @p0 .LBB2_17-.Ltmp12, $3  }
0x202: {  	[sflag:s2] =	ssyncset.done @!p1 $0x0  }
0x203: {  	[sflag:s2] =	ssyncadd.s32 @!p1 $0xFFFFC000  }
0x204: {  	[bflag:$0x0] =	sbarrier.arrive $0xFFFF;
	_ =	sdelay $0x1  }
0x205: {  	s2 =	simm.s32 @!p2 $0x0;
	s4 =	simm.s32 @!p2 $0x13C00;
	s9 =	rddreg [dreg:$0x11]  }
0x206: {  	[hbm4b:s9+s2] =	stream.linear.scatter @!p2 [tilespmem:s4], [sflag:$0x13], $0x4000, $0x38;
	[tilespmem:$0x1FF00] =	vst v63  }
0x207: {  	s2 =	simm.s32 @!p2 $0x13  }
0x208: {  	_ =	swait.ge @!p2 [sflag:s2], $0x4000  }
0x209: {  	s14 =	simm.s32 $0x0;
	[sflag:s2] =	ssyncset.done @!p2 $0x0  }
0x20a: {  	s4 =	simm.s32 $0x1FC00;
	s21 =	rddreg [dreg:$0x7];
	[sflag:s2] =	ssyncadd.s32 @!p2 $0xFFFFC000  }
0x20b: {  	[tilespmem:s4], [sflag:$0x1] =	stream.linear.gather [hbm4b:s21+s14], $0x80, $0x38;
	[tilespmem:$0x1FF00] =	vst v63  }
0x20c: {  	s10 =	simm.s32 $0x1FD80;
	s9 =	rddreg [dreg:$0x8]  }
0x20d: {  	[tilespmem:s10], [sflag:$0x4] =	stream.linear.gather [hbm4b:s9+s14], $0x80, $0x38;
	[tilespmem:$0x1FF00] =	vst v63  }
0x20e: {  	s15 =	rddreg [dreg:$0x9];
	s9 =	simm.s32 $0x1FC80  }
0x20f: {  	[tilespmem:s9], [sflag:$0x2] =	stream.linear.gather [hbm4b:s15+s14], $0x80, $0x38;
	[tilespmem:$0x1FF00] =	vst v63  }
0x210: {  	s21 =	rddreg [dreg:$0xa];
	s10 =	simm.s32 $0x1FE00  }
0x211: {  	[tilespmem:s10], [sflag:$0x5] =	stream.linear.gather [hbm4b:s21+s14], $0x80, $0x38;
	[tilespmem:$0x1FF00] =	vst v63  }
0x212: {  	s15 =	rddreg [dreg:$0xb];
	s10 =	simm.s32 $0x1FD00  }
0x213: {  	[tilespmem:s10], [sflag:$0x3] =	stream.linear.gather [hbm4b:s15+s14], $0x80, $0x38;
	[tilespmem:$0x1FF00] =	vst v63  }
0x214: {  	s21 =	rddreg [dreg:$0xc];
	s15 =	simm.s32 $0x1FE80  }
0x215: {  	[tilespmem:s15], [sflag:$0x6] =	stream.linear.gather [hbm4b:s21+s14], $0x80, $0x38;
	[tilespmem:$0x1FF00] =	vst v63  }
0x216: {  	s15 =	simm.s32 $0x1  }
0x217: {  	_ =	swait.ge [sflag:s15], $0x80  }
0x218: {  	[sflag:s15] =	ssyncset.done $0x0  }
0x219: {  	[sflag:s15] =	ssyncadd.s32 $0xFFFFFF80  }
0x21a: {  	[tilespmem:s20], [sflag:$0x7] =	stream.indirect.gather [hbm4b:s6+s0], $0x80, s4, s0, $0xb8;
	[tilespmem:$0x1FF00] =	vst v63  }
0x21b: {  	s21 =	simm.s32 $0x14C00;
	s20 =	simm.s32 $0x1FC20  }
0x21c: {  	[tilespmem:s21], [sflag:$0x8] =	stream.indirect.gather [hbm4b:s6+s0], $0x80, s20, s0, $0xb8;
	[tilespmem:$0x1FF00] =	vst v63  }
0x21d: {  	s15 =	simm.s32 $0x15C00;
	s4 =	simm.s32 $0x1FC40  }
0x21e: {  	[tilespmem:s15], [sflag:$0x9] =	stream.indirect.gather [hbm4b:s6+s0], $0x80, s4, s0, $0xb8;
	[tilespmem:$0x1FF00] =	vst v63  }
0x21f: {  	s20 =	simm.s32 $0x1FC60;
	s21 =	simm.s32 $0x16C00  }
0x220: {  	[tilespmem:s21], [sflag:$0xA] =	stream.indirect.gather [hbm4b:s6+s0], $0x80, s20, s0, $0xb8;
	[tilespmem:$0x1FF00] =	vst v63  }
0x221: {  	_ =	swait.ge [sflag:s24], $0x80  }
0x222: {  	[sflag:s24] =	ssyncset.done $0x0  }
0x223: {  	s4 =	simm.s32 $0x17C00;
	[sflag:s24] =	ssyncadd.s32 $0xFFFFFF80  }
0x224: {  	[tilespmem:s4], [sflag:$0xB] =	stream.indirect.gather [hbm4b:s6+s0], $0x80, s9, s0, $0xb8;
	[tilespmem:$0x1FF00] =	vst v63  }
0x225: {  	s15 =	simm.s32 $0x18C00;
	s9 =	simm.s32 $0x1FCA0  }
0x226: {  	[tilespmem:s15], [sflag:$0xC] =	stream.indirect.gather [hbm4b:s6+s0], $0x80, s9, s0, $0xb8;
	[tilespmem:$0x1FF00] =	vst v63  }
0x227: {  	s20 =	simm.s32 $0x1FCC0;
	s21 =	simm.s32 $0x19C00  }
0x228: {  	[tilespmem:s21], [sflag:$0xD] =	stream.indirect.gather [hbm4b:s6+s0], $0x80, s20, s0, $0xb8;
	[tilespmem:$0x1FF00] =	vst v63  }
0x229: {  	s9 =	simm.s32 $0x1FCE0;
	s15 =	simm.s32 $0x1AC00;
	s20 =	simm.s32 $0x3  }
0x22a: {  	[tilespmem:s15], [sflag:$0xE] =	stream.indirect.gather [hbm4b:s6+s0], $0x80, s9, s0, $0xb8;
	[tilespmem:$0x1FF00] =	vst v63  }
0x22b: {  	_ =	swait.ge [sflag:s20], $0x80  }
0x22c: {  	[sflag:s20] =	ssyncset.done $0x0  }
0x22d: {  	s21 =	simm.s32 $0x1BC00;
	[sflag:s20] =	ssyncadd.s32 $0xFFFFFF80  }
0x22e: {  	[tilespmem:s21], [sflag:$0xF] =	stream.indirect.gather [hbm4b:s6+s0], $0x80, s10, s0, $0xb8;
	[tilespmem:$0x1FF00] =	vst v63  }
0x22f: {  	s4 =	simm.s32 $0x1FD20;
	s9 =	simm.s32 $0x1CC00  }
0x230: {  	[tilespmem:s9], [sflag:$0x10] =	stream.indirect.gather [hbm4b:s6+s0], $0x80, s4, s0, $0xb8;
	[tilespmem:$0x1FF00] =	vst v63  }
0x231: {  	s15 =	simm.s32 $0x1DC00;
	s10 =	simm.s32 $0x1FD40  }
0x232: {  	[tilespmem:s15], [sflag:$0x11] =	stream.indirect.gather [hbm4b:s6+s0], $0x80, s10, s0, $0xb8;
	[tilespmem:$0x1FF00] =	vst v63  }
0x233: {  	s20 =	simm.s32 $0x1FD60;
	s21 =	simm.s32 $0x1EC00;
	s15 =	simm.s32 $0x0  }
0x234: {  	[tilespmem:s21], [sflag:$0x12] =	stream.indirect.gather [hbm4b:s6+s0], $0x80, s20, s0, $0xb8;
	[tilespmem:$0x1FF00] =	vst v63  }
.LBB2_15:
0x235: {  	_ =	swait.ge [sflag:s17], $0x80  }
0x236: {  	[sflag:s17] =	ssyncset.done $0x0  }
0x237: {  	[sflag:s17] =	ssyncadd.s32 $0xFFFFFF80  }
0x238: {  	_ =	swait.ge [sflag:s23], $0x1000  }
0x239: {  	[sflag:s23] =	ssyncset.done $0x0  }
0x23a: {  	[sflag:s23] =	ssyncadd.s32 $0xFFFFF000  }
0x23b: {  	_ =	swait.ge [sflag:s11], $0x1000  }
0x23c: {  	[sflag:s11] =	ssyncset.done $0x0  }
0x23d: {  	[sflag:s11] =	ssyncadd.s32 $0xFFFFF000  }
0x23e: {  	_ =	swait.ge [sflag:s31], $0x1000  }
0x23f: {  	[sflag:s31] =	ssyncset.done $0x0  }
0x240: {  	[sflag:s31] =	ssyncadd.s32 $0xFFFFF000  }
0x241: {  	p3 =	seq.s32 s14, $0x4E0;
	_ =	swait.ge [sflag:s25], $0x1000  }
0x242: {  	s2 =	simm.s32 @p3 $0x80;
	[sflag:s25] =	ssyncset.done $0x0  }
0x243: {  	s4 =	simm.s32 @p3 $0x1FD80;
	s9 =	simm.s32 @p3 $0x13C00;
	[sflag:s25] =	ssyncadd.s32 $0xFFFFF000  }
0x244: {  	[spmem:s1] =	stream.indirect.scatter.add.f32 @p3 [tilespmem:s9], [sflag:$0x13], $0x80, s4, s2, $0xb8;
	[tilespmem:$0x1FF00] =	vst v63  }
0x245: {  	s2 =	simm.s32 @p3 $0x13  }
0x246: {  	_ =	swait.ge @p3 [sflag:s2], $0x4000  }
0x247: {  	[sflag:s2] =	ssyncset.done @p3 $0x0  }
0x248: {  	[sflag:s2] =	ssyncadd.s32 @p3 $0xFFFFC000;
	s2 =	sadd.s32 @!p3 s14, s19  }
0x249: {  	s4 =	simm.s32 @!p3 $0x0;
	s9 =	simm.s32 @!p3 $0x1FC00;
	s2 =	sadd.s32 @!p3 $0x30, s2  }
0x24a: {  	[tilespmem:s9], [sflag:$0x1] =	stream.linear.gather @!p3 [hbm4b:s2+s4], $0x80, $0x38;
	[tilespmem:$0x1FF00] =	vst v63  }
0x24b: {  	s10 =	simm.s32 @!p3 $0x1FD80;
	s20 =	simm.s32 @!p3 $0x13C00;
	s2 =	simm.s32 @!p3 $0x80  }
0x24c: {  	[spmem:s1] =	stream.indirect.scatter.add.f32 @!p3 [tilespmem:s20], [sflag:$0x13], $0x80, s10, s2, $0xb8;
	[tilespmem:$0x1FF00] =	vst v63  }
0x24d: {  	s2 =	simm.s32 @!p3 $0x13  }
0x24e: {  	_ =	swait.ge @!p3 [sflag:s2], $0x4000  }
0x24f: {  	s21 =	sadd.s32 @!p3 s14, s18;
	[sflag:s2] =	ssyncset.done @!p3 $0x0  }
0x250: {  	[sflag:s2] =	ssyncadd.s32 @!p3 $0xFFFFC000;
	s2 =	sadd.s32 @!p3 $0x30, s21  }
0x251: {  	[tilespmem:s10], [sflag:$0x4] =	stream.linear.gather @!p3 [hbm4b:s2+s4], $0x80, $0x38;
	[tilespmem:$0x1FF00] =	vst v63  }
0x252: {  	s2 =	simm.s32 @!p3 $0x1  }
0x253: {  	_ =	swait.ge @!p3 [sflag:s2], $0x80  }
0x254: {  	[sflag:s2] =	ssyncset.done @!p3 $0x0  }
0x255: {  	[sflag:s2] =	ssyncadd.s32 @!p3 $0xFFFFFF80;
	s2 =	simm.s32 @!p3 $0x20  }
0x256: {  	[tilespmem:s20], [sflag:$0x7] =	stream.indirect.gather @!p3 [hbm4b:s6+s2], $0x80, s9, s2, $0xb8;
	[tilespmem:$0x1FF00] =	vst v63  }
0x257: {  	s4 =	simm.s32 @!p3 $0x1FC20;
	s9 =	simm.s32 @!p3 $0x14C00  }
0x258: {  	[tilespmem:s9], [sflag:$0x8] =	stream.indirect.gather @!p3 [hbm4b:s6+s2], $0x80, s4, s2, $0xb8;
	[tilespmem:$0x1FF00] =	vst v63  }
0x259: {  	s4 =	simm.s32 @!p3 $0x1FC40;
	s9 =	simm.s32 @!p3 $0x15C00  }
0x25a: {  	[tilespmem:s9], [sflag:$0x9] =	stream.indirect.gather @!p3 [hbm4b:s6+s2], $0x80, s4, s2, $0xb8;
	[tilespmem:$0x1FF00] =	vst v63  }
0x25b: {  	s4 =	simm.s32 @!p3 $0x1FC60;
	s9 =	simm.s32 @!p3 $0x16C00  }
0x25c: {  	[tilespmem:s9], [sflag:$0xA] =	stream.indirect.gather @!p3 [hbm4b:s6+s2], $0x80, s4, s2, $0xb8;
	[tilespmem:$0x1FF00] =	vst v63  }
0x25d: {  	_ =	swait.ge [sflag:s16], $0x80  }
0x25e: {  	[sflag:s16] =	ssyncset.done $0x0  }
0x25f: {  	[sflag:s16] =	ssyncadd.s32 $0xFFFFFF80  }
0x260: {  	_ =	swait.ge [sflag:s26], $0x1000  }
0x261: {  	[sflag:s26] =	ssyncset.done $0x0  }
0x262: {  	[sflag:s26] =	ssyncadd.s32 $0xFFFFF000  }
0x263: {  	_ =	swait.ge [sflag:s28], $0x1000  }
0x264: {  	[sflag:s28] =	ssyncset.done $0x0  }
0x265: {  	[sflag:s28] =	ssyncadd.s32 $0xFFFFF000  }
0x266: {  	_ =	swait.ge [sflag:s29], $0x1000  }
.Ltmp13:
0x267: {  	[sflag:s29] =	ssyncset.done $0x0;
	(pc) =	sbr.rel @p3 .LBB2_20-.Ltmp13, $4  }
0x268: {  	[sflag:s29] =	ssyncadd.s32 $0xFFFFF000  }
0x269: {  	_ =	swait.ge [sflag:s30], $0x1000  }
0x26a: {  	[sflag:s30] =	ssyncset.done $0x0  }
0x26b: {  	[sflag:s30] =	ssyncadd.s32 $0xFFFFF000  }
0x26c: {  	s2 =	sadd.s32 s14, s19  }
0x26d: {  	s4 =	simm.s32 $0x0;
	s9 =	simm.s32 $0x1FC80;
	s2 =	sadd.s32 $0x40, s2  }
0x26e: {  	[tilespmem:s9], [sflag:$0x2] =	stream.linear.gather [hbm4b:s2+s4], $0x80, $0x38;
	[tilespmem:$0x1FF00] =	vst v63  }
0x26f: {  	s10 =	simm.s32 $0x1FE00;
	s20 =	simm.s32 $0x17C00;
	s21 =	simm.s32 $0x80  }
0x270: {  	[spmem:s1] =	stream.indirect.scatter.add.f32 [tilespmem:s20], [sflag:$0x13], $0x80, s10, s21, $0xb8;
	[tilespmem:$0x1FF00] =	vst v63  }
0x271: {  	_ =	swait.ge [sflag:s22], $0x4000  }
0x272: {  	s21 =	sadd.s32 s14, s18;
	[sflag:s22] =	ssyncset.done $0x0  }
0x273: {  	s2 =	sadd.s32 $0x40, s21;
	[sflag:s22] =	ssyncadd.s32 $0xFFFFC000  }
0x274: {  	[tilespmem:s10], [sflag:$0x5] =	stream.linear.gather [hbm4b:s2+s4], $0x80, $0x38;
	[tilespmem:$0x1FF00] =	vst v63  }
0x275: {  	_ =	swait.ge [sflag:s24], $0x80  }
0x276: {  	[sflag:s24] =	ssyncset.done $0x0  }
0x277: {  	[sflag:s24] =	ssyncadd.s32 $0xFFFFFF80  }
0x278: {  	[tilespmem:s20], [sflag:$0xB] =	stream.indirect.gather [hbm4b:s6+s0], $0x80, s9, s0, $0xb8;
	[tilespmem:$0x1FF00] =	vst v63  }
0x279: {  	s10 =	simm.s32 $0x18C00;
	s9 =	simm.s32 $0x1FCA0  }
0x27a: {  	[tilespmem:s10], [sflag:$0xC] =	stream.indirect.gather [hbm4b:s6+s0], $0x80, s9, s0, $0xb8;
	[tilespmem:$0x1FF00] =	vst v63  }
0x27b: {  	s21 =	simm.s32 $0x19C00;
	s20 =	simm.s32 $0x1FCC0  }
0x27c: {  	[tilespmem:s21], [sflag:$0xD] =	stream.indirect.gather [hbm4b:s6+s0], $0x80, s20, s0, $0xb8;
	[tilespmem:$0x1FF00] =	vst v63  }
0x27d: {  	s9 =	simm.s32 $0x1FCE0;
	s10 =	simm.s32 $0x1AC00;
	s20 =	simm.s32 $0x6  }
0x27e: {  	[tilespmem:s10], [sflag:$0xE] =	stream.indirect.gather [hbm4b:s6+s0], $0x80, s9, s0, $0xb8;
	[tilespmem:$0x1FF00] =	vst v63  }
0x27f: {  	_ =	swait.ge [sflag:s20], $0x80  }
0x280: {  	[sflag:s20] =	ssyncset.done $0x0  }
0x281: {  	s21 =	simm.s32 $0xF;
	[sflag:s20] =	ssyncadd.s32 $0xFFFFFF80  }
0x282: {  	_ =	swait.ge [sflag:s21], $0x1000  }
0x283: {  	[sflag:s21] =	ssyncset.done $0x0  }
0x284: {  	[sflag:s21] =	ssyncadd.s32 $0xFFFFF000  }
0x285: {  	_ =	swait.ge [sflag:s8], $0x1000  }
0x286: {  	[sflag:s8] =	ssyncset.done $0x0  }
0x287: {  	[sflag:s8] =	ssyncadd.s32 $0xFFFFF000  }
0x288: {  	_ =	swait.ge [sflag:s12], $0x1000  }
0x289: {  	[sflag:s12] =	ssyncset.done $0x0  }
0x28a: {  	[sflag:s12] =	ssyncadd.s32 $0xFFFFF000  }
0x28b: {  	p3 =	sgt.u32 s15, $0x18;
	_ =	swait.ge [sflag:s13], $0x1000  }
0x28c: {  	s2 =	simm.s32 @p3 $0x80;
	[sflag:s13] =	ssyncset.done $0x0  }
0x28d: {  	s4 =	simm.s32 @p3 $0x1FE80;
	s9 =	simm.s32 @p3 $0x1BC00;
	[sflag:s13] =	ssyncadd.s32 $0xFFFFF000  }
0x28e: {  	[spmem:s1] =	stream.indirect.scatter.add.f32 @p3 [tilespmem:s9], [sflag:$0x13], $0x80, s4, s2, $0xb8;
	[tilespmem:$0x1FF00] =	vst v63  }
0x28f: {  	s2 =	simm.s32 @p3 $0x13  }
0x290: {  	_ =	swait.ge @p3 [sflag:s2], $0x4000  }
0x291: {  	[sflag:s2] =	ssyncset.done @p3 $0x0  }
0x292: {  	[sflag:s2] =	ssyncadd.s32 @p3 $0xFFFFC000;
	s2 =	sadd.s32 @!p3 s14, s19  }
0x293: {  	s4 =	simm.s32 @!p3 $0x0;
	s9 =	simm.s32 @!p3 $0x1FD00;
	s2 =	sadd.s32 @!p3 $0x50, s2  }
0x294: {  	[tilespmem:s9], [sflag:$0x3] =	stream.linear.gather @!p3 [hbm4b:s2+s4], $0x80, $0x38;
	[tilespmem:$0x1FF00] =	vst v63  }
0x295: {  	s10 =	simm.s32 @!p3 $0x1FE80;
	s20 =	simm.s32 @!p3 $0x1BC00;
	s2 =	simm.s32 @!p3 $0x80  }
0x296: {  	[spmem:s1] =	stream.indirect.scatter.add.f32 @!p3 [tilespmem:s20], [sflag:$0x13], $0x80, s10, s2, $0xb8;
	[tilespmem:$0x1FF00] =	vst v63  }
0x297: {  	s2 =	simm.s32 @!p3 $0x13  }
0x298: {  	_ =	swait.ge @!p3 [sflag:s2], $0x4000  }
0x299: {  	s21 =	sadd.s32 @!p3 s14, s18;
	[sflag:s2] =	ssyncset.done @!p3 $0x0  }
0x29a: {  	[sflag:s2] =	ssyncadd.s32 @!p3 $0xFFFFC000;
	s2 =	sadd.s32 @!p3 $0x50, s21  }
0x29b: {  	[tilespmem:s10], [sflag:$0x6] =	stream.linear.gather @!p3 [hbm4b:s2+s4], $0x80, $0x38;
	[tilespmem:$0x1FF00] =	vst v63  }
0x29c: {  	s2 =	simm.s32 @!p3 $0x3  }
0x29d: {  	_ =	swait.ge @!p3 [sflag:s2], $0x80  }
0x29e: {  	[sflag:s2] =	ssyncset.done @!p3 $0x0  }
0x29f: {  	[sflag:s2] =	ssyncadd.s32 @!p3 $0xFFFFFF80;
	s2 =	simm.s32 @!p3 $0x20  }
0x2a0: {  	[tilespmem:s20], [sflag:$0xF] =	stream.indirect.gather @!p3 [hbm4b:s6+s2], $0x80, s9, s2, $0xb8;
	[tilespmem:$0x1FF00] =	vst v63  }
0x2a1: {  	s4 =	simm.s32 @!p3 $0x1FD20;
	s9 =	simm.s32 @!p3 $0x1CC00  }
0x2a2: {  	[tilespmem:s9], [sflag:$0x10] =	stream.indirect.gather @!p3 [hbm4b:s6+s2], $0x80, s4, s2, $0xb8;
	[tilespmem:$0x1FF00] =	vst v63  }
0x2a3: {  	s4 =	simm.s32 @!p3 $0x1FD40;
	s9 =	simm.s32 @!p3 $0x1DC00  }
0x2a4: {  	[tilespmem:s9], [sflag:$0x11] =	stream.indirect.gather @!p3 [hbm4b:s6+s2], $0x80, s4, s2, $0xb8;
	[tilespmem:$0x1FF00] =	vst v63  }
0x2a5: {  	s14 =	sadd.s32 $0x30, s14;
	s4 =	simm.s32 @!p3 $0x1FD60;
	s9 =	simm.s32 @!p3 $0x1EC00  }
0x2a6: {  	[tilespmem:s9], [sflag:$0x12] =	stream.indirect.gather @!p3 [hbm4b:s6+s2], $0x80, s4, s2, $0xb8;
	[tilespmem:$0x1FF00] =	vst v63  }
0x2a7: {  	p3 =	seq.s32 s14, $0x510  }
.Ltmp14:
0x2a8: {  	_ = 	snop;
	(pc) =	sbr.rel @!p3 .LBB2_15-.Ltmp14, $4  }
.Ltmp15:
0x2a9: {  	_ = 	snop;
	(pc) =	sbr.rel @p3 .LBB2_21-.Ltmp15, $4  }
0x2aa: {  	_ = 	snop  }
0x2ab: {  	_ = 	snop  }
0x2ac: {  	s15 =	sadd.s32 $0x1, s15  }
0x2ad: {  	_ = 	snop  }
.LBB2_17:
0x2ae: {  	s2 =	simm.s32 @!p2 $0x0;
	s4 =	simm.s32 @!p2 $0x13C00;
	s9 =	rddreg [dreg:$0x10]  }
0x2af: {  	[hbm4b:s9+s2] =	stream.linear.scatter @!p2 [tilespmem:s4], [sflag:$0x13], $0x4000, $0x38;
	[tilespmem:$0x1FF00] =	vst v63  }
0x2b0: {  	s2 =	simm.s32 @!p2 $0x13  }
0x2b1: {  	_ =	swait.ge @!p2 [sflag:s2], $0x4000  }
0x2b2: {  	s14 =	simm.s32 $0x0;
	[sflag:s2] =	ssyncset.done @!p2 $0x0  }
0x2b3: {  	s4 =	simm.s32 $0x1FC00;
	s21 =	rddreg [dreg:$0x7];
	[sflag:s2] =	ssyncadd.s32 @!p2 $0xFFFFC000  }
0x2b4: {  	[tilespmem:s4], [sflag:$0x1] =	stream.linear.gather [hbm4b:s21+s14], $0x80, $0x38;
	[tilespmem:$0x1FF00] =	vst v63  }
0x2b5: {  	s10 =	simm.s32 $0x1FD80;
	s9 =	rddreg [dreg:$0x8]  }
0x2b6: {  	[tilespmem:s10], [sflag:$0x4] =	stream.linear.gather [hbm4b:s9+s14], $0x80, $0x38;
	[tilespmem:$0x1FF00] =	vst v63  }
0x2b7: {  	s15 =	rddreg [dreg:$0x9];
	s9 =	simm.s32 $0x1FC80  }
0x2b8: {  	[tilespmem:s9], [sflag:$0x2] =	stream.linear.gather [hbm4b:s15+s14], $0x80, $0x38;
	[tilespmem:$0x1FF00] =	vst v63  }
0x2b9: {  	s21 =	rddreg [dreg:$0xa];
	s10 =	simm.s32 $0x1FE00  }
0x2ba: {  	[tilespmem:s10], [sflag:$0x5] =	stream.linear.gather [hbm4b:s21+s14], $0x80, $0x38;
	[tilespmem:$0x1FF00] =	vst v63  }
0x2bb: {  	s15 =	rddreg [dreg:$0xb];
	s10 =	simm.s32 $0x1FD00  }
0x2bc: {  	[tilespmem:s10], [sflag:$0x3] =	stream.linear.gather [hbm4b:s15+s14], $0x80, $0x38;
	[tilespmem:$0x1FF00] =	vst v63  }
0x2bd: {  	s21 =	rddreg [dreg:$0xc];
	s15 =	simm.s32 $0x1FE80  }
0x2be: {  	[tilespmem:s15], [sflag:$0x6] =	stream.linear.gather [hbm4b:s21+s14], $0x80, $0x38;
	[tilespmem:$0x1FF00] =	vst v63  }
0x2bf: {  	s15 =	simm.s32 $0x1  }
0x2c0: {  	_ =	swait.ge [sflag:s15], $0x80  }
0x2c1: {  	[sflag:s15] =	ssyncset.done $0x0  }
0x2c2: {  	[sflag:s15] =	ssyncadd.s32 $0xFFFFFF80  }
0x2c3: {  	[tilespmem:s20], [sflag:$0x7] =	stream.indirect.gather [hbm4b:s7+s0], $0x80, s4, s0, $0xb8;
	[tilespmem:$0x1FF00] =	vst v63  }
0x2c4: {  	s21 =	simm.s32 $0x14C00;
	s20 =	simm.s32 $0x1FC20  }
0x2c5: {  	[tilespmem:s21], [sflag:$0x8] =	stream.indirect.gather [hbm4b:s7+s0], $0x80, s20, s0, $0xb8;
	[tilespmem:$0x1FF00] =	vst v63  }
0x2c6: {  	s15 =	simm.s32 $0x15C00;
	s4 =	simm.s32 $0x1FC40  }
0x2c7: {  	[tilespmem:s15], [sflag:$0x9] =	stream.indirect.gather [hbm4b:s7+s0], $0x80, s4, s0, $0xb8;
	[tilespmem:$0x1FF00] =	vst v63  }
0x2c8: {  	s20 =	simm.s32 $0x1FC60;
	s21 =	simm.s32 $0x16C00  }
0x2c9: {  	[tilespmem:s21], [sflag:$0xA] =	stream.indirect.gather [hbm4b:s7+s0], $0x80, s20, s0, $0xb8;
	[tilespmem:$0x1FF00] =	vst v63  }
0x2ca: {  	_ =	swait.ge [sflag:s24], $0x80  }
0x2cb: {  	[sflag:s24] =	ssyncset.done $0x0  }
0x2cc: {  	s4 =	simm.s32 $0x17C00;
	[sflag:s24] =	ssyncadd.s32 $0xFFFFFF80  }
0x2cd: {  	[tilespmem:s4], [sflag:$0xB] =	stream.indirect.gather [hbm4b:s7+s0], $0x80, s9, s0, $0xb8;
	[tilespmem:$0x1FF00] =	vst v63  }
0x2ce: {  	s15 =	simm.s32 $0x18C00;
	s9 =	simm.s32 $0x1FCA0  }
0x2cf: {  	[tilespmem:s15], [sflag:$0xC] =	stream.indirect.gather [hbm4b:s7+s0], $0x80, s9, s0, $0xb8;
	[tilespmem:$0x1FF00] =	vst v63  }
0x2d0: {  	s20 =	simm.s32 $0x1FCC0;
	s21 =	simm.s32 $0x19C00  }
0x2d1: {  	[tilespmem:s21], [sflag:$0xD] =	stream.indirect.gather [hbm4b:s7+s0], $0x80, s20, s0, $0xb8;
	[tilespmem:$0x1FF00] =	vst v63  }
0x2d2: {  	s9 =	simm.s32 $0x1FCE0;
	s15 =	simm.s32 $0x1AC00;
	s20 =	simm.s32 $0x3  }
0x2d3: {  	[tilespmem:s15], [sflag:$0xE] =	stream.indirect.gather [hbm4b:s7+s0], $0x80, s9, s0, $0xb8;
	[tilespmem:$0x1FF00] =	vst v63  }
0x2d4: {  	_ =	swait.ge [sflag:s20], $0x80  }
0x2d5: {  	[sflag:s20] =	ssyncset.done $0x0  }
0x2d6: {  	s21 =	simm.s32 $0x1BC00;
	[sflag:s20] =	ssyncadd.s32 $0xFFFFFF80  }
0x2d7: {  	[tilespmem:s21], [sflag:$0xF] =	stream.indirect.gather [hbm4b:s7+s0], $0x80, s10, s0, $0xb8;
	[tilespmem:$0x1FF00] =	vst v63  }
0x2d8: {  	s4 =	simm.s32 $0x1FD20;
	s9 =	simm.s32 $0x1CC00  }
0x2d9: {  	[tilespmem:s9], [sflag:$0x10] =	stream.indirect.gather [hbm4b:s7+s0], $0x80, s4, s0, $0xb8;
	[tilespmem:$0x1FF00] =	vst v63  }
0x2da: {  	s15 =	simm.s32 $0x1DC00;
	s10 =	simm.s32 $0x1FD40  }
0x2db: {  	[tilespmem:s15], [sflag:$0x11] =	stream.indirect.gather [hbm4b:s7+s0], $0x80, s10, s0, $0xb8;
	[tilespmem:$0x1FF00] =	vst v63  }
0x2dc: {  	s20 =	simm.s32 $0x1FD60;
	s21 =	simm.s32 $0x1EC00;
	s15 =	simm.s32 $0x0  }
0x2dd: {  	[tilespmem:s21], [sflag:$0x12] =	stream.indirect.gather [hbm4b:s7+s0], $0x80, s20, s0, $0xb8;
	[tilespmem:$0x1FF00] =	vst v63  }
.LBB2_18:
0x2de: {  	_ =	swait.ge [sflag:s17], $0x80  }
0x2df: {  	[sflag:s17] =	ssyncset.done $0x0  }
0x2e0: {  	[sflag:s17] =	ssyncadd.s32 $0xFFFFFF80  }
0x2e1: {  	_ =	swait.ge [sflag:s23], $0x1000  }
0x2e2: {  	[sflag:s23] =	ssyncset.done $0x0  }
0x2e3: {  	[sflag:s23] =	ssyncadd.s32 $0xFFFFF000  }
0x2e4: {  	_ =	swait.ge [sflag:s11], $0x1000  }
0x2e5: {  	[sflag:s11] =	ssyncset.done $0x0  }
0x2e6: {  	[sflag:s11] =	ssyncadd.s32 $0xFFFFF000  }
0x2e7: {  	_ =	swait.ge [sflag:s31], $0x1000  }
0x2e8: {  	[sflag:s31] =	ssyncset.done $0x0  }
0x2e9: {  	[sflag:s31] =	ssyncadd.s32 $0xFFFFF000  }
0x2ea: {  	p3 =	seq.s32 s14, $0x4E0;
	_ =	swait.ge [sflag:s25], $0x1000  }
0x2eb: {  	s2 =	simm.s32 @p3 $0x80;
	[sflag:s25] =	ssyncset.done $0x0  }
0x2ec: {  	s4 =	simm.s32 @p3 $0x1FD80;
	s9 =	simm.s32 @p3 $0x13C00;
	[sflag:s25] =	ssyncadd.s32 $0xFFFFF000  }
0x2ed: {  	[spmem:s1] =	stream.indirect.scatter.add.f32 @p3 [tilespmem:s9], [sflag:$0x13], $0x80, s4, s2, $0xb8;
	[tilespmem:$0x1FF00] =	vst v63  }
0x2ee: {  	s2 =	simm.s32 @p3 $0x13  }
0x2ef: {  	_ =	swait.ge @p3 [sflag:s2], $0x4000  }
0x2f0: {  	[sflag:s2] =	ssyncset.done @p3 $0x0  }
0x2f1: {  	[sflag:s2] =	ssyncadd.s32 @p3 $0xFFFFC000;
	s2 =	sadd.s32 @!p3 s14, s19  }
0x2f2: {  	s4 =	simm.s32 @!p3 $0x0;
	s9 =	simm.s32 @!p3 $0x1FC00;
	s2 =	sadd.s32 @!p3 $0x30, s2  }
0x2f3: {  	[tilespmem:s9], [sflag:$0x1] =	stream.linear.gather @!p3 [hbm4b:s2+s4], $0x80, $0x38;
	[tilespmem:$0x1FF00] =	vst v63  }
0x2f4: {  	s10 =	simm.s32 @!p3 $0x1FD80;
	s20 =	simm.s32 @!p3 $0x13C00;
	s2 =	simm.s32 @!p3 $0x80  }
0x2f5: {  	[spmem:s1] =	stream.indirect.scatter.add.f32 @!p3 [tilespmem:s20], [sflag:$0x13], $0x80, s10, s2, $0xb8;
	[tilespmem:$0x1FF00] =	vst v63  }
0x2f6: {  	s2 =	simm.s32 @!p3 $0x13  }
0x2f7: {  	_ =	swait.ge @!p3 [sflag:s2], $0x4000  }
0x2f8: {  	s21 =	sadd.s32 @!p3 s14, s18;
	[sflag:s2] =	ssyncset.done @!p3 $0x0  }
0x2f9: {  	[sflag:s2] =	ssyncadd.s32 @!p3 $0xFFFFC000;
	s2 =	sadd.s32 @!p3 $0x30, s21  }
0x2fa: {  	[tilespmem:s10], [sflag:$0x4] =	stream.linear.gather @!p3 [hbm4b:s2+s4], $0x80, $0x38;
	[tilespmem:$0x1FF00] =	vst v63  }
0x2fb: {  	s2 =	simm.s32 @!p3 $0x1  }
0x2fc: {  	_ =	swait.ge @!p3 [sflag:s2], $0x80  }
0x2fd: {  	[sflag:s2] =	ssyncset.done @!p3 $0x0  }
0x2fe: {  	[sflag:s2] =	ssyncadd.s32 @!p3 $0xFFFFFF80;
	s2 =	simm.s32 @!p3 $0x20  }
0x2ff: {  	[tilespmem:s20], [sflag:$0x7] =	stream.indirect.gather @!p3 [hbm4b:s7+s2], $0x80, s9, s2, $0xb8;
	[tilespmem:$0x1FF00] =	vst v63  }
0x300: {  	s4 =	simm.s32 @!p3 $0x1FC20;
	s9 =	simm.s32 @!p3 $0x14C00  }
0x301: {  	[tilespmem:s9], [sflag:$0x8] =	stream.indirect.gather @!p3 [hbm4b:s7+s2], $0x80, s4, s2, $0xb8;
	[tilespmem:$0x1FF00] =	vst v63  }
0x302: {  	s4 =	simm.s32 @!p3 $0x1FC40;
	s9 =	simm.s32 @!p3 $0x15C00  }
0x303: {  	[tilespmem:s9], [sflag:$0x9] =	stream.indirect.gather @!p3 [hbm4b:s7+s2], $0x80, s4, s2, $0xb8;
	[tilespmem:$0x1FF00] =	vst v63  }
0x304: {  	s4 =	simm.s32 @!p3 $0x1FC60;
	s9 =	simm.s32 @!p3 $0x16C00  }
0x305: {  	[tilespmem:s9], [sflag:$0xA] =	stream.indirect.gather @!p3 [hbm4b:s7+s2], $0x80, s4, s2, $0xb8;
	[tilespmem:$0x1FF00] =	vst v63  }
0x306: {  	_ =	swait.ge [sflag:s16], $0x80  }
0x307: {  	[sflag:s16] =	ssyncset.done $0x0  }
0x308: {  	[sflag:s16] =	ssyncadd.s32 $0xFFFFFF80  }
0x309: {  	_ =	swait.ge [sflag:s26], $0x1000  }
0x30a: {  	[sflag:s26] =	ssyncset.done $0x0  }
0x30b: {  	[sflag:s26] =	ssyncadd.s32 $0xFFFFF000  }
0x30c: {  	_ =	swait.ge [sflag:s28], $0x1000  }
0x30d: {  	[sflag:s28] =	ssyncset.done $0x0  }
0x30e: {  	[sflag:s28] =	ssyncadd.s32 $0xFFFFF000  }
0x30f: {  	_ =	swait.ge [sflag:s29], $0x1000  }
.Ltmp16:
0x310: {  	[sflag:s29] =	ssyncset.done $0x0;
	(pc) =	sbr.rel @p3 .LBB2_22-.Ltmp16, $4  }
0x311: {  	[sflag:s29] =	ssyncadd.s32 $0xFFFFF000  }
0x312: {  	_ =	swait.ge [sflag:s30], $0x1000  }
0x313: {  	[sflag:s30] =	ssyncset.done $0x0  }
0x314: {  	[sflag:s30] =	ssyncadd.s32 $0xFFFFF000  }
0x315: {  	s2 =	sadd.s32 s14, s19  }
0x316: {  	s4 =	simm.s32 $0x0;
	s9 =	simm.s32 $0x1FC80;
	s2 =	sadd.s32 $0x40, s2  }
0x317: {  	[tilespmem:s9], [sflag:$0x2] =	stream.linear.gather [hbm4b:s2+s4], $0x80, $0x38;
	[tilespmem:$0x1FF00] =	vst v63  }
0x318: {  	s10 =	simm.s32 $0x1FE00;
	s20 =	simm.s32 $0x17C00;
	s21 =	simm.s32 $0x80  }
0x319: {  	[spmem:s1] =	stream.indirect.scatter.add.f32 [tilespmem:s20], [sflag:$0x13], $0x80, s10, s21, $0xb8;
	[tilespmem:$0x1FF00] =	vst v63  }
0x31a: {  	_ =	swait.ge [sflag:s22], $0x4000  }
0x31b: {  	s21 =	sadd.s32 s14, s18;
	[sflag:s22] =	ssyncset.done $0x0  }
0x31c: {  	s2 =	sadd.s32 $0x40, s21;
	[sflag:s22] =	ssyncadd.s32 $0xFFFFC000  }
0x31d: {  	[tilespmem:s10], [sflag:$0x5] =	stream.linear.gather [hbm4b:s2+s4], $0x80, $0x38;
	[tilespmem:$0x1FF00] =	vst v63  }
0x31e: {  	_ =	swait.ge [sflag:s24], $0x80  }
0x31f: {  	[sflag:s24] =	ssyncset.done $0x0  }
0x320: {  	[sflag:s24] =	ssyncadd.s32 $0xFFFFFF80  }
0x321: {  	[tilespmem:s20], [sflag:$0xB] =	stream.indirect.gather [hbm4b:s7+s0], $0x80, s9, s0, $0xb8;
	[tilespmem:$0x1FF00] =	vst v63  }
0x322: {  	s10 =	simm.s32 $0x18C00;
	s9 =	simm.s32 $0x1FCA0  }
0x323: {  	[tilespmem:s10], [sflag:$0xC] =	stream.indirect.gather [hbm4b:s7+s0], $0x80, s9, s0, $0xb8;
	[tilespmem:$0x1FF00] =	vst v63  }
0x324: {  	s21 =	simm.s32 $0x19C00;
	s20 =	simm.s32 $0x1FCC0  }
0x325: {  	[tilespmem:s21], [sflag:$0xD] =	stream.indirect.gather [hbm4b:s7+s0], $0x80, s20, s0, $0xb8;
	[tilespmem:$0x1FF00] =	vst v63  }
0x326: {  	s9 =	simm.s32 $0x1FCE0;
	s10 =	simm.s32 $0x1AC00;
	s20 =	simm.s32 $0x6  }
0x327: {  	[tilespmem:s10], [sflag:$0xE] =	stream.indirect.gather [hbm4b:s7+s0], $0x80, s9, s0, $0xb8;
	[tilespmem:$0x1FF00] =	vst v63  }
0x328: {  	_ =	swait.ge [sflag:s20], $0x80  }
0x329: {  	[sflag:s20] =	ssyncset.done $0x0  }
0x32a: {  	s21 =	simm.s32 $0xF;
	[sflag:s20] =	ssyncadd.s32 $0xFFFFFF80  }
0x32b: {  	_ =	swait.ge [sflag:s21], $0x1000  }
0x32c: {  	[sflag:s21] =	ssyncset.done $0x0  }
0x32d: {  	[sflag:s21] =	ssyncadd.s32 $0xFFFFF000  }
0x32e: {  	_ =	swait.ge [sflag:s8], $0x1000  }
0x32f: {  	[sflag:s8] =	ssyncset.done $0x0  }
0x330: {  	[sflag:s8] =	ssyncadd.s32 $0xFFFFF000  }
0x331: {  	_ =	swait.ge [sflag:s12], $0x1000  }
0x332: {  	[sflag:s12] =	ssyncset.done $0x0  }
0x333: {  	[sflag:s12] =	ssyncadd.s32 $0xFFFFF000  }
0x334: {  	p3 =	sgt.u32 s15, $0x18;
	_ =	swait.ge [sflag:s13], $0x1000  }
0x335: {  	s2 =	simm.s32 @p3 $0x80;
	[sflag:s13] =	ssyncset.done $0x0  }
0x336: {  	s4 =	simm.s32 @p3 $0x1FE80;
	s9 =	simm.s32 @p3 $0x1BC00;
	[sflag:s13] =	ssyncadd.s32 $0xFFFFF000  }
0x337: {  	[spmem:s1] =	stream.indirect.scatter.add.f32 @p3 [tilespmem:s9], [sflag:$0x13], $0x80, s4, s2, $0xb8;
	[tilespmem:$0x1FF00] =	vst v63  }
0x338: {  	s2 =	simm.s32 @p3 $0x13  }
0x339: {  	_ =	swait.ge @p3 [sflag:s2], $0x4000  }
0x33a: {  	[sflag:s2] =	ssyncset.done @p3 $0x0  }
0x33b: {  	[sflag:s2] =	ssyncadd.s32 @p3 $0xFFFFC000;
	s2 =	sadd.s32 @!p3 s14, s19  }
0x33c: {  	s4 =	simm.s32 @!p3 $0x0;
	s9 =	simm.s32 @!p3 $0x1FD00;
	s2 =	sadd.s32 @!p3 $0x50, s2  }
0x33d: {  	[tilespmem:s9], [sflag:$0x3] =	stream.linear.gather @!p3 [hbm4b:s2+s4], $0x80, $0x38;
	[tilespmem:$0x1FF00] =	vst v63  }
0x33e: {  	s10 =	simm.s32 @!p3 $0x1FE80;
	s20 =	simm.s32 @!p3 $0x1BC00;
	s2 =	simm.s32 @!p3 $0x80  }
0x33f: {  	[spmem:s1] =	stream.indirect.scatter.add.f32 @!p3 [tilespmem:s20], [sflag:$0x13], $0x80, s10, s2, $0xb8;
	[tilespmem:$0x1FF00] =	vst v63  }
0x340: {  	s2 =	simm.s32 @!p3 $0x13  }
0x341: {  	_ =	swait.ge @!p3 [sflag:s2], $0x4000  }
0x342: {  	s21 =	sadd.s32 @!p3 s14, s18;
	[sflag:s2] =	ssyncset.done @!p3 $0x0  }
0x343: {  	[sflag:s2] =	ssyncadd.s32 @!p3 $0xFFFFC000;
	s2 =	sadd.s32 @!p3 $0x50, s21  }
0x344: {  	[tilespmem:s10], [sflag:$0x6] =	stream.linear.gather @!p3 [hbm4b:s2+s4], $0x80, $0x38;
	[tilespmem:$0x1FF00] =	vst v63  }
0x345: {  	s2 =	simm.s32 @!p3 $0x3  }
0x346: {  	_ =	swait.ge @!p3 [sflag:s2], $0x80  }
0x347: {  	[sflag:s2] =	ssyncset.done @!p3 $0x0  }
0x348: {  	[sflag:s2] =	ssyncadd.s32 @!p3 $0xFFFFFF80;
	s2 =	simm.s32 @!p3 $0x20  }
0x349: {  	[tilespmem:s20], [sflag:$0xF] =	stream.indirect.gather @!p3 [hbm4b:s7+s2], $0x80, s9, s2, $0xb8;
	[tilespmem:$0x1FF00] =	vst v63  }
0x34a: {  	s4 =	simm.s32 @!p3 $0x1FD20;
	s9 =	simm.s32 @!p3 $0x1CC00  }
0x34b: {  	[tilespmem:s9], [sflag:$0x10] =	stream.indirect.gather @!p3 [hbm4b:s7+s2], $0x80, s4, s2, $0xb8;
	[tilespmem:$0x1FF00] =	vst v63  }
0x34c: {  	s4 =	simm.s32 @!p3 $0x1FD40;
	s9 =	simm.s32 @!p3 $0x1DC00  }
0x34d: {  	[tilespmem:s9], [sflag:$0x11] =	stream.indirect.gather @!p3 [hbm4b:s7+s2], $0x80, s4, s2, $0xb8;
	[tilespmem:$0x1FF00] =	vst v63  }
0x34e: {  	s14 =	sadd.s32 $0x30, s14;
	s4 =	simm.s32 @!p3 $0x1FD60;
	s9 =	simm.s32 @!p3 $0x1EC00  }
0x34f: {  	[tilespmem:s9], [sflag:$0x12] =	stream.indirect.gather @!p3 [hbm4b:s7+s2], $0x80, s4, s2, $0xb8;
	[tilespmem:$0x1FF00] =	vst v63  }
0x350: {  	p3 =	seq.s32 s14, $0x510  }
.Ltmp17:
0x351: {  	_ = 	snop;
	(pc) =	sbr.rel @!p3 .LBB2_18-.Ltmp17, $4  }
.Ltmp18:
0x352: {  	_ = 	snop;
	(pc) =	sbr.rel @p3 .LBB2_23-.Ltmp18, $4  }
0x353: {  	_ = 	snop  }
0x354: {  	_ = 	snop  }
0x355: {  	s15 =	sadd.s32 $0x1, s15  }
0x356: {  	_ = 	snop  }
.LBB2_20:
0x357: {  	s2 =	simm.s32 $0x1FE00;
	s4 =	simm.s32 $0x17C00;
	s9 =	simm.s32 $0x80  }
0x358: {  	[spmem:s1] =	stream.indirect.scatter.add.f32 [tilespmem:s4], [sflag:$0x13], $0x80, s2, s9, $0xb8;
	[tilespmem:$0x1FF00] =	vst v63  }
0x359: {  	_ =	swait.ge [sflag:s22], $0x4000  }
0x35a: {  	[sflag:s22] =	ssyncset.done $0x0  }
0x35b: {  	[sflag:s22] =	ssyncadd.s32 $0xFFFFC000  }
.LBB2_21:
0x35c: {  	s2 =	stileid.u32;
	[bflag:$0x0] =	sbarrier.arrive $0xFFFF  }
0x35d: {  	s2 =	sshll.u32 s2, $0x6;
	s15 =	rddreg [dreg:$0x13]  }
0x35e: {  	s9 =	rddreg [dreg:$0x1c];
	s2 =	sor.u32 $0x1C13, s2;
	s4 =	sshrl.u32 s15, $0x3  }
0x35f: {  	[hbm:s9], [sflag:s2] =	dma.local [spmem:s4], $0x800  }
0x360: {  	_ =	swait.ge [sflag:s22], $0x800  }
0x361: {  	s20 =	sld [smem:$0x7F5]  }
0x362: {  	[sflag:s22] =	ssyncset.done $0x0;
	s21 =	rddreg [dreg:$0x14]  }
0x363: {  	[sflag:s22] =	ssyncadd.s32 $0xFFFFF800;
	s14 =	sshrl.u32 s21, $0x3  }
0x364: {  	[hbm:s20], [sflag:s2] =	dma.local [spmem:s14], $0x800  }
0x365: {  	_ =	swait.ge [sflag:s22], $0x800  }
0x366: {  	s10 =	sld [smem:$0x7F9]  }
0x367: {  	[sflag:s22] =	ssyncset.done $0x0;
	s9 =	rddreg [dreg:$0x15]  }
0x368: {  	[sflag:s22] =	ssyncadd.s32 $0xFFFFF800;
	s4 =	sshrl.u32 s9, $0x3  }
0x369: {  	[hbm:s10], [sflag:s2] =	dma.local [spmem:s4], $0x800  }
0x36a: {  	_ =	swait.ge [sflag:s22], $0x800  }
0x36b: {  	s20 =	sld [smem:$0x7FD]  }
0x36c: {  	[sflag:s22] =	ssyncset.done $0x0;
	s14 =	rddreg [dreg:$0x16]  }
0x36d: {  	[sflag:s22] =	ssyncadd.s32 $0xFFFFF800;
	s4 =	sshrl.u32 s14, $0x3  }
0x36e: {  	[hbm:s20], [sflag:s2] =	dma.local [spmem:s4], $0x800  }
.Ltmp19:
0x36f: {  	_ = 	snop;
	(pc) =	sbr.rel @p1 .LBB2_25-.Ltmp19, $4  }
.Ltmp20:
0x370: {  	_ = 	snop;
	(pc) =	sbr.rel @!p1 .LBB2_24-.Ltmp20, $4  }
0x371: {  	_ =	swait.ge [sflag:s22], $0x800  }
0x372: {  	[sflag:s22] =	ssyncset.done $0x0;
	s20 =	sld [smem:$0x7F4]  }
0x373: {  	s14 =	rddreg [dreg:$0x5];
	[sflag:s22] =	ssyncadd.s32 $0xFFFFF800  }
0x374: {  	_ = 	snop  }
.LBB2_22:
0x375: {  	s2 =	simm.s32 $0x1FE00;
	s4 =	simm.s32 $0x17C00;
	s9 =	simm.s32 $0x80  }
0x376: {  	[spmem:s1] =	stream.indirect.scatter.add.f32 [tilespmem:s4], [sflag:$0x13], $0x80, s2, s9, $0xb8;
	[tilespmem:$0x1FF00] =	vst v63  }
0x377: {  	_ =	swait.ge [sflag:s22], $0x4000  }
0x378: {  	[sflag:s22] =	ssyncset.done $0x0  }
0x379: {  	[sflag:s22] =	ssyncadd.s32 $0xFFFFC000  }
.LBB2_23:
0x37a: {  	s2 =	stileid.u32;
	[bflag:$0x0] =	sbarrier.arrive $0xFFFF  }
0x37b: {  	s2 =	sshll.u32 s2, $0x6;
	s15 =	rddreg [dreg:$0x13]  }
0x37c: {  	s9 =	rddreg [dreg:$0x1b];
	s2 =	sor.u32 $0x1C13, s2;
	s4 =	sshrl.u32 s15, $0x3  }
0x37d: {  	[hbm:s9], [sflag:s2] =	dma.local [spmem:s4], $0x800  }
0x37e: {  	_ =	swait.ge [sflag:s22], $0x800  }
0x37f: {  	[sflag:s22] =	ssyncset.done $0x0;
	s21 =	rddreg [dreg:$0x14]  }
0x380: {  	s20 =	rddreg [dreg:$0x1f];
	[sflag:s22] =	ssyncadd.s32 $0xFFFFF800;
	s14 =	sshrl.u32 s21, $0x3  }
0x381: {  	[hbm:s20], [sflag:s2] =	dma.local [spmem:s14], $0x800  }
0x382: {  	_ =	swait.ge [sflag:s22], $0x800  }
0x383: {  	s10 =	sld [smem:$0x7F8]  }
0x384: {  	[sflag:s22] =	ssyncset.done $0x0;
	s9 =	rddreg [dreg:$0x15]  }
0x385: {  	[sflag:s22] =	ssyncadd.s32 $0xFFFFF800;
	s4 =	sshrl.u32 s9, $0x3  }
0x386: {  	[hbm:s10], [sflag:s2] =	dma.local [spmem:s4], $0x800  }
0x387: {  	_ =	swait.ge [sflag:s22], $0x800  }
0x388: {  	s20 =	sld [smem:$0x7FC]  }
0x389: {  	[sflag:s22] =	ssyncset.done $0x0;
	s14 =	rddreg [dreg:$0x16]  }
0x38a: {  	[sflag:s22] =	ssyncadd.s32 $0xFFFFF800;
	s4 =	sshrl.u32 s14, $0x3  }
0x38b: {  	[hbm:s20], [sflag:s2] =	dma.local [spmem:s4], $0x800  }
.Ltmp21:
0x38c: {  	_ = 	snop;
	(pc) =	sbr.rel @p1 .LBB2_25-.Ltmp21, $4  }
.Ltmp22:
0x38d: {  	_ = 	snop;
	(pc) =	sbr.rel @!p1 .LBB2_24-.Ltmp22, $4  }
0x38e: {  	_ =	swait.ge [sflag:s22], $0x800  }
0x38f: {  	[sflag:s22] =	ssyncset.done $0x0;
	s20 =	sld [smem:$0x7F4]  }
0x390: {  	s14 =	rddreg [dreg:$0x6];
	[sflag:s22] =	ssyncadd.s32 $0xFFFFF800  }
0x391: {  	_ = 	snop  }
.LBB2_26:
0x392: {  	_ =	sfence.sel $0x180000  }
0x393: {  	[bflag:$0x0] =	sbarrier.arrive $0xFFFF  }
0x394: {  	_ =	strace $0x9000004D  }
0x395: {  	s0 =	stileid.u32;
	[bflag:$0x2] =	sbarrier.arrive $0xFFFF  }
0x396: {  	p0 =	sne.s32 s0, $0x0;
	s0 =	rddreg [dreg:$0x2]  }
0x397: {  	s0 =	sadd.s32 @!p0 $0x100000, s0  }
0x398: {  	[sflag:s0] =	ssyncadd.tile.s32 @!p0 $0x1;
	_ =	shalt  }
.Lfunc_end2:
_tile_overlayer_lowered:
.L_overlay_start_2:
0x399: {  	(tag) =	ssettag $0x2  }
0x39a: {  	s0 =	rddreg [dreg:$0x0];
	s2 =	stileid.u32  }
0x39b: {  	s1 =	rddreg [dreg:$0x1];
	p0 =	sne.s32 s2, $0x0  }
0x39c: {  	s3 =	rddreg [dreg:$0x2];
	[bflag:$0x3] =	sbarrier.arrive $0xFFFF;
	s2 =	simm.s32 @!p0 $0x1C13  }
0x39d: {  	[timem:s3], [sflag:s2] =	dma.local @!p0 [hbm:s0], s1  }
0x39e: {  	s0 =	simm.s32 @!p0 $0x13  }
0x39f: {  	_ =	swait.ge @!p0 [sflag:s0], s1  }
0x3a0: {  	s1 =	ssub.s32 @!p0 $0x0, s1;
	[sflag:s0] =	ssyncset.done @!p0 $0x0  }
0x3a1: {  	[sflag:s0] =	ssyncadd.s32 @!p0 s1  }
0x3a2: {  	[bflag:$0x3] =	sbarrier.arrive $0xFFFF  }
0x3a3: {  	_ =	shalt  }

// kernel: kernel.19.cloned.1.call-start
scs
__scs_entry_jumppad:
0x0: {  	(pc) =	sbr.rel $0x88, $3  }
0x1: {  	(tag) =	ssettag $0x0;
	lr =	simm.s32 $0x1  }
0x2: {  	[smem:$0x3F96] =	sst lr;
	_ =	strace $0xD0000000  }
0x3: {  	_ = 	snop  }
0x4: {  	_ = 	snop  }
0x5: {  	_ = 	snop  }
0x6: {  	_ = 	snop  }
0x7: {  	_ = 	snop  }
__scs_overlays_trampoline_lowered:
0x8: {  	[smem:$0x3FA5] =	sst s0  }
0x9: {  	[smem:$0x3FA6] =	sst s1  }
0xa: {  	[smem:$0x3FA7] =	sst s2  }
0xb: {  	[smem:$0x3FA8] =	sst s3  }
0xc: {  	[smem:$0x3FA9] =	sst s4  }
0xd: {  	[smem:$0x3FAA] =	sst s5  }
0xe: {  	[smem:$0x3FAB] =	sst s6  }
0xf: {  	[smem:$0x3FAC] =	sst s7  }
0x10: {  	[smem:$0x3FAD] =	sst s8  }
0x11: {  	[smem:$0x3FAE] =	sst s9;
	s0 =	simm.s32 @!p0 $0x0  }
0x12: {  	s1 =	sld [smem:$0x3F94];
	s0 =	simm.s32 @p0 $0x1  }
0x13: {  	[smem:$0x3FAF] =	sst s0;
	s0 =	simm.s32 @!p1 $0x0  }
0x14: {  	s2 =	sld [smem:$0x3F93];
	s0 =	simm.s32 @p1 $0x1  }
0x15: {  	[smem:$0x3FB0] =	sst s0;
	s0 =	simm.s32 @!p2 $0x0  }
0x16: {  	s3 =	sld [smem:$0x3FDB];
	s0 =	simm.s32 @p2 $0x1  }
0x17: {  	s4 =	simm.s32 $0x1BF5;
	[smem:$0x3FB2] =	sst s0  }
0x18: {  	s0 =	sld [smem:$0x3F95];
	_ =	swait.ge [sflag:s4], $0x0  }
0x19: {  	s7 =	sld [smem:$0x3F96]  }
0x1a: {  	s8 =	sadd.s32 $0xFFFFE003, lr  }
0x1b: {  	s9 =	sadd.s32 $0xFFFFFEF7, lr;
	s5 =	simm.s32 $0xFFFFFFFF;
	p2 =	slt.u32 s8, $0xFFFFF086  }
0x1c: {  	p1 =	slt.u32 s9, $0xF7A;
	s5 =	simm.s32 @!p2 $0x0  }
0x1d: {  	s5 =	simm.s32 @p1 $0x1;
	p0 =	seq.s32 s7, s2  }
0x1e: {  	s7 =	smul.u32 @!p0 $0xF7A, s2;
	p2 =	seq.s32 @!p0 s5, $0x0  }
0x1f: {  	s9 =	smul.u32 $0xF7A, s1;
	s8 =	simm.s32 @!p0 $0x1BF5;
	p2 =	por !p2, p0  }
0x20: {  	[sflag:s8] =	ssyncset.s32 @!p0 $0xFFFFF086;
	s6 =	sadd.s32 @!p0 s3, s7;
	s7 =	simm.s32 @!p0 $0x108  }
0x21: {  	s3 =	sadd.s32 s3, s9;
	s6 =	sadd.s32 @!p0 $0x88, s6;
	s7 =	simm.s32 @p2 $0x1082  }
0x22: {  	[simem:s7], [sflag:s8] =	dma.local @!p0 [hbm:s6], $0xF7A  }
0x23: {  	s9 =	sor.u32 $0xD0000000, s2;
	s6 =	simm.s32 $0x108;
	_ =	swait.ge @!p0 [sflag:s8], $0x0  }
0x24: {  	s3 =	sadd.s32 $0x88, s3;
	s6 =	simm.s32 @!p1 $0x1082;
	[sflag:s4] =	ssyncset.s32 $0xFFFFF086  }
0x25: {  	[simem:s6], [sflag:s4] =	dma.local [hbm:s3], $0xF7A  }
0x26: {  	[smem:$0x3F96] =	sst s1;
	(tag) =	ssettag s2;
	_ =	strace s9  }
0x27: {  	s1 =	sld [smem:$0x3FA6]  }
0x28: {  	s2 =	sld [smem:$0x3FA7]  }
0x29: {  	s4 =	sld [smem:$0x3FA9]  }
0x2a: {  	p0 =	seq.s32 s5, $0x0;
	s5 =	sld [smem:$0x3FAA]  }
0x2b: {  	s6 =	sld [smem:$0x3FAB]  }
0x2c: {  	s7 =	sld [smem:$0x3FAC]  }
0x2d: {  	s3 =	simm.s32 $0x108;
	s8 =	sld [smem:$0x3FAD]  }
0x2e: {  	s3 =	simm.s32 @!p0 $0x1082;
	s9 =	sld [smem:$0x3FAE]  }
0x2f: {  	lr =	sadd.s32 s0, s3;
	s0 =	sld [smem:$0x3FA5]  }
0x30: {  	s3 =	sld [smem:$0x3FA8]  }
0x31: {  	[smem:$0x3FB1] =	sst s10  }
0x32: {  	s10 =	sld [smem:$0x3FAF];
	_ =	sdelay $0x3  }
0x33: {  	p0 =	seq.s32 s10, $0x1;
	s10 =	sld [smem:$0x3FB1];
	_ =	sdelay $0x3  }
0x34: {  	[smem:$0x3FB1] =	sst s10  }
0x35: {  	s10 =	sld [smem:$0x3FB0];
	_ =	sdelay $0x3  }
0x36: {  	p1 =	seq.s32 s10, $0x1;
	s10 =	sld [smem:$0x3FB1];
	_ =	sdelay $0x3  }
0x37: {  	[smem:$0x3FB1] =	sst s10  }
0x38: {  	s10 =	sld [smem:$0x3FB2]  }
0x39: {  	_ = 	snop;
	(pc) =	sbr.ind lr, $3  }
0x3a: {  	_ = 	snop  }
0x3b: {  	_ = 	snop  }
0x3c: {  	p2 =	seq.s32 s10, $0x1;
	s10 =	sld [smem:$0x3FB1]  }
0x3d: {  	_ =	shalt  }
0x3e: {  	_ =	shalt  }
0x3f: {  	_ =	shalt  }
0x40: {  	_ =	shalt  }
0x41: {  	_ =	shalt  }
0x42: {  	_ =	shalt  }
0x43: {  	_ =	shalt  }
0x44: {  	_ =	shalt  }
0x45: {  	_ =	shalt  }
0x46: {  	_ =	shalt  }
0x47: {  	_ =	shalt  }
0x48: {  	_ =	shalt  }
0x49: {  	_ =	shalt  }
0x4a: {  	_ =	shalt  }
0x4b: {  	_ =	shalt  }
0x4c: {  	_ =	shalt  }
0x4d: {  	_ =	shalt  }
0x4e: {  	_ =	shalt  }
0x4f: {  	_ =	shalt  }
0x50: {  	_ =	shalt  }
0x51: {  	_ =	shalt  }
0x52: {  	_ =	shalt  }
0x53: {  	_ =	shalt  }
0x54: {  	_ =	shalt  }
0x55: {  	_ =	shalt  }
0x56: {  	_ =	shalt  }
0x57: {  	_ =	shalt  }
0x58: {  	_ =	shalt  }
0x59: {  	_ =	shalt  }
0x5a: {  	_ =	shalt  }
0x5b: {  	_ =	shalt  }
0x5c: {  	_ =	shalt  }
0x5d: {  	_ =	shalt  }
0x5e: {  	_ =	shalt  }
0x5f: {  	_ =	shalt  }
0x60: {  	_ =	shalt  }
0x61: {  	_ =	shalt  }
0x62: {  	_ =	shalt  }
0x63: {  	_ =	shalt  }
0x64: {  	_ =	shalt  }
0x65: {  	_ =	shalt  }
0x66: {  	_ =	shalt  }
0x67: {  	_ =	shalt  }
0x68: {  	_ =	shalt  }
0x69: {  	_ =	shalt  }
0x6a: {  	_ =	shalt  }
0x6b: {  	_ =	shalt  }
0x6c: {  	_ =	shalt  }
0x6d: {  	_ =	shalt  }
0x6e: {  	_ =	shalt  }
0x6f: {  	_ =	shalt  }
0x70: {  	_ =	shalt  }
0x71: {  	_ =	shalt  }
0x72: {  	_ =	shalt  }
0x73: {  	_ =	shalt  }
0x74: {  	_ =	shalt  }
0x75: {  	_ =	shalt  }
0x76: {  	_ =	shalt  }
0x77: {  	_ =	shalt  }
0x78: {  	_ =	shalt  }
0x79: {  	_ =	shalt  }
0x7a: {  	_ =	shalt  }
0x7b: {  	_ =	shalt  }
0x7c: {  	_ =	shalt  }
0x7d: {  	_ =	shalt  }
0x7e: {  	_ =	shalt  }
0x7f: {  	_ =	shalt  }
0x80: {  	_ =	shalt  }
0x81: {  	_ =	shalt  }
0x82: {  	_ =	shalt  }
0x83: {  	_ =	shalt  }
0x84: {  	_ =	shalt  }
0x85: {  	_ =	shalt  }
0x86: {  	_ =	shalt  }
0x87: {  	_ =	shalt  }
.Lfunc_end0:
.L_simem_size_0:
called_computation.3_lowered:
.L_overlay_start_0:
0x88: {  	s2 =	sld [smem:$0x3FD9]  }
0x89: {  	s3 =	sld [smem:$0x3FFE];
	_ =	sdelay $0x1  }
0x8a: {  	s1 =	srdreg.scid  }
0x8b: {  	s0 =	sand.u32 $0x1, s1  }
0x8c: {  	s16 =	sshll.u32 s0, $0xA;
	s2 =	sadd.s32 s3, s2  }
0x8d: {  	s2 =	sadd.s32 s2, s16  }
0x8e: {  	[smem:$0x3FBD] =	sst s2  }
0x8f: {  	_ = 	snop  }
0x90: {  	(tm) =	ssettm $0x1  }
0x91: {  	s17 =	sld [smem:$0x3FFB];
	_ =	sdelay $0x3  }
0x92: {  	_ =	strace s17  }
0x93: {  	s2 =	sld [smem:$0x3FFC];
	_ =	sdelay $0x3  }
0x94: {  	_ =	strace s2  }
0x95: {  	s2 =	sld [smem:$0x3FFD];
	_ =	sdelay $0x3  }
0x96: {  	_ =	strace s2  }
0x97: {  	_ =	strace $0x8FFFFFFF  }
0x98: {  	s18 =	sld [smem:$0x3FDB];
	_ =	sdelay $0x1  }
0x99: {  	s19 =	simm.s32 $_scs_section_size  }
0x9a: {  	s4 =	simm.s32 $_size__tile_overlayer_lowered;
	s5 =	simm.s32 $_tile_overlayer_lowered  }
0x9b: {  	s22 =	simm.s32 $0x1BFF;
	s21 =	sshll.u32 s5, $0x1;
	s2 =	sadd.s32 s19, s18  }
0x9c: {  	s6 =	simm.s32 $0x0;
	s20 =	sshll.u32 s4, $0x1;
	s4 =	sadd.s32 s21, s2  }
0x9d: {  	[timem:s6], [sflag:s22] =	dma.local [hbm:s4], s20  }
0x9e: {  	_ =	swait.ge [sflag:s22], s20  }
0x9f: {  	s3 =	ssub.s32 $0x0, s20;
	[sflag:s22] =	ssyncset.done $0x0  }
0xa0: {  	[sflag:s22] =	ssyncadd.s32 s3;
	_ =	sdelay $0x1  }
0xa1: {  	s23 =	simm.s32 $0x1B8B  }
0xa2: {  	_ =	swait.ge [sflag:s23], $0x1  }
0xa3: {  	[sflag:s23] =	ssyncset.done $0x0  }
0xa4: {  	s25 =	simm.s32 $0x1B8E;
	s24 =	sld [smem:$0x3FFE];
	[sflag:s23] =	ssyncadd.s32 $0xFFFFFFFF  }
0xa5: {  	s26 =	simm.s32 $execute0_lowered;
	[smem:$0x3FD2] =	sst s25  }
0xa6: {  	s4 =	sshll.u32 s26, $0x1;
	_ =	strace $0x8000004F;
	[dreg:$0x1] =	wrdreg $0xFFFFFFFF  }
0xa7: {  	s28 =	simm.s32 $_size_execute0_lowered;
	s2 =	sadd.s32 s2, s4;
	[dreg:$0x0] =	wrdreg $0x0  }
0xa8: {  	s4 =	sshll.u32 s28, $0x1;
	[dreg:$0x2] =	wrdreg s2  }
0xa9: {  	[dreg:$0x3] =	wrdreg s4  }
0xaa: {  	[dreg:$0x4] =	wrdreg $0xC0  }
0xab: {  	_ =	task [dreg:s6], $0x5FFFF  }
0xac: {  	[dreg:$0x1] =	wrdreg $0xFFFFFFFF  }
0xad: {  	[dreg:$0x0] =	wrdreg $0x60  }
0xae: {  	[dreg:$0x2] =	wrdreg s24  }
0xaf: {  	[dreg:$0x3] =	wrdreg $0x9  }
0xb0: {  	_ =	task.clear_ibuf [dreg:s6], $0x4FFFF;
	_ =	strace $0x9000004F  }
0xb1: {  	s29 =	simm.s32 $0x9;
	_ =	strace $0x80000051  }
0xb2: {  	_ =	swait.ge [sflag:s29], $0x1  }
0xb3: {  	[sflag:s29] =	ssyncadd.s32 $0xFFFFFFFF  }
0xb4: {  	_ =	strace $0x90000051  }
0xb5: {  	_ =	sfence  }
0xb6: {  	s30 =	sld [smem:$0x0];
	_ =	sdelay $0x2  }
0xb7: {  	s31 =	sshll.u32 s1, $0xD;
	s1 =	sshrl.u32 s1, $0x2  }
0xb8: {  	s3 =	sand.u32 $0x4000, s31;
	s1 =	sadd.s32 s1, s30  }
0xb9: {  	s0 =	sor.u32 s3, s0;
	s1 =	sshll.u32 s1, $0x11  }
0xba: {  	s0 =	sor.u32 s1, s0  }
0xbb: {  	s0 =	sadd.s32 $0x8F2B, s0  }
0xbc: {  	[sflag:s0] =	ssyncadd.remote.s32 $0x1  }
0xbd: {  	_ =	sfence.sel $0xFFFF  }
0xbe: {  	[dreg:$0x0] =	wrdreg $0xFFFFFFFF;
	(pc) =	sbr.abs _section_cstart, $3  }
0xbf: {  	[dreg:$0x1] =	wrdreg $0xFFFFFFFF  }
0xc0: {  	_ =	task.clear_ibuf [dreg:s6], $0x2FFFF;
	_ =	strace $0x9FFFFFFF  }
0xc1: {  	(tm) =	ssettm $0x7FFFFFFF  }
tec
execute0_lowered:
.L_overlay_start_1:
0x0: {  	(tag) =	ssettag $0x1  }
0x1: {  	s1 =	srdreg.scid  }
0x2: {  	s0 =	stileid.u32;
	s4 =	rddreg [dreg:$0x0]  }
0x3: {  	s2 =	simm.s32 $0x0;
	s10 =	simm.s32 $0x1400;
	s11 =	simm.s32 $0x5000  }
0x4: {  	s3 =	sand.u32 $0x1, s1;
	s31 =	sshll.u32 s0, $0x1;
	s1 =	rddreg [dreg:$0x1]  }
0x5: {  	s12 =	simm.s32 $0x0;
	[smem:$0x7FF] =	sst s2;
	s5 =	sor.u32 s3, s31  }
0x6: {  	s7 =	ssub.s32 $0x2, s3;
	_ =	strace $0x80000050;
	s6 =	smul.u32 $0x280, s5  }
0x7: {  	s3 =	sadd.s32 $0x9000, s4;
	s5 =	smul.u32 $0x500, s5;
	s8 =	sshrl.u32 s7, $0x1  }
0x8: {  	s7 =	ssub.s32 s7, s8;
	s8 =	simm.s32 $0x2800;
	s6 =	sadd.s32 s6, s4  }
0x9: {  	s9 =	sadd.s32 s5, s4;
	s7 =	smax.u32 s7, $0x1;
	s4 =	sadd.s32 $0x13200, s6  }
0xa: {  	v0 =	vimm.f32 $0.0e+00;
	s5 =	sadd.s32 $0x3800, s6;
	s6 =	sadd.s32 $0x18200, s9;
	s9 =	simm.s32 $0x1  }
.LBB2_1:
0xb: {  	[tilespmem:s8], [sflag:$0x1] =	stream.linear.gather [hbm4b:s3+s2], $0x2800, $0x38;
	[tilespmem:$0x7800] =	vst v63  }
0xc: {  	_ =	swait.ge [sflag:s9], $0x2800  }
0xd: {  	[sflag:s9] =	ssyncset.done $0x0  }
0xe: {  	s13 =	simm.s32 $0x40;
	s14 =	simm.s32 $0x0;
	[sflag:s9] =	ssyncadd.s32 $0xFFFFD800  }
.LBB2_2:
0xf: {  	p0 =	sne.s32 s13, $0x9FC0;
	[tilespmem:s14+$0x5000] =	vst v0;
	s14 =	smov.u32 s13;
	s13 =	sadd.s32 $0x40, s13  }
.Ltmp0:
0x10: {  	(pc) =	sbr.rel @p0 .LBB2_2-.Ltmp0, $2  }
0x11: {  	_ =	sdelay $0x2  }
0x12: {  	s14 =	sshra.s32 s14, $0x2  }
0x13: {  	[tilespmem:s14+$0x5000] =	vst v0;
	s13 =	simm.s32 $0x0  }
0x14: {  	[tilespmem:s13], [sflag:$0x1] =	stream.linear.gather [hbm4b:s4+s13], $0x1400, $0x38;
	[tilespmem:$0x7800] =	vst v63  }
0x15: {  	_ =	swait.ge [sflag:s9], $0x1400  }
0x16: {  	[sflag:s9] =	ssyncset.done $0x0  }
0x17: {  	[sflag:s9] =	ssyncadd.s32 $0xFFFFEC00  }
0x18: {  	[tilespmem:s10], [sflag:$0x1] =	stream.linear.gather [hbm4b:s5+s13], $0x1400, $0x38;
	[tilespmem:$0x7800] =	vst v63  }
0x19: {  	_ =	swait.ge [sflag:s9], $0x1400  }
0x1a: {  	[sflag:s9] =	ssyncset.done $0x0  }
0x1b: {  	s14 =	simm.s32 $0x0;
	s13 =	simm.s32 $0x40;
	[sflag:s9] =	ssyncadd.s32 $0xFFFFEC00  }
.LBB2_4:
0x1c: {  	p0 =	sne.s32 s13, $0x4FC0;
	v1 =	vld [tilespmem:s14+$0x0];
	_ =	sdelay $0x5  }
0x1d: {  	v2 =	vld [tilespmem:s14+$0x1400];
	_ =	sdelay $0x1  }
0x1e: {  	v1 =	vld.idx.msk [tilespmem:v1+s8+$0x0], $0xffff;
	_ =	sdelay $0x1  }
.Ltmp1:
0x1f: {  	(pc) =	sbr.rel @p0 .LBB2_4-.Ltmp1, $2  }
0x20: {  	_ =	sdelay $0x2  }
0x21: {  	s14 =	sshra.s32 s13, $0x2;
	s13 =	sadd.s32 $0x40, s13;
	[tilespmem:v2+s11+$0x0] =	vst.idx.add.f32.msk $0xffff, v1  }
0x22: {  	v1 =	vld [tilespmem:s14+$0x0];
	_ =	sdelay $0x4  }
0x23: {  	v2 =	vld [tilespmem:s14+$0x1400];
	_ =	sdelay $0x2  }
0x24: {  	v1 =	vld.idx.msk [tilespmem:v1+s8+$0x0], $0xffff;
	_ =	sdelay $0x2  }
0x25: {  	s12 =	sadd.s32 $0x1, s12  }
0x26: {  	p0 =	sne.s32 s12, s7  }
.Ltmp2:
0x27: {  	[tilespmem:v2+s11+$0x0] =	vst.idx.add.f32.msk $0xffff, v1;
	(pc) =	sbr.rel @p0 .LBB2_1-.Ltmp2, $4  }
0x28: {  	[hbm4b:s6+s2] =	stream.linear.scatter [tilespmem:s11], [sflag:$0x1], $0x2800, $0x38;
	[tilespmem:$0x7800] =	vst v63  }
0x29: {  	_ =	swait.ge [sflag:s9], $0x2800  }
0x2a: {  	[sflag:s9] =	ssyncset.done $0x0  }
0x2b: {  	[sflag:s9] =	ssyncadd.s32 $0xFFFFD800  }
0x2c: {  	_ =	sfence.sel $0x180000  }
0x2d: {  	[bflag:$0x0] =	sbarrier.arrive $0xFFFF  }
0x2e: {  	p0 =	sne.s32 s0, $0x0;
	_ =	strace $0x90000050  }
0x2f: {  	s0 =	sadd.s32 @!p0 $0x100000, s1;
	[bflag:$0x2] =	sbarrier.arrive $0xFFFF  }
0x30: {  	[sflag:s0] =	ssyncadd.tile.s32 @!p0 $0x1;
	_ =	shalt  }
.Lfunc_end2:
_tile_overlayer_lowered:
.L_overlay_start_2:
0x31: {  	(tag) =	ssettag $0x2  }
0x32: {  	s0 =	rddreg [dreg:$0x0];
	s2 =	stileid.u32  }
0x33: {  	s1 =	rddreg [dreg:$0x1];
	p0 =	sne.s32 s2, $0x0  }
0x34: {  	s3 =	rddreg [dreg:$0x2];
	[bflag:$0x3] =	sbarrier.arrive $0xFFFF;
	s2 =	simm.s32 @!p0 $0x1C01  }
0x35: {  	[timem:s3], [sflag:s2] =	dma.local @!p0 [hbm:s0], s1  }
0x36: {  	s0 =	simm.s32 @!p0 $0x1  }
0x37: {  	_ =	swait.ge @!p0 [sflag:s0], s1  }
0x38: {  	s1 =	ssub.s32 @!p0 $0x0, s1;
	[sflag:s0] =	ssyncset.done @!p0 $0x0  }
0x39: {  	[sflag:s0] =	ssyncadd.s32 @!p0 s1  }
0x3a: {  	[bflag:$0x3] =	sbarrier.arrive $0xFFFF  }
0x3b: {  	_ =	shalt  }

</sc_bundles>
